<compile_context>
chip_gen: v7x
topology: tpu7x:2x2x1
jax: 0.10.2.dev20260603
libtpu: 0.0.44.dev20260713+nightly
codegen_flags: <defaults>
</compile_context>

<pallas_src>
import functools

import jax
import jax.numpy as jnp
from jax import lax
from jax.experimental import pallas as pl
from jax.experimental.pallas import tpu as pltpu
from jax.experimental.pallas import tpu_sc as plsc

N_NODES = 10000
D = 128
DH = D // 2
N_EDGES = 320000

NC = 2
NS = 16

NP = 10240
ZROWS = NP // NS
K = 640
CHUNKS = 32
PHASES = 8
HCHUNK = CHUNKS // PHASES
E_PAD = NS * CHUNKS * K

_mesh = plsc.VectorSubcoreMesh(
    core_axis_name="c", subcore_axis_name="s", num_cores=NC, num_subcores=NS)


@functools.partial(
    pl.kernel,
    out_type=jax.ShapeDtypeStruct((NC, NP, DH), jnp.float32),
    mesh=_mesh,
    compiler_params=pltpu.CompilerParams(use_tc_tiling_on_sc=False),
    scratch_types=[
        pltpu.VMEM((2, HCHUNK, K), jnp.int32),
        pltpu.VMEM((HCHUNK, K), jnp.int32),
        pltpu.VMEM((K, DH), jnp.float32),
        pltpu.VMEM_SHARED((NP, DH), jnp.float32),
        pltpu.VMEM_SHARED((NP, DH), jnp.float32),
        pltpu.SemaphoreType.DMA,
        pltpu.SemaphoreType.DMA,
        pltpu.SemaphoreType.DMA,
    ],
)
def _sc_aggregate(x_hbm, src_hbm, dst_hbm, zeros_hbm, out_hbm,
                  src_v, dst_v, rows_v, x_sh, acc_sh, gsem, ssem, dsem):
    c = lax.axis_index("c")
    s = lax.axis_index("s")

    rs = pl.ds(s * ZROWS, ZROWS)
    pltpu.sync_copy(x_hbm.at[rs, pl.ds(c * DH, DH)], x_sh.at[rs])
    pltpu.sync_copy(zeros_hbm, acc_sh.at[rs])
    plsc.subcore_barrier()

    sdesc = None
    for p in range(PHASES):
        pb = p % 2
        if p == 0:
            pltpu.sync_copy(src_hbm.at[s, pl.ds(0, HCHUNK)], src_v.at[0])
        else:
            sdesc.wait()
        if p + 1 < PHASES:
            sdesc = pltpu.async_copy(
                src_hbm.at[s, pl.ds((p + 1) * HCHUNK, HCHUNK)],
                src_v.at[(p + 1) % 2], ssem)
        gd = pltpu.async_copy(x_sh.at[src_v.at[pb, 0]], rows_v, gsem)
        dd = pltpu.async_copy(
            dst_hbm.at[s, pl.ds(p * HCHUNK, HCHUNK)], dst_v, dsem)
        for i in range(HCHUNK):
            gd.wait()
            if i == 0:
                dd.wait()
            pltpu.sync_copy(rows_v, acc_sh.at[dst_v.at[i]], add=True)
            if i + 1 < HCHUNK:
                gd = pltpu.async_copy(
                    x_sh.at[src_v.at[pb, i + 1]], rows_v, gsem)

    plsc.subcore_barrier()
    pltpu.sync_copy(acc_sh.at[rs], out_hbm.at[c, rs])


def _tc_mlp(x, agg, w1t, b1, w2t, b2, relu_out, out_rows=NP, rows=1280):
    grid = out_rows // rows

    def body(x_ref, agg_ref, w1_ref, b1_ref, w2_ref, b2_ref, o_ref):
        h = x_ref[...] + jnp.concatenate([agg_ref[0], agg_ref[1]], axis=1)
        y = jnp.dot(h, w1_ref[...], precision=lax.Precision.DEFAULT)
        y = jnp.maximum(y + b1_ref[...], 0.0)
        z = jnp.dot(y, w2_ref[...], precision=lax.Precision.DEFAULT)
        z = z + b2_ref[...]
        if relu_out:
            z = jnp.maximum(z, 0.0)
        o_ref[...] = z

    row_spec = pl.BlockSpec((rows, D), lambda i: (i, 0))
    agg_spec = pl.BlockSpec((NC, rows, DH), lambda i: (0, i, 0))
    full_spec = pl.BlockSpec((D, D), lambda i: (0, 0))
    bias_spec = pl.BlockSpec((1, D), lambda i: (0, 0))
    return pl.pallas_call(
        body,
        grid=(grid,),
        in_specs=[row_spec, agg_spec,
                  full_spec, bias_spec, full_spec, bias_spec],
        out_specs=row_spec,
        out_shape=jax.ShapeDtypeStruct((out_rows, D), jnp.float32),
    )(x, agg, w1t, b1, w2t, b2)


@jax.jit
def _run(x, edge_index, W1a, b1a, W2a, b2a, W1b, b1b, W2b, b2b):
    src = edge_index[0].astype(jnp.int32)
    dst = edge_index[1].astype(jnp.int32)
    pad = E_PAD - N_EDGES
    src_p = jnp.concatenate(
        [src, jnp.zeros((pad,), jnp.int32)]).reshape(NS, CHUNKS, K)
    dst_p = jnp.concatenate(
        [dst, jnp.full((pad,), N_NODES, jnp.int32)]).reshape(NS, CHUNKS, K)
    xp = jnp.pad(x, ((0, NP - N_NODES), (0, 0)))
    zeros_blk = jnp.zeros((ZROWS, DH), jnp.float32)

    b1a2 = b1a.reshape(1, D)
    b2a2 = b2a.reshape(1, D)
    b1b2 = b1b.reshape(1, D)
    b2b2 = b2b.reshape(1, D)

    p = _sc_aggregate(xp, src_p, dst_p, zeros_blk)
    h1 = _tc_mlp(xp, p, W1a.T, b1a2, W2a.T, b2a2, relu_out=True)
    q = _sc_aggregate(h1, src_p, dst_p, zeros_blk)
    h2 = _tc_mlp(h1, q, W1b.T, b1b2, W2b.T, b2b2, relu_out=False,
                 out_rows=N_NODES, rows=2000)
    return h2


def kernel(x, edge_index, W1a, b1a, W2a, b2a, W1b, b1b, W2b, b2b):
    return _run(x, edge_index, W1a, b1a, W2a, b2a, W1b, b1b, W2b, b2b)

# --- scband reference (transcript-rebuilt; emitter-appended) ---
"""Pipeline reference for scband-ginencoder-88149908783552 (READ-ONLY COPY).

The authoritative reference and input builder live on the scoring server;
editing this copy changes nothing except your own understanding.
"""

import jax, jax.numpy as jnp
import numpy as np

N_NODES = 10000
N_EDGES = 320000
D = 128
EPS = 0.0

def setup_inputs(seed: int = 0) -> dict:
    key = jax.random.key(seed)
    ks = jax.random.split(key, 12)
    x = jax.random.normal(ks[0], (N_NODES, D), dtype=jnp.float32)
    edge_index = jax.random.randint(ks[1], (2, N_EDGES), 0, N_NODES, dtype=jnp.int64)
    scale = 1.0 / np.sqrt(D)
    # conv0 MLP: Linear(128,128) -> relu -> Linear(128,128)
    W1a = jax.random.uniform(ks[2], (D, D), jnp.float32, -scale, scale)
    b1a = jax.random.uniform(ks[3], (D,), jnp.float32, -scale, scale)
    W2a = jax.random.uniform(ks[4], (D, D), jnp.float32, -scale, scale)
    b2a = jax.random.uniform(ks[5], (D,), jnp.float32, -scale, scale)
    # conv1 MLP: Linear(128,128) -> relu -> Linear(128,128)
    W1b = jax.random.uniform(ks[6], (D, D), jnp.float32, -scale, scale)
    b1b = jax.random.uniform(ks[7], (D,), jnp.float32, -scale, scale)
    W2b = jax.random.uniform(ks[8], (D, D), jnp.float32, -scale, scale)
    b2b = jax.random.uniform(ks[9], (D,), jnp.float32, -scale, scale)
    return {"x": x, "edge_index": edge_index,
            "W1a": W1a, "b1a": b1a, "W2a": W2a, "b2a": b2a,
            "W1b": W1b, "b1b": b1b, "W2b": W2b, "b2b": b2b}

def _mlp(h, W1, b1, W2, b2):
    h = jnp.dot(h, W1.T) + b1
    h = jax.nn.relu(h)
    # dropout p=0.0 -> no-op
    h = jnp.dot(h, W2.T) + b2
    return h

def _gin_conv(x, edge_index, W1, b1, W2, b2):
    src = edge_index[0]
    dst = edge_index[1]
    agg = jax.ops.segment_sum(jnp.take(x, src, axis=0), dst, num_segments=N_NODES)
    h = (1.0 + EPS) * x + agg
    return _mlp(h, W1, b1, W2, b2)

def reference(x, edge_index, W1a, b1a, W2a, b2a, W1b, b1b, W2b, b2b):
    h = _gin_conv(x, edge_index, W1a, b1a, W2a, b2a)
    h = jax.nn.relu(h)
    # dropout p=0.0 -> no-op
    h = _gin_conv(h, edge_index, W1b, b1b, W2b, b2b)
    return h

if __name__ == "__main__":
    import jax
    _d = setup_inputs()
    print(jax.jit(kernel)(*tuple(_d.values())))

</pallas_src>

<mosaic_0001>
#map = affine_map<(d0, d1) -> (0, 0)>
#map1 = affine_map<(d0, d1) -> (0, 0, 0)>
module attributes {stable_mosaic.version = 14 : i64} {
  func.func @_sc_aggregate(%arg0: i32, %arg1: i32, %arg2: memref<10240x128xf32, #tpu.memory_space<hbm>>, %arg3: memref<16x32x640xi32, #tpu.memory_space<hbm>>, %arg4: memref<16x32x640xi32, #tpu.memory_space<hbm>>, %arg5: memref<640x64xf32, #tpu.memory_space<hbm>>, %arg6: memref<2x10240x64xf32, #tpu.memory_space<hbm>>, %arg7: memref<2x4x640xi32, #tpu.memory_space<vmem>>, %arg8: memref<4x640xi32, #tpu.memory_space<vmem>>, %arg9: memref<640x64xf32, #tpu.memory_space<vmem>>, %arg10: memref<10240x64xf32, #tpu.memory_space<vmem_shared>>, %arg11: memref<10240x64xf32, #tpu.memory_space<vmem_shared>>, %arg12: memref<!tpu.dma_semaphore, #tpu.memory_space<semaphore_mem>>, %arg13: memref<!tpu.dma_semaphore, #tpu.memory_space<semaphore_mem>>, %arg14: memref<!tpu.dma_semaphore, #tpu.memory_space<semaphore_mem>>) attributes {dimension_semantics = [#tpu.dimension_semantics<core_parallel>, #tpu.dimension_semantics<subcore_parallel>], iteration_bounds = array<i64: 2, 16>, scalar_prefetch = 0 : i64, scratch_operands = 8 : i64, tpu.core_type = #tpu.core_type<sc_vector_subcore>, window_params = [{transform_indices = #map}, {transform_indices = #map1}, {transform_indices = #map1}, {transform_indices = #map}, {transform_indices = #map1}]} {
    %mul3A = arith.constant 640 : i32
    %mul3A_0 = arith.muli %arg1, %mul3A : i32
    %mul3A_1 = arith.constant 64 : i32
    %mul3A_2 = arith.muli %arg0, %mul3A_1 : i32
    "tpu.region"() ({
      %run_scoped3A_912 = tpu.sem_alloc : memref<!tpu.dma_semaphore, #tpu.memory_space<semaphore_mem>>
      %dma_start3A_913 = arith.constant 0 : i32
      %dma_start3A_914 = tpu.memref_slice %arg10[%mul3A_0, %dma_start3A_913] : memref<10240x64xf32, #tpu.memory_space<vmem_shared>> -> memref<640x64xf32, #tpu.memory_space<vmem_shared>>
      %dma_start3A_915 = tpu.memref_slice %arg2[%mul3A_0, %mul3A_2] : memref<10240x128xf32, #tpu.memory_space<hbm>> -> memref<640x64xf32, #tpu.memory_space<hbm>>
      tpu.enqueue_dma source(%dma_start3A_915 : memref<640x64xf32, #tpu.memory_space<hbm>>) target(%dma_start3A_914 : memref<640x64xf32, #tpu.memory_space<vmem_shared>>) target_semaphore(%run_scoped3A_912 : memref<!tpu.dma_semaphore, #tpu.memory_space<semaphore_mem>>)
      %dma_wait3A_916 = arith.constant 0 : i32
      %dma_wait3A_917 = tpu.memref_slice %arg10[%mul3A_0, %dma_wait3A_916] : memref<10240x64xf32, #tpu.memory_space<vmem_shared>> -> memref<640x64xf32, #tpu.memory_space<vmem_shared>>
      %dma_wait3A_918 = tpu.memref_slice %arg2[%mul3A_0, %mul3A_2] : memref<10240x128xf32, #tpu.memory_space<hbm>> -> memref<640x64xf32, #tpu.memory_space<hbm>>
      tpu.wait_dma2 semaphore(%run_scoped3A_912 : memref<!tpu.dma_semaphore, #tpu.memory_space<semaphore_mem>>) src(%dma_wait3A_918 : memref<640x64xf32, #tpu.memory_space<hbm>>) dst(%dma_wait3A_917 : memref<640x64xf32, #tpu.memory_space<vmem_shared>>)
      tpu.yield
    }) : () -> ()
    "tpu.region"() ({
      %run_scoped3A_912 = tpu.sem_alloc : memref<!tpu.dma_semaphore, #tpu.memory_space<semaphore_mem>>
      %dma_start3A_913 = arith.constant 0 : i32
      %dma_start3A_914 = tpu.memref_slice %arg11[%mul3A_0, %dma_start3A_913] : memref<10240x64xf32, #tpu.memory_space<vmem_shared>> -> memref<640x64xf32, #tpu.memory_space<vmem_shared>>
      tpu.enqueue_dma source(%arg5 : memref<640x64xf32, #tpu.memory_space<hbm>>) target(%dma_start3A_914 : memref<640x64xf32, #tpu.memory_space<vmem_shared>>) target_semaphore(%run_scoped3A_912 : memref<!tpu.dma_semaphore, #tpu.memory_space<semaphore_mem>>)
      %dma_wait3A_915 = arith.constant 0 : i32
      %dma_wait3A_916 = tpu.memref_slice %arg11[%mul3A_0, %dma_wait3A_915] : memref<10240x64xf32, #tpu.memory_space<vmem_shared>> -> memref<640x64xf32, #tpu.memory_space<vmem_shared>>
      tpu.wait_dma2 semaphore(%run_scoped3A_912 : memref<!tpu.dma_semaphore, #tpu.memory_space<semaphore_mem>>) src(%arg5 : memref<640x64xf32, #tpu.memory_space<hbm>>) dst(%dma_wait3A_916 : memref<640x64xf32, #tpu.memory_space<vmem_shared>>)
      tpu.yield
    }) : () -> ()
    %barrier3A = arith.constant 0 : index
    tpu.barrier barrier_id(%barrier3A)
    %run_scoped3A = arith.constant 0 : i32
    "tpu.region"() ({
      %run_scoped3A_912 = tpu.sem_alloc : memref<!tpu.dma_semaphore, #tpu.memory_space<semaphore_mem>>
      %dma_start3A_913 = arith.constant 0 : i32
      %dma_start3A_914 = arith.constant 0 : i32
      %dma_start3A_915 = tpu.memref_slice %arg7[%run_scoped3A, %dma_start3A_913, %dma_start3A_914] : memref<2x4x640xi32, #tpu.memory_space<vmem>> -> memref<1x4x640xi32, #tpu.memory_space<vmem>>
      %dma_start3A_916 = tpu.memref_squeeze %dma_start3A_915 : memref<1x4x640xi32, #tpu.memory_space<vmem>> -> memref<4x640xi32, #tpu.memory_space<vmem>>
      %dma_start3A_917 = arith.constant 0 : i32
      %dma_start3A_918 = arith.constant 0 : i32
      %dma_start3A_919 = tpu.memref_slice %arg3[%arg1, %dma_start3A_917, %dma_start3A_918] : memref<16x32x640xi32, #tpu.memory_space<hbm>> -> memref<1x4x640xi32, #tpu.memory_space<hbm>>
      %dma_start3A_920 = tpu.memref_squeeze %dma_start3A_919 : memref<1x4x640xi32, #tpu.memory_space<hbm>> -> memref<4x640xi32, #tpu.memory_space<hbm>>
      %dma_start3A_921 = arith.constant 0 : i32
      %dma_start3A_922 = arith.constant 0 : i32
      %dma_start3A_923 = tpu.memref_slice %arg7[%run_scoped3A, %dma_start3A_921, %dma_start3A_922] : memref<2x4x640xi32, #tpu.memory_space<vmem>> -> memref<1x4x640xi32, #tpu.memory_space<vmem>>
      %dma_start3A_924 = tpu.memref_squeeze %dma_start3A_923 : memref<1x4x640xi32, #tpu.memory_space<vmem>> -> memref<4x640xi32, #tpu.memory_space<vmem>>
      %dma_start3A_925 = arith.constant 0 : i32
      %dma_start3A_926 = arith.constant 0 : i32
      %dma_start3A_927 = tpu.memref_slice %arg3[%arg1, %dma_start3A_925, %dma_start3A_926] : memref<16x32x640xi32, #tpu.memory_space<hbm>> -> memref<1x4x640xi32, #tpu.memory_space<hbm>>
      %dma_start3A_928 = tpu.memref_squeeze %dma_start3A_927 : memref<1x4x640xi32, #tpu.memory_space<hbm>> -> memref<4x640xi32, #tpu.memory_space<hbm>>
      tpu.enqueue_dma source(%dma_start3A_928 : memref<4x640xi32, #tpu.memory_space<hbm>>) target(%dma_start3A_924 : memref<4x640xi32, #tpu.memory_space<vmem>>) target_semaphore(%run_scoped3A_912 : memref<!tpu.dma_semaphore, #tpu.memory_space<semaphore_mem>>)
      %dma_wait3A_929 = arith.constant 0 : i32
      %dma_wait3A_930 = arith.constant 0 : i32
      %dma_wait3A_931 = tpu.memref_slice %arg7[%run_scoped3A, %dma_wait3A_929, %dma_wait3A_930] : memref<2x4x640xi32, #tpu.memory_space<vmem>> -> memref<1x4x640xi32, #tpu.memory_space<vmem>>
      %dma_wait3A_932 = tpu.memref_squeeze %dma_wait3A_931 : memref<1x4x640xi32, #tpu.memory_space<vmem>> -> memref<4x640xi32, #tpu.memory_space<vmem>>
      %dma_wait3A_933 = arith.constant 0 : i32
      %dma_wait3A_934 = arith.constant 0 : i32
      %dma_wait3A_935 = tpu.memref_slice %arg3[%arg1, %dma_wait3A_933, %dma_wait3A_934] : memref<16x32x640xi32, #tpu.memory_space<hbm>> -> memref<1x4x640xi32, #tpu.memory_space<hbm>>
      %dma_wait3A_936 = tpu.memref_squeeze %dma_wait3A_935 : memref<1x4x640xi32, #tpu.memory_space<hbm>> -> memref<4x640xi32, #tpu.memory_space<hbm>>
      %dma_wait3A_937 = arith.constant 0 : i32
      %dma_wait3A_938 = arith.constant 0 : i32
      %dma_wait3A_939 = tpu.memref_slice %arg7[%run_scoped3A, %dma_wait3A_937, %dma_wait3A_938] : memref<2x4x640xi32, #tpu.memory_space<vmem>> -> memref<1x4x640xi32, #tpu.memory_space<vmem>>
      %dma_wait3A_940 = tpu.memref_squeeze %dma_wait3A_939 : memref<1x4x640xi32, #tpu.memory_space<vmem>> -> memref<4x640xi32, #tpu.memory_space<vmem>>
      %dma_wait3A_941 = arith.constant 0 : i32
      %dma_wait3A_942 = arith.constant 0 : i32
      %dma_wait3A_943 = tpu.memref_slice %arg3[%arg1, %dma_wait3A_941, %dma_wait3A_942] : memref<16x32x640xi32, #tpu.memory_space<hbm>> -> memref<1x4x640xi32, #tpu.memory_space<hbm>>
      %dma_wait3A_944 = tpu.memref_squeeze %dma_wait3A_943 : memref<1x4x640xi32, #tpu.memory_space<hbm>> -> memref<4x640xi32, #tpu.memory_space<hbm>>
      tpu.wait_dma2 semaphore(%run_scoped3A_912 : memref<!tpu.dma_semaphore, #tpu.memory_space<semaphore_mem>>) src(%dma_wait3A_944 : memref<4x640xi32, #tpu.memory_space<hbm>>) dst(%dma_wait3A_940 : memref<4x640xi32, #tpu.memory_space<vmem>>)
      tpu.yield
    }) : () -> ()
    %dma_start3A = arith.constant 1 : i32
    %dma_start3A_3 = arith.constant 0 : i32
    %dma_start3A_4 = arith.constant 0 : i32
    %dma_start3A_5 = tpu.memref_slice %arg7[%dma_start3A, %dma_start3A_3, %dma_start3A_4] : memref<2x4x640xi32, #tpu.memory_space<vmem>> -> memref<1x4x640xi32, #tpu.memory_space<vmem>>
    %dma_start3A_6 = tpu.memref_squeeze %dma_start3A_5 : memref<1x4x640xi32, #tpu.memory_space<vmem>> -> memref<4x640xi32, #tpu.memory_space<vmem>>
    %dma_start3A_7 = arith.constant 4 : i32
    %dma_start3A_8 = arith.constant 0 : i32
    %dma_start3A_9 = tpu.memref_slice %arg3[%arg1, %dma_start3A_7, %dma_start3A_8] : memref<16x32x640xi32, #tpu.memory_space<hbm>> -> memref<1x4x640xi32, #tpu.memory_space<hbm>>
    %dma_start3A_10 = tpu.memref_squeeze %dma_start3A_9 : memref<1x4x640xi32, #tpu.memory_space<hbm>> -> memref<4x640xi32, #tpu.memory_space<hbm>>
    %dma_start3A_11 = arith.constant 0 : i32
    %dma_start3A_12 = arith.constant 0 : i32
    %dma_start3A_13 = tpu.memref_slice %arg7[%dma_start3A, %dma_start3A_11, %dma_start3A_12] : memref<2x4x640xi32, #tpu.memory_space<vmem>> -> memref<1x4x640xi32, #tpu.memory_space<vmem>>
    %dma_start3A_14 = tpu.memref_squeeze %dma_start3A_13 : memref<1x4x640xi32, #tpu.memory_space<vmem>> -> memref<4x640xi32, #tpu.memory_space<vmem>>
    %dma_start3A_15 = arith.constant 4 : i32
    %dma_start3A_16 = arith.constant 0 : i32
    %dma_start3A_17 = tpu.memref_slice %arg3[%arg1, %dma_start3A_15, %dma_start3A_16] : memref<16x32x640xi32, #tpu.memory_space<hbm>> -> memref<1x4x640xi32, #tpu.memory_space<hbm>>
    %dma_start3A_18 = tpu.memref_squeeze %dma_start3A_17 : memref<1x4x640xi32, #tpu.memory_space<hbm>> -> memref<4x640xi32, #tpu.memory_space<hbm>>
    tpu.enqueue_dma source(%dma_start3A_18 : memref<4x640xi32, #tpu.memory_space<hbm>>) target(%dma_start3A_14 : memref<4x640xi32, #tpu.memory_space<vmem>>) target_semaphore(%arg13 : memref<!tpu.dma_semaphore, #tpu.memory_space<semaphore_mem>>)
    %dma_start3A_19 = arith.constant 0 : i32
    %dma_start3A_20 = arith.constant 0 : i32
    %dma_start3A_21 = arith.constant 0 : i32
    %dma_start3A_22 = tpu.memref_slice %arg7[%dma_start3A_19, %dma_start3A_20, %dma_start3A_21] : memref<2x4x640xi32, #tpu.memory_space<vmem>> -> memref<1x1x640xi32, #tpu.memory_space<vmem>>
    %dma_start3A_23 = tpu.memref_squeeze %dma_start3A_22 : memref<1x1x640xi32, #tpu.memory_space<vmem>> -> memref<640xi32, #tpu.memory_space<vmem>>
    %dma_start3A_24 = arith.constant 0 : i32
    %dma_start3A_25 = arith.constant 0 : i32
    %dma_start3A_26 = tpu.memref_slice %arg10[%dma_start3A_24, %dma_start3A_25] : memref<10240x64xf32, #tpu.memory_space<vmem_shared>> -> memref<10240x64xf32, #tpu.memory_space<vmem_shared>>
    tpu.enqueue_indirect_dma source(%dma_start3A_26 : memref<10240x64xf32, #tpu.memory_space<vmem_shared>>) target(%arg9 : memref<640x64xf32, #tpu.memory_space<vmem>>) offsets(%dma_start3A_23 : memref<640xi32, #tpu.memory_space<vmem>>) semaphore(%arg12 : memref<!tpu.dma_semaphore, #tpu.memory_space<semaphore_mem>>)
    %dma_start3A_27 = arith.constant 0 : i32
    %dma_start3A_28 = arith.constant 0 : i32
    %dma_start3A_29 = tpu.memref_slice %arg4[%arg1, %dma_start3A_27, %dma_start3A_28] : memref<16x32x640xi32, #tpu.memory_space<hbm>> -> memref<1x4x640xi32, #tpu.memory_space<hbm>>
    %dma_start3A_30 = tpu.memref_squeeze %dma_start3A_29 : memref<1x4x640xi32, #tpu.memory_space<hbm>> -> memref<4x640xi32, #tpu.memory_space<hbm>>
    %dma_start3A_31 = arith.constant 0 : i32
    %dma_start3A_32 = arith.constant 0 : i32
    %dma_start3A_33 = tpu.memref_slice %arg4[%arg1, %dma_start3A_31, %dma_start3A_32] : memref<16x32x640xi32, #tpu.memory_space<hbm>> -> memref<1x4x640xi32, #tpu.memory_space<hbm>>
    %dma_start3A_34 = tpu.memref_squeeze %dma_start3A_33 : memref<1x4x640xi32, #tpu.memory_space<hbm>> -> memref<4x640xi32, #tpu.memory_space<hbm>>
    tpu.enqueue_dma source(%dma_start3A_34 : memref<4x640xi32, #tpu.memory_space<hbm>>) target(%arg8 : memref<4x640xi32, #tpu.memory_space<vmem>>) target_semaphore(%arg14 : memref<!tpu.dma_semaphore, #tpu.memory_space<semaphore_mem>>)
    %dma_wait3A = arith.constant 0 : i32
    %dma_wait3A_35 = arith.constant 0 : i32
    %dma_wait3A_36 = arith.constant 0 : i32
    %dma_wait3A_37 = tpu.memref_slice %arg7[%dma_wait3A, %dma_wait3A_35, %dma_wait3A_36] : memref<2x4x640xi32, #tpu.memory_space<vmem>> -> memref<1x1x640xi32, #tpu.memory_space<vmem>>
    %dma_wait3A_38 = tpu.memref_squeeze %dma_wait3A_37 : memref<1x1x640xi32, #tpu.memory_space<vmem>> -> memref<640xi32, #tpu.memory_space<vmem>>
    %dma_wait3A_39 = arith.constant 0 : i32
    %dma_wait3A_40 = arith.constant 0 : i32
    %dma_wait3A_41 = tpu.memref_slice %arg10[%dma_wait3A_39, %dma_wait3A_40] : memref<10240x64xf32, #tpu.memory_space<vmem_shared>> -> memref<10240x64xf32, #tpu.memory_space<vmem_shared>>
    tpu.wait_indirect_dma semaphore(%arg12 : memref<!tpu.dma_semaphore, #tpu.memory_space<semaphore_mem>>) src(%dma_wait3A_41 : memref<10240x64xf32, #tpu.memory_space<vmem_shared>>) dst(%arg9 : memref<640x64xf32, #tpu.memory_space<vmem>>)
    %dma_wait3A_42 = arith.constant 0 : i32
    %dma_wait3A_43 = arith.constant 0 : i32
    %dma_wait3A_44 = tpu.memref_slice %arg4[%arg1, %dma_wait3A_42, %dma_wait3A_43] : memref<16x32x640xi32, #tpu.memory_space<hbm>> -> memref<1x4x640xi32, #tpu.memory_space<hbm>>
    %dma_wait3A_45 = tpu.memref_squeeze %dma_wait3A_44 : memref<1x4x640xi32, #tpu.memory_space<hbm>> -> memref<4x640xi32, #tpu.memory_space<hbm>>
    %dma_wait3A_46 = arith.constant 0 : i32
    %dma_wait3A_47 = arith.constant 0 : i32
    %dma_wait3A_48 = tpu.memref_slice %arg4[%arg1, %dma_wait3A_46, %dma_wait3A_47] : memref<16x32x640xi32, #tpu.memory_space<hbm>> -> memref<1x4x640xi32, #tpu.memory_space<hbm>>
    %dma_wait3A_49 = tpu.memref_squeeze %dma_wait3A_48 : memref<1x4x640xi32, #tpu.memory_space<hbm>> -> memref<4x640xi32, #tpu.memory_space<hbm>>
    tpu.wait_dma2 semaphore(%arg14 : memref<!tpu.dma_semaphore, #tpu.memory_space<semaphore_mem>>) src(%dma_wait3A_49 : memref<4x640xi32, #tpu.memory_space<hbm>>) dst(%arg8 : memref<4x640xi32, #tpu.memory_space<vmem>>)
    %run_scoped3A_50 = arith.constant 0 : i32
    "tpu.region"() ({
      %run_scoped3A_912 = tpu.sem_alloc : memref<!tpu.dma_semaphore, #tpu.memory_space<semaphore_mem>>
      %dma_start3A_913 = arith.constant 0 : i32
      %dma_start3A_914 = tpu.memref_slice %arg8[%run_scoped3A_50, %dma_start3A_913] : memref<4x640xi32, #tpu.memory_space<vmem>> -> memref<1x640xi32, #tpu.memory_space<vmem>>
      %dma_start3A_915 = tpu.memref_squeeze %dma_start3A_914 : memref<1x640xi32, #tpu.memory_space<vmem>> -> memref<640xi32, #tpu.memory_space<vmem>>
      %dma_start3A_916 = arith.constant 0 : i32
      %dma_start3A_917 = arith.constant 0 : i32
      %dma_start3A_918 = tpu.memref_slice %arg11[%dma_start3A_916, %dma_start3A_917] : memref<10240x64xf32, #tpu.memory_space<vmem_shared>> -> memref<10240x64xf32, #tpu.memory_space<vmem_shared>>
      tpu.enqueue_indirect_dma source(%arg9 : memref<640x64xf32, #tpu.memory_space<vmem>>) target(%dma_start3A_918 : memref<10240x64xf32, #tpu.memory_space<vmem_shared>>) offsets(%dma_start3A_915 : memref<640xi32, #tpu.memory_space<vmem>>) semaphore(%run_scoped3A_912 : memref<!tpu.dma_semaphore, #tpu.memory_space<semaphore_mem>>) {add = true}
      %dma_wait3A_919 = arith.constant 0 : i32
      %dma_wait3A_920 = tpu.memref_slice %arg8[%run_scoped3A_50, %dma_wait3A_919] : memref<4x640xi32, #tpu.memory_space<vmem>> -> memref<1x640xi32, #tpu.memory_space<vmem>>
      %dma_wait3A_921 = tpu.memref_squeeze %dma_wait3A_920 : memref<1x640xi32, #tpu.memory_space<vmem>> -> memref<640xi32, #tpu.memory_space<vmem>>
      %dma_wait3A_922 = arith.constant 0 : i32
      %dma_wait3A_923 = arith.constant 0 : i32
      %dma_wait3A_924 = tpu.memref_slice %arg11[%dma_wait3A_922, %dma_wait3A_923] : memref<10240x64xf32, #tpu.memory_space<vmem_shared>> -> memref<10240x64xf32, #tpu.memory_space<vmem_shared>>
      tpu.wait_indirect_dma semaphore(%run_scoped3A_912 : memref<!tpu.dma_semaphore, #tpu.memory_space<semaphore_mem>>) src(%arg9 : memref<640x64xf32, #tpu.memory_space<vmem>>) dst(%dma_wait3A_924 : memref<10240x64xf32, #tpu.memory_space<vmem_shared>>)
      tpu.yield
    }) : () -> ()
    %dma_start3A_51 = arith.constant 0 : i32
    %dma_start3A_52 = arith.constant 1 : i32
    %dma_start3A_53 = arith.constant 0 : i32
    %dma_start3A_54 = tpu.memref_slice %arg7[%dma_start3A_51, %dma_start3A_52, %dma_start3A_53] : memref<2x4x640xi32, #tpu.memory_space<vmem>> -> memref<1x1x640xi32, #tpu.memory_space<vmem>>
    %dma_start3A_55 = tpu.memref_squeeze %dma_start3A_54 : memref<1x1x640xi32, #tpu.memory_space<vmem>> -> memref<640xi32, #tpu.memory_space<vmem>>
    %dma_start3A_56 = arith.constant 0 : i32
    %dma_start3A_57 = arith.constant 0 : i32
    %dma_start3A_58 = tpu.memref_slice %arg10[%dma_start3A_56, %dma_start3A_57] : memref<10240x64xf32, #tpu.memory_space<vmem_shared>> -> memref<10240x64xf32, #tpu.memory_space<vmem_shared>>
    tpu.enqueue_indirect_dma source(%dma_start3A_58 : memref<10240x64xf32, #tpu.memory_space<vmem_shared>>) target(%arg9 : memref<640x64xf32, #tpu.memory_space<vmem>>) offsets(%dma_start3A_55 : memref<640xi32, #tpu.memory_space<vmem>>) semaphore(%arg12 : memref<!tpu.dma_semaphore, #tpu.memory_space<semaphore_mem>>)
    %dma_wait3A_59 = arith.constant 0 : i32
    %dma_wait3A_60 = arith.constant 1 : i32
    %dma_wait3A_61 = arith.constant 0 : i32
    %dma_wait3A_62 = tpu.memref_slice %arg7[%dma_wait3A_59, %dma_wait3A_60, %dma_wait3A_61] : memref<2x4x640xi32, #tpu.memory_space<vmem>> -> memref<1x1x640xi32, #tpu.memory_space<vmem>>
    %dma_wait3A_63 = tpu.memref_squeeze %dma_wait3A_62 : memref<1x1x640xi32, #tpu.memory_space<vmem>> -> memref<640xi32, #tpu.memory_space<vmem>>
    %dma_wait3A_64 = arith.constant 0 : i32
    %dma_wait3A_65 = arith.constant 0 : i32
    %dma_wait3A_66 = tpu.memref_slice %arg10[%dma_wait3A_64, %dma_wait3A_65] : memref<10240x64xf32, #tpu.memory_space<vmem_shared>> -> memref<10240x64xf32, #tpu.memory_space<vmem_shared>>
    tpu.wait_indirect_dma semaphore(%arg12 : memref<!tpu.dma_semaphore, #tpu.memory_space<semaphore_mem>>) src(%dma_wait3A_66 : memref<10240x64xf32, #tpu.memory_space<vmem_shared>>) dst(%arg9 : memref<640x64xf32, #tpu.memory_space<vmem>>)
    %run_scoped3A_67 = arith.constant 1 : i32
    "tpu.region"() ({
      %run_scoped3A_912 = tpu.sem_alloc : memref<!tpu.dma_semaphore, #tpu.memory_space<semaphore_mem>>
      %dma_start3A_913 = arith.constant 0 : i32
      %dma_start3A_914 = tpu.memref_slice %arg8[%run_scoped3A_67, %dma_start3A_913] : memref<4x640xi32, #tpu.memory_space<vmem>> -> memref<1x640xi32, #tpu.memory_space<vmem>>
      %dma_start3A_915 = tpu.memref_squeeze %dma_start3A_914 : memref<1x640xi32, #tpu.memory_space<vmem>> -> memref<640xi32, #tpu.memory_space<vmem>>
      %dma_start3A_916 = arith.constant 0 : i32
      %dma_start3A_917 = arith.constant 0 : i32
      %dma_start3A_918 = tpu.memref_slice %arg11[%dma_start3A_916, %dma_start3A_917] : memref<10240x64xf32, #tpu.memory_space<vmem_shared>> -> memref<10240x64xf32, #tpu.memory_space<vmem_shared>>
      tpu.enqueue_indirect_dma source(%arg9 : memref<640x64xf32, #tpu.memory_space<vmem>>) target(%dma_start3A_918 : memref<10240x64xf32, #tpu.memory_space<vmem_shared>>) offsets(%dma_start3A_915 : memref<640xi32, #tpu.memory_space<vmem>>) semaphore(%run_scoped3A_912 : memref<!tpu.dma_semaphore, #tpu.memory_space<semaphore_mem>>) {add = true}
      %dma_wait3A_919 = arith.constant 0 : i32
      %dma_wait3A_920 = tpu.memref_slice %arg8[%run_scoped3A_67, %dma_wait3A_919] : memref<4x640xi32, #tpu.memory_space<vmem>> -> memref<1x640xi32, #tpu.memory_space<vmem>>
      %dma_wait3A_921 = tpu.memref_squeeze %dma_wait3A_920 : memref<1x640xi32, #tpu.memory_space<vmem>> -> memref<640xi32, #tpu.memory_space<vmem>>
      %dma_wait3A_922 = arith.constant 0 : i32
      %dma_wait3A_923 = arith.constant 0 : i32
      %dma_wait3A_924 = tpu.memref_slice %arg11[%dma_wait3A_922, %dma_wait3A_923] : memref<10240x64xf32, #tpu.memory_space<vmem_shared>> -> memref<10240x64xf32, #tpu.memory_space<vmem_shared>>
      tpu.wait_indirect_dma semaphore(%run_scoped3A_912 : memref<!tpu.dma_semaphore, #tpu.memory_space<semaphore_mem>>) src(%arg9 : memref<640x64xf32, #tpu.memory_space<vmem>>) dst(%dma_wait3A_924 : memref<10240x64xf32, #tpu.memory_space<vmem_shared>>)
      tpu.yield
    }) : () -> ()
    %dma_start3A_68 = arith.constant 0 : i32
    %dma_start3A_69 = arith.constant 2 : i32
    %dma_start3A_70 = arith.constant 0 : i32
    %dma_start3A_71 = tpu.memref_slice %arg7[%dma_start3A_68, %dma_start3A_69, %dma_start3A_70] : memref<2x4x640xi32, #tpu.memory_space<vmem>> -> memref<1x1x640xi32, #tpu.memory_space<vmem>>
    %dma_start3A_72 = tpu.memref_squeeze %dma_start3A_71 : memref<1x1x640xi32, #tpu.memory_space<vmem>> -> memref<640xi32, #tpu.memory_space<vmem>>
    %dma_start3A_73 = arith.constant 0 : i32
    %dma_start3A_74 = arith.constant 0 : i32
    %dma_start3A_75 = tpu.memref_slice %arg10[%dma_start3A_73, %dma_start3A_74] : memref<10240x64xf32, #tpu.memory_space<vmem_shared>> -> memref<10240x64xf32, #tpu.memory_space<vmem_shared>>
    tpu.enqueue_indirect_dma source(%dma_start3A_75 : memref<10240x64xf32, #tpu.memory_space<vmem_shared>>) target(%arg9 : memref<640x64xf32, #tpu.memory_space<vmem>>) offsets(%dma_start3A_72 : memref<640xi32, #tpu.memory_space<vmem>>) semaphore(%arg12 : memref<!tpu.dma_semaphore, #tpu.memory_space<semaphore_mem>>)
    %dma_wait3A_76 = arith.constant 0 : i32
    %dma_wait3A_77 = arith.constant 2 : i32
    %dma_wait3A_78 = arith.constant 0 : i32
    %dma_wait3A_79 = tpu.memref_slice %arg7[%dma_wait3A_76, %dma_wait3A_77, %dma_wait3A_78] : memref<2x4x640xi32, #tpu.memory_space<vmem>> -> memref<1x1x640xi32, #tpu.memory_space<vmem>>
    %dma_wait3A_80 = tpu.memref_squeeze %dma_wait3A_79 : memref<1x1x640xi32, #tpu.memory_space<vmem>> -> memref<640xi32, #tpu.memory_space<vmem>>
    %dma_wait3A_81 = arith.constant 0 : i32
    %dma_wait3A_82 = arith.constant 0 : i32
    %dma_wait3A_83 = tpu.memref_slice %arg10[%dma_wait3A_81, %dma_wait3A_82] : memref<10240x64xf32, #tpu.memory_space<vmem_shared>> -> memref<10240x64xf32, #tpu.memory_space<vmem_shared>>
    tpu.wait_indirect_dma semaphore(%arg12 : memref<!tpu.dma_semaphore, #tpu.memory_space<semaphore_mem>>) src(%dma_wait3A_83 : memref<10240x64xf32, #tpu.memory_space<vmem_shared>>) dst(%arg9 : memref<640x64xf32, #tpu.memory_space<vmem>>)
    %run_scoped3A_84 = arith.constant 2 : i32
    "tpu.region"() ({
      %run_scoped3A_912 = tpu.sem_alloc : memref<!tpu.dma_semaphore, #tpu.memory_space<semaphore_mem>>
      %dma_start3A_913 = arith.constant 0 : i32
      %dma_start3A_914 = tpu.memref_slice %arg8[%run_scoped3A_84, %dma_start3A_913] : memref<4x640xi32, #tpu.memory_space<vmem>> -> memref<1x640xi32, #tpu.memory_space<vmem>>
      %dma_start3A_915 = tpu.memref_squeeze %dma_start3A_914 : memref<1x640xi32, #tpu.memory_space<vmem>> -> memref<640xi32, #tpu.memory_space<vmem>>
      %dma_start3A_916 = arith.constant 0 : i32
      %dma_start3A_917 = arith.constant 0 : i32
      %dma_start3A_918 = tpu.memref_slice %arg11[%dma_start3A_916, %dma_start3A_917] : memref<10240x64xf32, #tpu.memory_space<vmem_shared>> -> memref<10240x64xf32, #tpu.memory_space<vmem_shared>>
      tpu.enqueue_indirect_dma source(%arg9 : memref<640x64xf32, #tpu.memory_space<vmem>>) target(%dma_start3A_918 : memref<10240x64xf32, #tpu.memory_space<vmem_shared>>) offsets(%dma_start3A_915 : memref<640xi32, #tpu.memory_space<vmem>>) semaphore(%run_scoped3A_912 : memref<!tpu.dma_semaphore, #tpu.memory_space<semaphore_mem>>) {add = true}
      %dma_wait3A_919 = arith.constant 0 : i32
      %dma_wait3A_920 = tpu.memref_slice %arg8[%run_scoped3A_84, %dma_wait3A_919] : memref<4x640xi32, #tpu.memory_space<vmem>> -> memref<1x640xi32, #tpu.memory_space<vmem>>
      %dma_wait3A_921 = tpu.memref_squeeze %dma_wait3A_920 : memref<1x640xi32, #tpu.memory_space<vmem>> -> memref<640xi32, #tpu.memory_space<vmem>>
      %dma_wait3A_922 = arith.constant 0 : i32
      %dma_wait3A_923 = arith.constant 0 : i32
      %dma_wait3A_924 = tpu.memref_slice %arg11[%dma_wait3A_922, %dma_wait3A_923] : memref<10240x64xf32, #tpu.memory_space<vmem_shared>> -> memref<10240x64xf32, #tpu.memory_space<vmem_shared>>
      tpu.wait_indirect_dma semaphore(%run_scoped3A_912 : memref<!tpu.dma_semaphore, #tpu.memory_space<semaphore_mem>>) src(%arg9 : memref<640x64xf32, #tpu.memory_space<vmem>>) dst(%dma_wait3A_924 : memref<10240x64xf32, #tpu.memory_space<vmem_shared>>)
      tpu.yield
    }) : () -> ()
    %dma_start3A_85 = arith.constant 0 : i32
    %dma_start3A_86 = arith.constant 3 : i32
    %dma_start3A_87 = arith.constant 0 : i32
    %dma_start3A_88 = tpu.memref_slice %arg7[%dma_start3A_85, %dma_start3A_86, %dma_start3A_87] : memref<2x4x640xi32, #tpu.memory_space<vmem>> -> memref<1x1x640xi32, #tpu.memory_space<vmem>>
    %dma_start3A_89 = tpu.memref_squeeze %dma_start3A_88 : memref<1x1x640xi32, #tpu.memory_space<vmem>> -> memref<640xi32, #tpu.memory_space<vmem>>
    %dma_start3A_90 = arith.constant 0 : i32
    %dma_start3A_91 = arith.constant 0 : i32
    %dma_start3A_92 = tpu.memref_slice %arg10[%dma_start3A_90, %dma_start3A_91] : memref<10240x64xf32, #tpu.memory_space<vmem_shared>> -> memref<10240x64xf32, #tpu.memory_space<vmem_shared>>
    tpu.enqueue_indirect_dma source(%dma_start3A_92 : memref<10240x64xf32, #tpu.memory_space<vmem_shared>>) target(%arg9 : memref<640x64xf32, #tpu.memory_space<vmem>>) offsets(%dma_start3A_89 : memref<640xi32, #tpu.memory_space<vmem>>) semaphore(%arg12 : memref<!tpu.dma_semaphore, #tpu.memory_space<semaphore_mem>>)
    %dma_wait3A_93 = arith.constant 0 : i32
    %dma_wait3A_94 = arith.constant 3 : i32
    %dma_wait3A_95 = arith.constant 0 : i32
    %dma_wait3A_96 = tpu.memref_slice %arg7[%dma_wait3A_93, %dma_wait3A_94, %dma_wait3A_95] : memref<2x4x640xi32, #tpu.memory_space<vmem>> -> memref<1x1x640xi32, #tpu.memory_space<vmem>>
    %dma_wait3A_97 = tpu.memref_squeeze %dma_wait3A_96 : memref<1x1x640xi32, #tpu.memory_space<vmem>> -> memref<640xi32, #tpu.memory_space<vmem>>
    %dma_wait3A_98 = arith.constant 0 : i32
    %dma_wait3A_99 = arith.constant 0 : i32
    %dma_wait3A_100 = tpu.memref_slice %arg10[%dma_wait3A_98, %dma_wait3A_99] : memref<10240x64xf32, #tpu.memory_space<vmem_shared>> -> memref<10240x64xf32, #tpu.memory_space<vmem_shared>>
    tpu.wait_indirect_dma semaphore(%arg12 : memref<!tpu.dma_semaphore, #tpu.memory_space<semaphore_mem>>) src(%dma_wait3A_100 : memref<10240x64xf32, #tpu.memory_space<vmem_shared>>) dst(%arg9 : memref<640x64xf32, #tpu.memory_space<vmem>>)
    %run_scoped3A_101 = arith.constant 3 : i32
    "tpu.region"() ({
      %run_scoped3A_912 = tpu.sem_alloc : memref<!tpu.dma_semaphore, #tpu.memory_space<semaphore_mem>>
      %dma_start3A_913 = arith.constant 0 : i32
      %dma_start3A_914 = tpu.memref_slice %arg8[%run_scoped3A_101, %dma_start3A_913] : memref<4x640xi32, #tpu.memory_space<vmem>> -> memref<1x640xi32, #tpu.memory_space<vmem>>
      %dma_start3A_915 = tpu.memref_squeeze %dma_start3A_914 : memref<1x640xi32, #tpu.memory_space<vmem>> -> memref<640xi32, #tpu.memory_space<vmem>>
      %dma_start3A_916 = arith.constant 0 : i32
      %dma_start3A_917 = arith.constant 0 : i32
      %dma_start3A_918 = tpu.memref_slice %arg11[%dma_start3A_916, %dma_start3A_917] : memref<10240x64xf32, #tpu.memory_space<vmem_shared>> -> memref<10240x64xf32, #tpu.memory_space<vmem_shared>>
      tpu.enqueue_indirect_dma source(%arg9 : memref<640x64xf32, #tpu.memory_space<vmem>>) target(%dma_start3A_918 : memref<10240x64xf32, #tpu.memory_space<vmem_shared>>) offsets(%dma_start3A_915 : memref<640xi32, #tpu.memory_space<vmem>>) semaphore(%run_scoped3A_912 : memref<!tpu.dma_semaphore, #tpu.memory_space<semaphore_mem>>) {add = true}
      %dma_wait3A_919 = arith.constant 0 : i32
      %dma_wait3A_920 = tpu.memref_slice %arg8[%run_scoped3A_101, %dma_wait3A_919] : memref<4x640xi32, #tpu.memory_space<vmem>> -> memref<1x640xi32, #tpu.memory_space<vmem>>
      %dma_wait3A_921 = tpu.memref_squeeze %dma_wait3A_920 : memref<1x640xi32, #tpu.memory_space<vmem>> -> memref<640xi32, #tpu.memory_space<vmem>>
      %dma_wait3A_922 = arith.constant 0 : i32
      %dma_wait3A_923 = arith.constant 0 : i32
      %dma_wait3A_924 = tpu.memref_slice %arg11[%dma_wait3A_922, %dma_wait3A_923] : memref<10240x64xf32, #tpu.memory_space<vmem_shared>> -> memref<10240x64xf32, #tpu.memory_space<vmem_shared>>
      tpu.wait_indirect_dma semaphore(%run_scoped3A_912 : memref<!tpu.dma_semaphore, #tpu.memory_space<semaphore_mem>>) src(%arg9 : memref<640x64xf32, #tpu.memory_space<vmem>>) dst(%dma_wait3A_924 : memref<10240x64xf32, #tpu.memory_space<vmem_shared>>)
      tpu.yield
    }) : () -> ()
    %dma_wait3A_102 = arith.constant 1 : i32
    %dma_wait3A_103 = arith.constant 0 : i32
    %dma_wait3A_104 = arith.constant 0 : i32
    %dma_wait3A_105 = tpu.memref_slice %arg7[%dma_wait3A_102, %dma_wait3A_103, %dma_wait3A_104] : memref<2x4x640xi32, #tpu.memory_space<vmem>> -> memref<1x4x640xi32, #tpu.memory_space<vmem>>
    %dma_wait3A_106 = tpu.memref_squeeze %dma_wait3A_105 : memref<1x4x640xi32, #tpu.memory_space<vmem>> -> memref<4x640xi32, #tpu.memory_space<vmem>>
    %dma_wait3A_107 = arith.constant 4 : i32
    %dma_wait3A_108 = arith.constant 0 : i32
    %dma_wait3A_109 = tpu.memref_slice %arg3[%arg1, %dma_wait3A_107, %dma_wait3A_108] : memref<16x32x640xi32, #tpu.memory_space<hbm>> -> memref<1x4x640xi32, #tpu.memory_space<hbm>>
    %dma_wait3A_110 = tpu.memref_squeeze %dma_wait3A_109 : memref<1x4x640xi32, #tpu.memory_space<hbm>> -> memref<4x640xi32, #tpu.memory_space<hbm>>
    %dma_wait3A_111 = arith.constant 0 : i32
    %dma_wait3A_112 = arith.constant 0 : i32
    %dma_wait3A_113 = tpu.memref_slice %arg7[%dma_wait3A_102, %dma_wait3A_111, %dma_wait3A_112] : memref<2x4x640xi32, #tpu.memory_space<vmem>> -> memref<1x4x640xi32, #tpu.memory_space<vmem>>
    %dma_wait3A_114 = tpu.memref_squeeze %dma_wait3A_113 : memref<1x4x640xi32, #tpu.memory_space<vmem>> -> memref<4x640xi32, #tpu.memory_space<vmem>>
    %dma_wait3A_115 = arith.constant 4 : i32
    %dma_wait3A_116 = arith.constant 0 : i32
    %dma_wait3A_117 = tpu.memref_slice %arg3[%arg1, %dma_wait3A_115, %dma_wait3A_116] : memref<16x32x640xi32, #tpu.memory_space<hbm>> -> memref<1x4x640xi32, #tpu.memory_space<hbm>>
    %dma_wait3A_118 = tpu.memref_squeeze %dma_wait3A_117 : memref<1x4x640xi32, #tpu.memory_space<hbm>> -> memref<4x640xi32, #tpu.memory_space<hbm>>
    tpu.wait_dma2 semaphore(%arg13 : memref<!tpu.dma_semaphore, #tpu.memory_space<semaphore_mem>>) src(%dma_wait3A_118 : memref<4x640xi32, #tpu.memory_space<hbm>>) dst(%dma_wait3A_114 : memref<4x640xi32, #tpu.memory_space<vmem>>)
    %dma_start3A_119 = arith.constant 0 : i32
    %dma_start3A_120 = arith.constant 0 : i32
    %dma_start3A_121 = arith.constant 0 : i32
    %dma_start3A_122 = tpu.memref_slice %arg7[%dma_start3A_119, %dma_start3A_120, %dma_start3A_121] : memref<2x4x640xi32, #tpu.memory_space<vmem>> -> memref<1x4x640xi32, #tpu.memory_space<vmem>>
    %dma_start3A_123 = tpu.memref_squeeze %dma_start3A_122 : memref<1x4x640xi32, #tpu.memory_space<vmem>> -> memref<4x640xi32, #tpu.memory_space<vmem>>
    %dma_start3A_124 = arith.constant 8 : i32
    %dma_start3A_125 = arith.constant 0 : i32
    %dma_start3A_126 = tpu.memref_slice %arg3[%arg1, %dma_start3A_124, %dma_start3A_125] : memref<16x32x640xi32, #tpu.memory_space<hbm>> -> memref<1x4x640xi32, #tpu.memory_space<hbm>>
    %dma_start3A_127 = tpu.memref_squeeze %dma_start3A_126 : memref<1x4x640xi32, #tpu.memory_space<hbm>> -> memref<4x640xi32, #tpu.memory_space<hbm>>
    %dma_start3A_128 = arith.constant 0 : i32
    %dma_start3A_129 = arith.constant 0 : i32
    %dma_start3A_130 = tpu.memref_slice %arg7[%dma_start3A_119, %dma_start3A_128, %dma_start3A_129] : memref<2x4x640xi32, #tpu.memory_space<vmem>> -> memref<1x4x640xi32, #tpu.memory_space<vmem>>
    %dma_start3A_131 = tpu.memref_squeeze %dma_start3A_130 : memref<1x4x640xi32, #tpu.memory_space<vmem>> -> memref<4x640xi32, #tpu.memory_space<vmem>>
    %dma_start3A_132 = arith.constant 8 : i32
    %dma_start3A_133 = arith.constant 0 : i32
    %dma_start3A_134 = tpu.memref_slice %arg3[%arg1, %dma_start3A_132, %dma_start3A_133] : memref<16x32x640xi32, #tpu.memory_space<hbm>> -> memref<1x4x640xi32, #tpu.memory_space<hbm>>
    %dma_start3A_135 = tpu.memref_squeeze %dma_start3A_134 : memref<1x4x640xi32, #tpu.memory_space<hbm>> -> memref<4x640xi32, #tpu.memory_space<hbm>>
    tpu.enqueue_dma source(%dma_start3A_135 : memref<4x640xi32, #tpu.memory_space<hbm>>) target(%dma_start3A_131 : memref<4x640xi32, #tpu.memory_space<vmem>>) target_semaphore(%arg13 : memref<!tpu.dma_semaphore, #tpu.memory_space<semaphore_mem>>)
    %dma_start3A_136 = arith.constant 1 : i32
    %dma_start3A_137 = arith.constant 0 : i32
    %dma_start3A_138 = arith.constant 0 : i32
    %dma_start3A_139 = tpu.memref_slice %arg7[%dma_start3A_136, %dma_start3A_137, %dma_start3A_138] : memref<2x4x640xi32, #tpu.memory_space<vmem>> -> memref<1x1x640xi32, #tpu.memory_space<vmem>>
    %dma_start3A_140 = tpu.memref_squeeze %dma_start3A_139 : memref<1x1x640xi32, #tpu.memory_space<vmem>> -> memref<640xi32, #tpu.memory_space<vmem>>
    %dma_start3A_141 = arith.constant 0 : i32
    %dma_start3A_142 = arith.constant 0 : i32
    %dma_start3A_143 = tpu.memref_slice %arg10[%dma_start3A_141, %dma_start3A_142] : memref<10240x64xf32, #tpu.memory_space<vmem_shared>> -> memref<10240x64xf32, #tpu.memory_space<vmem_shared>>
    tpu.enqueue_indirect_dma source(%dma_start3A_143 : memref<10240x64xf32, #tpu.memory_space<vmem_shared>>) target(%arg9 : memref<640x64xf32, #tpu.memory_space<vmem>>) offsets(%dma_start3A_140 : memref<640xi32, #tpu.memory_space<vmem>>) semaphore(%arg12 : memref<!tpu.dma_semaphore, #tpu.memory_space<semaphore_mem>>)
    %dma_start3A_144 = arith.constant 4 : i32
    %dma_start3A_145 = arith.constant 0 : i32
    %dma_start3A_146 = tpu.memref_slice %arg4[%arg1, %dma_start3A_144, %dma_start3A_145] : memref<16x32x640xi32, #tpu.memory_space<hbm>> -> memref<1x4x640xi32, #tpu.memory_space<hbm>>
    %dma_start3A_147 = tpu.memref_squeeze %dma_start3A_146 : memref<1x4x640xi32, #tpu.memory_space<hbm>> -> memref<4x640xi32, #tpu.memory_space<hbm>>
    %dma_start3A_148 = arith.constant 4 : i32
    %dma_start3A_149 = arith.constant 0 : i32
    %dma_start3A_150 = tpu.memref_slice %arg4[%arg1, %dma_start3A_148, %dma_start3A_149] : memref<16x32x640xi32, #tpu.memory_space<hbm>> -> memref<1x4x640xi32, #tpu.memory_space<hbm>>
    %dma_start3A_151 = tpu.memref_squeeze %dma_start3A_150 : memref<1x4x640xi32, #tpu.memory_space<hbm>> -> memref<4x640xi32, #tpu.memory_space<hbm>>
    tpu.enqueue_dma source(%dma_start3A_151 : memref<4x640xi32, #tpu.memory_space<hbm>>) target(%arg8 : memref<4x640xi32, #tpu.memory_space<vmem>>) target_semaphore(%arg14 : memref<!tpu.dma_semaphore, #tpu.memory_space<semaphore_mem>>)
    %dma_wait3A_152 = arith.constant 1 : i32
    %dma_wait3A_153 = arith.constant 0 : i32
    %dma_wait3A_154 = arith.constant 0 : i32
    %dma_wait3A_155 = tpu.memref_slice %arg7[%dma_wait3A_152, %dma_wait3A_153, %dma_wait3A_154] : memref<2x4x640xi32, #tpu.memory_space<vmem>> -> memref<1x1x640xi32, #tpu.memory_space<vmem>>
    %dma_wait3A_156 = tpu.memref_squeeze %dma_wait3A_155 : memref<1x1x640xi32, #tpu.memory_space<vmem>> -> memref<640xi32, #tpu.memory_space<vmem>>
    %dma_wait3A_157 = arith.constant 0 : i32
    %dma_wait3A_158 = arith.constant 0 : i32
    %dma_wait3A_159 = tpu.memref_slice %arg10[%dma_wait3A_157, %dma_wait3A_158] : memref<10240x64xf32, #tpu.memory_space<vmem_shared>> -> memref<10240x64xf32, #tpu.memory_space<vmem_shared>>
    tpu.wait_indirect_dma semaphore(%arg12 : memref<!tpu.dma_semaphore, #tpu.memory_space<semaphore_mem>>) src(%dma_wait3A_159 : memref<10240x64xf32, #tpu.memory_space<vmem_shared>>) dst(%arg9 : memref<640x64xf32, #tpu.memory_space<vmem>>)
    %dma_wait3A_160 = arith.constant 4 : i32
    %dma_wait3A_161 = arith.constant 0 : i32
    %dma_wait3A_162 = tpu.memref_slice %arg4[%arg1, %dma_wait3A_160, %dma_wait3A_161] : memref<16x32x640xi32, #tpu.memory_space<hbm>> -> memref<1x4x640xi32, #tpu.memory_space<hbm>>
    %dma_wait3A_163 = tpu.memref_squeeze %dma_wait3A_162 : memref<1x4x640xi32, #tpu.memory_space<hbm>> -> memref<4x640xi32, #tpu.memory_space<hbm>>
    %dma_wait3A_164 = arith.constant 4 : i32
    %dma_wait3A_165 = arith.constant 0 : i32
    %dma_wait3A_166 = tpu.memref_slice %arg4[%arg1, %dma_wait3A_164, %dma_wait3A_165] : memref<16x32x640xi32, #tpu.memory_space<hbm>> -> memref<1x4x640xi32, #tpu.memory_space<hbm>>
    %dma_wait3A_167 = tpu.memref_squeeze %dma_wait3A_166 : memref<1x4x640xi32, #tpu.memory_space<hbm>> -> memref<4x640xi32, #tpu.memory_space<hbm>>
    tpu.wait_dma2 semaphore(%arg14 : memref<!tpu.dma_semaphore, #tpu.memory_space<semaphore_mem>>) src(%dma_wait3A_167 : memref<4x640xi32, #tpu.memory_space<hbm>>) dst(%arg8 : memref<4x640xi32, #tpu.memory_space<vmem>>)
    %run_scoped3A_168 = arith.constant 0 : i32
    "tpu.region"() ({
      %run_scoped3A_912 = tpu.sem_alloc : memref<!tpu.dma_semaphore, #tpu.memory_space<semaphore_mem>>
      %dma_start3A_913 = arith.constant 0 : i32
      %dma_start3A_914 = tpu.memref_slice %arg8[%run_scoped3A_168, %dma_start3A_913] : memref<4x640xi32, #tpu.memory_space<vmem>> -> memref<1x640xi32, #tpu.memory_space<vmem>>
      %dma_start3A_915 = tpu.memref_squeeze %dma_start3A_914 : memref<1x640xi32, #tpu.memory_space<vmem>> -> memref<640xi32, #tpu.memory_space<vmem>>
      %dma_start3A_916 = arith.constant 0 : i32
      %dma_start3A_917 = arith.constant 0 : i32
      %dma_start3A_918 = tpu.memref_slice %arg11[%dma_start3A_916, %dma_start3A_917] : memref<10240x64xf32, #tpu.memory_space<vmem_shared>> -> memref<10240x64xf32, #tpu.memory_space<vmem_shared>>
      tpu.enqueue_indirect_dma source(%arg9 : memref<640x64xf32, #tpu.memory_space<vmem>>) target(%dma_start3A_918 : memref<10240x64xf32, #tpu.memory_space<vmem_shared>>) offsets(%dma_start3A_915 : memref<640xi32, #tpu.memory_space<vmem>>) semaphore(%run_scoped3A_912 : memref<!tpu.dma_semaphore, #tpu.memory_space<semaphore_mem>>) {add = true}
      %dma_wait3A_919 = arith.constant 0 : i32
      %dma_wait3A_920 = tpu.memref_slice %arg8[%run_scoped3A_168, %dma_wait3A_919] : memref<4x640xi32, #tpu.memory_space<vmem>> -> memref<1x640xi32, #tpu.memory_space<vmem>>
      %dma_wait3A_921 = tpu.memref_squeeze %dma_wait3A_920 : memref<1x640xi32, #tpu.memory_space<vmem>> -> memref<640xi32, #tpu.memory_space<vmem>>
      %dma_wait3A_922 = arith.constant 0 : i32
      %dma_wait3A_923 = arith.constant 0 : i32
      %dma_wait3A_924 = tpu.memref_slice %arg11[%dma_wait3A_922, %dma_wait3A_923] : memref<10240x64xf32, #tpu.memory_space<vmem_shared>> -> memref<10240x64xf32, #tpu.memory_space<vmem_shared>>
      tpu.wait_indirect_dma semaphore(%run_scoped3A_912 : memref<!tpu.dma_semaphore, #tpu.memory_space<semaphore_mem>>) src(%arg9 : memref<640x64xf32, #tpu.memory_space<vmem>>) dst(%dma_wait3A_924 : memref<10240x64xf32, #tpu.memory_space<vmem_shared>>)
      tpu.yield
    }) : () -> ()
    %dma_start3A_169 = arith.constant 1 : i32
    %dma_start3A_170 = arith.constant 1 : i32
    %dma_start3A_171 = arith.constant 0 : i32
    %dma_start3A_172 = tpu.memref_slice %arg7[%dma_start3A_169, %dma_start3A_170, %dma_start3A_171] : memref<2x4x640xi32, #tpu.memory_space<vmem>> -> memref<1x1x640xi32, #tpu.memory_space<vmem>>
    %dma_start3A_173 = tpu.memref_squeeze %dma_start3A_172 : memref<1x1x640xi32, #tpu.memory_space<vmem>> -> memref<640xi32, #tpu.memory_space<vmem>>
    %dma_start3A_174 = arith.constant 0 : i32
    %dma_start3A_175 = arith.constant 0 : i32
    %dma_start3A_176 = tpu.memref_slice %arg10[%dma_start3A_174, %dma_start3A_175] : memref<10240x64xf32, #tpu.memory_space<vmem_shared>> -> memref<10240x64xf32, #tpu.memory_space<vmem_shared>>
    tpu.enqueue_indirect_dma source(%dma_start3A_176 : memref<10240x64xf32, #tpu.memory_space<vmem_shared>>) target(%arg9 : memref<640x64xf32, #tpu.memory_space<vmem>>) offsets(%dma_start3A_173 : memref<640xi32, #tpu.memory_space<vmem>>) semaphore(%arg12 : memref<!tpu.dma_semaphore, #tpu.memory_space<semaphore_mem>>)
    %dma_wait3A_177 = arith.constant 1 : i32
    %dma_wait3A_178 = arith.constant 1 : i32
    %dma_wait3A_179 = arith.constant 0 : i32
    %dma_wait3A_180 = tpu.memref_slice %arg7[%dma_wait3A_177, %dma_wait3A_178, %dma_wait3A_179] : memref<2x4x640xi32, #tpu.memory_space<vmem>> -> memref<1x1x640xi32, #tpu.memory_space<vmem>>
    %dma_wait3A_181 = tpu.memref_squeeze %dma_wait3A_180 : memref<1x1x640xi32, #tpu.memory_space<vmem>> -> memref<640xi32, #tpu.memory_space<vmem>>
    %dma_wait3A_182 = arith.constant 0 : i32
    %dma_wait3A_183 = arith.constant 0 : i32
    %dma_wait3A_184 = tpu.memref_slice %arg10[%dma_wait3A_182, %dma_wait3A_183] : memref<10240x64xf32, #tpu.memory_space<vmem_shared>> -> memref<10240x64xf32, #tpu.memory_space<vmem_shared>>
    tpu.wait_indirect_dma semaphore(%arg12 : memref<!tpu.dma_semaphore, #tpu.memory_space<semaphore_mem>>) src(%dma_wait3A_184 : memref<10240x64xf32, #tpu.memory_space<vmem_shared>>) dst(%arg9 : memref<640x64xf32, #tpu.memory_space<vmem>>)
    %run_scoped3A_185 = arith.constant 1 : i32
    "tpu.region"() ({
      %run_scoped3A_912 = tpu.sem_alloc : memref<!tpu.dma_semaphore, #tpu.memory_space<semaphore_mem>>
      %dma_start3A_913 = arith.constant 0 : i32
      %dma_start3A_914 = tpu.memref_slice %arg8[%run_scoped3A_185, %dma_start3A_913] : memref<4x640xi32, #tpu.memory_space<vmem>> -> memref<1x640xi32, #tpu.memory_space<vmem>>
      %dma_start3A_915 = tpu.memref_squeeze %dma_start3A_914 : memref<1x640xi32, #tpu.memory_space<vmem>> -> memref<640xi32, #tpu.memory_space<vmem>>
      %dma_start3A_916 = arith.constant 0 : i32
      %dma_start3A_917 = arith.constant 0 : i32
      %dma_start3A_918 = tpu.memref_slice %arg11[%dma_start3A_916, %dma_start3A_917] : memref<10240x64xf32, #tpu.memory_space<vmem_shared>> -> memref<10240x64xf32, #tpu.memory_space<vmem_shared>>
      tpu.enqueue_indirect_dma source(%arg9 : memref<640x64xf32, #tpu.memory_space<vmem>>) target(%dma_start3A_918 : memref<10240x64xf32, #tpu.memory_space<vmem_shared>>) offsets(%dma_start3A_915 : memref<640xi32, #tpu.memory_space<vmem>>) semaphore(%run_scoped3A_912 : memref<!tpu.dma_semaphore, #tpu.memory_space<semaphore_mem>>) {add = true}
      %dma_wait3A_919 = arith.constant 0 : i32
      %dma_wait3A_920 = tpu.memref_slice %arg8[%run_scoped3A_185, %dma_wait3A_919] : memref<4x640xi32, #tpu.memory_space<vmem>> -> memref<1x640xi32, #tpu.memory_space<vmem>>
      %dma_wait3A_921 = tpu.memref_squeeze %dma_wait3A_920 : memref<1x640xi32, #tpu.memory_space<vmem>> -> memref<640xi32, #tpu.memory_space<vmem>>
      %dma_wait3A_922 = arith.constant 0 : i32
      %dma_wait3A_923 = arith.constant 0 : i32
      %dma_wait3A_924 = tpu.memref_slice %arg11[%dma_wait3A_922, %dma_wait3A_923] : memref<10240x64xf32, #tpu.memory_space<vmem_shared>> -> memref<10240x64xf32, #tpu.memory_space<vmem_shared>>
      tpu.wait_indirect_dma semaphore(%run_scoped3A_912 : memref<!tpu.dma_semaphore, #tpu.memory_space<semaphore_mem>>) src(%arg9 : memref<640x64xf32, #tpu.memory_space<vmem>>) dst(%dma_wait3A_924 : memref<10240x64xf32, #tpu.memory_space<vmem_shared>>)
      tpu.yield
    }) : () -> ()
    %dma_start3A_186 = arith.constant 1 : i32
    %dma_start3A_187 = arith.constant 2 : i32
    %dma_start3A_188 = arith.constant 0 : i32
    %dma_start3A_189 = tpu.memref_slice %arg7[%dma_start3A_186, %dma_start3A_187, %dma_start3A_188] : memref<2x4x640xi32, #tpu.memory_space<vmem>> -> memref<1x1x640xi32, #tpu.memory_space<vmem>>
    %dma_start3A_190 = tpu.memref_squeeze %dma_start3A_189 : memref<1x1x640xi32, #tpu.memory_space<vmem>> -> memref<640xi32, #tpu.memory_space<vmem>>
    %dma_start3A_191 = arith.constant 0 : i32
    %dma_start3A_192 = arith.constant 0 : i32
    %dma_start3A_193 = tpu.memref_slice %arg10[%dma_start3A_191, %dma_start3A_192] : memref<10240x64xf32, #tpu.memory_space<vmem_shared>> -> memref<10240x64xf32, #tpu.memory_space<vmem_shared>>
    tpu.enqueue_indirect_dma source(%dma_start3A_193 : memref<10240x64xf32, #tpu.memory_space<vmem_shared>>) target(%arg9 : memref<640x64xf32, #tpu.memory_space<vmem>>) offsets(%dma_start3A_190 : memref<640xi32, #tpu.memory_space<vmem>>) semaphore(%arg12 : memref<!tpu.dma_semaphore, #tpu.memory_space<semaphore_mem>>)
    %dma_wait3A_194 = arith.constant 1 : i32
    %dma_wait3A_195 = arith.constant 2 : i32
    %dma_wait3A_196 = arith.constant 0 : i32
    %dma_wait3A_197 = tpu.memref_slice %arg7[%dma_wait3A_194, %dma_wait3A_195, %dma_wait3A_196] : memref<2x4x640xi32, #tpu.memory_space<vmem>> -> memref<1x1x640xi32, #tpu.memory_space<vmem>>
    %dma_wait3A_198 = tpu.memref_squeeze %dma_wait3A_197 : memref<1x1x640xi32, #tpu.memory_space<vmem>> -> memref<640xi32, #tpu.memory_space<vmem>>
    %dma_wait3A_199 = arith.constant 0 : i32
    %dma_wait3A_200 = arith.constant 0 : i32
    %dma_wait3A_201 = tpu.memref_slice %arg10[%dma_wait3A_199, %dma_wait3A_200] : memref<10240x64xf32, #tpu.memory_space<vmem_shared>> -> memref<10240x64xf32, #tpu.memory_space<vmem_shared>>
    tpu.wait_indirect_dma semaphore(%arg12 : memref<!tpu.dma_semaphore, #tpu.memory_space<semaphore_mem>>) src(%dma_wait3A_201 : memref<10240x64xf32, #tpu.memory_space<vmem_shared>>) dst(%arg9 : memref<640x64xf32, #tpu.memory_space<vmem>>)
    %run_scoped3A_202 = arith.constant 2 : i32
    "tpu.region"() ({
      %run_scoped3A_912 = tpu.sem_alloc : memref<!tpu.dma_semaphore, #tpu.memory_space<semaphore_mem>>
      %dma_start3A_913 = arith.constant 0 : i32
      %dma_start3A_914 = tpu.memref_slice %arg8[%run_scoped3A_202, %dma_start3A_913] : memref<4x640xi32, #tpu.memory_space<vmem>> -> memref<1x640xi32, #tpu.memory_space<vmem>>
      %dma_start3A_915 = tpu.memref_squeeze %dma_start3A_914 : memref<1x640xi32, #tpu.memory_space<vmem>> -> memref<640xi32, #tpu.memory_space<vmem>>
      %dma_start3A_916 = arith.constant 0 : i32
      %dma_start3A_917 = arith.constant 0 : i32
      %dma_start3A_918 = tpu.memref_slice %arg11[%dma_start3A_916, %dma_start3A_917] : memref<10240x64xf32, #tpu.memory_space<vmem_shared>> -> memref<10240x64xf32, #tpu.memory_space<vmem_shared>>
      tpu.enqueue_indirect_dma source(%arg9 : memref<640x64xf32, #tpu.memory_space<vmem>>) target(%dma_start3A_918 : memref<10240x64xf32, #tpu.memory_space<vmem_shared>>) offsets(%dma_start3A_915 : memref<640xi32, #tpu.memory_space<vmem>>) semaphore(%run_scoped3A_912 : memref<!tpu.dma_semaphore, #tpu.memory_space<semaphore_mem>>) {add = true}
      %dma_wait3A_919 = arith.constant 0 : i32
      %dma_wait3A_920 = tpu.memref_slice %arg8[%run_scoped3A_202, %dma_wait3A_919] : memref<4x640xi32, #tpu.memory_space<vmem>> -> memref<1x640xi32, #tpu.memory_space<vmem>>
      %dma_wait3A_921 = tpu.memref_squeeze %dma_wait3A_920 : memref<1x640xi32, #tpu.memory_space<vmem>> -> memref<640xi32, #tpu.memory_space<vmem>>
      %dma_wait3A_922 = arith.constant 0 : i32
      %dma_wait3A_923 = arith.constant 0 : i32
      %dma_wait3A_924 = tpu.memref_slice %arg11[%dma_wait3A_922, %dma_wait3A_923] : memref<10240x64xf32, #tpu.memory_space<vmem_shared>> -> memref<10240x64xf32, #tpu.memory_space<vmem_shared>>
      tpu.wait_indirect_dma semaphore(%run_scoped3A_912 : memref<!tpu.dma_semaphore, #tpu.memory_space<semaphore_mem>>) src(%arg9 : memref<640x64xf32, #tpu.memory_space<vmem>>) dst(%dma_wait3A_924 : memref<10240x64xf32, #tpu.memory_space<vmem_shared>>)
      tpu.yield
    }) : () -> ()
    %dma_start3A_203 = arith.constant 1 : i32
    %dma_start3A_204 = arith.constant 3 : i32
    %dma_start3A_205 = arith.constant 0 : i32
    %dma_start3A_206 = tpu.memref_slice %arg7[%dma_start3A_203, %dma_start3A_204, %dma_start3A_205] : memref<2x4x640xi32, #tpu.memory_space<vmem>> -> memref<1x1x640xi32, #tpu.memory_space<vmem>>
    %dma_start3A_207 = tpu.memref_squeeze %dma_start3A_206 : memref<1x1x640xi32, #tpu.memory_space<vmem>> -> memref<640xi32, #tpu.memory_space<vmem>>
    %dma_start3A_208 = arith.constant 0 : i32
    %dma_start3A_209 = arith.constant 0 : i32
    %dma_start3A_210 = tpu.memref_slice %arg10[%dma_start3A_208, %dma_start3A_209] : memref<10240x64xf32, #tpu.memory_space<vmem_shared>> -> memref<10240x64xf32, #tpu.memory_space<vmem_shared>>
    tpu.enqueue_indirect_dma source(%dma_start3A_210 : memref<10240x64xf32, #tpu.memory_space<vmem_shared>>) target(%arg9 : memref<640x64xf32, #tpu.memory_space<vmem>>) offsets(%dma_start3A_207 : memref<640xi32, #tpu.memory_space<vmem>>) semaphore(%arg12 : memref<!tpu.dma_semaphore, #tpu.memory_space<semaphore_mem>>)
    %dma_wait3A_211 = arith.constant 1 : i32
    %dma_wait3A_212 = arith.constant 3 : i32
    %dma_wait3A_213 = arith.constant 0 : i32
    %dma_wait3A_214 = tpu.memref_slice %arg7[%dma_wait3A_211, %dma_wait3A_212, %dma_wait3A_213] : memref<2x4x640xi32, #tpu.memory_space<vmem>> -> memref<1x1x640xi32, #tpu.memory_space<vmem>>
    %dma_wait3A_215 = tpu.memref_squeeze %dma_wait3A_214 : memref<1x1x640xi32, #tpu.memory_space<vmem>> -> memref<640xi32, #tpu.memory_space<vmem>>
    %dma_wait3A_216 = arith.constant 0 : i32
    %dma_wait3A_217 = arith.constant 0 : i32
    %dma_wait3A_218 = tpu.memref_slice %arg10[%dma_wait3A_216, %dma_wait3A_217] : memref<10240x64xf32, #tpu.memory_space<vmem_shared>> -> memref<10240x64xf32, #tpu.memory_space<vmem_shared>>
    tpu.wait_indirect_dma semaphore(%arg12 : memref<!tpu.dma_semaphore, #tpu.memory_space<semaphore_mem>>) src(%dma_wait3A_218 : memref<10240x64xf32, #tpu.memory_space<vmem_shared>>) dst(%arg9 : memref<640x64xf32, #tpu.memory_space<vmem>>)
    %run_scoped3A_219 = arith.constant 3 : i32
    "tpu.region"() ({
      %run_scoped3A_912 = tpu.sem_alloc : memref<!tpu.dma_semaphore, #tpu.memory_space<semaphore_mem>>
      %dma_start3A_913 = arith.constant 0 : i32
      %dma_start3A_914 = tpu.memref_slice %arg8[%run_scoped3A_219, %dma_start3A_913] : memref<4x640xi32, #tpu.memory_space<vmem>> -> memref<1x640xi32, #tpu.memory_space<vmem>>
      %dma_start3A_915 = tpu.memref_squeeze %dma_start3A_914 : memref<1x640xi32, #tpu.memory_space<vmem>> -> memref<640xi32, #tpu.memory_space<vmem>>
      %dma_start3A_916 = arith.constant 0 : i32
      %dma_start3A_917 = arith.constant 0 : i32
      %dma_start3A_918 = tpu.memref_slice %arg11[%dma_start3A_916, %dma_start3A_917] : memref<10240x64xf32, #tpu.memory_space<vmem_shared>> -> memref<10240x64xf32, #tpu.memory_space<vmem_shared>>
      tpu.enqueue_indirect_dma source(%arg9 : memref<640x64xf32, #tpu.memory_space<vmem>>) target(%dma_start3A_918 : memref<10240x64xf32, #tpu.memory_space<vmem_shared>>) offsets(%dma_start3A_915 : memref<640xi32, #tpu.memory_space<vmem>>) semaphore(%run_scoped3A_912 : memref<!tpu.dma_semaphore, #tpu.memory_space<semaphore_mem>>) {add = true}
      %dma_wait3A_919 = arith.constant 0 : i32
      %dma_wait3A_920 = tpu.memref_slice %arg8[%run_scoped3A_219, %dma_wait3A_919] : memref<4x640xi32, #tpu.memory_space<vmem>> -> memref<1x640xi32, #tpu.memory_space<vmem>>
      %dma_wait3A_921 = tpu.memref_squeeze %dma_wait3A_920 : memref<1x640xi32, #tpu.memory_space<vmem>> -> memref<640xi32, #tpu.memory_space<vmem>>
      %dma_wait3A_922 = arith.constant 0 : i32
      %dma_wait3A_923 = arith.constant 0 : i32
      %dma_wait3A_924 = tpu.memref_slice %arg11[%dma_wait3A_922, %dma_wait3A_923] : memref<10240x64xf32, #tpu.memory_space<vmem_shared>> -> memref<10240x64xf32, #tpu.memory_space<vmem_shared>>
      tpu.wait_indirect_dma semaphore(%run_scoped3A_912 : memref<!tpu.dma_semaphore, #tpu.memory_space<semaphore_mem>>) src(%arg9 : memref<640x64xf32, #tpu.memory_space<vmem>>) dst(%dma_wait3A_924 : memref<10240x64xf32, #tpu.memory_space<vmem_shared>>)
      tpu.yield
    }) : () -> ()
    %dma_wait3A_220 = arith.constant 0 : i32
    %dma_wait3A_221 = arith.constant 0 : i32
    %dma_wait3A_222 = arith.constant 0 : i32
    %dma_wait3A_223 = tpu.memref_slice %arg7[%dma_wait3A_220, %dma_wait3A_221, %dma_wait3A_222] : memref<2x4x640xi32, #tpu.memory_space<vmem>> -> memref<1x4x640xi32, #tpu.memory_space<vmem>>
    %dma_wait3A_224 = tpu.memref_squeeze %dma_wait3A_223 : memref<1x4x640xi32, #tpu.memory_space<vmem>> -> memref<4x640xi32, #tpu.memory_space<vmem>>
    %dma_wait3A_225 = arith.constant 8 : i32
    %dma_wait3A_226 = arith.constant 0 : i32
    %dma_wait3A_227 = tpu.memref_slice %arg3[%arg1, %dma_wait3A_225, %dma_wait3A_226] : memref<16x32x640xi32, #tpu.memory_space<hbm>> -> memref<1x4x640xi32, #tpu.memory_space<hbm>>
    %dma_wait3A_228 = tpu.memref_squeeze %dma_wait3A_227 : memref<1x4x640xi32, #tpu.memory_space<hbm>> -> memref<4x640xi32, #tpu.memory_space<hbm>>
    %dma_wait3A_229 = arith.constant 0 : i32
    %dma_wait3A_230 = arith.constant 0 : i32
    %dma_wait3A_231 = tpu.memref_slice %arg7[%dma_wait3A_220, %dma_wait3A_229, %dma_wait3A_230] : memref<2x4x640xi32, #tpu.memory_space<vmem>> -> memref<1x4x640xi32, #tpu.memory_space<vmem>>
    %dma_wait3A_232 = tpu.memref_squeeze %dma_wait3A_231 : memref<1x4x640xi32, #tpu.memory_space<vmem>> -> memref<4x640xi32, #tpu.memory_space<vmem>>
    %dma_wait3A_233 = arith.constant 8 : i32
    %dma_wait3A_234 = arith.constant 0 : i32
    %dma_wait3A_235 = tpu.memref_slice %arg3[%arg1, %dma_wait3A_233, %dma_wait3A_234] : memref<16x32x640xi32, #tpu.memory_space<hbm>> -> memref<1x4x640xi32, #tpu.memory_space<hbm>>
    %dma_wait3A_236 = tpu.memref_squeeze %dma_wait3A_235 : memref<1x4x640xi32, #tpu.memory_space<hbm>> -> memref<4x640xi32, #tpu.memory_space<hbm>>
    tpu.wait_dma2 semaphore(%arg13 : memref<!tpu.dma_semaphore, #tpu.memory_space<semaphore_mem>>) src(%dma_wait3A_236 : memref<4x640xi32, #tpu.memory_space<hbm>>) dst(%dma_wait3A_232 : memref<4x640xi32, #tpu.memory_space<vmem>>)
    %dma_start3A_237 = arith.constant 1 : i32
    %dma_start3A_238 = arith.constant 0 : i32
    %dma_start3A_239 = arith.constant 0 : i32
    %dma_start3A_240 = tpu.memref_slice %arg7[%dma_start3A_237, %dma_start3A_238, %dma_start3A_239] : memref<2x4x640xi32, #tpu.memory_space<vmem>> -> memref<1x4x640xi32, #tpu.memory_space<vmem>>
    %dma_start3A_241 = tpu.memref_squeeze %dma_start3A_240 : memref<1x4x640xi32, #tpu.memory_space<vmem>> -> memref<4x640xi32, #tpu.memory_space<vmem>>
    %dma_start3A_242 = arith.constant 12 : i32
    %dma_start3A_243 = arith.constant 0 : i32
    %dma_start3A_244 = tpu.memref_slice %arg3[%arg1, %dma_start3A_242, %dma_start3A_243] : memref<16x32x640xi32, #tpu.memory_space<hbm>> -> memref<1x4x640xi32, #tpu.memory_space<hbm>>
    %dma_start3A_245 = tpu.memref_squeeze %dma_start3A_244 : memref<1x4x640xi32, #tpu.memory_space<hbm>> -> memref<4x640xi32, #tpu.memory_space<hbm>>
    %dma_start3A_246 = arith.constant 0 : i32
    %dma_start3A_247 = arith.constant 0 : i32
    %dma_start3A_248 = tpu.memref_slice %arg7[%dma_start3A_237, %dma_start3A_246, %dma_start3A_247] : memref<2x4x640xi32, #tpu.memory_space<vmem>> -> memref<1x4x640xi32, #tpu.memory_space<vmem>>
    %dma_start3A_249 = tpu.memref_squeeze %dma_start3A_248 : memref<1x4x640xi32, #tpu.memory_space<vmem>> -> memref<4x640xi32, #tpu.memory_space<vmem>>
    %dma_start3A_250 = arith.constant 12 : i32
    %dma_start3A_251 = arith.constant 0 : i32
    %dma_start3A_252 = tpu.memref_slice %arg3[%arg1, %dma_start3A_250, %dma_start3A_251] : memref<16x32x640xi32, #tpu.memory_space<hbm>> -> memref<1x4x640xi32, #tpu.memory_space<hbm>>
    %dma_start3A_253 = tpu.memref_squeeze %dma_start3A_252 : memref<1x4x640xi32, #tpu.memory_space<hbm>> -> memref<4x640xi32, #tpu.memory_space<hbm>>
    tpu.enqueue_dma source(%dma_start3A_253 : memref<4x640xi32, #tpu.memory_space<hbm>>) target(%dma_start3A_249 : memref<4x640xi32, #tpu.memory_space<vmem>>) target_semaphore(%arg13 : memref<!tpu.dma_semaphore, #tpu.memory_space<semaphore_mem>>)
    %dma_start3A_254 = arith.constant 0 : i32
    %dma_start3A_255 = arith.constant 0 : i32
    %dma_start3A_256 = arith.constant 0 : i32
    %dma_start3A_257 = tpu.memref_slice %arg7[%dma_start3A_254, %dma_start3A_255, %dma_start3A_256] : memref<2x4x640xi32, #tpu.memory_space<vmem>> -> memref<1x1x640xi32, #tpu.memory_space<vmem>>
    %dma_start3A_258 = tpu.memref_squeeze %dma_start3A_257 : memref<1x1x640xi32, #tpu.memory_space<vmem>> -> memref<640xi32, #tpu.memory_space<vmem>>
    %dma_start3A_259 = arith.constant 0 : i32
    %dma_start3A_260 = arith.constant 0 : i32
    %dma_start3A_261 = tpu.memref_slice %arg10[%dma_start3A_259, %dma_start3A_260] : memref<10240x64xf32, #tpu.memory_space<vmem_shared>> -> memref<10240x64xf32, #tpu.memory_space<vmem_shared>>
    tpu.enqueue_indirect_dma source(%dma_start3A_261 : memref<10240x64xf32, #tpu.memory_space<vmem_shared>>) target(%arg9 : memref<640x64xf32, #tpu.memory_space<vmem>>) offsets(%dma_start3A_258 : memref<640xi32, #tpu.memory_space<vmem>>) semaphore(%arg12 : memref<!tpu.dma_semaphore, #tpu.memory_space<semaphore_mem>>)
    %dma_start3A_262 = arith.constant 8 : i32
    %dma_start3A_263 = arith.constant 0 : i32
    %dma_start3A_264 = tpu.memref_slice %arg4[%arg1, %dma_start3A_262, %dma_start3A_263] : memref<16x32x640xi32, #tpu.memory_space<hbm>> -> memref<1x4x640xi32, #tpu.memory_space<hbm>>
    %dma_start3A_265 = tpu.memref_squeeze %dma_start3A_264 : memref<1x4x640xi32, #tpu.memory_space<hbm>> -> memref<4x640xi32, #tpu.memory_space<hbm>>
    %dma_start3A_266 = arith.constant 8 : i32
    %dma_start3A_267 = arith.constant 0 : i32
    %dma_start3A_268 = tpu.memref_slice %arg4[%arg1, %dma_start3A_266, %dma_start3A_267] : memref<16x32x640xi32, #tpu.memory_space<hbm>> -> memref<1x4x640xi32, #tpu.memory_space<hbm>>
    %dma_start3A_269 = tpu.memref_squeeze %dma_start3A_268 : memref<1x4x640xi32, #tpu.memory_space<hbm>> -> memref<4x640xi32, #tpu.memory_space<hbm>>
    tpu.enqueue_dma source(%dma_start3A_269 : memref<4x640xi32, #tpu.memory_space<hbm>>) target(%arg8 : memref<4x640xi32, #tpu.memory_space<vmem>>) target_semaphore(%arg14 : memref<!tpu.dma_semaphore, #tpu.memory_space<semaphore_mem>>)
    %dma_wait3A_270 = arith.constant 0 : i32
    %dma_wait3A_271 = arith.constant 0 : i32
    %dma_wait3A_272 = arith.constant 0 : i32
    %dma_wait3A_273 = tpu.memref_slice %arg7[%dma_wait3A_270, %dma_wait3A_271, %dma_wait3A_272] : memref<2x4x640xi32, #tpu.memory_space<vmem>> -> memref<1x1x640xi32, #tpu.memory_space<vmem>>
    %dma_wait3A_274 = tpu.memref_squeeze %dma_wait3A_273 : memref<1x1x640xi32, #tpu.memory_space<vmem>> -> memref<640xi32, #tpu.memory_space<vmem>>
    %dma_wait3A_275 = arith.constant 0 : i32
    %dma_wait3A_276 = arith.constant 0 : i32
    %dma_wait3A_277 = tpu.memref_slice %arg10[%dma_wait3A_275, %dma_wait3A_276] : memref<10240x64xf32, #tpu.memory_space<vmem_shared>> -> memref<10240x64xf32, #tpu.memory_space<vmem_shared>>
    tpu.wait_indirect_dma semaphore(%arg12 : memref<!tpu.dma_semaphore, #tpu.memory_space<semaphore_mem>>) src(%dma_wait3A_277 : memref<10240x64xf32, #tpu.memory_space<vmem_shared>>) dst(%arg9 : memref<640x64xf32, #tpu.memory_space<vmem>>)
    %dma_wait3A_278 = arith.constant 8 : i32
    %dma_wait3A_279 = arith.constant 0 : i32
    %dma_wait3A_280 = tpu.memref_slice %arg4[%arg1, %dma_wait3A_278, %dma_wait3A_279] : memref<16x32x640xi32, #tpu.memory_space<hbm>> -> memref<1x4x640xi32, #tpu.memory_space<hbm>>
    %dma_wait3A_281 = tpu.memref_squeeze %dma_wait3A_280 : memref<1x4x640xi32, #tpu.memory_space<hbm>> -> memref<4x640xi32, #tpu.memory_space<hbm>>
    %dma_wait3A_282 = arith.constant 8 : i32
    %dma_wait3A_283 = arith.constant 0 : i32
    %dma_wait3A_284 = tpu.memref_slice %arg4[%arg1, %dma_wait3A_282, %dma_wait3A_283] : memref<16x32x640xi32, #tpu.memory_space<hbm>> -> memref<1x4x640xi32, #tpu.memory_space<hbm>>
    %dma_wait3A_285 = tpu.memref_squeeze %dma_wait3A_284 : memref<1x4x640xi32, #tpu.memory_space<hbm>> -> memref<4x640xi32, #tpu.memory_space<hbm>>
    tpu.wait_dma2 semaphore(%arg14 : memref<!tpu.dma_semaphore, #tpu.memory_space<semaphore_mem>>) src(%dma_wait3A_285 : memref<4x640xi32, #tpu.memory_space<hbm>>) dst(%arg8 : memref<4x640xi32, #tpu.memory_space<vmem>>)
    %run_scoped3A_286 = arith.constant 0 : i32
    "tpu.region"() ({
      %run_scoped3A_912 = tpu.sem_alloc : memref<!tpu.dma_semaphore, #tpu.memory_space<semaphore_mem>>
      %dma_start3A_913 = arith.constant 0 : i32
      %dma_start3A_914 = tpu.memref_slice %arg8[%run_scoped3A_286, %dma_start3A_913] : memref<4x640xi32, #tpu.memory_space<vmem>> -> memref<1x640xi32, #tpu.memory_space<vmem>>
      %dma_start3A_915 = tpu.memref_squeeze %dma_start3A_914 : memref<1x640xi32, #tpu.memory_space<vmem>> -> memref<640xi32, #tpu.memory_space<vmem>>
      %dma_start3A_916 = arith.constant 0 : i32
      %dma_start3A_917 = arith.constant 0 : i32
      %dma_start3A_918 = tpu.memref_slice %arg11[%dma_start3A_916, %dma_start3A_917] : memref<10240x64xf32, #tpu.memory_space<vmem_shared>> -> memref<10240x64xf32, #tpu.memory_space<vmem_shared>>
      tpu.enqueue_indirect_dma source(%arg9 : memref<640x64xf32, #tpu.memory_space<vmem>>) target(%dma_start3A_918 : memref<10240x64xf32, #tpu.memory_space<vmem_shared>>) offsets(%dma_start3A_915 : memref<640xi32, #tpu.memory_space<vmem>>) semaphore(%run_scoped3A_912 : memref<!tpu.dma_semaphore, #tpu.memory_space<semaphore_mem>>) {add = true}
      %dma_wait3A_919 = arith.constant 0 : i32
      %dma_wait3A_920 = tpu.memref_slice %arg8[%run_scoped3A_286, %dma_wait3A_919] : memref<4x640xi32, #tpu.memory_space<vmem>> -> memref<1x640xi32, #tpu.memory_space<vmem>>
      %dma_wait3A_921 = tpu.memref_squeeze %dma_wait3A_920 : memref<1x640xi32, #tpu.memory_space<vmem>> -> memref<640xi32, #tpu.memory_space<vmem>>
      %dma_wait3A_922 = arith.constant 0 : i32
      %dma_wait3A_923 = arith.constant 0 : i32
      %dma_wait3A_924 = tpu.memref_slice %arg11[%dma_wait3A_922, %dma_wait3A_923] : memref<10240x64xf32, #tpu.memory_space<vmem_shared>> -> memref<10240x64xf32, #tpu.memory_space<vmem_shared>>
      tpu.wait_indirect_dma semaphore(%run_scoped3A_912 : memref<!tpu.dma_semaphore, #tpu.memory_space<semaphore_mem>>) src(%arg9 : memref<640x64xf32, #tpu.memory_space<vmem>>) dst(%dma_wait3A_924 : memref<10240x64xf32, #tpu.memory_space<vmem_shared>>)
      tpu.yield
    }) : () -> ()
    %dma_start3A_287 = arith.constant 0 : i32
    %dma_start3A_288 = arith.constant 1 : i32
    %dma_start3A_289 = arith.constant 0 : i32
    %dma_start3A_290 = tpu.memref_slice %arg7[%dma_start3A_287, %dma_start3A_288, %dma_start3A_289] : memref<2x4x640xi32, #tpu.memory_space<vmem>> -> memref<1x1x640xi32, #tpu.memory_space<vmem>>
    %dma_start3A_291 = tpu.memref_squeeze %dma_start3A_290 : memref<1x1x640xi32, #tpu.memory_space<vmem>> -> memref<640xi32, #tpu.memory_space<vmem>>
    %dma_start3A_292 = arith.constant 0 : i32
    %dma_start3A_293 = arith.constant 0 : i32
    %dma_start3A_294 = tpu.memref_slice %arg10[%dma_start3A_292, %dma_start3A_293] : memref<10240x64xf32, #tpu.memory_space<vmem_shared>> -> memref<10240x64xf32, #tpu.memory_space<vmem_shared>>
    tpu.enqueue_indirect_dma source(%dma_start3A_294 : memref<10240x64xf32, #tpu.memory_space<vmem_shared>>) target(%arg9 : memref<640x64xf32, #tpu.memory_space<vmem>>) offsets(%dma_start3A_291 : memref<640xi32, #tpu.memory_space<vmem>>) semaphore(%arg12 : memref<!tpu.dma_semaphore, #tpu.memory_space<semaphore_mem>>)
    %dma_wait3A_295 = arith.constant 0 : i32
    %dma_wait3A_296 = arith.constant 1 : i32
    %dma_wait3A_297 = arith.constant 0 : i32
    %dma_wait3A_298 = tpu.memref_slice %arg7[%dma_wait3A_295, %dma_wait3A_296, %dma_wait3A_297] : memref<2x4x640xi32, #tpu.memory_space<vmem>> -> memref<1x1x640xi32, #tpu.memory_space<vmem>>
    %dma_wait3A_299 = tpu.memref_squeeze %dma_wait3A_298 : memref<1x1x640xi32, #tpu.memory_space<vmem>> -> memref<640xi32, #tpu.memory_space<vmem>>
    %dma_wait3A_300 = arith.constant 0 : i32
    %dma_wait3A_301 = arith.constant 0 : i32
    %dma_wait3A_302 = tpu.memref_slice %arg10[%dma_wait3A_300, %dma_wait3A_301] : memref<10240x64xf32, #tpu.memory_space<vmem_shared>> -> memref<10240x64xf32, #tpu.memory_space<vmem_shared>>
    tpu.wait_indirect_dma semaphore(%arg12 : memref<!tpu.dma_semaphore, #tpu.memory_space<semaphore_mem>>) src(%dma_wait3A_302 : memref<10240x64xf32, #tpu.memory_space<vmem_shared>>) dst(%arg9 : memref<640x64xf32, #tpu.memory_space<vmem>>)
    %run_scoped3A_303 = arith.constant 1 : i32
    "tpu.region"() ({
      %run_scoped3A_912 = tpu.sem_alloc : memref<!tpu.dma_semaphore, #tpu.memory_space<semaphore_mem>>
      %dma_start3A_913 = arith.constant 0 : i32
      %dma_start3A_914 = tpu.memref_slice %arg8[%run_scoped3A_303, %dma_start3A_913] : memref<4x640xi32, #tpu.memory_space<vmem>> -> memref<1x640xi32, #tpu.memory_space<vmem>>
      %dma_start3A_915 = tpu.memref_squeeze %dma_start3A_914 : memref<1x640xi32, #tpu.memory_space<vmem>> -> memref<640xi32, #tpu.memory_space<vmem>>
      %dma_start3A_916 = arith.constant 0 : i32
      %dma_start3A_917 = arith.constant 0 : i32
      %dma_start3A_918 = tpu.memref_slice %arg11[%dma_start3A_916, %dma_start3A_917] : memref<10240x64xf32, #tpu.memory_space<vmem_shared>> -> memref<10240x64xf32, #tpu.memory_space<vmem_shared>>
      tpu.enqueue_indirect_dma source(%arg9 : memref<640x64xf32, #tpu.memory_space<vmem>>) target(%dma_start3A_918 : memref<10240x64xf32, #tpu.memory_space<vmem_shared>>) offsets(%dma_start3A_915 : memref<640xi32, #tpu.memory_space<vmem>>) semaphore(%run_scoped3A_912 : memref<!tpu.dma_semaphore, #tpu.memory_space<semaphore_mem>>) {add = true}
      %dma_wait3A_919 = arith.constant 0 : i32
      %dma_wait3A_920 = tpu.memref_slice %arg8[%run_scoped3A_303, %dma_wait3A_919] : memref<4x640xi32, #tpu.memory_space<vmem>> -> memref<1x640xi32, #tpu.memory_space<vmem>>
      %dma_wait3A_921 = tpu.memref_squeeze %dma_wait3A_920 : memref<1x640xi32, #tpu.memory_space<vmem>> -> memref<640xi32, #tpu.memory_space<vmem>>
      %dma_wait3A_922 = arith.constant 0 : i32
      %dma_wait3A_923 = arith.constant 0 : i32
      %dma_wait3A_924 = tpu.memref_slice %arg11[%dma_wait3A_922, %dma_wait3A_923] : memref<10240x64xf32, #tpu.memory_space<vmem_shared>> -> memref<10240x64xf32, #tpu.memory_space<vmem_shared>>
      tpu.wait_indirect_dma semaphore(%run_scoped3A_912 : memref<!tpu.dma_semaphore, #tpu.memory_space<semaphore_mem>>) src(%arg9 : memref<640x64xf32, #tpu.memory_space<vmem>>) dst(%dma_wait3A_924 : memref<10240x64xf32, #tpu.memory_space<vmem_shared>>)
      tpu.yield
    }) : () -> ()
    %dma_start3A_304 = arith.constant 0 : i32
    %dma_start3A_305 = arith.constant 2 : i32
    %dma_start3A_306 = arith.constant 0 : i32
    %dma_start3A_307 = tpu.memref_slice %arg7[%dma_start3A_304, %dma_start3A_305, %dma_start3A_306] : memref<2x4x640xi32, #tpu.memory_space<vmem>> -> memref<1x1x640xi32, #tpu.memory_space<vmem>>
    %dma_start3A_308 = tpu.memref_squeeze %dma_start3A_307 : memref<1x1x640xi32, #tpu.memory_space<vmem>> -> memref<640xi32, #tpu.memory_space<vmem>>
    %dma_start3A_309 = arith.constant 0 : i32
    %dma_start3A_310 = arith.constant 0 : i32
    %dma_start3A_311 = tpu.memref_slice %arg10[%dma_start3A_309, %dma_start3A_310] : memref<10240x64xf32, #tpu.memory_space<vmem_shared>> -> memref<10240x64xf32, #tpu.memory_space<vmem_shared>>
    tpu.enqueue_indirect_dma source(%dma_start3A_311 : memref<10240x64xf32, #tpu.memory_space<vmem_shared>>) target(%arg9 : memref<640x64xf32, #tpu.memory_space<vmem>>) offsets(%dma_start3A_308 : memref<640xi32, #tpu.memory_space<vmem>>) semaphore(%arg12 : memref<!tpu.dma_semaphore, #tpu.memory_space<semaphore_mem>>)
    %dma_wait3A_312 = arith.constant 0 : i32
    %dma_wait3A_313 = arith.constant 2 : i32
    %dma_wait3A_314 = arith.constant 0 : i32
    %dma_wait3A_315 = tpu.memref_slice %arg7[%dma_wait3A_312, %dma_wait3A_313, %dma_wait3A_314] : memref<2x4x640xi32, #tpu.memory_space<vmem>> -> memref<1x1x640xi32, #tpu.memory_space<vmem>>
    %dma_wait3A_316 = tpu.memref_squeeze %dma_wait3A_315 : memref<1x1x640xi32, #tpu.memory_space<vmem>> -> memref<640xi32, #tpu.memory_space<vmem>>
    %dma_wait3A_317 = arith.constant 0 : i32
    %dma_wait3A_318 = arith.constant 0 : i32
    %dma_wait3A_319 = tpu.memref_slice %arg10[%dma_wait3A_317, %dma_wait3A_318] : memref<10240x64xf32, #tpu.memory_space<vmem_shared>> -> memref<10240x64xf32, #tpu.memory_space<vmem_shared>>
    tpu.wait_indirect_dma semaphore(%arg12 : memref<!tpu.dma_semaphore, #tpu.memory_space<semaphore_mem>>) src(%dma_wait3A_319 : memref<10240x64xf32, #tpu.memory_space<vmem_shared>>) dst(%arg9 : memref<640x64xf32, #tpu.memory_space<vmem>>)
    %run_scoped3A_320 = arith.constant 2 : i32
    "tpu.region"() ({
      %run_scoped3A_912 = tpu.sem_alloc : memref<!tpu.dma_semaphore, #tpu.memory_space<semaphore_mem>>
      %dma_start3A_913 = arith.constant 0 : i32
      %dma_start3A_914 = tpu.memref_slice %arg8[%run_scoped3A_320, %dma_start3A_913] : memref<4x640xi32, #tpu.memory_space<vmem>> -> memref<1x640xi32, #tpu.memory_space<vmem>>
      %dma_start3A_915 = tpu.memref_squeeze %dma_start3A_914 : memref<1x640xi32, #tpu.memory_space<vmem>> -> memref<640xi32, #tpu.memory_space<vmem>>
      %dma_start3A_916 = arith.constant 0 : i32
      %dma_start3A_917 = arith.constant 0 : i32
      %dma_start3A_918 = tpu.memref_slice %arg11[%dma_start3A_916, %dma_start3A_917] : memref<10240x64xf32, #tpu.memory_space<vmem_shared>> -> memref<10240x64xf32, #tpu.memory_space<vmem_shared>>
      tpu.enqueue_indirect_dma source(%arg9 : memref<640x64xf32, #tpu.memory_space<vmem>>) target(%dma_start3A_918 : memref<10240x64xf32, #tpu.memory_space<vmem_shared>>) offsets(%dma_start3A_915 : memref<640xi32, #tpu.memory_space<vmem>>) semaphore(%run_scoped3A_912 : memref<!tpu.dma_semaphore, #tpu.memory_space<semaphore_mem>>) {add = true}
      %dma_wait3A_919 = arith.constant 0 : i32
      %dma_wait3A_920 = tpu.memref_slice %arg8[%run_scoped3A_320, %dma_wait3A_919] : memref<4x640xi32, #tpu.memory_space<vmem>> -> memref<1x640xi32, #tpu.memory_space<vmem>>
      %dma_wait3A_921 = tpu.memref_squeeze %dma_wait3A_920 : memref<1x640xi32, #tpu.memory_space<vmem>> -> memref<640xi32, #tpu.memory_space<vmem>>
      %dma_wait3A_922 = arith.constant 0 : i32
      %dma_wait3A_923 = arith.constant 0 : i32
      %dma_wait3A_924 = tpu.memref_slice %arg11[%dma_wait3A_922, %dma_wait3A_923] : memref<10240x64xf32, #tpu.memory_space<vmem_shared>> -> memref<10240x64xf32, #tpu.memory_space<vmem_shared>>
      tpu.wait_indirect_dma semaphore(%run_scoped3A_912 : memref<!tpu.dma_semaphore, #tpu.memory_space<semaphore_mem>>) src(%arg9 : memref<640x64xf32, #tpu.memory_space<vmem>>) dst(%dma_wait3A_924 : memref<10240x64xf32, #tpu.memory_space<vmem_shared>>)
      tpu.yield
    }) : () -> ()
    %dma_start3A_321 = arith.constant 0 : i32
    %dma_start3A_322 = arith.constant 3 : i32
    %dma_start3A_323 = arith.constant 0 : i32
    %dma_start3A_324 = tpu.memref_slice %arg7[%dma_start3A_321, %dma_start3A_322, %dma_start3A_323] : memref<2x4x640xi32, #tpu.memory_space<vmem>> -> memref<1x1x640xi32, #tpu.memory_space<vmem>>
    %dma_start3A_325 = tpu.memref_squeeze %dma_start3A_324 : memref<1x1x640xi32, #tpu.memory_space<vmem>> -> memref<640xi32, #tpu.memory_space<vmem>>
    %dma_start3A_326 = arith.constant 0 : i32
    %dma_start3A_327 = arith.constant 0 : i32
    %dma_start3A_328 = tpu.memref_slice %arg10[%dma_start3A_326, %dma_start3A_327] : memref<10240x64xf32, #tpu.memory_space<vmem_shared>> -> memref<10240x64xf32, #tpu.memory_space<vmem_shared>>
    tpu.enqueue_indirect_dma source(%dma_start3A_328 : memref<10240x64xf32, #tpu.memory_space<vmem_shared>>) target(%arg9 : memref<640x64xf32, #tpu.memory_space<vmem>>) offsets(%dma_start3A_325 : memref<640xi32, #tpu.memory_space<vmem>>) semaphore(%arg12 : memref<!tpu.dma_semaphore, #tpu.memory_space<semaphore_mem>>)
    %dma_wait3A_329 = arith.constant 0 : i32
    %dma_wait3A_330 = arith.constant 3 : i32
    %dma_wait3A_331 = arith.constant 0 : i32
    %dma_wait3A_332 = tpu.memref_slice %arg7[%dma_wait3A_329, %dma_wait3A_330, %dma_wait3A_331] : memref<2x4x640xi32, #tpu.memory_space<vmem>> -> memref<1x1x640xi32, #tpu.memory_space<vmem>>
    %dma_wait3A_333 = tpu.memref_squeeze %dma_wait3A_332 : memref<1x1x640xi32, #tpu.memory_space<vmem>> -> memref<640xi32, #tpu.memory_space<vmem>>
    %dma_wait3A_334 = arith.constant 0 : i32
    %dma_wait3A_335 = arith.constant 0 : i32
    %dma_wait3A_336 = tpu.memref_slice %arg10[%dma_wait3A_334, %dma_wait3A_335] : memref<10240x64xf32, #tpu.memory_space<vmem_shared>> -> memref<10240x64xf32, #tpu.memory_space<vmem_shared>>
    tpu.wait_indirect_dma semaphore(%arg12 : memref<!tpu.dma_semaphore, #tpu.memory_space<semaphore_mem>>) src(%dma_wait3A_336 : memref<10240x64xf32, #tpu.memory_space<vmem_shared>>) dst(%arg9 : memref<640x64xf32, #tpu.memory_space<vmem>>)
    %run_scoped3A_337 = arith.constant 3 : i32
    "tpu.region"() ({
      %run_scoped3A_912 = tpu.sem_alloc : memref<!tpu.dma_semaphore, #tpu.memory_space<semaphore_mem>>
      %dma_start3A_913 = arith.constant 0 : i32
      %dma_start3A_914 = tpu.memref_slice %arg8[%run_scoped3A_337, %dma_start3A_913] : memref<4x640xi32, #tpu.memory_space<vmem>> -> memref<1x640xi32, #tpu.memory_space<vmem>>
      %dma_start3A_915 = tpu.memref_squeeze %dma_start3A_914 : memref<1x640xi32, #tpu.memory_space<vmem>> -> memref<640xi32, #tpu.memory_space<vmem>>
      %dma_start3A_916 = arith.constant 0 : i32
      %dma_start3A_917 = arith.constant 0 : i32
      %dma_start3A_918 = tpu.memref_slice %arg11[%dma_start3A_916, %dma_start3A_917] : memref<10240x64xf32, #tpu.memory_space<vmem_shared>> -> memref<10240x64xf32, #tpu.memory_space<vmem_shared>>
      tpu.enqueue_indirect_dma source(%arg9 : memref<640x64xf32, #tpu.memory_space<vmem>>) target(%dma_start3A_918 : memref<10240x64xf32, #tpu.memory_space<vmem_shared>>) offsets(%dma_start3A_915 : memref<640xi32, #tpu.memory_space<vmem>>) semaphore(%run_scoped3A_912 : memref<!tpu.dma_semaphore, #tpu.memory_space<semaphore_mem>>) {add = true}
      %dma_wait3A_919 = arith.constant 0 : i32
      %dma_wait3A_920 = tpu.memref_slice %arg8[%run_scoped3A_337, %dma_wait3A_919] : memref<4x640xi32, #tpu.memory_space<vmem>> -> memref<1x640xi32, #tpu.memory_space<vmem>>
      %dma_wait3A_921 = tpu.memref_squeeze %dma_wait3A_920 : memref<1x640xi32, #tpu.memory_space<vmem>> -> memref<640xi32, #tpu.memory_space<vmem>>
      %dma_wait3A_922 = arith.constant 0 : i32
      %dma_wait3A_923 = arith.constant 0 : i32
      %dma_wait3A_924 = tpu.memref_slice %arg11[%dma_wait3A_922, %dma_wait3A_923] : memref<10240x64xf32, #tpu.memory_space<vmem_shared>> -> memref<10240x64xf32, #tpu.memory_space<vmem_shared>>
      tpu.wait_indirect_dma semaphore(%run_scoped3A_912 : memref<!tpu.dma_semaphore, #tpu.memory_space<semaphore_mem>>) src(%arg9 : memref<640x64xf32, #tpu.memory_space<vmem>>) dst(%dma_wait3A_924 : memref<10240x64xf32, #tpu.memory_space<vmem_shared>>)
      tpu.yield
    }) : () -> ()
    %dma_wait3A_338 = arith.constant 1 : i32
    %dma_wait3A_339 = arith.constant 0 : i32
    %dma_wait3A_340 = arith.constant 0 : i32
    %dma_wait3A_341 = tpu.memref_slice %arg7[%dma_wait3A_338, %dma_wait3A_339, %dma_wait3A_340] : memref<2x4x640xi32, #tpu.memory_space<vmem>> -> memref<1x4x640xi32, #tpu.memory_space<vmem>>
    %dma_wait3A_342 = tpu.memref_squeeze %dma_wait3A_341 : memref<1x4x640xi32, #tpu.memory_space<vmem>> -> memref<4x640xi32, #tpu.memory_space<vmem>>
    %dma_wait3A_343 = arith.constant 12 : i32
    %dma_wait3A_344 = arith.constant 0 : i32
    %dma_wait3A_345 = tpu.memref_slice %arg3[%arg1, %dma_wait3A_343, %dma_wait3A_344] : memref<16x32x640xi32, #tpu.memory_space<hbm>> -> memref<1x4x640xi32, #tpu.memory_space<hbm>>
    %dma_wait3A_346 = tpu.memref_squeeze %dma_wait3A_345 : memref<1x4x640xi32, #tpu.memory_space<hbm>> -> memref<4x640xi32, #tpu.memory_space<hbm>>
    %dma_wait3A_347 = arith.constant 0 : i32
    %dma_wait3A_348 = arith.constant 0 : i32
    %dma_wait3A_349 = tpu.memref_slice %arg7[%dma_wait3A_338, %dma_wait3A_347, %dma_wait3A_348] : memref<2x4x640xi32, #tpu.memory_space<vmem>> -> memref<1x4x640xi32, #tpu.memory_space<vmem>>
    %dma_wait3A_350 = tpu.memref_squeeze %dma_wait3A_349 : memref<1x4x640xi32, #tpu.memory_space<vmem>> -> memref<4x640xi32, #tpu.memory_space<vmem>>
    %dma_wait3A_351 = arith.constant 12 : i32
    %dma_wait3A_352 = arith.constant 0 : i32
    %dma_wait3A_353 = tpu.memref_slice %arg3[%arg1, %dma_wait3A_351, %dma_wait3A_352] : memref<16x32x640xi32, #tpu.memory_space<hbm>> -> memref<1x4x640xi32, #tpu.memory_space<hbm>>
    %dma_wait3A_354 = tpu.memref_squeeze %dma_wait3A_353 : memref<1x4x640xi32, #tpu.memory_space<hbm>> -> memref<4x640xi32, #tpu.memory_space<hbm>>
    tpu.wait_dma2 semaphore(%arg13 : memref<!tpu.dma_semaphore, #tpu.memory_space<semaphore_mem>>) src(%dma_wait3A_354 : memref<4x640xi32, #tpu.memory_space<hbm>>) dst(%dma_wait3A_350 : memref<4x640xi32, #tpu.memory_space<vmem>>)
    %dma_start3A_355 = arith.constant 0 : i32
    %dma_start3A_356 = arith.constant 0 : i32
    %dma_start3A_357 = arith.constant 0 : i32
    %dma_start3A_358 = tpu.memref_slice %arg7[%dma_start3A_355, %dma_start3A_356, %dma_start3A_357] : memref<2x4x640xi32, #tpu.memory_space<vmem>> -> memref<1x4x640xi32, #tpu.memory_space<vmem>>
    %dma_start3A_359 = tpu.memref_squeeze %dma_start3A_358 : memref<1x4x640xi32, #tpu.memory_space<vmem>> -> memref<4x640xi32, #tpu.memory_space<vmem>>
    %dma_start3A_360 = arith.constant 16 : i32
    %dma_start3A_361 = arith.constant 0 : i32
    %dma_start3A_362 = tpu.memref_slice %arg3[%arg1, %dma_start3A_360, %dma_start3A_361] : memref<16x32x640xi32, #tpu.memory_space<hbm>> -> memref<1x4x640xi32, #tpu.memory_space<hbm>>
    %dma_start3A_363 = tpu.memref_squeeze %dma_start3A_362 : memref<1x4x640xi32, #tpu.memory_space<hbm>> -> memref<4x640xi32, #tpu.memory_space<hbm>>
    %dma_start3A_364 = arith.constant 0 : i32
    %dma_start3A_365 = arith.constant 0 : i32
    %dma_start3A_366 = tpu.memref_slice %arg7[%dma_start3A_355, %dma_start3A_364, %dma_start3A_365] : memref<2x4x640xi32, #tpu.memory_space<vmem>> -> memref<1x4x640xi32, #tpu.memory_space<vmem>>
    %dma_start3A_367 = tpu.memref_squeeze %dma_start3A_366 : memref<1x4x640xi32, #tpu.memory_space<vmem>> -> memref<4x640xi32, #tpu.memory_space<vmem>>
    %dma_start3A_368 = arith.constant 16 : i32
    %dma_start3A_369 = arith.constant 0 : i32
    %dma_start3A_370 = tpu.memref_slice %arg3[%arg1, %dma_start3A_368, %dma_start3A_369] : memref<16x32x640xi32, #tpu.memory_space<hbm>> -> memref<1x4x640xi32, #tpu.memory_space<hbm>>
    %dma_start3A_371 = tpu.memref_squeeze %dma_start3A_370 : memref<1x4x640xi32, #tpu.memory_space<hbm>> -> memref<4x640xi32, #tpu.memory_space<hbm>>
    tpu.enqueue_dma source(%dma_start3A_371 : memref<4x640xi32, #tpu.memory_space<hbm>>) target(%dma_start3A_367 : memref<4x640xi32, #tpu.memory_space<vmem>>) target_semaphore(%arg13 : memref<!tpu.dma_semaphore, #tpu.memory_space<semaphore_mem>>)
    %dma_start3A_372 = arith.constant 1 : i32
    %dma_start3A_373 = arith.constant 0 : i32
    %dma_start3A_374 = arith.constant 0 : i32
    %dma_start3A_375 = tpu.memref_slice %arg7[%dma_start3A_372, %dma_start3A_373, %dma_start3A_374] : memref<2x4x640xi32, #tpu.memory_space<vmem>> -> memref<1x1x640xi32, #tpu.memory_space<vmem>>
    %dma_start3A_376 = tpu.memref_squeeze %dma_start3A_375 : memref<1x1x640xi32, #tpu.memory_space<vmem>> -> memref<640xi32, #tpu.memory_space<vmem>>
    %dma_start3A_377 = arith.constant 0 : i32
    %dma_start3A_378 = arith.constant 0 : i32
    %dma_start3A_379 = tpu.memref_slice %arg10[%dma_start3A_377, %dma_start3A_378] : memref<10240x64xf32, #tpu.memory_space<vmem_shared>> -> memref<10240x64xf32, #tpu.memory_space<vmem_shared>>
    tpu.enqueue_indirect_dma source(%dma_start3A_379 : memref<10240x64xf32, #tpu.memory_space<vmem_shared>>) target(%arg9 : memref<640x64xf32, #tpu.memory_space<vmem>>) offsets(%dma_start3A_376 : memref<640xi32, #tpu.memory_space<vmem>>) semaphore(%arg12 : memref<!tpu.dma_semaphore, #tpu.memory_space<semaphore_mem>>)
    %dma_start3A_380 = arith.constant 12 : i32
    %dma_start3A_381 = arith.constant 0 : i32
    %dma_start3A_382 = tpu.memref_slice %arg4[%arg1, %dma_start3A_380, %dma_start3A_381] : memref<16x32x640xi32, #tpu.memory_space<hbm>> -> memref<1x4x640xi32, #tpu.memory_space<hbm>>
    %dma_start3A_383 = tpu.memref_squeeze %dma_start3A_382 : memref<1x4x640xi32, #tpu.memory_space<hbm>> -> memref<4x640xi32, #tpu.memory_space<hbm>>
    %dma_start3A_384 = arith.constant 12 : i32
    %dma_start3A_385 = arith.constant 0 : i32
    %dma_start3A_386 = tpu.memref_slice %arg4[%arg1, %dma_start3A_384, %dma_start3A_385] : memref<16x32x640xi32, #tpu.memory_space<hbm>> -> memref<1x4x640xi32, #tpu.memory_space<hbm>>
    %dma_start3A_387 = tpu.memref_squeeze %dma_start3A_386 : memref<1x4x640xi32, #tpu.memory_space<hbm>> -> memref<4x640xi32, #tpu.memory_space<hbm>>
    tpu.enqueue_dma source(%dma_start3A_387 : memref<4x640xi32, #tpu.memory_space<hbm>>) target(%arg8 : memref<4x640xi32, #tpu.memory_space<vmem>>) target_semaphore(%arg14 : memref<!tpu.dma_semaphore, #tpu.memory_space<semaphore_mem>>)
    %dma_wait3A_388 = arith.constant 1 : i32
    %dma_wait3A_389 = arith.constant 0 : i32
    %dma_wait3A_390 = arith.constant 0 : i32
    %dma_wait3A_391 = tpu.memref_slice %arg7[%dma_wait3A_388, %dma_wait3A_389, %dma_wait3A_390] : memref<2x4x640xi32, #tpu.memory_space<vmem>> -> memref<1x1x640xi32, #tpu.memory_space<vmem>>
    %dma_wait3A_392 = tpu.memref_squeeze %dma_wait3A_391 : memref<1x1x640xi32, #tpu.memory_space<vmem>> -> memref<640xi32, #tpu.memory_space<vmem>>
    %dma_wait3A_393 = arith.constant 0 : i32
    %dma_wait3A_394 = arith.constant 0 : i32
    %dma_wait3A_395 = tpu.memref_slice %arg10[%dma_wait3A_393, %dma_wait3A_394] : memref<10240x64xf32, #tpu.memory_space<vmem_shared>> -> memref<10240x64xf32, #tpu.memory_space<vmem_shared>>
    tpu.wait_indirect_dma semaphore(%arg12 : memref<!tpu.dma_semaphore, #tpu.memory_space<semaphore_mem>>) src(%dma_wait3A_395 : memref<10240x64xf32, #tpu.memory_space<vmem_shared>>) dst(%arg9 : memref<640x64xf32, #tpu.memory_space<vmem>>)
    %dma_wait3A_396 = arith.constant 12 : i32
    %dma_wait3A_397 = arith.constant 0 : i32
    %dma_wait3A_398 = tpu.memref_slice %arg4[%arg1, %dma_wait3A_396, %dma_wait3A_397] : memref<16x32x640xi32, #tpu.memory_space<hbm>> -> memref<1x4x640xi32, #tpu.memory_space<hbm>>
    %dma_wait3A_399 = tpu.memref_squeeze %dma_wait3A_398 : memref<1x4x640xi32, #tpu.memory_space<hbm>> -> memref<4x640xi32, #tpu.memory_space<hbm>>
    %dma_wait3A_400 = arith.constant 12 : i32
    %dma_wait3A_401 = arith.constant 0 : i32
    %dma_wait3A_402 = tpu.memref_slice %arg4[%arg1, %dma_wait3A_400, %dma_wait3A_401] : memref<16x32x640xi32, #tpu.memory_space<hbm>> -> memref<1x4x640xi32, #tpu.memory_space<hbm>>
    %dma_wait3A_403 = tpu.memref_squeeze %dma_wait3A_402 : memref<1x4x640xi32, #tpu.memory_space<hbm>> -> memref<4x640xi32, #tpu.memory_space<hbm>>
    tpu.wait_dma2 semaphore(%arg14 : memref<!tpu.dma_semaphore, #tpu.memory_space<semaphore_mem>>) src(%dma_wait3A_403 : memref<4x640xi32, #tpu.memory_space<hbm>>) dst(%arg8 : memref<4x640xi32, #tpu.memory_space<vmem>>)
    %run_scoped3A_404 = arith.constant 0 : i32
    "tpu.region"() ({
      %run_scoped3A_912 = tpu.sem_alloc : memref<!tpu.dma_semaphore, #tpu.memory_space<semaphore_mem>>
      %dma_start3A_913 = arith.constant 0 : i32
      %dma_start3A_914 = tpu.memref_slice %arg8[%run_scoped3A_404, %dma_start3A_913] : memref<4x640xi32, #tpu.memory_space<vmem>> -> memref<1x640xi32, #tpu.memory_space<vmem>>
      %dma_start3A_915 = tpu.memref_squeeze %dma_start3A_914 : memref<1x640xi32, #tpu.memory_space<vmem>> -> memref<640xi32, #tpu.memory_space<vmem>>
      %dma_start3A_916 = arith.constant 0 : i32
      %dma_start3A_917 = arith.constant 0 : i32
      %dma_start3A_918 = tpu.memref_slice %arg11[%dma_start3A_916, %dma_start3A_917] : memref<10240x64xf32, #tpu.memory_space<vmem_shared>> -> memref<10240x64xf32, #tpu.memory_space<vmem_shared>>
      tpu.enqueue_indirect_dma source(%arg9 : memref<640x64xf32, #tpu.memory_space<vmem>>) target(%dma_start3A_918 : memref<10240x64xf32, #tpu.memory_space<vmem_shared>>) offsets(%dma_start3A_915 : memref<640xi32, #tpu.memory_space<vmem>>) semaphore(%run_scoped3A_912 : memref<!tpu.dma_semaphore, #tpu.memory_space<semaphore_mem>>) {add = true}
      %dma_wait3A_919 = arith.constant 0 : i32
      %dma_wait3A_920 = tpu.memref_slice %arg8[%run_scoped3A_404, %dma_wait3A_919] : memref<4x640xi32, #tpu.memory_space<vmem>> -> memref<1x640xi32, #tpu.memory_space<vmem>>
      %dma_wait3A_921 = tpu.memref_squeeze %dma_wait3A_920 : memref<1x640xi32, #tpu.memory_space<vmem>> -> memref<640xi32, #tpu.memory_space<vmem>>
      %dma_wait3A_922 = arith.constant 0 : i32
      %dma_wait3A_923 = arith.constant 0 : i32
      %dma_wait3A_924 = tpu.memref_slice %arg11[%dma_wait3A_922, %dma_wait3A_923] : memref<10240x64xf32, #tpu.memory_space<vmem_shared>> -> memref<10240x64xf32, #tpu.memory_space<vmem_shared>>
      tpu.wait_indirect_dma semaphore(%run_scoped3A_912 : memref<!tpu.dma_semaphore, #tpu.memory_space<semaphore_mem>>) src(%arg9 : memref<640x64xf32, #tpu.memory_space<vmem>>) dst(%dma_wait3A_924 : memref<10240x64xf32, #tpu.memory_space<vmem_shared>>)
      tpu.yield
    }) : () -> ()
    %dma_start3A_405 = arith.constant 1 : i32
    %dma_start3A_406 = arith.constant 1 : i32
    %dma_start3A_407 = arith.constant 0 : i32
    %dma_start3A_408 = tpu.memref_slice %arg7[%dma_start3A_405, %dma_start3A_406, %dma_start3A_407] : memref<2x4x640xi32, #tpu.memory_space<vmem>> -> memref<1x1x640xi32, #tpu.memory_space<vmem>>
    %dma_start3A_409 = tpu.memref_squeeze %dma_start3A_408 : memref<1x1x640xi32, #tpu.memory_space<vmem>> -> memref<640xi32, #tpu.memory_space<vmem>>
    %dma_start3A_410 = arith.constant 0 : i32
    %dma_start3A_411 = arith.constant 0 : i32
    %dma_start3A_412 = tpu.memref_slice %arg10[%dma_start3A_410, %dma_start3A_411] : memref<10240x64xf32, #tpu.memory_space<vmem_shared>> -> memref<10240x64xf32, #tpu.memory_space<vmem_shared>>
    tpu.enqueue_indirect_dma source(%dma_start3A_412 : memref<10240x64xf32, #tpu.memory_space<vmem_shared>>) target(%arg9 : memref<640x64xf32, #tpu.memory_space<vmem>>) offsets(%dma_start3A_409 : memref<640xi32, #tpu.memory_space<vmem>>) semaphore(%arg12 : memref<!tpu.dma_semaphore, #tpu.memory_space<semaphore_mem>>)
    %dma_wait3A_413 = arith.constant 1 : i32
    %dma_wait3A_414 = arith.constant 1 : i32
    %dma_wait3A_415 = arith.constant 0 : i32
    %dma_wait3A_416 = tpu.memref_slice %arg7[%dma_wait3A_413, %dma_wait3A_414, %dma_wait3A_415] : memref<2x4x640xi32, #tpu.memory_space<vmem>> -> memref<1x1x640xi32, #tpu.memory_space<vmem>>
    %dma_wait3A_417 = tpu.memref_squeeze %dma_wait3A_416 : memref<1x1x640xi32, #tpu.memory_space<vmem>> -> memref<640xi32, #tpu.memory_space<vmem>>
    %dma_wait3A_418 = arith.constant 0 : i32
    %dma_wait3A_419 = arith.constant 0 : i32
    %dma_wait3A_420 = tpu.memref_slice %arg10[%dma_wait3A_418, %dma_wait3A_419] : memref<10240x64xf32, #tpu.memory_space<vmem_shared>> -> memref<10240x64xf32, #tpu.memory_space<vmem_shared>>
    tpu.wait_indirect_dma semaphore(%arg12 : memref<!tpu.dma_semaphore, #tpu.memory_space<semaphore_mem>>) src(%dma_wait3A_420 : memref<10240x64xf32, #tpu.memory_space<vmem_shared>>) dst(%arg9 : memref<640x64xf32, #tpu.memory_space<vmem>>)
    %run_scoped3A_421 = arith.constant 1 : i32
    "tpu.region"() ({
      %run_scoped3A_912 = tpu.sem_alloc : memref<!tpu.dma_semaphore, #tpu.memory_space<semaphore_mem>>
      %dma_start3A_913 = arith.constant 0 : i32
      %dma_start3A_914 = tpu.memref_slice %arg8[%run_scoped3A_421, %dma_start3A_913] : memref<4x640xi32, #tpu.memory_space<vmem>> -> memref<1x640xi32, #tpu.memory_space<vmem>>
      %dma_start3A_915 = tpu.memref_squeeze %dma_start3A_914 : memref<1x640xi32, #tpu.memory_space<vmem>> -> memref<640xi32, #tpu.memory_space<vmem>>
      %dma_start3A_916 = arith.constant 0 : i32
      %dma_start3A_917 = arith.constant 0 : i32
      %dma_start3A_918 = tpu.memref_slice %arg11[%dma_start3A_916, %dma_start3A_917] : memref<10240x64xf32, #tpu.memory_space<vmem_shared>> -> memref<10240x64xf32, #tpu.memory_space<vmem_shared>>
      tpu.enqueue_indirect_dma source(%arg9 : memref<640x64xf32, #tpu.memory_space<vmem>>) target(%dma_start3A_918 : memref<10240x64xf32, #tpu.memory_space<vmem_shared>>) offsets(%dma_start3A_915 : memref<640xi32, #tpu.memory_space<vmem>>) semaphore(%run_scoped3A_912 : memref<!tpu.dma_semaphore, #tpu.memory_space<semaphore_mem>>) {add = true}
      %dma_wait3A_919 = arith.constant 0 : i32
      %dma_wait3A_920 = tpu.memref_slice %arg8[%run_scoped3A_421, %dma_wait3A_919] : memref<4x640xi32, #tpu.memory_space<vmem>> -> memref<1x640xi32, #tpu.memory_space<vmem>>
      %dma_wait3A_921 = tpu.memref_squeeze %dma_wait3A_920 : memref<1x640xi32, #tpu.memory_space<vmem>> -> memref<640xi32, #tpu.memory_space<vmem>>
      %dma_wait3A_922 = arith.constant 0 : i32
      %dma_wait3A_923 = arith.constant 0 : i32
      %dma_wait3A_924 = tpu.memref_slice %arg11[%dma_wait3A_922, %dma_wait3A_923] : memref<10240x64xf32, #tpu.memory_space<vmem_shared>> -> memref<10240x64xf32, #tpu.memory_space<vmem_shared>>
      tpu.wait_indirect_dma semaphore(%run_scoped3A_912 : memref<!tpu.dma_semaphore, #tpu.memory_space<semaphore_mem>>) src(%arg9 : memref<640x64xf32, #tpu.memory_space<vmem>>) dst(%dma_wait3A_924 : memref<10240x64xf32, #tpu.memory_space<vmem_shared>>)
      tpu.yield
    }) : () -> ()
    %dma_start3A_422 = arith.constant 1 : i32
    %dma_start3A_423 = arith.constant 2 : i32
    %dma_start3A_424 = arith.constant 0 : i32
    %dma_start3A_425 = tpu.memref_slice %arg7[%dma_start3A_422, %dma_start3A_423, %dma_start3A_424] : memref<2x4x640xi32, #tpu.memory_space<vmem>> -> memref<1x1x640xi32, #tpu.memory_space<vmem>>
    %dma_start3A_426 = tpu.memref_squeeze %dma_start3A_425 : memref<1x1x640xi32, #tpu.memory_space<vmem>> -> memref<640xi32, #tpu.memory_space<vmem>>
    %dma_start3A_427 = arith.constant 0 : i32
    %dma_start3A_428 = arith.constant 0 : i32
    %dma_start3A_429 = tpu.memref_slice %arg10[%dma_start3A_427, %dma_start3A_428] : memref<10240x64xf32, #tpu.memory_space<vmem_shared>> -> memref<10240x64xf32, #tpu.memory_space<vmem_shared>>
    tpu.enqueue_indirect_dma source(%dma_start3A_429 : memref<10240x64xf32, #tpu.memory_space<vmem_shared>>) target(%arg9 : memref<640x64xf32, #tpu.memory_space<vmem>>) offsets(%dma_start3A_426 : memref<640xi32, #tpu.memory_space<vmem>>) semaphore(%arg12 : memref<!tpu.dma_semaphore, #tpu.memory_space<semaphore_mem>>)
    %dma_wait3A_430 = arith.constant 1 : i32
    %dma_wait3A_431 = arith.constant 2 : i32
    %dma_wait3A_432 = arith.constant 0 : i32
    %dma_wait3A_433 = tpu.memref_slice %arg7[%dma_wait3A_430, %dma_wait3A_431, %dma_wait3A_432] : memref<2x4x640xi32, #tpu.memory_space<vmem>> -> memref<1x1x640xi32, #tpu.memory_space<vmem>>
    %dma_wait3A_434 = tpu.memref_squeeze %dma_wait3A_433 : memref<1x1x640xi32, #tpu.memory_space<vmem>> -> memref<640xi32, #tpu.memory_space<vmem>>
    %dma_wait3A_435 = arith.constant 0 : i32
    %dma_wait3A_436 = arith.constant 0 : i32
    %dma_wait3A_437 = tpu.memref_slice %arg10[%dma_wait3A_435, %dma_wait3A_436] : memref<10240x64xf32, #tpu.memory_space<vmem_shared>> -> memref<10240x64xf32, #tpu.memory_space<vmem_shared>>
    tpu.wait_indirect_dma semaphore(%arg12 : memref<!tpu.dma_semaphore, #tpu.memory_space<semaphore_mem>>) src(%dma_wait3A_437 : memref<10240x64xf32, #tpu.memory_space<vmem_shared>>) dst(%arg9 : memref<640x64xf32, #tpu.memory_space<vmem>>)
    %run_scoped3A_438 = arith.constant 2 : i32
    "tpu.region"() ({
      %run_scoped3A_912 = tpu.sem_alloc : memref<!tpu.dma_semaphore, #tpu.memory_space<semaphore_mem>>
      %dma_start3A_913 = arith.constant 0 : i32
      %dma_start3A_914 = tpu.memref_slice %arg8[%run_scoped3A_438, %dma_start3A_913] : memref<4x640xi32, #tpu.memory_space<vmem>> -> memref<1x640xi32, #tpu.memory_space<vmem>>
      %dma_start3A_915 = tpu.memref_squeeze %dma_start3A_914 : memref<1x640xi32, #tpu.memory_space<vmem>> -> memref<640xi32, #tpu.memory_space<vmem>>
      %dma_start3A_916 = arith.constant 0 : i32
      %dma_start3A_917 = arith.constant 0 : i32
      %dma_start3A_918 = tpu.memref_slice %arg11[%dma_start3A_916, %dma_start3A_917] : memref<10240x64xf32, #tpu.memory_space<vmem_shared>> -> memref<10240x64xf32, #tpu.memory_space<vmem_shared>>
      tpu.enqueue_indirect_dma source(%arg9 : memref<640x64xf32, #tpu.memory_space<vmem>>) target(%dma_start3A_918 : memref<10240x64xf32, #tpu.memory_space<vmem_shared>>) offsets(%dma_start3A_915 : memref<640xi32, #tpu.memory_space<vmem>>) semaphore(%run_scoped3A_912 : memref<!tpu.dma_semaphore, #tpu.memory_space<semaphore_mem>>) {add = true}
      %dma_wait3A_919 = arith.constant 0 : i32
      %dma_wait3A_920 = tpu.memref_slice %arg8[%run_scoped3A_438, %dma_wait3A_919] : memref<4x640xi32, #tpu.memory_space<vmem>> -> memref<1x640xi32, #tpu.memory_space<vmem>>
      %dma_wait3A_921 = tpu.memref_squeeze %dma_wait3A_920 : memref<1x640xi32, #tpu.memory_space<vmem>> -> memref<640xi32, #tpu.memory_space<vmem>>
      %dma_wait3A_922 = arith.constant 0 : i32
      %dma_wait3A_923 = arith.constant 0 : i32
      %dma_wait3A_924 = tpu.memref_slice %arg11[%dma_wait3A_922, %dma_wait3A_923] : memref<10240x64xf32, #tpu.memory_space<vmem_shared>> -> memref<10240x64xf32, #tpu.memory_space<vmem_shared>>
      tpu.wait_indirect_dma semaphore(%run_scoped3A_912 : memref<!tpu.dma_semaphore, #tpu.memory_space<semaphore_mem>>) src(%arg9 : memref<640x64xf32, #tpu.memory_space<vmem>>) dst(%dma_wait3A_924 : memref<10240x64xf32, #tpu.memory_space<vmem_shared>>)
      tpu.yield
    }) : () -> ()
    %dma_start3A_439 = arith.constant 1 : i32
    %dma_start3A_440 = arith.constant 3 : i32
    %dma_start3A_441 = arith.constant 0 : i32
    %dma_start3A_442 = tpu.memref_slice %arg7[%dma_start3A_439, %dma_start3A_440, %dma_start3A_441] : memref<2x4x640xi32, #tpu.memory_space<vmem>> -> memref<1x1x640xi32, #tpu.memory_space<vmem>>
    %dma_start3A_443 = tpu.memref_squeeze %dma_start3A_442 : memref<1x1x640xi32, #tpu.memory_space<vmem>> -> memref<640xi32, #tpu.memory_space<vmem>>
    %dma_start3A_444 = arith.constant 0 : i32
    %dma_start3A_445 = arith.constant 0 : i32
    %dma_start3A_446 = tpu.memref_slice %arg10[%dma_start3A_444, %dma_start3A_445] : memref<10240x64xf32, #tpu.memory_space<vmem_shared>> -> memref<10240x64xf32, #tpu.memory_space<vmem_shared>>
    tpu.enqueue_indirect_dma source(%dma_start3A_446 : memref<10240x64xf32, #tpu.memory_space<vmem_shared>>) target(%arg9 : memref<640x64xf32, #tpu.memory_space<vmem>>) offsets(%dma_start3A_443 : memref<640xi32, #tpu.memory_space<vmem>>) semaphore(%arg12 : memref<!tpu.dma_semaphore, #tpu.memory_space<semaphore_mem>>)
    %dma_wait3A_447 = arith.constant 1 : i32
    %dma_wait3A_448 = arith.constant 3 : i32
    %dma_wait3A_449 = arith.constant 0 : i32
    %dma_wait3A_450 = tpu.memref_slice %arg7[%dma_wait3A_447, %dma_wait3A_448, %dma_wait3A_449] : memref<2x4x640xi32, #tpu.memory_space<vmem>> -> memref<1x1x640xi32, #tpu.memory_space<vmem>>
    %dma_wait3A_451 = tpu.memref_squeeze %dma_wait3A_450 : memref<1x1x640xi32, #tpu.memory_space<vmem>> -> memref<640xi32, #tpu.memory_space<vmem>>
    %dma_wait3A_452 = arith.constant 0 : i32
    %dma_wait3A_453 = arith.constant 0 : i32
    %dma_wait3A_454 = tpu.memref_slice %arg10[%dma_wait3A_452, %dma_wait3A_453] : memref<10240x64xf32, #tpu.memory_space<vmem_shared>> -> memref<10240x64xf32, #tpu.memory_space<vmem_shared>>
    tpu.wait_indirect_dma semaphore(%arg12 : memref<!tpu.dma_semaphore, #tpu.memory_space<semaphore_mem>>) src(%dma_wait3A_454 : memref<10240x64xf32, #tpu.memory_space<vmem_shared>>) dst(%arg9 : memref<640x64xf32, #tpu.memory_space<vmem>>)
    %run_scoped3A_455 = arith.constant 3 : i32
    "tpu.region"() ({
      %run_scoped3A_912 = tpu.sem_alloc : memref<!tpu.dma_semaphore, #tpu.memory_space<semaphore_mem>>
      %dma_start3A_913 = arith.constant 0 : i32
      %dma_start3A_914 = tpu.memref_slice %arg8[%run_scoped3A_455, %dma_start3A_913] : memref<4x640xi32, #tpu.memory_space<vmem>> -> memref<1x640xi32, #tpu.memory_space<vmem>>
      %dma_start3A_915 = tpu.memref_squeeze %dma_start3A_914 : memref<1x640xi32, #tpu.memory_space<vmem>> -> memref<640xi32, #tpu.memory_space<vmem>>
      %dma_start3A_916 = arith.constant 0 : i32
      %dma_start3A_917 = arith.constant 0 : i32
      %dma_start3A_918 = tpu.memref_slice %arg11[%dma_start3A_916, %dma_start3A_917] : memref<10240x64xf32, #tpu.memory_space<vmem_shared>> -> memref<10240x64xf32, #tpu.memory_space<vmem_shared>>
      tpu.enqueue_indirect_dma source(%arg9 : memref<640x64xf32, #tpu.memory_space<vmem>>) target(%dma_start3A_918 : memref<10240x64xf32, #tpu.memory_space<vmem_shared>>) offsets(%dma_start3A_915 : memref<640xi32, #tpu.memory_space<vmem>>) semaphore(%run_scoped3A_912 : memref<!tpu.dma_semaphore, #tpu.memory_space<semaphore_mem>>) {add = true}
      %dma_wait3A_919 = arith.constant 0 : i32
      %dma_wait3A_920 = tpu.memref_slice %arg8[%run_scoped3A_455, %dma_wait3A_919] : memref<4x640xi32, #tpu.memory_space<vmem>> -> memref<1x640xi32, #tpu.memory_space<vmem>>
      %dma_wait3A_921 = tpu.memref_squeeze %dma_wait3A_920 : memref<1x640xi32, #tpu.memory_space<vmem>> -> memref<640xi32, #tpu.memory_space<vmem>>
      %dma_wait3A_922 = arith.constant 0 : i32
      %dma_wait3A_923 = arith.constant 0 : i32
      %dma_wait3A_924 = tpu.memref_slice %arg11[%dma_wait3A_922, %dma_wait3A_923] : memref<10240x64xf32, #tpu.memory_space<vmem_shared>> -> memref<10240x64xf32, #tpu.memory_space<vmem_shared>>
      tpu.wait_indirect_dma semaphore(%run_scoped3A_912 : memref<!tpu.dma_semaphore, #tpu.memory_space<semaphore_mem>>) src(%arg9 : memref<640x64xf32, #tpu.memory_space<vmem>>) dst(%dma_wait3A_924 : memref<10240x64xf32, #tpu.memory_space<vmem_shared>>)
      tpu.yield
    }) : () -> ()
    %dma_wait3A_456 = arith.constant 0 : i32
    %dma_wait3A_457 = arith.constant 0 : i32
    %dma_wait3A_458 = arith.constant 0 : i32
    %dma_wait3A_459 = tpu.memref_slice %arg7[%dma_wait3A_456, %dma_wait3A_457, %dma_wait3A_458] : memref<2x4x640xi32, #tpu.memory_space<vmem>> -> memref<1x4x640xi32, #tpu.memory_space<vmem>>
    %dma_wait3A_460 = tpu.memref_squeeze %dma_wait3A_459 : memref<1x4x640xi32, #tpu.memory_space<vmem>> -> memref<4x640xi32, #tpu.memory_space<vmem>>
    %dma_wait3A_461 = arith.constant 16 : i32
    %dma_wait3A_462 = arith.constant 0 : i32
    %dma_wait3A_463 = tpu.memref_slice %arg3[%arg1, %dma_wait3A_461, %dma_wait3A_462] : memref<16x32x640xi32, #tpu.memory_space<hbm>> -> memref<1x4x640xi32, #tpu.memory_space<hbm>>
    %dma_wait3A_464 = tpu.memref_squeeze %dma_wait3A_463 : memref<1x4x640xi32, #tpu.memory_space<hbm>> -> memref<4x640xi32, #tpu.memory_space<hbm>>
    %dma_wait3A_465 = arith.constant 0 : i32
    %dma_wait3A_466 = arith.constant 0 : i32
    %dma_wait3A_467 = tpu.memref_slice %arg7[%dma_wait3A_456, %dma_wait3A_465, %dma_wait3A_466] : memref<2x4x640xi32, #tpu.memory_space<vmem>> -> memref<1x4x640xi32, #tpu.memory_space<vmem>>
    %dma_wait3A_468 = tpu.memref_squeeze %dma_wait3A_467 : memref<1x4x640xi32, #tpu.memory_space<vmem>> -> memref<4x640xi32, #tpu.memory_space<vmem>>
    %dma_wait3A_469 = arith.constant 16 : i32
    %dma_wait3A_470 = arith.constant 0 : i32
    %dma_wait3A_471 = tpu.memref_slice %arg3[%arg1, %dma_wait3A_469, %dma_wait3A_470] : memref<16x32x640xi32, #tpu.memory_space<hbm>> -> memref<1x4x640xi32, #tpu.memory_space<hbm>>
    %dma_wait3A_472 = tpu.memref_squeeze %dma_wait3A_471 : memref<1x4x640xi32, #tpu.memory_space<hbm>> -> memref<4x640xi32, #tpu.memory_space<hbm>>
    tpu.wait_dma2 semaphore(%arg13 : memref<!tpu.dma_semaphore, #tpu.memory_space<semaphore_mem>>) src(%dma_wait3A_472 : memref<4x640xi32, #tpu.memory_space<hbm>>) dst(%dma_wait3A_468 : memref<4x640xi32, #tpu.memory_space<vmem>>)
    %dma_start3A_473 = arith.constant 1 : i32
    %dma_start3A_474 = arith.constant 0 : i32
    %dma_start3A_475 = arith.constant 0 : i32
    %dma_start3A_476 = tpu.memref_slice %arg7[%dma_start3A_473, %dma_start3A_474, %dma_start3A_475] : memref<2x4x640xi32, #tpu.memory_space<vmem>> -> memref<1x4x640xi32, #tpu.memory_space<vmem>>
    %dma_start3A_477 = tpu.memref_squeeze %dma_start3A_476 : memref<1x4x640xi32, #tpu.memory_space<vmem>> -> memref<4x640xi32, #tpu.memory_space<vmem>>
    %dma_start3A_478 = arith.constant 20 : i32
    %dma_start3A_479 = arith.constant 0 : i32
    %dma_start3A_480 = tpu.memref_slice %arg3[%arg1, %dma_start3A_478, %dma_start3A_479] : memref<16x32x640xi32, #tpu.memory_space<hbm>> -> memref<1x4x640xi32, #tpu.memory_space<hbm>>
    %dma_start3A_481 = tpu.memref_squeeze %dma_start3A_480 : memref<1x4x640xi32, #tpu.memory_space<hbm>> -> memref<4x640xi32, #tpu.memory_space<hbm>>
    %dma_start3A_482 = arith.constant 0 : i32
    %dma_start3A_483 = arith.constant 0 : i32
    %dma_start3A_484 = tpu.memref_slice %arg7[%dma_start3A_473, %dma_start3A_482, %dma_start3A_483] : memref<2x4x640xi32, #tpu.memory_space<vmem>> -> memref<1x4x640xi32, #tpu.memory_space<vmem>>
    %dma_start3A_485 = tpu.memref_squeeze %dma_start3A_484 : memref<1x4x640xi32, #tpu.memory_space<vmem>> -> memref<4x640xi32, #tpu.memory_space<vmem>>
    %dma_start3A_486 = arith.constant 20 : i32
    %dma_start3A_487 = arith.constant 0 : i32
    %dma_start3A_488 = tpu.memref_slice %arg3[%arg1, %dma_start3A_486, %dma_start3A_487] : memref<16x32x640xi32, #tpu.memory_space<hbm>> -> memref<1x4x640xi32, #tpu.memory_space<hbm>>
    %dma_start3A_489 = tpu.memref_squeeze %dma_start3A_488 : memref<1x4x640xi32, #tpu.memory_space<hbm>> -> memref<4x640xi32, #tpu.memory_space<hbm>>
    tpu.enqueue_dma source(%dma_start3A_489 : memref<4x640xi32, #tpu.memory_space<hbm>>) target(%dma_start3A_485 : memref<4x640xi32, #tpu.memory_space<vmem>>) target_semaphore(%arg13 : memref<!tpu.dma_semaphore, #tpu.memory_space<semaphore_mem>>)
    %dma_start3A_490 = arith.constant 0 : i32
    %dma_start3A_491 = arith.constant 0 : i32
    %dma_start3A_492 = arith.constant 0 : i32
    %dma_start3A_493 = tpu.memref_slice %arg7[%dma_start3A_490, %dma_start3A_491, %dma_start3A_492] : memref<2x4x640xi32, #tpu.memory_space<vmem>> -> memref<1x1x640xi32, #tpu.memory_space<vmem>>
    %dma_start3A_494 = tpu.memref_squeeze %dma_start3A_493 : memref<1x1x640xi32, #tpu.memory_space<vmem>> -> memref<640xi32, #tpu.memory_space<vmem>>
    %dma_start3A_495 = arith.constant 0 : i32
    %dma_start3A_496 = arith.constant 0 : i32
    %dma_start3A_497 = tpu.memref_slice %arg10[%dma_start3A_495, %dma_start3A_496] : memref<10240x64xf32, #tpu.memory_space<vmem_shared>> -> memref<10240x64xf32, #tpu.memory_space<vmem_shared>>
    tpu.enqueue_indirect_dma source(%dma_start3A_497 : memref<10240x64xf32, #tpu.memory_space<vmem_shared>>) target(%arg9 : memref<640x64xf32, #tpu.memory_space<vmem>>) offsets(%dma_start3A_494 : memref<640xi32, #tpu.memory_space<vmem>>) semaphore(%arg12 : memref<!tpu.dma_semaphore, #tpu.memory_space<semaphore_mem>>)
    %dma_start3A_498 = arith.constant 16 : i32
    %dma_start3A_499 = arith.constant 0 : i32
    %dma_start3A_500 = tpu.memref_slice %arg4[%arg1, %dma_start3A_498, %dma_start3A_499] : memref<16x32x640xi32, #tpu.memory_space<hbm>> -> memref<1x4x640xi32, #tpu.memory_space<hbm>>
    %dma_start3A_501 = tpu.memref_squeeze %dma_start3A_500 : memref<1x4x640xi32, #tpu.memory_space<hbm>> -> memref<4x640xi32, #tpu.memory_space<hbm>>
    %dma_start3A_502 = arith.constant 16 : i32
    %dma_start3A_503 = arith.constant 0 : i32
    %dma_start3A_504 = tpu.memref_slice %arg4[%arg1, %dma_start3A_502, %dma_start3A_503] : memref<16x32x640xi32, #tpu.memory_space<hbm>> -> memref<1x4x640xi32, #tpu.memory_space<hbm>>
    %dma_start3A_505 = tpu.memref_squeeze %dma_start3A_504 : memref<1x4x640xi32, #tpu.memory_space<hbm>> -> memref<4x640xi32, #tpu.memory_space<hbm>>
    tpu.enqueue_dma source(%dma_start3A_505 : memref<4x640xi32, #tpu.memory_space<hbm>>) target(%arg8 : memref<4x640xi32, #tpu.memory_space<vmem>>) target_semaphore(%arg14 : memref<!tpu.dma_semaphore, #tpu.memory_space<semaphore_mem>>)
    %dma_wait3A_506 = arith.constant 0 : i32
    %dma_wait3A_507 = arith.constant 0 : i32
    %dma_wait3A_508 = arith.constant 0 : i32
    %dma_wait3A_509 = tpu.memref_slice %arg7[%dma_wait3A_506, %dma_wait3A_507, %dma_wait3A_508] : memref<2x4x640xi32, #tpu.memory_space<vmem>> -> memref<1x1x640xi32, #tpu.memory_space<vmem>>
    %dma_wait3A_510 = tpu.memref_squeeze %dma_wait3A_509 : memref<1x1x640xi32, #tpu.memory_space<vmem>> -> memref<640xi32, #tpu.memory_space<vmem>>
    %dma_wait3A_511 = arith.constant 0 : i32
    %dma_wait3A_512 = arith.constant 0 : i32
    %dma_wait3A_513 = tpu.memref_slice %arg10[%dma_wait3A_511, %dma_wait3A_512] : memref<10240x64xf32, #tpu.memory_space<vmem_shared>> -> memref<10240x64xf32, #tpu.memory_space<vmem_shared>>
    tpu.wait_indirect_dma semaphore(%arg12 : memref<!tpu.dma_semaphore, #tpu.memory_space<semaphore_mem>>) src(%dma_wait3A_513 : memref<10240x64xf32, #tpu.memory_space<vmem_shared>>) dst(%arg9 : memref<640x64xf32, #tpu.memory_space<vmem>>)
    %dma_wait3A_514 = arith.constant 16 : i32
    %dma_wait3A_515 = arith.constant 0 : i32
    %dma_wait3A_516 = tpu.memref_slice %arg4[%arg1, %dma_wait3A_514, %dma_wait3A_515] : memref<16x32x640xi32, #tpu.memory_space<hbm>> -> memref<1x4x640xi32, #tpu.memory_space<hbm>>
    %dma_wait3A_517 = tpu.memref_squeeze %dma_wait3A_516 : memref<1x4x640xi32, #tpu.memory_space<hbm>> -> memref<4x640xi32, #tpu.memory_space<hbm>>
    %dma_wait3A_518 = arith.constant 16 : i32
    %dma_wait3A_519 = arith.constant 0 : i32
    %dma_wait3A_520 = tpu.memref_slice %arg4[%arg1, %dma_wait3A_518, %dma_wait3A_519] : memref<16x32x640xi32, #tpu.memory_space<hbm>> -> memref<1x4x640xi32, #tpu.memory_space<hbm>>
    %dma_wait3A_521 = tpu.memref_squeeze %dma_wait3A_520 : memref<1x4x640xi32, #tpu.memory_space<hbm>> -> memref<4x640xi32, #tpu.memory_space<hbm>>
    tpu.wait_dma2 semaphore(%arg14 : memref<!tpu.dma_semaphore, #tpu.memory_space<semaphore_mem>>) src(%dma_wait3A_521 : memref<4x640xi32, #tpu.memory_space<hbm>>) dst(%arg8 : memref<4x640xi32, #tpu.memory_space<vmem>>)
    %run_scoped3A_522 = arith.constant 0 : i32
    "tpu.region"() ({
      %run_scoped3A_912 = tpu.sem_alloc : memref<!tpu.dma_semaphore, #tpu.memory_space<semaphore_mem>>
      %dma_start3A_913 = arith.constant 0 : i32
      %dma_start3A_914 = tpu.memref_slice %arg8[%run_scoped3A_522, %dma_start3A_913] : memref<4x640xi32, #tpu.memory_space<vmem>> -> memref<1x640xi32, #tpu.memory_space<vmem>>
      %dma_start3A_915 = tpu.memref_squeeze %dma_start3A_914 : memref<1x640xi32, #tpu.memory_space<vmem>> -> memref<640xi32, #tpu.memory_space<vmem>>
      %dma_start3A_916 = arith.constant 0 : i32
      %dma_start3A_917 = arith.constant 0 : i32
      %dma_start3A_918 = tpu.memref_slice %arg11[%dma_start3A_916, %dma_start3A_917] : memref<10240x64xf32, #tpu.memory_space<vmem_shared>> -> memref<10240x64xf32, #tpu.memory_space<vmem_shared>>
      tpu.enqueue_indirect_dma source(%arg9 : memref<640x64xf32, #tpu.memory_space<vmem>>) target(%dma_start3A_918 : memref<10240x64xf32, #tpu.memory_space<vmem_shared>>) offsets(%dma_start3A_915 : memref<640xi32, #tpu.memory_space<vmem>>) semaphore(%run_scoped3A_912 : memref<!tpu.dma_semaphore, #tpu.memory_space<semaphore_mem>>) {add = true}
      %dma_wait3A_919 = arith.constant 0 : i32
      %dma_wait3A_920 = tpu.memref_slice %arg8[%run_scoped3A_522, %dma_wait3A_919] : memref<4x640xi32, #tpu.memory_space<vmem>> -> memref<1x640xi32, #tpu.memory_space<vmem>>
      %dma_wait3A_921 = tpu.memref_squeeze %dma_wait3A_920 : memref<1x640xi32, #tpu.memory_space<vmem>> -> memref<640xi32, #tpu.memory_space<vmem>>
      %dma_wait3A_922 = arith.constant 0 : i32
      %dma_wait3A_923 = arith.constant 0 : i32
      %dma_wait3A_924 = tpu.memref_slice %arg11[%dma_wait3A_922, %dma_wait3A_923] : memref<10240x64xf32, #tpu.memory_space<vmem_shared>> -> memref<10240x64xf32, #tpu.memory_space<vmem_shared>>
      tpu.wait_indirect_dma semaphore(%run_scoped3A_912 : memref<!tpu.dma_semaphore, #tpu.memory_space<semaphore_mem>>) src(%arg9 : memref<640x64xf32, #tpu.memory_space<vmem>>) dst(%dma_wait3A_924 : memref<10240x64xf32, #tpu.memory_space<vmem_shared>>)
      tpu.yield
    }) : () -> ()
    %dma_start3A_523 = arith.constant 0 : i32
    %dma_start3A_524 = arith.constant 1 : i32
    %dma_start3A_525 = arith.constant 0 : i32
    %dma_start3A_526 = tpu.memref_slice %arg7[%dma_start3A_523, %dma_start3A_524, %dma_start3A_525] : memref<2x4x640xi32, #tpu.memory_space<vmem>> -> memref<1x1x640xi32, #tpu.memory_space<vmem>>
    %dma_start3A_527 = tpu.memref_squeeze %dma_start3A_526 : memref<1x1x640xi32, #tpu.memory_space<vmem>> -> memref<640xi32, #tpu.memory_space<vmem>>
    %dma_start3A_528 = arith.constant 0 : i32
    %dma_start3A_529 = arith.constant 0 : i32
    %dma_start3A_530 = tpu.memref_slice %arg10[%dma_start3A_528, %dma_start3A_529] : memref<10240x64xf32, #tpu.memory_space<vmem_shared>> -> memref<10240x64xf32, #tpu.memory_space<vmem_shared>>
    tpu.enqueue_indirect_dma source(%dma_start3A_530 : memref<10240x64xf32, #tpu.memory_space<vmem_shared>>) target(%arg9 : memref<640x64xf32, #tpu.memory_space<vmem>>) offsets(%dma_start3A_527 : memref<640xi32, #tpu.memory_space<vmem>>) semaphore(%arg12 : memref<!tpu.dma_semaphore, #tpu.memory_space<semaphore_mem>>)
    %dma_wait3A_531 = arith.constant 0 : i32
    %dma_wait3A_532 = arith.constant 1 : i32
    %dma_wait3A_533 = arith.constant 0 : i32
    %dma_wait3A_534 = tpu.memref_slice %arg7[%dma_wait3A_531, %dma_wait3A_532, %dma_wait3A_533] : memref<2x4x640xi32, #tpu.memory_space<vmem>> -> memref<1x1x640xi32, #tpu.memory_space<vmem>>
    %dma_wait3A_535 = tpu.memref_squeeze %dma_wait3A_534 : memref<1x1x640xi32, #tpu.memory_space<vmem>> -> memref<640xi32, #tpu.memory_space<vmem>>
    %dma_wait3A_536 = arith.constant 0 : i32
    %dma_wait3A_537 = arith.constant 0 : i32
    %dma_wait3A_538 = tpu.memref_slice %arg10[%dma_wait3A_536, %dma_wait3A_537] : memref<10240x64xf32, #tpu.memory_space<vmem_shared>> -> memref<10240x64xf32, #tpu.memory_space<vmem_shared>>
    tpu.wait_indirect_dma semaphore(%arg12 : memref<!tpu.dma_semaphore, #tpu.memory_space<semaphore_mem>>) src(%dma_wait3A_538 : memref<10240x64xf32, #tpu.memory_space<vmem_shared>>) dst(%arg9 : memref<640x64xf32, #tpu.memory_space<vmem>>)
    %run_scoped3A_539 = arith.constant 1 : i32
    "tpu.region"() ({
      %run_scoped3A_912 = tpu.sem_alloc : memref<!tpu.dma_semaphore, #tpu.memory_space<semaphore_mem>>
      %dma_start3A_913 = arith.constant 0 : i32
      %dma_start3A_914 = tpu.memref_slice %arg8[%run_scoped3A_539, %dma_start3A_913] : memref<4x640xi32, #tpu.memory_space<vmem>> -> memref<1x640xi32, #tpu.memory_space<vmem>>
      %dma_start3A_915 = tpu.memref_squeeze %dma_start3A_914 : memref<1x640xi32, #tpu.memory_space<vmem>> -> memref<640xi32, #tpu.memory_space<vmem>>
      %dma_start3A_916 = arith.constant 0 : i32
      %dma_start3A_917 = arith.constant 0 : i32
      %dma_start3A_918 = tpu.memref_slice %arg11[%dma_start3A_916, %dma_start3A_917] : memref<10240x64xf32, #tpu.memory_space<vmem_shared>> -> memref<10240x64xf32, #tpu.memory_space<vmem_shared>>
      tpu.enqueue_indirect_dma source(%arg9 : memref<640x64xf32, #tpu.memory_space<vmem>>) target(%dma_start3A_918 : memref<10240x64xf32, #tpu.memory_space<vmem_shared>>) offsets(%dma_start3A_915 : memref<640xi32, #tpu.memory_space<vmem>>) semaphore(%run_scoped3A_912 : memref<!tpu.dma_semaphore, #tpu.memory_space<semaphore_mem>>) {add = true}
      %dma_wait3A_919 = arith.constant 0 : i32
      %dma_wait3A_920 = tpu.memref_slice %arg8[%run_scoped3A_539, %dma_wait3A_919] : memref<4x640xi32, #tpu.memory_space<vmem>> -> memref<1x640xi32, #tpu.memory_space<vmem>>
      %dma_wait3A_921 = tpu.memref_squeeze %dma_wait3A_920 : memref<1x640xi32, #tpu.memory_space<vmem>> -> memref<640xi32, #tpu.memory_space<vmem>>
      %dma_wait3A_922 = arith.constant 0 : i32
      %dma_wait3A_923 = arith.constant 0 : i32
      %dma_wait3A_924 = tpu.memref_slice %arg11[%dma_wait3A_922, %dma_wait3A_923] : memref<10240x64xf32, #tpu.memory_space<vmem_shared>> -> memref<10240x64xf32, #tpu.memory_space<vmem_shared>>
      tpu.wait_indirect_dma semaphore(%run_scoped3A_912 : memref<!tpu.dma_semaphore, #tpu.memory_space<semaphore_mem>>) src(%arg9 : memref<640x64xf32, #tpu.memory_space<vmem>>) dst(%dma_wait3A_924 : memref<10240x64xf32, #tpu.memory_space<vmem_shared>>)
      tpu.yield
    }) : () -> ()
    %dma_start3A_540 = arith.constant 0 : i32
    %dma_start3A_541 = arith.constant 2 : i32
    %dma_start3A_542 = arith.constant 0 : i32
    %dma_start3A_543 = tpu.memref_slice %arg7[%dma_start3A_540, %dma_start3A_541, %dma_start3A_542] : memref<2x4x640xi32, #tpu.memory_space<vmem>> -> memref<1x1x640xi32, #tpu.memory_space<vmem>>
    %dma_start3A_544 = tpu.memref_squeeze %dma_start3A_543 : memref<1x1x640xi32, #tpu.memory_space<vmem>> -> memref<640xi32, #tpu.memory_space<vmem>>
    %dma_start3A_545 = arith.constant 0 : i32
    %dma_start3A_546 = arith.constant 0 : i32
    %dma_start3A_547 = tpu.memref_slice %arg10[%dma_start3A_545, %dma_start3A_546] : memref<10240x64xf32, #tpu.memory_space<vmem_shared>> -> memref<10240x64xf32, #tpu.memory_space<vmem_shared>>
    tpu.enqueue_indirect_dma source(%dma_start3A_547 : memref<10240x64xf32, #tpu.memory_space<vmem_shared>>) target(%arg9 : memref<640x64xf32, #tpu.memory_space<vmem>>) offsets(%dma_start3A_544 : memref<640xi32, #tpu.memory_space<vmem>>) semaphore(%arg12 : memref<!tpu.dma_semaphore, #tpu.memory_space<semaphore_mem>>)
    %dma_wait3A_548 = arith.constant 0 : i32
    %dma_wait3A_549 = arith.constant 2 : i32
    %dma_wait3A_550 = arith.constant 0 : i32
    %dma_wait3A_551 = tpu.memref_slice %arg7[%dma_wait3A_548, %dma_wait3A_549, %dma_wait3A_550] : memref<2x4x640xi32, #tpu.memory_space<vmem>> -> memref<1x1x640xi32, #tpu.memory_space<vmem>>
    %dma_wait3A_552 = tpu.memref_squeeze %dma_wait3A_551 : memref<1x1x640xi32, #tpu.memory_space<vmem>> -> memref<640xi32, #tpu.memory_space<vmem>>
    %dma_wait3A_553 = arith.constant 0 : i32
    %dma_wait3A_554 = arith.constant 0 : i32
    %dma_wait3A_555 = tpu.memref_slice %arg10[%dma_wait3A_553, %dma_wait3A_554] : memref<10240x64xf32, #tpu.memory_space<vmem_shared>> -> memref<10240x64xf32, #tpu.memory_space<vmem_shared>>
    tpu.wait_indirect_dma semaphore(%arg12 : memref<!tpu.dma_semaphore, #tpu.memory_space<semaphore_mem>>) src(%dma_wait3A_555 : memref<10240x64xf32, #tpu.memory_space<vmem_shared>>) dst(%arg9 : memref<640x64xf32, #tpu.memory_space<vmem>>)
    %run_scoped3A_556 = arith.constant 2 : i32
    "tpu.region"() ({
      %run_scoped3A_912 = tpu.sem_alloc : memref<!tpu.dma_semaphore, #tpu.memory_space<semaphore_mem>>
      %dma_start3A_913 = arith.constant 0 : i32
      %dma_start3A_914 = tpu.memref_slice %arg8[%run_scoped3A_556, %dma_start3A_913] : memref<4x640xi32, #tpu.memory_space<vmem>> -> memref<1x640xi32, #tpu.memory_space<vmem>>
      %dma_start3A_915 = tpu.memref_squeeze %dma_start3A_914 : memref<1x640xi32, #tpu.memory_space<vmem>> -> memref<640xi32, #tpu.memory_space<vmem>>
      %dma_start3A_916 = arith.constant 0 : i32
      %dma_start3A_917 = arith.constant 0 : i32
      %dma_start3A_918 = tpu.memref_slice %arg11[%dma_start3A_916, %dma_start3A_917] : memref<10240x64xf32, #tpu.memory_space<vmem_shared>> -> memref<10240x64xf32, #tpu.memory_space<vmem_shared>>
      tpu.enqueue_indirect_dma source(%arg9 : memref<640x64xf32, #tpu.memory_space<vmem>>) target(%dma_start3A_918 : memref<10240x64xf32, #tpu.memory_space<vmem_shared>>) offsets(%dma_start3A_915 : memref<640xi32, #tpu.memory_space<vmem>>) semaphore(%run_scoped3A_912 : memref<!tpu.dma_semaphore, #tpu.memory_space<semaphore_mem>>) {add = true}
      %dma_wait3A_919 = arith.constant 0 : i32
      %dma_wait3A_920 = tpu.memref_slice %arg8[%run_scoped3A_556, %dma_wait3A_919] : memref<4x640xi32, #tpu.memory_space<vmem>> -> memref<1x640xi32, #tpu.memory_space<vmem>>
      %dma_wait3A_921 = tpu.memref_squeeze %dma_wait3A_920 : memref<1x640xi32, #tpu.memory_space<vmem>> -> memref<640xi32, #tpu.memory_space<vmem>>
      %dma_wait3A_922 = arith.constant 0 : i32
      %dma_wait3A_923 = arith.constant 0 : i32
      %dma_wait3A_924 = tpu.memref_slice %arg11[%dma_wait3A_922, %dma_wait3A_923] : memref<10240x64xf32, #tpu.memory_space<vmem_shared>> -> memref<10240x64xf32, #tpu.memory_space<vmem_shared>>
      tpu.wait_indirect_dma semaphore(%run_scoped3A_912 : memref<!tpu.dma_semaphore, #tpu.memory_space<semaphore_mem>>) src(%arg9 : memref<640x64xf32, #tpu.memory_space<vmem>>) dst(%dma_wait3A_924 : memref<10240x64xf32, #tpu.memory_space<vmem_shared>>)
      tpu.yield
    }) : () -> ()
    %dma_start3A_557 = arith.constant 0 : i32
    %dma_start3A_558 = arith.constant 3 : i32
    %dma_start3A_559 = arith.constant 0 : i32
    %dma_start3A_560 = tpu.memref_slice %arg7[%dma_start3A_557, %dma_start3A_558, %dma_start3A_559] : memref<2x4x640xi32, #tpu.memory_space<vmem>> -> memref<1x1x640xi32, #tpu.memory_space<vmem>>
    %dma_start3A_561 = tpu.memref_squeeze %dma_start3A_560 : memref<1x1x640xi32, #tpu.memory_space<vmem>> -> memref<640xi32, #tpu.memory_space<vmem>>
    %dma_start3A_562 = arith.constant 0 : i32
    %dma_start3A_563 = arith.constant 0 : i32
    %dma_start3A_564 = tpu.memref_slice %arg10[%dma_start3A_562, %dma_start3A_563] : memref<10240x64xf32, #tpu.memory_space<vmem_shared>> -> memref<10240x64xf32, #tpu.memory_space<vmem_shared>>
    tpu.enqueue_indirect_dma source(%dma_start3A_564 : memref<10240x64xf32, #tpu.memory_space<vmem_shared>>) target(%arg9 : memref<640x64xf32, #tpu.memory_space<vmem>>) offsets(%dma_start3A_561 : memref<640xi32, #tpu.memory_space<vmem>>) semaphore(%arg12 : memref<!tpu.dma_semaphore, #tpu.memory_space<semaphore_mem>>)
    %dma_wait3A_565 = arith.constant 0 : i32
    %dma_wait3A_566 = arith.constant 3 : i32
    %dma_wait3A_567 = arith.constant 0 : i32
    %dma_wait3A_568 = tpu.memref_slice %arg7[%dma_wait3A_565, %dma_wait3A_566, %dma_wait3A_567] : memref<2x4x640xi32, #tpu.memory_space<vmem>> -> memref<1x1x640xi32, #tpu.memory_space<vmem>>
    %dma_wait3A_569 = tpu.memref_squeeze %dma_wait3A_568 : memref<1x1x640xi32, #tpu.memory_space<vmem>> -> memref<640xi32, #tpu.memory_space<vmem>>
    %dma_wait3A_570 = arith.constant 0 : i32
    %dma_wait3A_571 = arith.constant 0 : i32
    %dma_wait3A_572 = tpu.memref_slice %arg10[%dma_wait3A_570, %dma_wait3A_571] : memref<10240x64xf32, #tpu.memory_space<vmem_shared>> -> memref<10240x64xf32, #tpu.memory_space<vmem_shared>>
    tpu.wait_indirect_dma semaphore(%arg12 : memref<!tpu.dma_semaphore, #tpu.memory_space<semaphore_mem>>) src(%dma_wait3A_572 : memref<10240x64xf32, #tpu.memory_space<vmem_shared>>) dst(%arg9 : memref<640x64xf32, #tpu.memory_space<vmem>>)
    %run_scoped3A_573 = arith.constant 3 : i32
    "tpu.region"() ({
      %run_scoped3A_912 = tpu.sem_alloc : memref<!tpu.dma_semaphore, #tpu.memory_space<semaphore_mem>>
      %dma_start3A_913 = arith.constant 0 : i32
      %dma_start3A_914 = tpu.memref_slice %arg8[%run_scoped3A_573, %dma_start3A_913] : memref<4x640xi32, #tpu.memory_space<vmem>> -> memref<1x640xi32, #tpu.memory_space<vmem>>
      %dma_start3A_915 = tpu.memref_squeeze %dma_start3A_914 : memref<1x640xi32, #tpu.memory_space<vmem>> -> memref<640xi32, #tpu.memory_space<vmem>>
      %dma_start3A_916 = arith.constant 0 : i32
      %dma_start3A_917 = arith.constant 0 : i32
      %dma_start3A_918 = tpu.memref_slice %arg11[%dma_start3A_916, %dma_start3A_917] : memref<10240x64xf32, #tpu.memory_space<vmem_shared>> -> memref<10240x64xf32, #tpu.memory_space<vmem_shared>>
      tpu.enqueue_indirect_dma source(%arg9 : memref<640x64xf32, #tpu.memory_space<vmem>>) target(%dma_start3A_918 : memref<10240x64xf32, #tpu.memory_space<vmem_shared>>) offsets(%dma_start3A_915 : memref<640xi32, #tpu.memory_space<vmem>>) semaphore(%run_scoped3A_912 : memref<!tpu.dma_semaphore, #tpu.memory_space<semaphore_mem>>) {add = true}
      %dma_wait3A_919 = arith.constant 0 : i32
      %dma_wait3A_920 = tpu.memref_slice %arg8[%run_scoped3A_573, %dma_wait3A_919] : memref<4x640xi32, #tpu.memory_space<vmem>> -> memref<1x640xi32, #tpu.memory_space<vmem>>
      %dma_wait3A_921 = tpu.memref_squeeze %dma_wait3A_920 : memref<1x640xi32, #tpu.memory_space<vmem>> -> memref<640xi32, #tpu.memory_space<vmem>>
      %dma_wait3A_922 = arith.constant 0 : i32
      %dma_wait3A_923 = arith.constant 0 : i32
      %dma_wait3A_924 = tpu.memref_slice %arg11[%dma_wait3A_922, %dma_wait3A_923] : memref<10240x64xf32, #tpu.memory_space<vmem_shared>> -> memref<10240x64xf32, #tpu.memory_space<vmem_shared>>
      tpu.wait_indirect_dma semaphore(%run_scoped3A_912 : memref<!tpu.dma_semaphore, #tpu.memory_space<semaphore_mem>>) src(%arg9 : memref<640x64xf32, #tpu.memory_space<vmem>>) dst(%dma_wait3A_924 : memref<10240x64xf32, #tpu.memory_space<vmem_shared>>)
      tpu.yield
    }) : () -> ()
    %dma_wait3A_574 = arith.constant 1 : i32
    %dma_wait3A_575 = arith.constant 0 : i32
    %dma_wait3A_576 = arith.constant 0 : i32
    %dma_wait3A_577 = tpu.memref_slice %arg7[%dma_wait3A_574, %dma_wait3A_575, %dma_wait3A_576] : memref<2x4x640xi32, #tpu.memory_space<vmem>> -> memref<1x4x640xi32, #tpu.memory_space<vmem>>
    %dma_wait3A_578 = tpu.memref_squeeze %dma_wait3A_577 : memref<1x4x640xi32, #tpu.memory_space<vmem>> -> memref<4x640xi32, #tpu.memory_space<vmem>>
    %dma_wait3A_579 = arith.constant 20 : i32
    %dma_wait3A_580 = arith.constant 0 : i32
    %dma_wait3A_581 = tpu.memref_slice %arg3[%arg1, %dma_wait3A_579, %dma_wait3A_580] : memref<16x32x640xi32, #tpu.memory_space<hbm>> -> memref<1x4x640xi32, #tpu.memory_space<hbm>>
    %dma_wait3A_582 = tpu.memref_squeeze %dma_wait3A_581 : memref<1x4x640xi32, #tpu.memory_space<hbm>> -> memref<4x640xi32, #tpu.memory_space<hbm>>
    %dma_wait3A_583 = arith.constant 0 : i32
    %dma_wait3A_584 = arith.constant 0 : i32
    %dma_wait3A_585 = tpu.memref_slice %arg7[%dma_wait3A_574, %dma_wait3A_583, %dma_wait3A_584] : memref<2x4x640xi32, #tpu.memory_space<vmem>> -> memref<1x4x640xi32, #tpu.memory_space<vmem>>
    %dma_wait3A_586 = tpu.memref_squeeze %dma_wait3A_585 : memref<1x4x640xi32, #tpu.memory_space<vmem>> -> memref<4x640xi32, #tpu.memory_space<vmem>>
    %dma_wait3A_587 = arith.constant 20 : i32
    %dma_wait3A_588 = arith.constant 0 : i32
    %dma_wait3A_589 = tpu.memref_slice %arg3[%arg1, %dma_wait3A_587, %dma_wait3A_588] : memref<16x32x640xi32, #tpu.memory_space<hbm>> -> memref<1x4x640xi32, #tpu.memory_space<hbm>>
    %dma_wait3A_590 = tpu.memref_squeeze %dma_wait3A_589 : memref<1x4x640xi32, #tpu.memory_space<hbm>> -> memref<4x640xi32, #tpu.memory_space<hbm>>
    tpu.wait_dma2 semaphore(%arg13 : memref<!tpu.dma_semaphore, #tpu.memory_space<semaphore_mem>>) src(%dma_wait3A_590 : memref<4x640xi32, #tpu.memory_space<hbm>>) dst(%dma_wait3A_586 : memref<4x640xi32, #tpu.memory_space<vmem>>)
    %dma_start3A_591 = arith.constant 0 : i32
    %dma_start3A_592 = arith.constant 0 : i32
    %dma_start3A_593 = arith.constant 0 : i32
    %dma_start3A_594 = tpu.memref_slice %arg7[%dma_start3A_591, %dma_start3A_592, %dma_start3A_593] : memref<2x4x640xi32, #tpu.memory_space<vmem>> -> memref<1x4x640xi32, #tpu.memory_space<vmem>>
    %dma_start3A_595 = tpu.memref_squeeze %dma_start3A_594 : memref<1x4x640xi32, #tpu.memory_space<vmem>> -> memref<4x640xi32, #tpu.memory_space<vmem>>
    %dma_start3A_596 = arith.constant 24 : i32
    %dma_start3A_597 = arith.constant 0 : i32
    %dma_start3A_598 = tpu.memref_slice %arg3[%arg1, %dma_start3A_596, %dma_start3A_597] : memref<16x32x640xi32, #tpu.memory_space<hbm>> -> memref<1x4x640xi32, #tpu.memory_space<hbm>>
    %dma_start3A_599 = tpu.memref_squeeze %dma_start3A_598 : memref<1x4x640xi32, #tpu.memory_space<hbm>> -> memref<4x640xi32, #tpu.memory_space<hbm>>
    %dma_start3A_600 = arith.constant 0 : i32
    %dma_start3A_601 = arith.constant 0 : i32
    %dma_start3A_602 = tpu.memref_slice %arg7[%dma_start3A_591, %dma_start3A_600, %dma_start3A_601] : memref<2x4x640xi32, #tpu.memory_space<vmem>> -> memref<1x4x640xi32, #tpu.memory_space<vmem>>
    %dma_start3A_603 = tpu.memref_squeeze %dma_start3A_602 : memref<1x4x640xi32, #tpu.memory_space<vmem>> -> memref<4x640xi32, #tpu.memory_space<vmem>>
    %dma_start3A_604 = arith.constant 24 : i32
    %dma_start3A_605 = arith.constant 0 : i32
    %dma_start3A_606 = tpu.memref_slice %arg3[%arg1, %dma_start3A_604, %dma_start3A_605] : memref<16x32x640xi32, #tpu.memory_space<hbm>> -> memref<1x4x640xi32, #tpu.memory_space<hbm>>
    %dma_start3A_607 = tpu.memref_squeeze %dma_start3A_606 : memref<1x4x640xi32, #tpu.memory_space<hbm>> -> memref<4x640xi32, #tpu.memory_space<hbm>>
    tpu.enqueue_dma source(%dma_start3A_607 : memref<4x640xi32, #tpu.memory_space<hbm>>) target(%dma_start3A_603 : memref<4x640xi32, #tpu.memory_space<vmem>>) target_semaphore(%arg13 : memref<!tpu.dma_semaphore, #tpu.memory_space<semaphore_mem>>)
    %dma_start3A_608 = arith.constant 1 : i32
    %dma_start3A_609 = arith.constant 0 : i32
    %dma_start3A_610 = arith.constant 0 : i32
    %dma_start3A_611 = tpu.memref_slice %arg7[%dma_start3A_608, %dma_start3A_609, %dma_start3A_610] : memref<2x4x640xi32, #tpu.memory_space<vmem>> -> memref<1x1x640xi32, #tpu.memory_space<vmem>>
    %dma_start3A_612 = tpu.memref_squeeze %dma_start3A_611 : memref<1x1x640xi32, #tpu.memory_space<vmem>> -> memref<640xi32, #tpu.memory_space<vmem>>
    %dma_start3A_613 = arith.constant 0 : i32
    %dma_start3A_614 = arith.constant 0 : i32
    %dma_start3A_615 = tpu.memref_slice %arg10[%dma_start3A_613, %dma_start3A_614] : memref<10240x64xf32, #tpu.memory_space<vmem_shared>> -> memref<10240x64xf32, #tpu.memory_space<vmem_shared>>
    tpu.enqueue_indirect_dma source(%dma_start3A_615 : memref<10240x64xf32, #tpu.memory_space<vmem_shared>>) target(%arg9 : memref<640x64xf32, #tpu.memory_space<vmem>>) offsets(%dma_start3A_612 : memref<640xi32, #tpu.memory_space<vmem>>) semaphore(%arg12 : memref<!tpu.dma_semaphore, #tpu.memory_space<semaphore_mem>>)
    %dma_start3A_616 = arith.constant 20 : i32
    %dma_start3A_617 = arith.constant 0 : i32
    %dma_start3A_618 = tpu.memref_slice %arg4[%arg1, %dma_start3A_616, %dma_start3A_617] : memref<16x32x640xi32, #tpu.memory_space<hbm>> -> memref<1x4x640xi32, #tpu.memory_space<hbm>>
    %dma_start3A_619 = tpu.memref_squeeze %dma_start3A_618 : memref<1x4x640xi32, #tpu.memory_space<hbm>> -> memref<4x640xi32, #tpu.memory_space<hbm>>
    %dma_start3A_620 = arith.constant 20 : i32
    %dma_start3A_621 = arith.constant 0 : i32
    %dma_start3A_622 = tpu.memref_slice %arg4[%arg1, %dma_start3A_620, %dma_start3A_621] : memref<16x32x640xi32, #tpu.memory_space<hbm>> -> memref<1x4x640xi32, #tpu.memory_space<hbm>>
    %dma_start3A_623 = tpu.memref_squeeze %dma_start3A_622 : memref<1x4x640xi32, #tpu.memory_space<hbm>> -> memref<4x640xi32, #tpu.memory_space<hbm>>
    tpu.enqueue_dma source(%dma_start3A_623 : memref<4x640xi32, #tpu.memory_space<hbm>>) target(%arg8 : memref<4x640xi32, #tpu.memory_space<vmem>>) target_semaphore(%arg14 : memref<!tpu.dma_semaphore, #tpu.memory_space<semaphore_mem>>)
    %dma_wait3A_624 = arith.constant 1 : i32
    %dma_wait3A_625 = arith.constant 0 : i32
    %dma_wait3A_626 = arith.constant 0 : i32
    %dma_wait3A_627 = tpu.memref_slice %arg7[%dma_wait3A_624, %dma_wait3A_625, %dma_wait3A_626] : memref<2x4x640xi32, #tpu.memory_space<vmem>> -> memref<1x1x640xi32, #tpu.memory_space<vmem>>
    %dma_wait3A_628 = tpu.memref_squeeze %dma_wait3A_627 : memref<1x1x640xi32, #tpu.memory_space<vmem>> -> memref<640xi32, #tpu.memory_space<vmem>>
    %dma_wait3A_629 = arith.constant 0 : i32
    %dma_wait3A_630 = arith.constant 0 : i32
    %dma_wait3A_631 = tpu.memref_slice %arg10[%dma_wait3A_629, %dma_wait3A_630] : memref<10240x64xf32, #tpu.memory_space<vmem_shared>> -> memref<10240x64xf32, #tpu.memory_space<vmem_shared>>
    tpu.wait_indirect_dma semaphore(%arg12 : memref<!tpu.dma_semaphore, #tpu.memory_space<semaphore_mem>>) src(%dma_wait3A_631 : memref<10240x64xf32, #tpu.memory_space<vmem_shared>>) dst(%arg9 : memref<640x64xf32, #tpu.memory_space<vmem>>)
    %dma_wait3A_632 = arith.constant 20 : i32
    %dma_wait3A_633 = arith.constant 0 : i32
    %dma_wait3A_634 = tpu.memref_slice %arg4[%arg1, %dma_wait3A_632, %dma_wait3A_633] : memref<16x32x640xi32, #tpu.memory_space<hbm>> -> memref<1x4x640xi32, #tpu.memory_space<hbm>>
    %dma_wait3A_635 = tpu.memref_squeeze %dma_wait3A_634 : memref<1x4x640xi32, #tpu.memory_space<hbm>> -> memref<4x640xi32, #tpu.memory_space<hbm>>
    %dma_wait3A_636 = arith.constant 20 : i32
    %dma_wait3A_637 = arith.constant 0 : i32
    %dma_wait3A_638 = tpu.memref_slice %arg4[%arg1, %dma_wait3A_636, %dma_wait3A_637] : memref<16x32x640xi32, #tpu.memory_space<hbm>> -> memref<1x4x640xi32, #tpu.memory_space<hbm>>
    %dma_wait3A_639 = tpu.memref_squeeze %dma_wait3A_638 : memref<1x4x640xi32, #tpu.memory_space<hbm>> -> memref<4x640xi32, #tpu.memory_space<hbm>>
    tpu.wait_dma2 semaphore(%arg14 : memref<!tpu.dma_semaphore, #tpu.memory_space<semaphore_mem>>) src(%dma_wait3A_639 : memref<4x640xi32, #tpu.memory_space<hbm>>) dst(%arg8 : memref<4x640xi32, #tpu.memory_space<vmem>>)
    %run_scoped3A_640 = arith.constant 0 : i32
    "tpu.region"() ({
      %run_scoped3A_912 = tpu.sem_alloc : memref<!tpu.dma_semaphore, #tpu.memory_space<semaphore_mem>>
      %dma_start3A_913 = arith.constant 0 : i32
      %dma_start3A_914 = tpu.memref_slice %arg8[%run_scoped3A_640, %dma_start3A_913] : memref<4x640xi32, #tpu.memory_space<vmem>> -> memref<1x640xi32, #tpu.memory_space<vmem>>
      %dma_start3A_915 = tpu.memref_squeeze %dma_start3A_914 : memref<1x640xi32, #tpu.memory_space<vmem>> -> memref<640xi32, #tpu.memory_space<vmem>>
      %dma_start3A_916 = arith.constant 0 : i32
      %dma_start3A_917 = arith.constant 0 : i32
      %dma_start3A_918 = tpu.memref_slice %arg11[%dma_start3A_916, %dma_start3A_917] : memref<10240x64xf32, #tpu.memory_space<vmem_shared>> -> memref<10240x64xf32, #tpu.memory_space<vmem_shared>>
      tpu.enqueue_indirect_dma source(%arg9 : memref<640x64xf32, #tpu.memory_space<vmem>>) target(%dma_start3A_918 : memref<10240x64xf32, #tpu.memory_space<vmem_shared>>) offsets(%dma_start3A_915 : memref<640xi32, #tpu.memory_space<vmem>>) semaphore(%run_scoped3A_912 : memref<!tpu.dma_semaphore, #tpu.memory_space<semaphore_mem>>) {add = true}
      %dma_wait3A_919 = arith.constant 0 : i32
      %dma_wait3A_920 = tpu.memref_slice %arg8[%run_scoped3A_640, %dma_wait3A_919] : memref<4x640xi32, #tpu.memory_space<vmem>> -> memref<1x640xi32, #tpu.memory_space<vmem>>
      %dma_wait3A_921 = tpu.memref_squeeze %dma_wait3A_920 : memref<1x640xi32, #tpu.memory_space<vmem>> -> memref<640xi32, #tpu.memory_space<vmem>>
      %dma_wait3A_922 = arith.constant 0 : i32
      %dma_wait3A_923 = arith.constant 0 : i32
      %dma_wait3A_924 = tpu.memref_slice %arg11[%dma_wait3A_922, %dma_wait3A_923] : memref<10240x64xf32, #tpu.memory_space<vmem_shared>> -> memref<10240x64xf32, #tpu.memory_space<vmem_shared>>
      tpu.wait_indirect_dma semaphore(%run_scoped3A_912 : memref<!tpu.dma_semaphore, #tpu.memory_space<semaphore_mem>>) src(%arg9 : memref<640x64xf32, #tpu.memory_space<vmem>>) dst(%dma_wait3A_924 : memref<10240x64xf32, #tpu.memory_space<vmem_shared>>)
      tpu.yield
    }) : () -> ()
    %dma_start3A_641 = arith.constant 1 : i32
    %dma_start3A_642 = arith.constant 1 : i32
    %dma_start3A_643 = arith.constant 0 : i32
    %dma_start3A_644 = tpu.memref_slice %arg7[%dma_start3A_641, %dma_start3A_642, %dma_start3A_643] : memref<2x4x640xi32, #tpu.memory_space<vmem>> -> memref<1x1x640xi32, #tpu.memory_space<vmem>>
    %dma_start3A_645 = tpu.memref_squeeze %dma_start3A_644 : memref<1x1x640xi32, #tpu.memory_space<vmem>> -> memref<640xi32, #tpu.memory_space<vmem>>
    %dma_start3A_646 = arith.constant 0 : i32
    %dma_start3A_647 = arith.constant 0 : i32
    %dma_start3A_648 = tpu.memref_slice %arg10[%dma_start3A_646, %dma_start3A_647] : memref<10240x64xf32, #tpu.memory_space<vmem_shared>> -> memref<10240x64xf32, #tpu.memory_space<vmem_shared>>
    tpu.enqueue_indirect_dma source(%dma_start3A_648 : memref<10240x64xf32, #tpu.memory_space<vmem_shared>>) target(%arg9 : memref<640x64xf32, #tpu.memory_space<vmem>>) offsets(%dma_start3A_645 : memref<640xi32, #tpu.memory_space<vmem>>) semaphore(%arg12 : memref<!tpu.dma_semaphore, #tpu.memory_space<semaphore_mem>>)
    %dma_wait3A_649 = arith.constant 1 : i32
    %dma_wait3A_650 = arith.constant 1 : i32
    %dma_wait3A_651 = arith.constant 0 : i32
    %dma_wait3A_652 = tpu.memref_slice %arg7[%dma_wait3A_649, %dma_wait3A_650, %dma_wait3A_651] : memref<2x4x640xi32, #tpu.memory_space<vmem>> -> memref<1x1x640xi32, #tpu.memory_space<vmem>>
    %dma_wait3A_653 = tpu.memref_squeeze %dma_wait3A_652 : memref<1x1x640xi32, #tpu.memory_space<vmem>> -> memref<640xi32, #tpu.memory_space<vmem>>
    %dma_wait3A_654 = arith.constant 0 : i32
    %dma_wait3A_655 = arith.constant 0 : i32
    %dma_wait3A_656 = tpu.memref_slice %arg10[%dma_wait3A_654, %dma_wait3A_655] : memref<10240x64xf32, #tpu.memory_space<vmem_shared>> -> memref<10240x64xf32, #tpu.memory_space<vmem_shared>>
    tpu.wait_indirect_dma semaphore(%arg12 : memref<!tpu.dma_semaphore, #tpu.memory_space<semaphore_mem>>) src(%dma_wait3A_656 : memref<10240x64xf32, #tpu.memory_space<vmem_shared>>) dst(%arg9 : memref<640x64xf32, #tpu.memory_space<vmem>>)
    %run_scoped3A_657 = arith.constant 1 : i32
    "tpu.region"() ({
      %run_scoped3A_912 = tpu.sem_alloc : memref<!tpu.dma_semaphore, #tpu.memory_space<semaphore_mem>>
      %dma_start3A_913 = arith.constant 0 : i32
      %dma_start3A_914 = tpu.memref_slice %arg8[%run_scoped3A_657, %dma_start3A_913] : memref<4x640xi32, #tpu.memory_space<vmem>> -> memref<1x640xi32, #tpu.memory_space<vmem>>
      %dma_start3A_915 = tpu.memref_squeeze %dma_start3A_914 : memref<1x640xi32, #tpu.memory_space<vmem>> -> memref<640xi32, #tpu.memory_space<vmem>>
      %dma_start3A_916 = arith.constant 0 : i32
      %dma_start3A_917 = arith.constant 0 : i32
      %dma_start3A_918 = tpu.memref_slice %arg11[%dma_start3A_916, %dma_start3A_917] : memref<10240x64xf32, #tpu.memory_space<vmem_shared>> -> memref<10240x64xf32, #tpu.memory_space<vmem_shared>>
      tpu.enqueue_indirect_dma source(%arg9 : memref<640x64xf32, #tpu.memory_space<vmem>>) target(%dma_start3A_918 : memref<10240x64xf32, #tpu.memory_space<vmem_shared>>) offsets(%dma_start3A_915 : memref<640xi32, #tpu.memory_space<vmem>>) semaphore(%run_scoped3A_912 : memref<!tpu.dma_semaphore, #tpu.memory_space<semaphore_mem>>) {add = true}
      %dma_wait3A_919 = arith.constant 0 : i32
      %dma_wait3A_920 = tpu.memref_slice %arg8[%run_scoped3A_657, %dma_wait3A_919] : memref<4x640xi32, #tpu.memory_space<vmem>> -> memref<1x640xi32, #tpu.memory_space<vmem>>
      %dma_wait3A_921 = tpu.memref_squeeze %dma_wait3A_920 : memref<1x640xi32, #tpu.memory_space<vmem>> -> memref<640xi32, #tpu.memory_space<vmem>>
      %dma_wait3A_922 = arith.constant 0 : i32
      %dma_wait3A_923 = arith.constant 0 : i32
      %dma_wait3A_924 = tpu.memref_slice %arg11[%dma_wait3A_922, %dma_wait3A_923] : memref<10240x64xf32, #tpu.memory_space<vmem_shared>> -> memref<10240x64xf32, #tpu.memory_space<vmem_shared>>
      tpu.wait_indirect_dma semaphore(%run_scoped3A_912 : memref<!tpu.dma_semaphore, #tpu.memory_space<semaphore_mem>>) src(%arg9 : memref<640x64xf32, #tpu.memory_space<vmem>>) dst(%dma_wait3A_924 : memref<10240x64xf32, #tpu.memory_space<vmem_shared>>)
      tpu.yield
    }) : () -> ()
    %dma_start3A_658 = arith.constant 1 : i32
    %dma_start3A_659 = arith.constant 2 : i32
    %dma_start3A_660 = arith.constant 0 : i32
    %dma_start3A_661 = tpu.memref_slice %arg7[%dma_start3A_658, %dma_start3A_659, %dma_start3A_660] : memref<2x4x640xi32, #tpu.memory_space<vmem>> -> memref<1x1x640xi32, #tpu.memory_space<vmem>>
    %dma_start3A_662 = tpu.memref_squeeze %dma_start3A_661 : memref<1x1x640xi32, #tpu.memory_space<vmem>> -> memref<640xi32, #tpu.memory_space<vmem>>
    %dma_start3A_663 = arith.constant 0 : i32
    %dma_start3A_664 = arith.constant 0 : i32
    %dma_start3A_665 = tpu.memref_slice %arg10[%dma_start3A_663, %dma_start3A_664] : memref<10240x64xf32, #tpu.memory_space<vmem_shared>> -> memref<10240x64xf32, #tpu.memory_space<vmem_shared>>
    tpu.enqueue_indirect_dma source(%dma_start3A_665 : memref<10240x64xf32, #tpu.memory_space<vmem_shared>>) target(%arg9 : memref<640x64xf32, #tpu.memory_space<vmem>>) offsets(%dma_start3A_662 : memref<640xi32, #tpu.memory_space<vmem>>) semaphore(%arg12 : memref<!tpu.dma_semaphore, #tpu.memory_space<semaphore_mem>>)
    %dma_wait3A_666 = arith.constant 1 : i32
    %dma_wait3A_667 = arith.constant 2 : i32
    %dma_wait3A_668 = arith.constant 0 : i32
    %dma_wait3A_669 = tpu.memref_slice %arg7[%dma_wait3A_666, %dma_wait3A_667, %dma_wait3A_668] : memref<2x4x640xi32, #tpu.memory_space<vmem>> -> memref<1x1x640xi32, #tpu.memory_space<vmem>>
    %dma_wait3A_670 = tpu.memref_squeeze %dma_wait3A_669 : memref<1x1x640xi32, #tpu.memory_space<vmem>> -> memref<640xi32, #tpu.memory_space<vmem>>
    %dma_wait3A_671 = arith.constant 0 : i32
    %dma_wait3A_672 = arith.constant 0 : i32
    %dma_wait3A_673 = tpu.memref_slice %arg10[%dma_wait3A_671, %dma_wait3A_672] : memref<10240x64xf32, #tpu.memory_space<vmem_shared>> -> memref<10240x64xf32, #tpu.memory_space<vmem_shared>>
    tpu.wait_indirect_dma semaphore(%arg12 : memref<!tpu.dma_semaphore, #tpu.memory_space<semaphore_mem>>) src(%dma_wait3A_673 : memref<10240x64xf32, #tpu.memory_space<vmem_shared>>) dst(%arg9 : memref<640x64xf32, #tpu.memory_space<vmem>>)
    %run_scoped3A_674 = arith.constant 2 : i32
    "tpu.region"() ({
      %run_scoped3A_912 = tpu.sem_alloc : memref<!tpu.dma_semaphore, #tpu.memory_space<semaphore_mem>>
      %dma_start3A_913 = arith.constant 0 : i32
      %dma_start3A_914 = tpu.memref_slice %arg8[%run_scoped3A_674, %dma_start3A_913] : memref<4x640xi32, #tpu.memory_space<vmem>> -> memref<1x640xi32, #tpu.memory_space<vmem>>
      %dma_start3A_915 = tpu.memref_squeeze %dma_start3A_914 : memref<1x640xi32, #tpu.memory_space<vmem>> -> memref<640xi32, #tpu.memory_space<vmem>>
      %dma_start3A_916 = arith.constant 0 : i32
      %dma_start3A_917 = arith.constant 0 : i32
      %dma_start3A_918 = tpu.memref_slice %arg11[%dma_start3A_916, %dma_start3A_917] : memref<10240x64xf32, #tpu.memory_space<vmem_shared>> -> memref<10240x64xf32, #tpu.memory_space<vmem_shared>>
      tpu.enqueue_indirect_dma source(%arg9 : memref<640x64xf32, #tpu.memory_space<vmem>>) target(%dma_start3A_918 : memref<10240x64xf32, #tpu.memory_space<vmem_shared>>) offsets(%dma_start3A_915 : memref<640xi32, #tpu.memory_space<vmem>>) semaphore(%run_scoped3A_912 : memref<!tpu.dma_semaphore, #tpu.memory_space<semaphore_mem>>) {add = true}
      %dma_wait3A_919 = arith.constant 0 : i32
      %dma_wait3A_920 = tpu.memref_slice %arg8[%run_scoped3A_674, %dma_wait3A_919] : memref<4x640xi32, #tpu.memory_space<vmem>> -> memref<1x640xi32, #tpu.memory_space<vmem>>
      %dma_wait3A_921 = tpu.memref_squeeze %dma_wait3A_920 : memref<1x640xi32, #tpu.memory_space<vmem>> -> memref<640xi32, #tpu.memory_space<vmem>>
      %dma_wait3A_922 = arith.constant 0 : i32
      %dma_wait3A_923 = arith.constant 0 : i32
      %dma_wait3A_924 = tpu.memref_slice %arg11[%dma_wait3A_922, %dma_wait3A_923] : memref<10240x64xf32, #tpu.memory_space<vmem_shared>> -> memref<10240x64xf32, #tpu.memory_space<vmem_shared>>
      tpu.wait_indirect_dma semaphore(%run_scoped3A_912 : memref<!tpu.dma_semaphore, #tpu.memory_space<semaphore_mem>>) src(%arg9 : memref<640x64xf32, #tpu.memory_space<vmem>>) dst(%dma_wait3A_924 : memref<10240x64xf32, #tpu.memory_space<vmem_shared>>)
      tpu.yield
    }) : () -> ()
    %dma_start3A_675 = arith.constant 1 : i32
    %dma_start3A_676 = arith.constant 3 : i32
    %dma_start3A_677 = arith.constant 0 : i32
    %dma_start3A_678 = tpu.memref_slice %arg7[%dma_start3A_675, %dma_start3A_676, %dma_start3A_677] : memref<2x4x640xi32, #tpu.memory_space<vmem>> -> memref<1x1x640xi32, #tpu.memory_space<vmem>>
    %dma_start3A_679 = tpu.memref_squeeze %dma_start3A_678 : memref<1x1x640xi32, #tpu.memory_space<vmem>> -> memref<640xi32, #tpu.memory_space<vmem>>
    %dma_start3A_680 = arith.constant 0 : i32
    %dma_start3A_681 = arith.constant 0 : i32
    %dma_start3A_682 = tpu.memref_slice %arg10[%dma_start3A_680, %dma_start3A_681] : memref<10240x64xf32, #tpu.memory_space<vmem_shared>> -> memref<10240x64xf32, #tpu.memory_space<vmem_shared>>
    tpu.enqueue_indirect_dma source(%dma_start3A_682 : memref<10240x64xf32, #tpu.memory_space<vmem_shared>>) target(%arg9 : memref<640x64xf32, #tpu.memory_space<vmem>>) offsets(%dma_start3A_679 : memref<640xi32, #tpu.memory_space<vmem>>) semaphore(%arg12 : memref<!tpu.dma_semaphore, #tpu.memory_space<semaphore_mem>>)
    %dma_wait3A_683 = arith.constant 1 : i32
    %dma_wait3A_684 = arith.constant 3 : i32
    %dma_wait3A_685 = arith.constant 0 : i32
    %dma_wait3A_686 = tpu.memref_slice %arg7[%dma_wait3A_683, %dma_wait3A_684, %dma_wait3A_685] : memref<2x4x640xi32, #tpu.memory_space<vmem>> -> memref<1x1x640xi32, #tpu.memory_space<vmem>>
    %dma_wait3A_687 = tpu.memref_squeeze %dma_wait3A_686 : memref<1x1x640xi32, #tpu.memory_space<vmem>> -> memref<640xi32, #tpu.memory_space<vmem>>
    %dma_wait3A_688 = arith.constant 0 : i32
    %dma_wait3A_689 = arith.constant 0 : i32
    %dma_wait3A_690 = tpu.memref_slice %arg10[%dma_wait3A_688, %dma_wait3A_689] : memref<10240x64xf32, #tpu.memory_space<vmem_shared>> -> memref<10240x64xf32, #tpu.memory_space<vmem_shared>>
    tpu.wait_indirect_dma semaphore(%arg12 : memref<!tpu.dma_semaphore, #tpu.memory_space<semaphore_mem>>) src(%dma_wait3A_690 : memref<10240x64xf32, #tpu.memory_space<vmem_shared>>) dst(%arg9 : memref<640x64xf32, #tpu.memory_space<vmem>>)
    %run_scoped3A_691 = arith.constant 3 : i32
    "tpu.region"() ({
      %run_scoped3A_912 = tpu.sem_alloc : memref<!tpu.dma_semaphore, #tpu.memory_space<semaphore_mem>>
      %dma_start3A_913 = arith.constant 0 : i32
      %dma_start3A_914 = tpu.memref_slice %arg8[%run_scoped3A_691, %dma_start3A_913] : memref<4x640xi32, #tpu.memory_space<vmem>> -> memref<1x640xi32, #tpu.memory_space<vmem>>
      %dma_start3A_915 = tpu.memref_squeeze %dma_start3A_914 : memref<1x640xi32, #tpu.memory_space<vmem>> -> memref<640xi32, #tpu.memory_space<vmem>>
      %dma_start3A_916 = arith.constant 0 : i32
      %dma_start3A_917 = arith.constant 0 : i32
      %dma_start3A_918 = tpu.memref_slice %arg11[%dma_start3A_916, %dma_start3A_917] : memref<10240x64xf32, #tpu.memory_space<vmem_shared>> -> memref<10240x64xf32, #tpu.memory_space<vmem_shared>>
      tpu.enqueue_indirect_dma source(%arg9 : memref<640x64xf32, #tpu.memory_space<vmem>>) target(%dma_start3A_918 : memref<10240x64xf32, #tpu.memory_space<vmem_shared>>) offsets(%dma_start3A_915 : memref<640xi32, #tpu.memory_space<vmem>>) semaphore(%run_scoped3A_912 : memref<!tpu.dma_semaphore, #tpu.memory_space<semaphore_mem>>) {add = true}
      %dma_wait3A_919 = arith.constant 0 : i32
      %dma_wait3A_920 = tpu.memref_slice %arg8[%run_scoped3A_691, %dma_wait3A_919] : memref<4x640xi32, #tpu.memory_space<vmem>> -> memref<1x640xi32, #tpu.memory_space<vmem>>
      %dma_wait3A_921 = tpu.memref_squeeze %dma_wait3A_920 : memref<1x640xi32, #tpu.memory_space<vmem>> -> memref<640xi32, #tpu.memory_space<vmem>>
      %dma_wait3A_922 = arith.constant 0 : i32
      %dma_wait3A_923 = arith.constant 0 : i32
      %dma_wait3A_924 = tpu.memref_slice %arg11[%dma_wait3A_922, %dma_wait3A_923] : memref<10240x64xf32, #tpu.memory_space<vmem_shared>> -> memref<10240x64xf32, #tpu.memory_space<vmem_shared>>
      tpu.wait_indirect_dma semaphore(%run_scoped3A_912 : memref<!tpu.dma_semaphore, #tpu.memory_space<semaphore_mem>>) src(%arg9 : memref<640x64xf32, #tpu.memory_space<vmem>>) dst(%dma_wait3A_924 : memref<10240x64xf32, #tpu.memory_space<vmem_shared>>)
      tpu.yield
    }) : () -> ()
    %dma_wait3A_692 = arith.constant 0 : i32
    %dma_wait3A_693 = arith.constant 0 : i32
    %dma_wait3A_694 = arith.constant 0 : i32
    %dma_wait3A_695 = tpu.memref_slice %arg7[%dma_wait3A_692, %dma_wait3A_693, %dma_wait3A_694] : memref<2x4x640xi32, #tpu.memory_space<vmem>> -> memref<1x4x640xi32, #tpu.memory_space<vmem>>
    %dma_wait3A_696 = tpu.memref_squeeze %dma_wait3A_695 : memref<1x4x640xi32, #tpu.memory_space<vmem>> -> memref<4x640xi32, #tpu.memory_space<vmem>>
    %dma_wait3A_697 = arith.constant 24 : i32
    %dma_wait3A_698 = arith.constant 0 : i32
    %dma_wait3A_699 = tpu.memref_slice %arg3[%arg1, %dma_wait3A_697, %dma_wait3A_698] : memref<16x32x640xi32, #tpu.memory_space<hbm>> -> memref<1x4x640xi32, #tpu.memory_space<hbm>>
    %dma_wait3A_700 = tpu.memref_squeeze %dma_wait3A_699 : memref<1x4x640xi32, #tpu.memory_space<hbm>> -> memref<4x640xi32, #tpu.memory_space<hbm>>
    %dma_wait3A_701 = arith.constant 0 : i32
    %dma_wait3A_702 = arith.constant 0 : i32
    %dma_wait3A_703 = tpu.memref_slice %arg7[%dma_wait3A_692, %dma_wait3A_701, %dma_wait3A_702] : memref<2x4x640xi32, #tpu.memory_space<vmem>> -> memref<1x4x640xi32, #tpu.memory_space<vmem>>
    %dma_wait3A_704 = tpu.memref_squeeze %dma_wait3A_703 : memref<1x4x640xi32, #tpu.memory_space<vmem>> -> memref<4x640xi32, #tpu.memory_space<vmem>>
    %dma_wait3A_705 = arith.constant 24 : i32
    %dma_wait3A_706 = arith.constant 0 : i32
    %dma_wait3A_707 = tpu.memref_slice %arg3[%arg1, %dma_wait3A_705, %dma_wait3A_706] : memref<16x32x640xi32, #tpu.memory_space<hbm>> -> memref<1x4x640xi32, #tpu.memory_space<hbm>>
    %dma_wait3A_708 = tpu.memref_squeeze %dma_wait3A_707 : memref<1x4x640xi32, #tpu.memory_space<hbm>> -> memref<4x640xi32, #tpu.memory_space<hbm>>
    tpu.wait_dma2 semaphore(%arg13 : memref<!tpu.dma_semaphore, #tpu.memory_space<semaphore_mem>>) src(%dma_wait3A_708 : memref<4x640xi32, #tpu.memory_space<hbm>>) dst(%dma_wait3A_704 : memref<4x640xi32, #tpu.memory_space<vmem>>)
    %dma_start3A_709 = arith.constant 1 : i32
    %dma_start3A_710 = arith.constant 0 : i32
    %dma_start3A_711 = arith.constant 0 : i32
    %dma_start3A_712 = tpu.memref_slice %arg7[%dma_start3A_709, %dma_start3A_710, %dma_start3A_711] : memref<2x4x640xi32, #tpu.memory_space<vmem>> -> memref<1x4x640xi32, #tpu.memory_space<vmem>>
    %dma_start3A_713 = tpu.memref_squeeze %dma_start3A_712 : memref<1x4x640xi32, #tpu.memory_space<vmem>> -> memref<4x640xi32, #tpu.memory_space<vmem>>
    %dma_start3A_714 = arith.constant 28 : i32
    %dma_start3A_715 = arith.constant 0 : i32
    %dma_start3A_716 = tpu.memref_slice %arg3[%arg1, %dma_start3A_714, %dma_start3A_715] : memref<16x32x640xi32, #tpu.memory_space<hbm>> -> memref<1x4x640xi32, #tpu.memory_space<hbm>>
    %dma_start3A_717 = tpu.memref_squeeze %dma_start3A_716 : memref<1x4x640xi32, #tpu.memory_space<hbm>> -> memref<4x640xi32, #tpu.memory_space<hbm>>
    %dma_start3A_718 = arith.constant 0 : i32
    %dma_start3A_719 = arith.constant 0 : i32
    %dma_start3A_720 = tpu.memref_slice %arg7[%dma_start3A_709, %dma_start3A_718, %dma_start3A_719] : memref<2x4x640xi32, #tpu.memory_space<vmem>> -> memref<1x4x640xi32, #tpu.memory_space<vmem>>
    %dma_start3A_721 = tpu.memref_squeeze %dma_start3A_720 : memref<1x4x640xi32, #tpu.memory_space<vmem>> -> memref<4x640xi32, #tpu.memory_space<vmem>>
    %dma_start3A_722 = arith.constant 28 : i32
    %dma_start3A_723 = arith.constant 0 : i32
    %dma_start3A_724 = tpu.memref_slice %arg3[%arg1, %dma_start3A_722, %dma_start3A_723] : memref<16x32x640xi32, #tpu.memory_space<hbm>> -> memref<1x4x640xi32, #tpu.memory_space<hbm>>
    %dma_start3A_725 = tpu.memref_squeeze %dma_start3A_724 : memref<1x4x640xi32, #tpu.memory_space<hbm>> -> memref<4x640xi32, #tpu.memory_space<hbm>>
    tpu.enqueue_dma source(%dma_start3A_725 : memref<4x640xi32, #tpu.memory_space<hbm>>) target(%dma_start3A_721 : memref<4x640xi32, #tpu.memory_space<vmem>>) target_semaphore(%arg13 : memref<!tpu.dma_semaphore, #tpu.memory_space<semaphore_mem>>)
    %dma_start3A_726 = arith.constant 0 : i32
    %dma_start3A_727 = arith.constant 0 : i32
    %dma_start3A_728 = arith.constant 0 : i32
    %dma_start3A_729 = tpu.memref_slice %arg7[%dma_start3A_726, %dma_start3A_727, %dma_start3A_728] : memref<2x4x640xi32, #tpu.memory_space<vmem>> -> memref<1x1x640xi32, #tpu.memory_space<vmem>>
    %dma_start3A_730 = tpu.memref_squeeze %dma_start3A_729 : memref<1x1x640xi32, #tpu.memory_space<vmem>> -> memref<640xi32, #tpu.memory_space<vmem>>
    %dma_start3A_731 = arith.constant 0 : i32
    %dma_start3A_732 = arith.constant 0 : i32
    %dma_start3A_733 = tpu.memref_slice %arg10[%dma_start3A_731, %dma_start3A_732] : memref<10240x64xf32, #tpu.memory_space<vmem_shared>> -> memref<10240x64xf32, #tpu.memory_space<vmem_shared>>
    tpu.enqueue_indirect_dma source(%dma_start3A_733 : memref<10240x64xf32, #tpu.memory_space<vmem_shared>>) target(%arg9 : memref<640x64xf32, #tpu.memory_space<vmem>>) offsets(%dma_start3A_730 : memref<640xi32, #tpu.memory_space<vmem>>) semaphore(%arg12 : memref<!tpu.dma_semaphore, #tpu.memory_space<semaphore_mem>>)
    %dma_start3A_734 = arith.constant 24 : i32
    %dma_start3A_735 = arith.constant 0 : i32
    %dma_start3A_736 = tpu.memref_slice %arg4[%arg1, %dma_start3A_734, %dma_start3A_735] : memref<16x32x640xi32, #tpu.memory_space<hbm>> -> memref<1x4x640xi32, #tpu.memory_space<hbm>>
    %dma_start3A_737 = tpu.memref_squeeze %dma_start3A_736 : memref<1x4x640xi32, #tpu.memory_space<hbm>> -> memref<4x640xi32, #tpu.memory_space<hbm>>
    %dma_start3A_738 = arith.constant 24 : i32
    %dma_start3A_739 = arith.constant 0 : i32
    %dma_start3A_740 = tpu.memref_slice %arg4[%arg1, %dma_start3A_738, %dma_start3A_739] : memref<16x32x640xi32, #tpu.memory_space<hbm>> -> memref<1x4x640xi32, #tpu.memory_space<hbm>>
    %dma_start3A_741 = tpu.memref_squeeze %dma_start3A_740 : memref<1x4x640xi32, #tpu.memory_space<hbm>> -> memref<4x640xi32, #tpu.memory_space<hbm>>
    tpu.enqueue_dma source(%dma_start3A_741 : memref<4x640xi32, #tpu.memory_space<hbm>>) target(%arg8 : memref<4x640xi32, #tpu.memory_space<vmem>>) target_semaphore(%arg14 : memref<!tpu.dma_semaphore, #tpu.memory_space<semaphore_mem>>)
    %dma_wait3A_742 = arith.constant 0 : i32
    %dma_wait3A_743 = arith.constant 0 : i32
    %dma_wait3A_744 = arith.constant 0 : i32
    %dma_wait3A_745 = tpu.memref_slice %arg7[%dma_wait3A_742, %dma_wait3A_743, %dma_wait3A_744] : memref<2x4x640xi32, #tpu.memory_space<vmem>> -> memref<1x1x640xi32, #tpu.memory_space<vmem>>
    %dma_wait3A_746 = tpu.memref_squeeze %dma_wait3A_745 : memref<1x1x640xi32, #tpu.memory_space<vmem>> -> memref<640xi32, #tpu.memory_space<vmem>>
    %dma_wait3A_747 = arith.constant 0 : i32
    %dma_wait3A_748 = arith.constant 0 : i32
    %dma_wait3A_749 = tpu.memref_slice %arg10[%dma_wait3A_747, %dma_wait3A_748] : memref<10240x64xf32, #tpu.memory_space<vmem_shared>> -> memref<10240x64xf32, #tpu.memory_space<vmem_shared>>
    tpu.wait_indirect_dma semaphore(%arg12 : memref<!tpu.dma_semaphore, #tpu.memory_space<semaphore_mem>>) src(%dma_wait3A_749 : memref<10240x64xf32, #tpu.memory_space<vmem_shared>>) dst(%arg9 : memref<640x64xf32, #tpu.memory_space<vmem>>)
    %dma_wait3A_750 = arith.constant 24 : i32
    %dma_wait3A_751 = arith.constant 0 : i32
    %dma_wait3A_752 = tpu.memref_slice %arg4[%arg1, %dma_wait3A_750, %dma_wait3A_751] : memref<16x32x640xi32, #tpu.memory_space<hbm>> -> memref<1x4x640xi32, #tpu.memory_space<hbm>>
    %dma_wait3A_753 = tpu.memref_squeeze %dma_wait3A_752 : memref<1x4x640xi32, #tpu.memory_space<hbm>> -> memref<4x640xi32, #tpu.memory_space<hbm>>
    %dma_wait3A_754 = arith.constant 24 : i32
    %dma_wait3A_755 = arith.constant 0 : i32
    %dma_wait3A_756 = tpu.memref_slice %arg4[%arg1, %dma_wait3A_754, %dma_wait3A_755] : memref<16x32x640xi32, #tpu.memory_space<hbm>> -> memref<1x4x640xi32, #tpu.memory_space<hbm>>
    %dma_wait3A_757 = tpu.memref_squeeze %dma_wait3A_756 : memref<1x4x640xi32, #tpu.memory_space<hbm>> -> memref<4x640xi32, #tpu.memory_space<hbm>>
    tpu.wait_dma2 semaphore(%arg14 : memref<!tpu.dma_semaphore, #tpu.memory_space<semaphore_mem>>) src(%dma_wait3A_757 : memref<4x640xi32, #tpu.memory_space<hbm>>) dst(%arg8 : memref<4x640xi32, #tpu.memory_space<vmem>>)
    %run_scoped3A_758 = arith.constant 0 : i32
    "tpu.region"() ({
      %run_scoped3A_912 = tpu.sem_alloc : memref<!tpu.dma_semaphore, #tpu.memory_space<semaphore_mem>>
      %dma_start3A_913 = arith.constant 0 : i32
      %dma_start3A_914 = tpu.memref_slice %arg8[%run_scoped3A_758, %dma_start3A_913] : memref<4x640xi32, #tpu.memory_space<vmem>> -> memref<1x640xi32, #tpu.memory_space<vmem>>
      %dma_start3A_915 = tpu.memref_squeeze %dma_start3A_914 : memref<1x640xi32, #tpu.memory_space<vmem>> -> memref<640xi32, #tpu.memory_space<vmem>>
      %dma_start3A_916 = arith.constant 0 : i32
      %dma_start3A_917 = arith.constant 0 : i32
      %dma_start3A_918 = tpu.memref_slice %arg11[%dma_start3A_916, %dma_start3A_917] : memref<10240x64xf32, #tpu.memory_space<vmem_shared>> -> memref<10240x64xf32, #tpu.memory_space<vmem_shared>>
      tpu.enqueue_indirect_dma source(%arg9 : memref<640x64xf32, #tpu.memory_space<vmem>>) target(%dma_start3A_918 : memref<10240x64xf32, #tpu.memory_space<vmem_shared>>) offsets(%dma_start3A_915 : memref<640xi32, #tpu.memory_space<vmem>>) semaphore(%run_scoped3A_912 : memref<!tpu.dma_semaphore, #tpu.memory_space<semaphore_mem>>) {add = true}
      %dma_wait3A_919 = arith.constant 0 : i32
      %dma_wait3A_920 = tpu.memref_slice %arg8[%run_scoped3A_758, %dma_wait3A_919] : memref<4x640xi32, #tpu.memory_space<vmem>> -> memref<1x640xi32, #tpu.memory_space<vmem>>
      %dma_wait3A_921 = tpu.memref_squeeze %dma_wait3A_920 : memref<1x640xi32, #tpu.memory_space<vmem>> -> memref<640xi32, #tpu.memory_space<vmem>>
      %dma_wait3A_922 = arith.constant 0 : i32
      %dma_wait3A_923 = arith.constant 0 : i32
      %dma_wait3A_924 = tpu.memref_slice %arg11[%dma_wait3A_922, %dma_wait3A_923] : memref<10240x64xf32, #tpu.memory_space<vmem_shared>> -> memref<10240x64xf32, #tpu.memory_space<vmem_shared>>
      tpu.wait_indirect_dma semaphore(%run_scoped3A_912 : memref<!tpu.dma_semaphore, #tpu.memory_space<semaphore_mem>>) src(%arg9 : memref<640x64xf32, #tpu.memory_space<vmem>>) dst(%dma_wait3A_924 : memref<10240x64xf32, #tpu.memory_space<vmem_shared>>)
      tpu.yield
    }) : () -> ()
    %dma_start3A_759 = arith.constant 0 : i32
    %dma_start3A_760 = arith.constant 1 : i32
    %dma_start3A_761 = arith.constant 0 : i32
    %dma_start3A_762 = tpu.memref_slice %arg7[%dma_start3A_759, %dma_start3A_760, %dma_start3A_761] : memref<2x4x640xi32, #tpu.memory_space<vmem>> -> memref<1x1x640xi32, #tpu.memory_space<vmem>>
    %dma_start3A_763 = tpu.memref_squeeze %dma_start3A_762 : memref<1x1x640xi32, #tpu.memory_space<vmem>> -> memref<640xi32, #tpu.memory_space<vmem>>
    %dma_start3A_764 = arith.constant 0 : i32
    %dma_start3A_765 = arith.constant 0 : i32
    %dma_start3A_766 = tpu.memref_slice %arg10[%dma_start3A_764, %dma_start3A_765] : memref<10240x64xf32, #tpu.memory_space<vmem_shared>> -> memref<10240x64xf32, #tpu.memory_space<vmem_shared>>
    tpu.enqueue_indirect_dma source(%dma_start3A_766 : memref<10240x64xf32, #tpu.memory_space<vmem_shared>>) target(%arg9 : memref<640x64xf32, #tpu.memory_space<vmem>>) offsets(%dma_start3A_763 : memref<640xi32, #tpu.memory_space<vmem>>) semaphore(%arg12 : memref<!tpu.dma_semaphore, #tpu.memory_space<semaphore_mem>>)
    %dma_wait3A_767 = arith.constant 0 : i32
    %dma_wait3A_768 = arith.constant 1 : i32
    %dma_wait3A_769 = arith.constant 0 : i32
    %dma_wait3A_770 = tpu.memref_slice %arg7[%dma_wait3A_767, %dma_wait3A_768, %dma_wait3A_769] : memref<2x4x640xi32, #tpu.memory_space<vmem>> -> memref<1x1x640xi32, #tpu.memory_space<vmem>>
    %dma_wait3A_771 = tpu.memref_squeeze %dma_wait3A_770 : memref<1x1x640xi32, #tpu.memory_space<vmem>> -> memref<640xi32, #tpu.memory_space<vmem>>
    %dma_wait3A_772 = arith.constant 0 : i32
    %dma_wait3A_773 = arith.constant 0 : i32
    %dma_wait3A_774 = tpu.memref_slice %arg10[%dma_wait3A_772, %dma_wait3A_773] : memref<10240x64xf32, #tpu.memory_space<vmem_shared>> -> memref<10240x64xf32, #tpu.memory_space<vmem_shared>>
    tpu.wait_indirect_dma semaphore(%arg12 : memref<!tpu.dma_semaphore, #tpu.memory_space<semaphore_mem>>) src(%dma_wait3A_774 : memref<10240x64xf32, #tpu.memory_space<vmem_shared>>) dst(%arg9 : memref<640x64xf32, #tpu.memory_space<vmem>>)
    %run_scoped3A_775 = arith.constant 1 : i32
    "tpu.region"() ({
      %run_scoped3A_912 = tpu.sem_alloc : memref<!tpu.dma_semaphore, #tpu.memory_space<semaphore_mem>>
      %dma_start3A_913 = arith.constant 0 : i32
      %dma_start3A_914 = tpu.memref_slice %arg8[%run_scoped3A_775, %dma_start3A_913] : memref<4x640xi32, #tpu.memory_space<vmem>> -> memref<1x640xi32, #tpu.memory_space<vmem>>
      %dma_start3A_915 = tpu.memref_squeeze %dma_start3A_914 : memref<1x640xi32, #tpu.memory_space<vmem>> -> memref<640xi32, #tpu.memory_space<vmem>>
      %dma_start3A_916 = arith.constant 0 : i32
      %dma_start3A_917 = arith.constant 0 : i32
      %dma_start3A_918 = tpu.memref_slice %arg11[%dma_start3A_916, %dma_start3A_917] : memref<10240x64xf32, #tpu.memory_space<vmem_shared>> -> memref<10240x64xf32, #tpu.memory_space<vmem_shared>>
      tpu.enqueue_indirect_dma source(%arg9 : memref<640x64xf32, #tpu.memory_space<vmem>>) target(%dma_start3A_918 : memref<10240x64xf32, #tpu.memory_space<vmem_shared>>) offsets(%dma_start3A_915 : memref<640xi32, #tpu.memory_space<vmem>>) semaphore(%run_scoped3A_912 : memref<!tpu.dma_semaphore, #tpu.memory_space<semaphore_mem>>) {add = true}
      %dma_wait3A_919 = arith.constant 0 : i32
      %dma_wait3A_920 = tpu.memref_slice %arg8[%run_scoped3A_775, %dma_wait3A_919] : memref<4x640xi32, #tpu.memory_space<vmem>> -> memref<1x640xi32, #tpu.memory_space<vmem>>
      %dma_wait3A_921 = tpu.memref_squeeze %dma_wait3A_920 : memref<1x640xi32, #tpu.memory_space<vmem>> -> memref<640xi32, #tpu.memory_space<vmem>>
      %dma_wait3A_922 = arith.constant 0 : i32
      %dma_wait3A_923 = arith.constant 0 : i32
      %dma_wait3A_924 = tpu.memref_slice %arg11[%dma_wait3A_922, %dma_wait3A_923] : memref<10240x64xf32, #tpu.memory_space<vmem_shared>> -> memref<10240x64xf32, #tpu.memory_space<vmem_shared>>
      tpu.wait_indirect_dma semaphore(%run_scoped3A_912 : memref<!tpu.dma_semaphore, #tpu.memory_space<semaphore_mem>>) src(%arg9 : memref<640x64xf32, #tpu.memory_space<vmem>>) dst(%dma_wait3A_924 : memref<10240x64xf32, #tpu.memory_space<vmem_shared>>)
      tpu.yield
    }) : () -> ()
    %dma_start3A_776 = arith.constant 0 : i32
    %dma_start3A_777 = arith.constant 2 : i32
    %dma_start3A_778 = arith.constant 0 : i32
    %dma_start3A_779 = tpu.memref_slice %arg7[%dma_start3A_776, %dma_start3A_777, %dma_start3A_778] : memref<2x4x640xi32, #tpu.memory_space<vmem>> -> memref<1x1x640xi32, #tpu.memory_space<vmem>>
    %dma_start3A_780 = tpu.memref_squeeze %dma_start3A_779 : memref<1x1x640xi32, #tpu.memory_space<vmem>> -> memref<640xi32, #tpu.memory_space<vmem>>
    %dma_start3A_781 = arith.constant 0 : i32
    %dma_start3A_782 = arith.constant 0 : i32
    %dma_start3A_783 = tpu.memref_slice %arg10[%dma_start3A_781, %dma_start3A_782] : memref<10240x64xf32, #tpu.memory_space<vmem_shared>> -> memref<10240x64xf32, #tpu.memory_space<vmem_shared>>
    tpu.enqueue_indirect_dma source(%dma_start3A_783 : memref<10240x64xf32, #tpu.memory_space<vmem_shared>>) target(%arg9 : memref<640x64xf32, #tpu.memory_space<vmem>>) offsets(%dma_start3A_780 : memref<640xi32, #tpu.memory_space<vmem>>) semaphore(%arg12 : memref<!tpu.dma_semaphore, #tpu.memory_space<semaphore_mem>>)
    %dma_wait3A_784 = arith.constant 0 : i32
    %dma_wait3A_785 = arith.constant 2 : i32
    %dma_wait3A_786 = arith.constant 0 : i32
    %dma_wait3A_787 = tpu.memref_slice %arg7[%dma_wait3A_784, %dma_wait3A_785, %dma_wait3A_786] : memref<2x4x640xi32, #tpu.memory_space<vmem>> -> memref<1x1x640xi32, #tpu.memory_space<vmem>>
    %dma_wait3A_788 = tpu.memref_squeeze %dma_wait3A_787 : memref<1x1x640xi32, #tpu.memory_space<vmem>> -> memref<640xi32, #tpu.memory_space<vmem>>
    %dma_wait3A_789 = arith.constant 0 : i32
    %dma_wait3A_790 = arith.constant 0 : i32
    %dma_wait3A_791 = tpu.memref_slice %arg10[%dma_wait3A_789, %dma_wait3A_790] : memref<10240x64xf32, #tpu.memory_space<vmem_shared>> -> memref<10240x64xf32, #tpu.memory_space<vmem_shared>>
    tpu.wait_indirect_dma semaphore(%arg12 : memref<!tpu.dma_semaphore, #tpu.memory_space<semaphore_mem>>) src(%dma_wait3A_791 : memref<10240x64xf32, #tpu.memory_space<vmem_shared>>) dst(%arg9 : memref<640x64xf32, #tpu.memory_space<vmem>>)
    %run_scoped3A_792 = arith.constant 2 : i32
    "tpu.region"() ({
      %run_scoped3A_912 = tpu.sem_alloc : memref<!tpu.dma_semaphore, #tpu.memory_space<semaphore_mem>>
      %dma_start3A_913 = arith.constant 0 : i32
      %dma_start3A_914 = tpu.memref_slice %arg8[%run_scoped3A_792, %dma_start3A_913] : memref<4x640xi32, #tpu.memory_space<vmem>> -> memref<1x640xi32, #tpu.memory_space<vmem>>
      %dma_start3A_915 = tpu.memref_squeeze %dma_start3A_914 : memref<1x640xi32, #tpu.memory_space<vmem>> -> memref<640xi32, #tpu.memory_space<vmem>>
      %dma_start3A_916 = arith.constant 0 : i32
      %dma_start3A_917 = arith.constant 0 : i32
      %dma_start3A_918 = tpu.memref_slice %arg11[%dma_start3A_916, %dma_start3A_917] : memref<10240x64xf32, #tpu.memory_space<vmem_shared>> -> memref<10240x64xf32, #tpu.memory_space<vmem_shared>>
      tpu.enqueue_indirect_dma source(%arg9 : memref<640x64xf32, #tpu.memory_space<vmem>>) target(%dma_start3A_918 : memref<10240x64xf32, #tpu.memory_space<vmem_shared>>) offsets(%dma_start3A_915 : memref<640xi32, #tpu.memory_space<vmem>>) semaphore(%run_scoped3A_912 : memref<!tpu.dma_semaphore, #tpu.memory_space<semaphore_mem>>) {add = true}
      %dma_wait3A_919 = arith.constant 0 : i32
      %dma_wait3A_920 = tpu.memref_slice %arg8[%run_scoped3A_792, %dma_wait3A_919] : memref<4x640xi32, #tpu.memory_space<vmem>> -> memref<1x640xi32, #tpu.memory_space<vmem>>
      %dma_wait3A_921 = tpu.memref_squeeze %dma_wait3A_920 : memref<1x640xi32, #tpu.memory_space<vmem>> -> memref<640xi32, #tpu.memory_space<vmem>>
      %dma_wait3A_922 = arith.constant 0 : i32
      %dma_wait3A_923 = arith.constant 0 : i32
      %dma_wait3A_924 = tpu.memref_slice %arg11[%dma_wait3A_922, %dma_wait3A_923] : memref<10240x64xf32, #tpu.memory_space<vmem_shared>> -> memref<10240x64xf32, #tpu.memory_space<vmem_shared>>
      tpu.wait_indirect_dma semaphore(%run_scoped3A_912 : memref<!tpu.dma_semaphore, #tpu.memory_space<semaphore_mem>>) src(%arg9 : memref<640x64xf32, #tpu.memory_space<vmem>>) dst(%dma_wait3A_924 : memref<10240x64xf32, #tpu.memory_space<vmem_shared>>)
      tpu.yield
    }) : () -> ()
    %dma_start3A_793 = arith.constant 0 : i32
    %dma_start3A_794 = arith.constant 3 : i32
    %dma_start3A_795 = arith.constant 0 : i32
    %dma_start3A_796 = tpu.memref_slice %arg7[%dma_start3A_793, %dma_start3A_794, %dma_start3A_795] : memref<2x4x640xi32, #tpu.memory_space<vmem>> -> memref<1x1x640xi32, #tpu.memory_space<vmem>>
    %dma_start3A_797 = tpu.memref_squeeze %dma_start3A_796 : memref<1x1x640xi32, #tpu.memory_space<vmem>> -> memref<640xi32, #tpu.memory_space<vmem>>
    %dma_start3A_798 = arith.constant 0 : i32
    %dma_start3A_799 = arith.constant 0 : i32
    %dma_start3A_800 = tpu.memref_slice %arg10[%dma_start3A_798, %dma_start3A_799] : memref<10240x64xf32, #tpu.memory_space<vmem_shared>> -> memref<10240x64xf32, #tpu.memory_space<vmem_shared>>
    tpu.enqueue_indirect_dma source(%dma_start3A_800 : memref<10240x64xf32, #tpu.memory_space<vmem_shared>>) target(%arg9 : memref<640x64xf32, #tpu.memory_space<vmem>>) offsets(%dma_start3A_797 : memref<640xi32, #tpu.memory_space<vmem>>) semaphore(%arg12 : memref<!tpu.dma_semaphore, #tpu.memory_space<semaphore_mem>>)
    %dma_wait3A_801 = arith.constant 0 : i32
    %dma_wait3A_802 = arith.constant 3 : i32
    %dma_wait3A_803 = arith.constant 0 : i32
    %dma_wait3A_804 = tpu.memref_slice %arg7[%dma_wait3A_801, %dma_wait3A_802, %dma_wait3A_803] : memref<2x4x640xi32, #tpu.memory_space<vmem>> -> memref<1x1x640xi32, #tpu.memory_space<vmem>>
    %dma_wait3A_805 = tpu.memref_squeeze %dma_wait3A_804 : memref<1x1x640xi32, #tpu.memory_space<vmem>> -> memref<640xi32, #tpu.memory_space<vmem>>
    %dma_wait3A_806 = arith.constant 0 : i32
    %dma_wait3A_807 = arith.constant 0 : i32
    %dma_wait3A_808 = tpu.memref_slice %arg10[%dma_wait3A_806, %dma_wait3A_807] : memref<10240x64xf32, #tpu.memory_space<vmem_shared>> -> memref<10240x64xf32, #tpu.memory_space<vmem_shared>>
    tpu.wait_indirect_dma semaphore(%arg12 : memref<!tpu.dma_semaphore, #tpu.memory_space<semaphore_mem>>) src(%dma_wait3A_808 : memref<10240x64xf32, #tpu.memory_space<vmem_shared>>) dst(%arg9 : memref<640x64xf32, #tpu.memory_space<vmem>>)
    %run_scoped3A_809 = arith.constant 3 : i32
    "tpu.region"() ({
      %run_scoped3A_912 = tpu.sem_alloc : memref<!tpu.dma_semaphore, #tpu.memory_space<semaphore_mem>>
      %dma_start3A_913 = arith.constant 0 : i32
      %dma_start3A_914 = tpu.memref_slice %arg8[%run_scoped3A_809, %dma_start3A_913] : memref<4x640xi32, #tpu.memory_space<vmem>> -> memref<1x640xi32, #tpu.memory_space<vmem>>
      %dma_start3A_915 = tpu.memref_squeeze %dma_start3A_914 : memref<1x640xi32, #tpu.memory_space<vmem>> -> memref<640xi32, #tpu.memory_space<vmem>>
      %dma_start3A_916 = arith.constant 0 : i32
      %dma_start3A_917 = arith.constant 0 : i32
      %dma_start3A_918 = tpu.memref_slice %arg11[%dma_start3A_916, %dma_start3A_917] : memref<10240x64xf32, #tpu.memory_space<vmem_shared>> -> memref<10240x64xf32, #tpu.memory_space<vmem_shared>>
      tpu.enqueue_indirect_dma source(%arg9 : memref<640x64xf32, #tpu.memory_space<vmem>>) target(%dma_start3A_918 : memref<10240x64xf32, #tpu.memory_space<vmem_shared>>) offsets(%dma_start3A_915 : memref<640xi32, #tpu.memory_space<vmem>>) semaphore(%run_scoped3A_912 : memref<!tpu.dma_semaphore, #tpu.memory_space<semaphore_mem>>) {add = true}
      %dma_wait3A_919 = arith.constant 0 : i32
      %dma_wait3A_920 = tpu.memref_slice %arg8[%run_scoped3A_809, %dma_wait3A_919] : memref<4x640xi32, #tpu.memory_space<vmem>> -> memref<1x640xi32, #tpu.memory_space<vmem>>
      %dma_wait3A_921 = tpu.memref_squeeze %dma_wait3A_920 : memref<1x640xi32, #tpu.memory_space<vmem>> -> memref<640xi32, #tpu.memory_space<vmem>>
      %dma_wait3A_922 = arith.constant 0 : i32
      %dma_wait3A_923 = arith.constant 0 : i32
      %dma_wait3A_924 = tpu.memref_slice %arg11[%dma_wait3A_922, %dma_wait3A_923] : memref<10240x64xf32, #tpu.memory_space<vmem_shared>> -> memref<10240x64xf32, #tpu.memory_space<vmem_shared>>
      tpu.wait_indirect_dma semaphore(%run_scoped3A_912 : memref<!tpu.dma_semaphore, #tpu.memory_space<semaphore_mem>>) src(%arg9 : memref<640x64xf32, #tpu.memory_space<vmem>>) dst(%dma_wait3A_924 : memref<10240x64xf32, #tpu.memory_space<vmem_shared>>)
      tpu.yield
    }) : () -> ()
    %dma_wait3A_810 = arith.constant 1 : i32
    %dma_wait3A_811 = arith.constant 0 : i32
    %dma_wait3A_812 = arith.constant 0 : i32
    %dma_wait3A_813 = tpu.memref_slice %arg7[%dma_wait3A_810, %dma_wait3A_811, %dma_wait3A_812] : memref<2x4x640xi32, #tpu.memory_space<vmem>> -> memref<1x4x640xi32, #tpu.memory_space<vmem>>
    %dma_wait3A_814 = tpu.memref_squeeze %dma_wait3A_813 : memref<1x4x640xi32, #tpu.memory_space<vmem>> -> memref<4x640xi32, #tpu.memory_space<vmem>>
    %dma_wait3A_815 = arith.constant 28 : i32
    %dma_wait3A_816 = arith.constant 0 : i32
    %dma_wait3A_817 = tpu.memref_slice %arg3[%arg1, %dma_wait3A_815, %dma_wait3A_816] : memref<16x32x640xi32, #tpu.memory_space<hbm>> -> memref<1x4x640xi32, #tpu.memory_space<hbm>>
    %dma_wait3A_818 = tpu.memref_squeeze %dma_wait3A_817 : memref<1x4x640xi32, #tpu.memory_space<hbm>> -> memref<4x640xi32, #tpu.memory_space<hbm>>
    %dma_wait3A_819 = arith.constant 0 : i32
    %dma_wait3A_820 = arith.constant 0 : i32
    %dma_wait3A_821 = tpu.memref_slice %arg7[%dma_wait3A_810, %dma_wait3A_819, %dma_wait3A_820] : memref<2x4x640xi32, #tpu.memory_space<vmem>> -> memref<1x4x640xi32, #tpu.memory_space<vmem>>
    %dma_wait3A_822 = tpu.memref_squeeze %dma_wait3A_821 : memref<1x4x640xi32, #tpu.memory_space<vmem>> -> memref<4x640xi32, #tpu.memory_space<vmem>>
    %dma_wait3A_823 = arith.constant 28 : i32
    %dma_wait3A_824 = arith.constant 0 : i32
    %dma_wait3A_825 = tpu.memref_slice %arg3[%arg1, %dma_wait3A_823, %dma_wait3A_824] : memref<16x32x640xi32, #tpu.memory_space<hbm>> -> memref<1x4x640xi32, #tpu.memory_space<hbm>>
    %dma_wait3A_826 = tpu.memref_squeeze %dma_wait3A_825 : memref<1x4x640xi32, #tpu.memory_space<hbm>> -> memref<4x640xi32, #tpu.memory_space<hbm>>
    tpu.wait_dma2 semaphore(%arg13 : memref<!tpu.dma_semaphore, #tpu.memory_space<semaphore_mem>>) src(%dma_wait3A_826 : memref<4x640xi32, #tpu.memory_space<hbm>>) dst(%dma_wait3A_822 : memref<4x640xi32, #tpu.memory_space<vmem>>)
    %dma_start3A_827 = arith.constant 1 : i32
    %dma_start3A_828 = arith.constant 0 : i32
    %dma_start3A_829 = arith.constant 0 : i32
    %dma_start3A_830 = tpu.memref_slice %arg7[%dma_start3A_827, %dma_start3A_828, %dma_start3A_829] : memref<2x4x640xi32, #tpu.memory_space<vmem>> -> memref<1x1x640xi32, #tpu.memory_space<vmem>>
    %dma_start3A_831 = tpu.memref_squeeze %dma_start3A_830 : memref<1x1x640xi32, #tpu.memory_space<vmem>> -> memref<640xi32, #tpu.memory_space<vmem>>
    %dma_start3A_832 = arith.constant 0 : i32
    %dma_start3A_833 = arith.constant 0 : i32
    %dma_start3A_834 = tpu.memref_slice %arg10[%dma_start3A_832, %dma_start3A_833] : memref<10240x64xf32, #tpu.memory_space<vmem_shared>> -> memref<10240x64xf32, #tpu.memory_space<vmem_shared>>
    tpu.enqueue_indirect_dma source(%dma_start3A_834 : memref<10240x64xf32, #tpu.memory_space<vmem_shared>>) target(%arg9 : memref<640x64xf32, #tpu.memory_space<vmem>>) offsets(%dma_start3A_831 : memref<640xi32, #tpu.memory_space<vmem>>) semaphore(%arg12 : memref<!tpu.dma_semaphore, #tpu.memory_space<semaphore_mem>>)
    %dma_start3A_835 = arith.constant 28 : i32
    %dma_start3A_836 = arith.constant 0 : i32
    %dma_start3A_837 = tpu.memref_slice %arg4[%arg1, %dma_start3A_835, %dma_start3A_836] : memref<16x32x640xi32, #tpu.memory_space<hbm>> -> memref<1x4x640xi32, #tpu.memory_space<hbm>>
    %dma_start3A_838 = tpu.memref_squeeze %dma_start3A_837 : memref<1x4x640xi32, #tpu.memory_space<hbm>> -> memref<4x640xi32, #tpu.memory_space<hbm>>
    %dma_start3A_839 = arith.constant 28 : i32
    %dma_start3A_840 = arith.constant 0 : i32
    %dma_start3A_841 = tpu.memref_slice %arg4[%arg1, %dma_start3A_839, %dma_start3A_840] : memref<16x32x640xi32, #tpu.memory_space<hbm>> -> memref<1x4x640xi32, #tpu.memory_space<hbm>>
    %dma_start3A_842 = tpu.memref_squeeze %dma_start3A_841 : memref<1x4x640xi32, #tpu.memory_space<hbm>> -> memref<4x640xi32, #tpu.memory_space<hbm>>
    tpu.enqueue_dma source(%dma_start3A_842 : memref<4x640xi32, #tpu.memory_space<hbm>>) target(%arg8 : memref<4x640xi32, #tpu.memory_space<vmem>>) target_semaphore(%arg14 : memref<!tpu.dma_semaphore, #tpu.memory_space<semaphore_mem>>)
    %dma_wait3A_843 = arith.constant 1 : i32
    %dma_wait3A_844 = arith.constant 0 : i32
    %dma_wait3A_845 = arith.constant 0 : i32
    %dma_wait3A_846 = tpu.memref_slice %arg7[%dma_wait3A_843, %dma_wait3A_844, %dma_wait3A_845] : memref<2x4x640xi32, #tpu.memory_space<vmem>> -> memref<1x1x640xi32, #tpu.memory_space<vmem>>
    %dma_wait3A_847 = tpu.memref_squeeze %dma_wait3A_846 : memref<1x1x640xi32, #tpu.memory_space<vmem>> -> memref<640xi32, #tpu.memory_space<vmem>>
    %dma_wait3A_848 = arith.constant 0 : i32
    %dma_wait3A_849 = arith.constant 0 : i32
    %dma_wait3A_850 = tpu.memref_slice %arg10[%dma_wait3A_848, %dma_wait3A_849] : memref<10240x64xf32, #tpu.memory_space<vmem_shared>> -> memref<10240x64xf32, #tpu.memory_space<vmem_shared>>
    tpu.wait_indirect_dma semaphore(%arg12 : memref<!tpu.dma_semaphore, #tpu.memory_space<semaphore_mem>>) src(%dma_wait3A_850 : memref<10240x64xf32, #tpu.memory_space<vmem_shared>>) dst(%arg9 : memref<640x64xf32, #tpu.memory_space<vmem>>)
    %dma_wait3A_851 = arith.constant 28 : i32
    %dma_wait3A_852 = arith.constant 0 : i32
    %dma_wait3A_853 = tpu.memref_slice %arg4[%arg1, %dma_wait3A_851, %dma_wait3A_852] : memref<16x32x640xi32, #tpu.memory_space<hbm>> -> memref<1x4x640xi32, #tpu.memory_space<hbm>>
    %dma_wait3A_854 = tpu.memref_squeeze %dma_wait3A_853 : memref<1x4x640xi32, #tpu.memory_space<hbm>> -> memref<4x640xi32, #tpu.memory_space<hbm>>
    %dma_wait3A_855 = arith.constant 28 : i32
    %dma_wait3A_856 = arith.constant 0 : i32
    %dma_wait3A_857 = tpu.memref_slice %arg4[%arg1, %dma_wait3A_855, %dma_wait3A_856] : memref<16x32x640xi32, #tpu.memory_space<hbm>> -> memref<1x4x640xi32, #tpu.memory_space<hbm>>
    %dma_wait3A_858 = tpu.memref_squeeze %dma_wait3A_857 : memref<1x4x640xi32, #tpu.memory_space<hbm>> -> memref<4x640xi32, #tpu.memory_space<hbm>>
    tpu.wait_dma2 semaphore(%arg14 : memref<!tpu.dma_semaphore, #tpu.memory_space<semaphore_mem>>) src(%dma_wait3A_858 : memref<4x640xi32, #tpu.memory_space<hbm>>) dst(%arg8 : memref<4x640xi32, #tpu.memory_space<vmem>>)
    %run_scoped3A_859 = arith.constant 0 : i32
    "tpu.region"() ({
      %run_scoped3A_912 = tpu.sem_alloc : memref<!tpu.dma_semaphore, #tpu.memory_space<semaphore_mem>>
      %dma_start3A_913 = arith.constant 0 : i32
      %dma_start3A_914 = tpu.memref_slice %arg8[%run_scoped3A_859, %dma_start3A_913] : memref<4x640xi32, #tpu.memory_space<vmem>> -> memref<1x640xi32, #tpu.memory_space<vmem>>
      %dma_start3A_915 = tpu.memref_squeeze %dma_start3A_914 : memref<1x640xi32, #tpu.memory_space<vmem>> -> memref<640xi32, #tpu.memory_space<vmem>>
      %dma_start3A_916 = arith.constant 0 : i32
      %dma_start3A_917 = arith.constant 0 : i32
      %dma_start3A_918 = tpu.memref_slice %arg11[%dma_start3A_916, %dma_start3A_917] : memref<10240x64xf32, #tpu.memory_space<vmem_shared>> -> memref<10240x64xf32, #tpu.memory_space<vmem_shared>>
      tpu.enqueue_indirect_dma source(%arg9 : memref<640x64xf32, #tpu.memory_space<vmem>>) target(%dma_start3A_918 : memref<10240x64xf32, #tpu.memory_space<vmem_shared>>) offsets(%dma_start3A_915 : memref<640xi32, #tpu.memory_space<vmem>>) semaphore(%run_scoped3A_912 : memref<!tpu.dma_semaphore, #tpu.memory_space<semaphore_mem>>) {add = true}
      %dma_wait3A_919 = arith.constant 0 : i32
      %dma_wait3A_920 = tpu.memref_slice %arg8[%run_scoped3A_859, %dma_wait3A_919] : memref<4x640xi32, #tpu.memory_space<vmem>> -> memref<1x640xi32, #tpu.memory_space<vmem>>
      %dma_wait3A_921 = tpu.memref_squeeze %dma_wait3A_920 : memref<1x640xi32, #tpu.memory_space<vmem>> -> memref<640xi32, #tpu.memory_space<vmem>>
      %dma_wait3A_922 = arith.constant 0 : i32
      %dma_wait3A_923 = arith.constant 0 : i32
      %dma_wait3A_924 = tpu.memref_slice %arg11[%dma_wait3A_922, %dma_wait3A_923] : memref<10240x64xf32, #tpu.memory_space<vmem_shared>> -> memref<10240x64xf32, #tpu.memory_space<vmem_shared>>
      tpu.wait_indirect_dma semaphore(%run_scoped3A_912 : memref<!tpu.dma_semaphore, #tpu.memory_space<semaphore_mem>>) src(%arg9 : memref<640x64xf32, #tpu.memory_space<vmem>>) dst(%dma_wait3A_924 : memref<10240x64xf32, #tpu.memory_space<vmem_shared>>)
      tpu.yield
    }) : () -> ()
    %dma_start3A_860 = arith.constant 1 : i32
    %dma_start3A_861 = arith.constant 1 : i32
    %dma_start3A_862 = arith.constant 0 : i32
    %dma_start3A_863 = tpu.memref_slice %arg7[%dma_start3A_860, %dma_start3A_861, %dma_start3A_862] : memref<2x4x640xi32, #tpu.memory_space<vmem>> -> memref<1x1x640xi32, #tpu.memory_space<vmem>>
    %dma_start3A_864 = tpu.memref_squeeze %dma_start3A_863 : memref<1x1x640xi32, #tpu.memory_space<vmem>> -> memref<640xi32, #tpu.memory_space<vmem>>
    %dma_start3A_865 = arith.constant 0 : i32
    %dma_start3A_866 = arith.constant 0 : i32
    %dma_start3A_867 = tpu.memref_slice %arg10[%dma_start3A_865, %dma_start3A_866] : memref<10240x64xf32, #tpu.memory_space<vmem_shared>> -> memref<10240x64xf32, #tpu.memory_space<vmem_shared>>
    tpu.enqueue_indirect_dma source(%dma_start3A_867 : memref<10240x64xf32, #tpu.memory_space<vmem_shared>>) target(%arg9 : memref<640x64xf32, #tpu.memory_space<vmem>>) offsets(%dma_start3A_864 : memref<640xi32, #tpu.memory_space<vmem>>) semaphore(%arg12 : memref<!tpu.dma_semaphore, #tpu.memory_space<semaphore_mem>>)
    %dma_wait3A_868 = arith.constant 1 : i32
    %dma_wait3A_869 = arith.constant 1 : i32
    %dma_wait3A_870 = arith.constant 0 : i32
    %dma_wait3A_871 = tpu.memref_slice %arg7[%dma_wait3A_868, %dma_wait3A_869, %dma_wait3A_870] : memref<2x4x640xi32, #tpu.memory_space<vmem>> -> memref<1x1x640xi32, #tpu.memory_space<vmem>>
    %dma_wait3A_872 = tpu.memref_squeeze %dma_wait3A_871 : memref<1x1x640xi32, #tpu.memory_space<vmem>> -> memref<640xi32, #tpu.memory_space<vmem>>
    %dma_wait3A_873 = arith.constant 0 : i32
    %dma_wait3A_874 = arith.constant 0 : i32
    %dma_wait3A_875 = tpu.memref_slice %arg10[%dma_wait3A_873, %dma_wait3A_874] : memref<10240x64xf32, #tpu.memory_space<vmem_shared>> -> memref<10240x64xf32, #tpu.memory_space<vmem_shared>>
    tpu.wait_indirect_dma semaphore(%arg12 : memref<!tpu.dma_semaphore, #tpu.memory_space<semaphore_mem>>) src(%dma_wait3A_875 : memref<10240x64xf32, #tpu.memory_space<vmem_shared>>) dst(%arg9 : memref<640x64xf32, #tpu.memory_space<vmem>>)
    %run_scoped3A_876 = arith.constant 1 : i32
    "tpu.region"() ({
      %run_scoped3A_912 = tpu.sem_alloc : memref<!tpu.dma_semaphore, #tpu.memory_space<semaphore_mem>>
      %dma_start3A_913 = arith.constant 0 : i32
      %dma_start3A_914 = tpu.memref_slice %arg8[%run_scoped3A_876, %dma_start3A_913] : memref<4x640xi32, #tpu.memory_space<vmem>> -> memref<1x640xi32, #tpu.memory_space<vmem>>
      %dma_start3A_915 = tpu.memref_squeeze %dma_start3A_914 : memref<1x640xi32, #tpu.memory_space<vmem>> -> memref<640xi32, #tpu.memory_space<vmem>>
      %dma_start3A_916 = arith.constant 0 : i32
      %dma_start3A_917 = arith.constant 0 : i32
      %dma_start3A_918 = tpu.memref_slice %arg11[%dma_start3A_916, %dma_start3A_917] : memref<10240x64xf32, #tpu.memory_space<vmem_shared>> -> memref<10240x64xf32, #tpu.memory_space<vmem_shared>>
      tpu.enqueue_indirect_dma source(%arg9 : memref<640x64xf32, #tpu.memory_space<vmem>>) target(%dma_start3A_918 : memref<10240x64xf32, #tpu.memory_space<vmem_shared>>) offsets(%dma_start3A_915 : memref<640xi32, #tpu.memory_space<vmem>>) semaphore(%run_scoped3A_912 : memref<!tpu.dma_semaphore, #tpu.memory_space<semaphore_mem>>) {add = true}
      %dma_wait3A_919 = arith.constant 0 : i32
      %dma_wait3A_920 = tpu.memref_slice %arg8[%run_scoped3A_876, %dma_wait3A_919] : memref<4x640xi32, #tpu.memory_space<vmem>> -> memref<1x640xi32, #tpu.memory_space<vmem>>
      %dma_wait3A_921 = tpu.memref_squeeze %dma_wait3A_920 : memref<1x640xi32, #tpu.memory_space<vmem>> -> memref<640xi32, #tpu.memory_space<vmem>>
      %dma_wait3A_922 = arith.constant 0 : i32
      %dma_wait3A_923 = arith.constant 0 : i32
      %dma_wait3A_924 = tpu.memref_slice %arg11[%dma_wait3A_922, %dma_wait3A_923] : memref<10240x64xf32, #tpu.memory_space<vmem_shared>> -> memref<10240x64xf32, #tpu.memory_space<vmem_shared>>
      tpu.wait_indirect_dma semaphore(%run_scoped3A_912 : memref<!tpu.dma_semaphore, #tpu.memory_space<semaphore_mem>>) src(%arg9 : memref<640x64xf32, #tpu.memory_space<vmem>>) dst(%dma_wait3A_924 : memref<10240x64xf32, #tpu.memory_space<vmem_shared>>)
      tpu.yield
    }) : () -> ()
    %dma_start3A_877 = arith.constant 1 : i32
    %dma_start3A_878 = arith.constant 2 : i32
    %dma_start3A_879 = arith.constant 0 : i32
    %dma_start3A_880 = tpu.memref_slice %arg7[%dma_start3A_877, %dma_start3A_878, %dma_start3A_879] : memref<2x4x640xi32, #tpu.memory_space<vmem>> -> memref<1x1x640xi32, #tpu.memory_space<vmem>>
    %dma_start3A_881 = tpu.memref_squeeze %dma_start3A_880 : memref<1x1x640xi32, #tpu.memory_space<vmem>> -> memref<640xi32, #tpu.memory_space<vmem>>
    %dma_start3A_882 = arith.constant 0 : i32
    %dma_start3A_883 = arith.constant 0 : i32
    %dma_start3A_884 = tpu.memref_slice %arg10[%dma_start3A_882, %dma_start3A_883] : memref<10240x64xf32, #tpu.memory_space<vmem_shared>> -> memref<10240x64xf32, #tpu.memory_space<vmem_shared>>
    tpu.enqueue_indirect_dma source(%dma_start3A_884 : memref<10240x64xf32, #tpu.memory_space<vmem_shared>>) target(%arg9 : memref<640x64xf32, #tpu.memory_space<vmem>>) offsets(%dma_start3A_881 : memref<640xi32, #tpu.memory_space<vmem>>) semaphore(%arg12 : memref<!tpu.dma_semaphore, #tpu.memory_space<semaphore_mem>>)
    %dma_wait3A_885 = arith.constant 1 : i32
    %dma_wait3A_886 = arith.constant 2 : i32
    %dma_wait3A_887 = arith.constant 0 : i32
    %dma_wait3A_888 = tpu.memref_slice %arg7[%dma_wait3A_885, %dma_wait3A_886, %dma_wait3A_887] : memref<2x4x640xi32, #tpu.memory_space<vmem>> -> memref<1x1x640xi32, #tpu.memory_space<vmem>>
    %dma_wait3A_889 = tpu.memref_squeeze %dma_wait3A_888 : memref<1x1x640xi32, #tpu.memory_space<vmem>> -> memref<640xi32, #tpu.memory_space<vmem>>
    %dma_wait3A_890 = arith.constant 0 : i32
    %dma_wait3A_891 = arith.constant 0 : i32
    %dma_wait3A_892 = tpu.memref_slice %arg10[%dma_wait3A_890, %dma_wait3A_891] : memref<10240x64xf32, #tpu.memory_space<vmem_shared>> -> memref<10240x64xf32, #tpu.memory_space<vmem_shared>>
    tpu.wait_indirect_dma semaphore(%arg12 : memref<!tpu.dma_semaphore, #tpu.memory_space<semaphore_mem>>) src(%dma_wait3A_892 : memref<10240x64xf32, #tpu.memory_space<vmem_shared>>) dst(%arg9 : memref<640x64xf32, #tpu.memory_space<vmem>>)
    %run_scoped3A_893 = arith.constant 2 : i32
    "tpu.region"() ({
      %run_scoped3A_912 = tpu.sem_alloc : memref<!tpu.dma_semaphore, #tpu.memory_space<semaphore_mem>>
      %dma_start3A_913 = arith.constant 0 : i32
      %dma_start3A_914 = tpu.memref_slice %arg8[%run_scoped3A_893, %dma_start3A_913] : memref<4x640xi32, #tpu.memory_space<vmem>> -> memref<1x640xi32, #tpu.memory_space<vmem>>
      %dma_start3A_915 = tpu.memref_squeeze %dma_start3A_914 : memref<1x640xi32, #tpu.memory_space<vmem>> -> memref<640xi32, #tpu.memory_space<vmem>>
      %dma_start3A_916 = arith.constant 0 : i32
      %dma_start3A_917 = arith.constant 0 : i32
      %dma_start3A_918 = tpu.memref_slice %arg11[%dma_start3A_916, %dma_start3A_917] : memref<10240x64xf32, #tpu.memory_space<vmem_shared>> -> memref<10240x64xf32, #tpu.memory_space<vmem_shared>>
      tpu.enqueue_indirect_dma source(%arg9 : memref<640x64xf32, #tpu.memory_space<vmem>>) target(%dma_start3A_918 : memref<10240x64xf32, #tpu.memory_space<vmem_shared>>) offsets(%dma_start3A_915 : memref<640xi32, #tpu.memory_space<vmem>>) semaphore(%run_scoped3A_912 : memref<!tpu.dma_semaphore, #tpu.memory_space<semaphore_mem>>) {add = true}
      %dma_wait3A_919 = arith.constant 0 : i32
      %dma_wait3A_920 = tpu.memref_slice %arg8[%run_scoped3A_893, %dma_wait3A_919] : memref<4x640xi32, #tpu.memory_space<vmem>> -> memref<1x640xi32, #tpu.memory_space<vmem>>
      %dma_wait3A_921 = tpu.memref_squeeze %dma_wait3A_920 : memref<1x640xi32, #tpu.memory_space<vmem>> -> memref<640xi32, #tpu.memory_space<vmem>>
      %dma_wait3A_922 = arith.constant 0 : i32
      %dma_wait3A_923 = arith.constant 0 : i32
      %dma_wait3A_924 = tpu.memref_slice %arg11[%dma_wait3A_922, %dma_wait3A_923] : memref<10240x64xf32, #tpu.memory_space<vmem_shared>> -> memref<10240x64xf32, #tpu.memory_space<vmem_shared>>
      tpu.wait_indirect_dma semaphore(%run_scoped3A_912 : memref<!tpu.dma_semaphore, #tpu.memory_space<semaphore_mem>>) src(%arg9 : memref<640x64xf32, #tpu.memory_space<vmem>>) dst(%dma_wait3A_924 : memref<10240x64xf32, #tpu.memory_space<vmem_shared>>)
      tpu.yield
    }) : () -> ()
    %dma_start3A_894 = arith.constant 1 : i32
    %dma_start3A_895 = arith.constant 3 : i32
    %dma_start3A_896 = arith.constant 0 : i32
    %dma_start3A_897 = tpu.memref_slice %arg7[%dma_start3A_894, %dma_start3A_895, %dma_start3A_896] : memref<2x4x640xi32, #tpu.memory_space<vmem>> -> memref<1x1x640xi32, #tpu.memory_space<vmem>>
    %dma_start3A_898 = tpu.memref_squeeze %dma_start3A_897 : memref<1x1x640xi32, #tpu.memory_space<vmem>> -> memref<640xi32, #tpu.memory_space<vmem>>
    %dma_start3A_899 = arith.constant 0 : i32
    %dma_start3A_900 = arith.constant 0 : i32
    %dma_start3A_901 = tpu.memref_slice %arg10[%dma_start3A_899, %dma_start3A_900] : memref<10240x64xf32, #tpu.memory_space<vmem_shared>> -> memref<10240x64xf32, #tpu.memory_space<vmem_shared>>
    tpu.enqueue_indirect_dma source(%dma_start3A_901 : memref<10240x64xf32, #tpu.memory_space<vmem_shared>>) target(%arg9 : memref<640x64xf32, #tpu.memory_space<vmem>>) offsets(%dma_start3A_898 : memref<640xi32, #tpu.memory_space<vmem>>) semaphore(%arg12 : memref<!tpu.dma_semaphore, #tpu.memory_space<semaphore_mem>>)
    %dma_wait3A_902 = arith.constant 1 : i32
    %dma_wait3A_903 = arith.constant 3 : i32
    %dma_wait3A_904 = arith.constant 0 : i32
    %dma_wait3A_905 = tpu.memref_slice %arg7[%dma_wait3A_902, %dma_wait3A_903, %dma_wait3A_904] : memref<2x4x640xi32, #tpu.memory_space<vmem>> -> memref<1x1x640xi32, #tpu.memory_space<vmem>>
    %dma_wait3A_906 = tpu.memref_squeeze %dma_wait3A_905 : memref<1x1x640xi32, #tpu.memory_space<vmem>> -> memref<640xi32, #tpu.memory_space<vmem>>
    %dma_wait3A_907 = arith.constant 0 : i32
    %dma_wait3A_908 = arith.constant 0 : i32
    %dma_wait3A_909 = tpu.memref_slice %arg10[%dma_wait3A_907, %dma_wait3A_908] : memref<10240x64xf32, #tpu.memory_space<vmem_shared>> -> memref<10240x64xf32, #tpu.memory_space<vmem_shared>>
    tpu.wait_indirect_dma semaphore(%arg12 : memref<!tpu.dma_semaphore, #tpu.memory_space<semaphore_mem>>) src(%dma_wait3A_909 : memref<10240x64xf32, #tpu.memory_space<vmem_shared>>) dst(%arg9 : memref<640x64xf32, #tpu.memory_space<vmem>>)
    %run_scoped3A_910 = arith.constant 3 : i32
    "tpu.region"() ({
      %run_scoped3A_912 = tpu.sem_alloc : memref<!tpu.dma_semaphore, #tpu.memory_space<semaphore_mem>>
      %dma_start3A_913 = arith.constant 0 : i32
      %dma_start3A_914 = tpu.memref_slice %arg8[%run_scoped3A_910, %dma_start3A_913] : memref<4x640xi32, #tpu.memory_space<vmem>> -> memref<1x640xi32, #tpu.memory_space<vmem>>
      %dma_start3A_915 = tpu.memref_squeeze %dma_start3A_914 : memref<1x640xi32, #tpu.memory_space<vmem>> -> memref<640xi32, #tpu.memory_space<vmem>>
      %dma_start3A_916 = arith.constant 0 : i32
      %dma_start3A_917 = arith.constant 0 : i32
      %dma_start3A_918 = tpu.memref_slice %arg11[%dma_start3A_916, %dma_start3A_917] : memref<10240x64xf32, #tpu.memory_space<vmem_shared>> -> memref<10240x64xf32, #tpu.memory_space<vmem_shared>>
      tpu.enqueue_indirect_dma source(%arg9 : memref<640x64xf32, #tpu.memory_space<vmem>>) target(%dma_start3A_918 : memref<10240x64xf32, #tpu.memory_space<vmem_shared>>) offsets(%dma_start3A_915 : memref<640xi32, #tpu.memory_space<vmem>>) semaphore(%run_scoped3A_912 : memref<!tpu.dma_semaphore, #tpu.memory_space<semaphore_mem>>) {add = true}
      %dma_wait3A_919 = arith.constant 0 : i32
      %dma_wait3A_920 = tpu.memref_slice %arg8[%run_scoped3A_910, %dma_wait3A_919] : memref<4x640xi32, #tpu.memory_space<vmem>> -> memref<1x640xi32, #tpu.memory_space<vmem>>
      %dma_wait3A_921 = tpu.memref_squeeze %dma_wait3A_920 : memref<1x640xi32, #tpu.memory_space<vmem>> -> memref<640xi32, #tpu.memory_space<vmem>>
      %dma_wait3A_922 = arith.constant 0 : i32
      %dma_wait3A_923 = arith.constant 0 : i32
      %dma_wait3A_924 = tpu.memref_slice %arg11[%dma_wait3A_922, %dma_wait3A_923] : memref<10240x64xf32, #tpu.memory_space<vmem_shared>> -> memref<10240x64xf32, #tpu.memory_space<vmem_shared>>
      tpu.wait_indirect_dma semaphore(%run_scoped3A_912 : memref<!tpu.dma_semaphore, #tpu.memory_space<semaphore_mem>>) src(%arg9 : memref<640x64xf32, #tpu.memory_space<vmem>>) dst(%dma_wait3A_924 : memref<10240x64xf32, #tpu.memory_space<vmem_shared>>)
      tpu.yield
    }) : () -> ()
    %barrier3A_911 = arith.constant 0 : index
    tpu.barrier barrier_id(%barrier3A_911)
    "tpu.region"() ({
      %run_scoped3A_912 = tpu.sem_alloc : memref<!tpu.dma_semaphore, #tpu.memory_space<semaphore_mem>>
      %dma_start3A_913 = arith.constant 0 : i32
      %dma_start3A_914 = tpu.memref_slice %arg6[%arg0, %mul3A_0, %dma_start3A_913] : memref<2x10240x64xf32, #tpu.memory_space<hbm>> -> memref<1x640x64xf32, #tpu.memory_space<hbm>>
      %dma_start3A_915 = tpu.memref_squeeze %dma_start3A_914 : memref<1x640x64xf32, #tpu.memory_space<hbm>> -> memref<640x64xf32, #tpu.memory_space<hbm>>
      %dma_start3A_916 = arith.constant 0 : i32
      %dma_start3A_917 = tpu.memref_slice %arg11[%mul3A_0, %dma_start3A_916] : memref<10240x64xf32, #tpu.memory_space<vmem_shared>> -> memref<640x64xf32, #tpu.memory_space<vmem_shared>>
      tpu.enqueue_dma source(%dma_start3A_917 : memref<640x64xf32, #tpu.memory_space<vmem_shared>>) target(%dma_start3A_915 : memref<640x64xf32, #tpu.memory_space<hbm>>) target_semaphore(%run_scoped3A_912 : memref<!tpu.dma_semaphore, #tpu.memory_space<semaphore_mem>>)
      %dma_wait3A_918 = arith.constant 0 : i32
      %dma_wait3A_919 = tpu.memref_slice %arg6[%arg0, %mul3A_0, %dma_wait3A_918] : memref<2x10240x64xf32, #tpu.memory_space<hbm>> -> memref<1x640x64xf32, #tpu.memory_space<hbm>>
      %dma_wait3A_920 = tpu.memref_squeeze %dma_wait3A_919 : memref<1x640x64xf32, #tpu.memory_space<hbm>> -> memref<640x64xf32, #tpu.memory_space<hbm>>
      %dma_wait3A_921 = arith.constant 0 : i32
      %dma_wait3A_922 = tpu.memref_slice %arg11[%mul3A_0, %dma_wait3A_921] : memref<10240x64xf32, #tpu.memory_space<vmem_shared>> -> memref<640x64xf32, #tpu.memory_space<vmem_shared>>
      tpu.wait_dma2 semaphore(%run_scoped3A_912 : memref<!tpu.dma_semaphore, #tpu.memory_space<semaphore_mem>>) src(%dma_wait3A_922 : memref<640x64xf32, #tpu.memory_space<vmem_shared>>) dst(%dma_wait3A_920 : memref<640x64xf32, #tpu.memory_space<hbm>>)
      tpu.yield
    }) : () -> ()
    return
  }
}

#map = affine_map<(d0, d1) -> (0, 0)>
#map1 = affine_map<(d0, d1) -> (0, 0, 0)>
module attributes {stable_mosaic.version = 14 : i64} {
  func.func @_sc_aggregate(%arg0: i32, %arg1: i32, %arg2: memref<10240x128xf32, #tpu.memory_space<hbm>>, %arg3: memref<16x32x640xi32, #tpu.memory_space<hbm>>, %arg4: memref<16x32x640xi32, #tpu.memory_space<hbm>>, %arg5: memref<640x64xf32, #tpu.memory_space<hbm>>, %arg6: memref<2x10240x64xf32, #tpu.memory_space<hbm>>, %arg7: memref<2x4x640xi32, #tpu.memory_space<vmem>>, %arg8: memref<4x640xi32, #tpu.memory_space<vmem>>, %arg9: memref<640x64xf32, #tpu.memory_space<vmem>>, %arg10: memref<10240x64xf32, #tpu.memory_space<vmem_shared>>, %arg11: memref<10240x64xf32, #tpu.memory_space<vmem_shared>>, %arg12: memref<!tpu.dma_semaphore, #tpu.memory_space<semaphore_mem>>, %arg13: memref<!tpu.dma_semaphore, #tpu.memory_space<semaphore_mem>>, %arg14: memref<!tpu.dma_semaphore, #tpu.memory_space<semaphore_mem>>) attributes {dimension_semantics = [#tpu.dimension_semantics<core_parallel>, #tpu.dimension_semantics<subcore_parallel>], iteration_bounds = array<i64: 2, 16>, scalar_prefetch = 0 : i64, scratch_operands = 8 : i64, tpu.core_type = #tpu.core_type<sc_vector_subcore>, window_params = [{transform_indices = #map}, {transform_indices = #map1}, {transform_indices = #map1}, {transform_indices = #map}, {transform_indices = #map1}]} {
    %mul3A = arith.constant 640 : i32
    %mul3A_0 = arith.muli %arg1, %mul3A : i32
    %mul3A_1 = arith.constant 64 : i32
    %mul3A_2 = arith.muli %arg0, %mul3A_1 : i32
    "tpu.region"() ({
      %run_scoped3A_912 = tpu.sem_alloc : memref<!tpu.dma_semaphore, #tpu.memory_space<semaphore_mem>>
      %dma_start3A_913 = arith.constant 0 : i32
      %dma_start3A_914 = tpu.memref_slice %arg10[%mul3A_0, %dma_start3A_913] : memref<10240x64xf32, #tpu.memory_space<vmem_shared>> -> memref<640x64xf32, #tpu.memory_space<vmem_shared>>
      %dma_start3A_915 = tpu.memref_slice %arg2[%mul3A_0, %mul3A_2] : memref<10240x128xf32, #tpu.memory_space<hbm>> -> memref<640x64xf32, #tpu.memory_space<hbm>>
      tpu.enqueue_dma source(%dma_start3A_915 : memref<640x64xf32, #tpu.memory_space<hbm>>) target(%dma_start3A_914 : memref<640x64xf32, #tpu.memory_space<vmem_shared>>) target_semaphore(%run_scoped3A_912 : memref<!tpu.dma_semaphore, #tpu.memory_space<semaphore_mem>>)
      %dma_wait3A_916 = arith.constant 0 : i32
      %dma_wait3A_917 = tpu.memref_slice %arg10[%mul3A_0, %dma_wait3A_916] : memref<10240x64xf32, #tpu.memory_space<vmem_shared>> -> memref<640x64xf32, #tpu.memory_space<vmem_shared>>
      %dma_wait3A_918 = tpu.memref_slice %arg2[%mul3A_0, %mul3A_2] : memref<10240x128xf32, #tpu.memory_space<hbm>> -> memref<640x64xf32, #tpu.memory_space<hbm>>
      tpu.wait_dma2 semaphore(%run_scoped3A_912 : memref<!tpu.dma_semaphore, #tpu.memory_space<semaphore_mem>>) src(%dma_wait3A_918 : memref<640x64xf32, #tpu.memory_space<hbm>>) dst(%dma_wait3A_917 : memref<640x64xf32, #tpu.memory_space<vmem_shared>>)
      tpu.yield
    }) : () -> ()
    "tpu.region"() ({
      %run_scoped3A_912 = tpu.sem_alloc : memref<!tpu.dma_semaphore, #tpu.memory_space<semaphore_mem>>
      %dma_start3A_913 = arith.constant 0 : i32
      %dma_start3A_914 = tpu.memref_slice %arg11[%mul3A_0, %dma_start3A_913] : memref<10240x64xf32, #tpu.memory_space<vmem_shared>> -> memref<640x64xf32, #tpu.memory_space<vmem_shared>>
      tpu.enqueue_dma source(%arg5 : memref<640x64xf32, #tpu.memory_space<hbm>>) target(%dma_start3A_914 : memref<640x64xf32, #tpu.memory_space<vmem_shared>>) target_semaphore(%run_scoped3A_912 : memref<!tpu.dma_semaphore, #tpu.memory_space<semaphore_mem>>)
      %dma_wait3A_915 = arith.constant 0 : i32
      %dma_wait3A_916 = tpu.memref_slice %arg11[%mul3A_0, %dma_wait3A_915] : memref<10240x64xf32, #tpu.memory_space<vmem_shared>> -> memref<640x64xf32, #tpu.memory_space<vmem_shared>>
      tpu.wait_dma2 semaphore(%run_scoped3A_912 : memref<!tpu.dma_semaphore, #tpu.memory_space<semaphore_mem>>) src(%arg5 : memref<640x64xf32, #tpu.memory_space<hbm>>) dst(%dma_wait3A_916 : memref<640x64xf32, #tpu.memory_space<vmem_shared>>)
      tpu.yield
    }) : () -> ()
    %barrier3A = arith.constant 0 : index
    tpu.barrier barrier_id(%barrier3A)
    %run_scoped3A = arith.constant 0 : i32
    "tpu.region"() ({
      %run_scoped3A_912 = tpu.sem_alloc : memref<!tpu.dma_semaphore, #tpu.memory_space<semaphore_mem>>
      %dma_start3A_913 = arith.constant 0 : i32
      %dma_start3A_914 = arith.constant 0 : i32
      %dma_start3A_915 = tpu.memref_slice %arg7[%run_scoped3A, %dma_start3A_913, %dma_start3A_914] : memref<2x4x640xi32, #tpu.memory_space<vmem>> -> memref<1x4x640xi32, #tpu.memory_space<vmem>>
      %dma_start3A_916 = tpu.memref_squeeze %dma_start3A_915 : memref<1x4x640xi32, #tpu.memory_space<vmem>> -> memref<4x640xi32, #tpu.memory_space<vmem>>
      %dma_start3A_917 = arith.constant 0 : i32
      %dma_start3A_918 = arith.constant 0 : i32
      %dma_start3A_919 = tpu.memref_slice %arg3[%arg1, %dma_start3A_917, %dma_start3A_918] : memref<16x32x640xi32, #tpu.memory_space<hbm>> -> memref<1x4x640xi32, #tpu.memory_space<hbm>>
      %dma_start3A_920 = tpu.memref_squeeze %dma_start3A_919 : memref<1x4x640xi32, #tpu.memory_space<hbm>> -> memref<4x640xi32, #tpu.memory_space<hbm>>
      %dma_start3A_921 = arith.constant 0 : i32
      %dma_start3A_922 = arith.constant 0 : i32
      %dma_start3A_923 = tpu.memref_slice %arg7[%run_scoped3A, %dma_start3A_921, %dma_start3A_922] : memref<2x4x640xi32, #tpu.memory_space<vmem>> -> memref<1x4x640xi32, #tpu.memory_space<vmem>>
      %dma_start3A_924 = tpu.memref_squeeze %dma_start3A_923 : memref<1x4x640xi32, #tpu.memory_space<vmem>> -> memref<4x640xi32, #tpu.memory_space<vmem>>
      %dma_start3A_925 = arith.constant 0 : i32
      %dma_start3A_926 = arith.constant 0 : i32
      %dma_start3A_927 = tpu.memref_slice %arg3[%arg1, %dma_start3A_925, %dma_start3A_926] : memref<16x32x640xi32, #tpu.memory_space<hbm>> -> memref<1x4x640xi32, #tpu.memory_space<hbm>>
      %dma_start3A_928 = tpu.memref_squeeze %dma_start3A_927 : memref<1x4x640xi32, #tpu.memory_space<hbm>> -> memref<4x640xi32, #tpu.memory_space<hbm>>
      tpu.enqueue_dma source(%dma_start3A_928 : memref<4x640xi32, #tpu.memory_space<hbm>>) target(%dma_start3A_924 : memref<4x640xi32, #tpu.memory_space<vmem>>) target_semaphore(%run_scoped3A_912 : memref<!tpu.dma_semaphore, #tpu.memory_space<semaphore_mem>>)
      %dma_wait3A_929 = arith.constant 0 : i32
      %dma_wait3A_930 = arith.constant 0 : i32
      %dma_wait3A_931 = tpu.memref_slice %arg7[%run_scoped3A, %dma_wait3A_929, %dma_wait3A_930] : memref<2x4x640xi32, #tpu.memory_space<vmem>> -> memref<1x4x640xi32, #tpu.memory_space<vmem>>
      %dma_wait3A_932 = tpu.memref_squeeze %dma_wait3A_931 : memref<1x4x640xi32, #tpu.memory_space<vmem>> -> memref<4x640xi32, #tpu.memory_space<vmem>>
      %dma_wait3A_933 = arith.constant 0 : i32
      %dma_wait3A_934 = arith.constant 0 : i32
      %dma_wait3A_935 = tpu.memref_slice %arg3[%arg1, %dma_wait3A_933, %dma_wait3A_934] : memref<16x32x640xi32, #tpu.memory_space<hbm>> -> memref<1x4x640xi32, #tpu.memory_space<hbm>>
      %dma_wait3A_936 = tpu.memref_squeeze %dma_wait3A_935 : memref<1x4x640xi32, #tpu.memory_space<hbm>> -> memref<4x640xi32, #tpu.memory_space<hbm>>
      %dma_wait3A_937 = arith.constant 0 : i32
      %dma_wait3A_938 = arith.constant 0 : i32
      %dma_wait3A_939 = tpu.memref_slice %arg7[%run_scoped3A, %dma_wait3A_937, %dma_wait3A_938] : memref<2x4x640xi32, #tpu.memory_space<vmem>> -> memref<1x4x640xi32, #tpu.memory_space<vmem>>
      %dma_wait3A_940 = tpu.memref_squeeze %dma_wait3A_939 : memref<1x4x640xi32, #tpu.memory_space<vmem>> -> memref<4x640xi32, #tpu.memory_space<vmem>>
      %dma_wait3A_941 = arith.constant 0 : i32
      %dma_wait3A_942 = arith.constant 0 : i32
      %dma_wait3A_943 = tpu.memref_slice %arg3[%arg1, %dma_wait3A_941, %dma_wait3A_942] : memref<16x32x640xi32, #tpu.memory_space<hbm>> -> memref<1x4x640xi32, #tpu.memory_space<hbm>>
      %dma_wait3A_944 = tpu.memref_squeeze %dma_wait3A_943 : memref<1x4x640xi32, #tpu.memory_space<hbm>> -> memref<4x640xi32, #tpu.memory_space<hbm>>
      tpu.wait_dma2 semaphore(%run_scoped3A_912 : memref<!tpu.dma_semaphore, #tpu.memory_space<semaphore_mem>>) src(%dma_wait3A_944 : memref<4x640xi32, #tpu.memory_space<hbm>>) dst(%dma_wait3A_940 : memref<4x640xi32, #tpu.memory_space<vmem>>)
      tpu.yield
    }) : () -> ()
    %dma_start3A = arith.constant 1 : i32
    %dma_start3A_3 = arith.constant 0 : i32
    %dma_start3A_4 = arith.constant 0 : i32
    %dma_start3A_5 = tpu.memref_slice %arg7[%dma_start3A, %dma_start3A_3, %dma_start3A_4] : memref<2x4x640xi32, #tpu.memory_space<vmem>> -> memref<1x4x640xi32, #tpu.memory_space<vmem>>
    %dma_start3A_6 = tpu.memref_squeeze %dma_start3A_5 : memref<1x4x640xi32, #tpu.memory_space<vmem>> -> memref<4x640xi32, #tpu.memory_space<vmem>>
    %dma_start3A_7 = arith.constant 4 : i32
    %dma_start3A_8 = arith.constant 0 : i32
    %dma_start3A_9 = tpu.memref_slice %arg3[%arg1, %dma_start3A_7, %dma_start3A_8] : memref<16x32x640xi32, #tpu.memory_space<hbm>> -> memref<1x4x640xi32, #tpu.memory_space<hbm>>
    %dma_start3A_10 = tpu.memref_squeeze %dma_start3A_9 : memref<1x4x640xi32, #tpu.memory_space<hbm>> -> memref<4x640xi32, #tpu.memory_space<hbm>>
    %dma_start3A_11 = arith.constant 0 : i32
    %dma_start3A_12 = arith.constant 0 : i32
    %dma_start3A_13 = tpu.memref_slice %arg7[%dma_start3A, %dma_start3A_11, %dma_start3A_12] : memref<2x4x640xi32, #tpu.memory_space<vmem>> -> memref<1x4x640xi32, #tpu.memory_space<vmem>>
    %dma_start3A_14 = tpu.memref_squeeze %dma_start3A_13 : memref<1x4x640xi32, #tpu.memory_space<vmem>> -> memref<4x640xi32, #tpu.memory_space<vmem>>
    %dma_start3A_15 = arith.constant 4 : i32
    %dma_start3A_16 = arith.constant 0 : i32
    %dma_start3A_17 = tpu.memref_slice %arg3[%arg1, %dma_start3A_15, %dma_start3A_16] : memref<16x32x640xi32, #tpu.memory_space<hbm>> -> memref<1x4x640xi32, #tpu.memory_space<hbm>>
    %dma_start3A_18 = tpu.memref_squeeze %dma_start3A_17 : memref<1x4x640xi32, #tpu.memory_space<hbm>> -> memref<4x640xi32, #tpu.memory_space<hbm>>
    tpu.enqueue_dma source(%dma_start3A_18 : memref<4x640xi32, #tpu.memory_space<hbm>>) target(%dma_start3A_14 : memref<4x640xi32, #tpu.memory_space<vmem>>) target_semaphore(%arg13 : memref<!tpu.dma_semaphore, #tpu.memory_space<semaphore_mem>>)
    %dma_start3A_19 = arith.constant 0 : i32
    %dma_start3A_20 = arith.constant 0 : i32
    %dma_start3A_21 = arith.constant 0 : i32
    %dma_start3A_22 = tpu.memref_slice %arg7[%dma_start3A_19, %dma_start3A_20, %dma_start3A_21] : memref<2x4x640xi32, #tpu.memory_space<vmem>> -> memref<1x1x640xi32, #tpu.memory_space<vmem>>
    %dma_start3A_23 = tpu.memref_squeeze %dma_start3A_22 : memref<1x1x640xi32, #tpu.memory_space<vmem>> -> memref<640xi32, #tpu.memory_space<vmem>>
    %dma_start3A_24 = arith.constant 0 : i32
    %dma_start3A_25 = arith.constant 0 : i32
    %dma_start3A_26 = tpu.memref_slice %arg10[%dma_start3A_24, %dma_start3A_25] : memref<10240x64xf32, #tpu.memory_space<vmem_shared>> -> memref<10240x64xf32, #tpu.memory_space<vmem_shared>>
    tpu.enqueue_indirect_dma source(%dma_start3A_26 : memref<10240x64xf32, #tpu.memory_space<vmem_shared>>) target(%arg9 : memref<640x64xf32, #tpu.memory_space<vmem>>) offsets(%dma_start3A_23 : memref<640xi32, #tpu.memory_space<vmem>>) semaphore(%arg12 : memref<!tpu.dma_semaphore, #tpu.memory_space<semaphore_mem>>)
    %dma_start3A_27 = arith.constant 0 : i32
    %dma_start3A_28 = arith.constant 0 : i32
    %dma_start3A_29 = tpu.memref_slice %arg4[%arg1, %dma_start3A_27, %dma_start3A_28] : memref<16x32x640xi32, #tpu.memory_space<hbm>> -> memref<1x4x640xi32, #tpu.memory_space<hbm>>
    %dma_start3A_30 = tpu.memref_squeeze %dma_start3A_29 : memref<1x4x640xi32, #tpu.memory_space<hbm>> -> memref<4x640xi32, #tpu.memory_space<hbm>>
    %dma_start3A_31 = arith.constant 0 : i32
    %dma_start3A_32 = arith.constant 0 : i32
    %dma_start3A_33 = tpu.memref_slice %arg4[%arg1, %dma_start3A_31, %dma_start3A_32] : memref<16x32x640xi32, #tpu.memory_space<hbm>> -> memref<1x4x640xi32, #tpu.memory_space<hbm>>
    %dma_start3A_34 = tpu.memref_squeeze %dma_start3A_33 : memref<1x4x640xi32, #tpu.memory_space<hbm>> -> memref<4x640xi32, #tpu.memory_space<hbm>>
    tpu.enqueue_dma source(%dma_start3A_34 : memref<4x640xi32, #tpu.memory_space<hbm>>) target(%arg8 : memref<4x640xi32, #tpu.memory_space<vmem>>) target_semaphore(%arg14 : memref<!tpu.dma_semaphore, #tpu.memory_space<semaphore_mem>>)
    %dma_wait3A = arith.constant 0 : i32
    %dma_wait3A_35 = arith.constant 0 : i32
    %dma_wait3A_36 = arith.constant 0 : i32
    %dma_wait3A_37 = tpu.memref_slice %arg7[%dma_wait3A, %dma_wait3A_35, %dma_wait3A_36] : memref<2x4x640xi32, #tpu.memory_space<vmem>> -> memref<1x1x640xi32, #tpu.memory_space<vmem>>
    %dma_wait3A_38 = tpu.memref_squeeze %dma_wait3A_37 : memref<1x1x640xi32, #tpu.memory_space<vmem>> -> memref<640xi32, #tpu.memory_space<vmem>>
    %dma_wait3A_39 = arith.constant 0 : i32
    %dma_wait3A_40 = arith.constant 0 : i32
    %dma_wait3A_41 = tpu.memref_slice %arg10[%dma_wait3A_39, %dma_wait3A_40] : memref<10240x64xf32, #tpu.memory_space<vmem_shared>> -> memref<10240x64xf32, #tpu.memory_space<vmem_shared>>
    tpu.wait_indirect_dma semaphore(%arg12 : memref<!tpu.dma_semaphore, #tpu.memory_space<semaphore_mem>>) src(%dma_wait3A_41 : memref<10240x64xf32, #tpu.memory_space<vmem_shared>>) dst(%arg9 : memref<640x64xf32, #tpu.memory_space<vmem>>)
    %dma_wait3A_42 = arith.constant 0 : i32
    %dma_wait3A_43 = arith.constant 0 : i32
    %dma_wait3A_44 = tpu.memref_slice %arg4[%arg1, %dma_wait3A_42, %dma_wait3A_43] : memref<16x32x640xi32, #tpu.memory_space<hbm>> -> memref<1x4x640xi32, #tpu.memory_space<hbm>>
    %dma_wait3A_45 = tpu.memref_squeeze %dma_wait3A_44 : memref<1x4x640xi32, #tpu.memory_space<hbm>> -> memref<4x640xi32, #tpu.memory_space<hbm>>
    %dma_wait3A_46 = arith.constant 0 : i32
    %dma_wait3A_47 = arith.constant 0 : i32
    %dma_wait3A_48 = tpu.memref_slice %arg4[%arg1, %dma_wait3A_46, %dma_wait3A_47] : memref<16x32x640xi32, #tpu.memory_space<hbm>> -> memref<1x4x640xi32, #tpu.memory_space<hbm>>
    %dma_wait3A_49 = tpu.memref_squeeze %dma_wait3A_48 : memref<1x4x640xi32, #tpu.memory_space<hbm>> -> memref<4x640xi32, #tpu.memory_space<hbm>>
    tpu.wait_dma2 semaphore(%arg14 : memref<!tpu.dma_semaphore, #tpu.memory_space<semaphore_mem>>) src(%dma_wait3A_49 : memref<4x640xi32, #tpu.memory_space<hbm>>) dst(%arg8 : memref<4x640xi32, #tpu.memory_space<vmem>>)
    %run_scoped3A_50 = arith.constant 0 : i32
    "tpu.region"() ({
      %run_scoped3A_912 = tpu.sem_alloc : memref<!tpu.dma_semaphore, #tpu.memory_space<semaphore_mem>>
      %dma_start3A_913 = arith.constant 0 : i32
      %dma_start3A_914 = tpu.memref_slice %arg8[%run_scoped3A_50, %dma_start3A_913] : memref<4x640xi32, #tpu.memory_space<vmem>> -> memref<1x640xi32, #tpu.memory_space<vmem>>
      %dma_start3A_915 = tpu.memref_squeeze %dma_start3A_914 : memref<1x640xi32, #tpu.memory_space<vmem>> -> memref<640xi32, #tpu.memory_space<vmem>>
      %dma_start3A_916 = arith.constant 0 : i32
      %dma_start3A_917 = arith.constant 0 : i32
      %dma_start3A_918 = tpu.memref_slice %arg11[%dma_start3A_916, %dma_start3A_917] : memref<10240x64xf32, #tpu.memory_space<vmem_shared>> -> memref<10240x64xf32, #tpu.memory_space<vmem_shared>>
      tpu.enqueue_indirect_dma source(%arg9 : memref<640x64xf32, #tpu.memory_space<vmem>>) target(%dma_start3A_918 : memref<10240x64xf32, #tpu.memory_space<vmem_shared>>) offsets(%dma_start3A_915 : memref<640xi32, #tpu.memory_space<vmem>>) semaphore(%run_scoped3A_912 : memref<!tpu.dma_semaphore, #tpu.memory_space<semaphore_mem>>) {add = true}
      %dma_wait3A_919 = arith.constant 0 : i32
      %dma_wait3A_920 = tpu.memref_slice %arg8[%run_scoped3A_50, %dma_wait3A_919] : memref<4x640xi32, #tpu.memory_space<vmem>> -> memref<1x640xi32, #tpu.memory_space<vmem>>
      %dma_wait3A_921 = tpu.memref_squeeze %dma_wait3A_920 : memref<1x640xi32, #tpu.memory_space<vmem>> -> memref<640xi32, #tpu.memory_space<vmem>>
      %dma_wait3A_922 = arith.constant 0 : i32
      %dma_wait3A_923 = arith.constant 0 : i32
      %dma_wait3A_924 = tpu.memref_slice %arg11[%dma_wait3A_922, %dma_wait3A_923] : memref<10240x64xf32, #tpu.memory_space<vmem_shared>> -> memref<10240x64xf32, #tpu.memory_space<vmem_shared>>
      tpu.wait_indirect_dma semaphore(%run_scoped3A_912 : memref<!tpu.dma_semaphore, #tpu.memory_space<semaphore_mem>>) src(%arg9 : memref<640x64xf32, #tpu.memory_space<vmem>>) dst(%dma_wait3A_924 : memref<10240x64xf32, #tpu.memory_space<vmem_shared>>)
      tpu.yield
    }) : () -> ()
    %dma_start3A_51 = arith.constant 0 : i32
    %dma_start3A_52 = arith.constant 1 : i32
    %dma_start3A_53 = arith.constant 0 : i32
    %dma_start3A_54 = tpu.memref_slice %arg7[%dma_start3A_51, %dma_start3A_52, %dma_start3A_53] : memref<2x4x640xi32, #tpu.memory_space<vmem>> -> memref<1x1x640xi32, #tpu.memory_space<vmem>>
    %dma_start3A_55 = tpu.memref_squeeze %dma_start3A_54 : memref<1x1x640xi32, #tpu.memory_space<vmem>> -> memref<640xi32, #tpu.memory_space<vmem>>
    %dma_start3A_56 = arith.constant 0 : i32
    %dma_start3A_57 = arith.constant 0 : i32
    %dma_start3A_58 = tpu.memref_slice %arg10[%dma_start3A_56, %dma_start3A_57] : memref<10240x64xf32, #tpu.memory_space<vmem_shared>> -> memref<10240x64xf32, #tpu.memory_space<vmem_shared>>
    tpu.enqueue_indirect_dma source(%dma_start3A_58 : memref<10240x64xf32, #tpu.memory_space<vmem_shared>>) target(%arg9 : memref<640x64xf32, #tpu.memory_space<vmem>>) offsets(%dma_start3A_55 : memref<640xi32, #tpu.memory_space<vmem>>) semaphore(%arg12 : memref<!tpu.dma_semaphore, #tpu.memory_space<semaphore_mem>>)
    %dma_wait3A_59 = arith.constant 0 : i32
    %dma_wait3A_60 = arith.constant 1 : i32
    %dma_wait3A_61 = arith.constant 0 : i32
    %dma_wait3A_62 = tpu.memref_slice %arg7[%dma_wait3A_59, %dma_wait3A_60, %dma_wait3A_61] : memref<2x4x640xi32, #tpu.memory_space<vmem>> -> memref<1x1x640xi32, #tpu.memory_space<vmem>>
    %dma_wait3A_63 = tpu.memref_squeeze %dma_wait3A_62 : memref<1x1x640xi32, #tpu.memory_space<vmem>> -> memref<640xi32, #tpu.memory_space<vmem>>
    %dma_wait3A_64 = arith.constant 0 : i32
    %dma_wait3A_65 = arith.constant 0 : i32
    %dma_wait3A_66 = tpu.memref_slice %arg10[%dma_wait3A_64, %dma_wait3A_65] : memref<10240x64xf32, #tpu.memory_space<vmem_shared>> -> memref<10240x64xf32, #tpu.memory_space<vmem_shared>>
    tpu.wait_indirect_dma semaphore(%arg12 : memref<!tpu.dma_semaphore, #tpu.memory_space<semaphore_mem>>) src(%dma_wait3A_66 : memref<10240x64xf32, #tpu.memory_space<vmem_shared>>) dst(%arg9 : memref<640x64xf32, #tpu.memory_space<vmem>>)
    %run_scoped3A_67 = arith.constant 1 : i32
    "tpu.region"() ({
      %run_scoped3A_912 = tpu.sem_alloc : memref<!tpu.dma_semaphore, #tpu.memory_space<semaphore_mem>>
      %dma_start3A_913 = arith.constant 0 : i32
      %dma_start3A_914 = tpu.memref_slice %arg8[%run_scoped3A_67, %dma_start3A_913] : memref<4x640xi32, #tpu.memory_space<vmem>> -> memref<1x640xi32, #tpu.memory_space<vmem>>
      %dma_start3A_915 = tpu.memref_squeeze %dma_start3A_914 : memref<1x640xi32, #tpu.memory_space<vmem>> -> memref<640xi32, #tpu.memory_space<vmem>>
      %dma_start3A_916 = arith.constant 0 : i32
      %dma_start3A_917 = arith.constant 0 : i32
      %dma_start3A_918 = tpu.memref_slice %arg11[%dma_start3A_916, %dma_start3A_917] : memref<10240x64xf32, #tpu.memory_space<vmem_shared>> -> memref<10240x64xf32, #tpu.memory_space<vmem_shared>>
      tpu.enqueue_indirect_dma source(%arg9 : memref<640x64xf32, #tpu.memory_space<vmem>>) target(%dma_start3A_918 : memref<10240x64xf32, #tpu.memory_space<vmem_shared>>) offsets(%dma_start3A_915 : memref<640xi32, #tpu.memory_space<vmem>>) semaphore(%run_scoped3A_912 : memref<!tpu.dma_semaphore, #tpu.memory_space<semaphore_mem>>) {add = true}
      %dma_wait3A_919 = arith.constant 0 : i32
      %dma_wait3A_920 = tpu.memref_slice %arg8[%run_scoped3A_67, %dma_wait3A_919] : memref<4x640xi32, #tpu.memory_space<vmem>> -> memref<1x640xi32, #tpu.memory_space<vmem>>
      %dma_wait3A_921 = tpu.memref_squeeze %dma_wait3A_920 : memref<1x640xi32, #tpu.memory_space<vmem>> -> memref<640xi32, #tpu.memory_space<vmem>>
      %dma_wait3A_922 = arith.constant 0 : i32
      %dma_wait3A_923 = arith.constant 0 : i32
      %dma_wait3A_924 = tpu.memref_slice %arg11[%dma_wait3A_922, %dma_wait3A_923] : memref<10240x64xf32, #tpu.memory_space<vmem_shared>> -> memref<10240x64xf32, #tpu.memory_space<vmem_shared>>
      tpu.wait_indirect_dma semaphore(%run_scoped3A_912 : memref<!tpu.dma_semaphore, #tpu.memory_space<semaphore_mem>>) src(%arg9 : memref<640x64xf32, #tpu.memory_space<vmem>>) dst(%dma_wait3A_924 : memref<10240x64xf32, #tpu.memory_space<vmem_shared>>)
      tpu.yield
    }) : () -> ()
    %dma_start3A_68 = arith.constant 0 : i32
    %dma_start3A_69 = arith.constant 2 : i32
    %dma_start3A_70 = arith.constant 0 : i32
    %dma_start3A_71 = tpu.memref_slice %arg7[%dma_start3A_68, %dma_start3A_69, %dma_start3A_70] : memref<2x4x640xi32, #tpu.memory_space<vmem>> -> memref<1x1x640xi32, #tpu.memory_space<vmem>>
    %dma_start3A_72 = tpu.memref_squeeze %dma_start3A_71 : memref<1x1x640xi32, #tpu.memory_space<vmem>> -> memref<640xi32, #tpu.memory_space<vmem>>
    %dma_start3A_73 = arith.constant 0 : i32
    %dma_start3A_74 = arith.constant 0 : i32
    %dma_start3A_75 = tpu.memref_slice %arg10[%dma_start3A_73, %dma_start3A_74] : memref<10240x64xf32, #tpu.memory_space<vmem_shared>> -> memref<10240x64xf32, #tpu.memory_space<vmem_shared>>
    tpu.enqueue_indirect_dma source(%dma_start3A_75 : memref<10240x64xf32, #tpu.memory_space<vmem_shared>>) target(%arg9 : memref<640x64xf32, #tpu.memory_space<vmem>>) offsets(%dma_start3A_72 : memref<640xi32, #tpu.memory_space<vmem>>) semaphore(%arg12 : memref<!tpu.dma_semaphore, #tpu.memory_space<semaphore_mem>>)
    %dma_wait3A_76 = arith.constant 0 : i32
    %dma_wait3A_77 = arith.constant 2 : i32
    %dma_wait3A_78 = arith.constant 0 : i32
    %dma_wait3A_79 = tpu.memref_slice %arg7[%dma_wait3A_76, %dma_wait3A_77, %dma_wait3A_78] : memref<2x4x640xi32, #tpu.memory_space<vmem>> -> memref<1x1x640xi32, #tpu.memory_space<vmem>>
    %dma_wait3A_80 = tpu.memref_squeeze %dma_wait3A_79 : memref<1x1x640xi32, #tpu.memory_space<vmem>> -> memref<640xi32, #tpu.memory_space<vmem>>
    %dma_wait3A_81 = arith.constant 0 : i32
    %dma_wait3A_82 = arith.constant 0 : i32
    %dma_wait3A_83 = tpu.memref_slice %arg10[%dma_wait3A_81, %dma_wait3A_82] : memref<10240x64xf32, #tpu.memory_space<vmem_shared>> -> memref<10240x64xf32, #tpu.memory_space<vmem_shared>>
    tpu.wait_indirect_dma semaphore(%arg12 : memref<!tpu.dma_semaphore, #tpu.memory_space<semaphore_mem>>) src(%dma_wait3A_83 : memref<10240x64xf32, #tpu.memory_space<vmem_shared>>) dst(%arg9 : memref<640x64xf32, #tpu.memory_space<vmem>>)
    %run_scoped3A_84 = arith.constant 2 : i32
    "tpu.region"() ({
      %run_scoped3A_912 = tpu.sem_alloc : memref<!tpu.dma_semaphore, #tpu.memory_space<semaphore_mem>>
      %dma_start3A_913 = arith.constant 0 : i32
      %dma_start3A_914 = tpu.memref_slice %arg8[%run_scoped3A_84, %dma_start3A_913] : memref<4x640xi32, #tpu.memory_space<vmem>> -> memref<1x640xi32, #tpu.memory_space<vmem>>
      %dma_start3A_915 = tpu.memref_squeeze %dma_start3A_914 : memref<1x640xi32, #tpu.memory_space<vmem>> -> memref<640xi32, #tpu.memory_space<vmem>>
      %dma_start3A_916 = arith.constant 0 : i32
      %dma_start3A_917 = arith.constant 0 : i32
      %dma_start3A_918 = tpu.memref_slice %arg11[%dma_start3A_916, %dma_start3A_917] : memref<10240x64xf32, #tpu.memory_space<vmem_shared>> -> memref<10240x64xf32, #tpu.memory_space<vmem_shared>>
      tpu.enqueue_indirect_dma source(%arg9 : memref<640x64xf32, #tpu.memory_space<vmem>>) target(%dma_start3A_918 : memref<10240x64xf32, #tpu.memory_space<vmem_shared>>) offsets(%dma_start3A_915 : memref<640xi32, #tpu.memory_space<vmem>>) semaphore(%run_scoped3A_912 : memref<!tpu.dma_semaphore, #tpu.memory_space<semaphore_mem>>) {add = true}
      %dma_wait3A_919 = arith.constant 0 : i32
      %dma_wait3A_920 = tpu.memref_slice %arg8[%run_scoped3A_84, %dma_wait3A_919] : memref<4x640xi32, #tpu.memory_space<vmem>> -> memref<1x640xi32, #tpu.memory_space<vmem>>
      %dma_wait3A_921 = tpu.memref_squeeze %dma_wait3A_920 : memref<1x640xi32, #tpu.memory_space<vmem>> -> memref<640xi32, #tpu.memory_space<vmem>>
      %dma_wait3A_922 = arith.constant 0 : i32
      %dma_wait3A_923 = arith.constant 0 : i32
      %dma_wait3A_924 = tpu.memref_slice %arg11[%dma_wait3A_922, %dma_wait3A_923] : memref<10240x64xf32, #tpu.memory_space<vmem_shared>> -> memref<10240x64xf32, #tpu.memory_space<vmem_shared>>
      tpu.wait_indirect_dma semaphore(%run_scoped3A_912 : memref<!tpu.dma_semaphore, #tpu.memory_space<semaphore_mem>>) src(%arg9 : memref<640x64xf32, #tpu.memory_space<vmem>>) dst(%dma_wait3A_924 : memref<10240x64xf32, #tpu.memory_space<vmem_shared>>)
      tpu.yield
    }) : () -> ()
    %dma_start3A_85 = arith.constant 0 : i32
    %dma_start3A_86 = arith.constant 3 : i32
    %dma_start3A_87 = arith.constant 0 : i32
    %dma_start3A_88 = tpu.memref_slice %arg7[%dma_start3A_85, %dma_start3A_86, %dma_start3A_87] : memref<2x4x640xi32, #tpu.memory_space<vmem>> -> memref<1x1x640xi32, #tpu.memory_space<vmem>>
    %dma_start3A_89 = tpu.memref_squeeze %dma_start3A_88 : memref<1x1x640xi32, #tpu.memory_space<vmem>> -> memref<640xi32, #tpu.memory_space<vmem>>
    %dma_start3A_90 = arith.constant 0 : i32
    %dma_start3A_91 = arith.constant 0 : i32
    %dma_start3A_92 = tpu.memref_slice %arg10[%dma_start3A_90, %dma_start3A_91] : memref<10240x64xf32, #tpu.memory_space<vmem_shared>> -> memref<10240x64xf32, #tpu.memory_space<vmem_shared>>
    tpu.enqueue_indirect_dma source(%dma_start3A_92 : memref<10240x64xf32, #tpu.memory_space<vmem_shared>>) target(%arg9 : memref<640x64xf32, #tpu.memory_space<vmem>>) offsets(%dma_start3A_89 : memref<640xi32, #tpu.memory_space<vmem>>) semaphore(%arg12 : memref<!tpu.dma_semaphore, #tpu.memory_space<semaphore_mem>>)
    %dma_wait3A_93 = arith.constant 0 : i32
    %dma_wait3A_94 = arith.constant 3 : i32
    %dma_wait3A_95 = arith.constant 0 : i32
    %dma_wait3A_96 = tpu.memref_slice %arg7[%dma_wait3A_93, %dma_wait3A_94, %dma_wait3A_95] : memref<2x4x640xi32, #tpu.memory_space<vmem>> -> memref<1x1x640xi32, #tpu.memory_space<vmem>>
    %dma_wait3A_97 = tpu.memref_squeeze %dma_wait3A_96 : memref<1x1x640xi32, #tpu.memory_space<vmem>> -> memref<640xi32, #tpu.memory_space<vmem>>
    %dma_wait3A_98 = arith.constant 0 : i32
    %dma_wait3A_99 = arith.constant 0 : i32
    %dma_wait3A_100 = tpu.memref_slice %arg10[%dma_wait3A_98, %dma_wait3A_99] : memref<10240x64xf32, #tpu.memory_space<vmem_shared>> -> memref<10240x64xf32, #tpu.memory_space<vmem_shared>>
    tpu.wait_indirect_dma semaphore(%arg12 : memref<!tpu.dma_semaphore, #tpu.memory_space<semaphore_mem>>) src(%dma_wait3A_100 : memref<10240x64xf32, #tpu.memory_space<vmem_shared>>) dst(%arg9 : memref<640x64xf32, #tpu.memory_space<vmem>>)
    %run_scoped3A_101 = arith.constant 3 : i32
    "tpu.region"() ({
      %run_scoped3A_912 = tpu.sem_alloc : memref<!tpu.dma_semaphore, #tpu.memory_space<semaphore_mem>>
      %dma_start3A_913 = arith.constant 0 : i32
      %dma_start3A_914 = tpu.memref_slice %arg8[%run_scoped3A_101, %dma_start3A_913] : memref<4x640xi32, #tpu.memory_space<vmem>> -> memref<1x640xi32, #tpu.memory_space<vmem>>
      %dma_start3A_915 = tpu.memref_squeeze %dma_start3A_914 : memref<1x640xi32, #tpu.memory_space<vmem>> -> memref<640xi32, #tpu.memory_space<vmem>>
      %dma_start3A_916 = arith.constant 0 : i32
      %dma_start3A_917 = arith.constant 0 : i32
      %dma_start3A_918 = tpu.memref_slice %arg11[%dma_start3A_916, %dma_start3A_917] : memref<10240x64xf32, #tpu.memory_space<vmem_shared>> -> memref<10240x64xf32, #tpu.memory_space<vmem_shared>>
      tpu.enqueue_indirect_dma source(%arg9 : memref<640x64xf32, #tpu.memory_space<vmem>>) target(%dma_start3A_918 : memref<10240x64xf32, #tpu.memory_space<vmem_shared>>) offsets(%dma_start3A_915 : memref<640xi32, #tpu.memory_space<vmem>>) semaphore(%run_scoped3A_912 : memref<!tpu.dma_semaphore, #tpu.memory_space<semaphore_mem>>) {add = true}
      %dma_wait3A_919 = arith.constant 0 : i32
      %dma_wait3A_920 = tpu.memref_slice %arg8[%run_scoped3A_101, %dma_wait3A_919] : memref<4x640xi32, #tpu.memory_space<vmem>> -> memref<1x640xi32, #tpu.memory_space<vmem>>
      %dma_wait3A_921 = tpu.memref_squeeze %dma_wait3A_920 : memref<1x640xi32, #tpu.memory_space<vmem>> -> memref<640xi32, #tpu.memory_space<vmem>>
      %dma_wait3A_922 = arith.constant 0 : i32
      %dma_wait3A_923 = arith.constant 0 : i32
      %dma_wait3A_924 = tpu.memref_slice %arg11[%dma_wait3A_922, %dma_wait3A_923] : memref<10240x64xf32, #tpu.memory_space<vmem_shared>> -> memref<10240x64xf32, #tpu.memory_space<vmem_shared>>
      tpu.wait_indirect_dma semaphore(%run_scoped3A_912 : memref<!tpu.dma_semaphore, #tpu.memory_space<semaphore_mem>>) src(%arg9 : memref<640x64xf32, #tpu.memory_space<vmem>>) dst(%dma_wait3A_924 : memref<10240x64xf32, #tpu.memory_space<vmem_shared>>)
      tpu.yield
    }) : () -> ()
    %dma_wait3A_102 = arith.constant 1 : i32
    %dma_wait3A_103 = arith.constant 0 : i32
    %dma_wait3A_104 = arith.constant 0 : i32
    %dma_wait3A_105 = tpu.memref_slice %arg7[%dma_wait3A_102, %dma_wait3A_103, %dma_wait3A_104] : memref<2x4x640xi32, #tpu.memory_space<vmem>> -> memref<1x4x640xi32, #tpu.memory_space<vmem>>
    %dma_wait3A_106 = tpu.memref_squeeze %dma_wait3A_105 : memref<1x4x640xi32, #tpu.memory_space<vmem>> -> memref<4x640xi32, #tpu.memory_space<vmem>>
    %dma_wait3A_107 = arith.constant 4 : i32
    %dma_wait3A_108 = arith.constant 0 : i32
    %dma_wait3A_109 = tpu.memref_slice %arg3[%arg1, %dma_wait3A_107, %dma_wait3A_108] : memref<16x32x640xi32, #tpu.memory_space<hbm>> -> memref<1x4x640xi32, #tpu.memory_space<hbm>>
    %dma_wait3A_110 = tpu.memref_squeeze %dma_wait3A_109 : memref<1x4x640xi32, #tpu.memory_space<hbm>> -> memref<4x640xi32, #tpu.memory_space<hbm>>
    %dma_wait3A_111 = arith.constant 0 : i32
    %dma_wait3A_112 = arith.constant 0 : i32
    %dma_wait3A_113 = tpu.memref_slice %arg7[%dma_wait3A_102, %dma_wait3A_111, %dma_wait3A_112] : memref<2x4x640xi32, #tpu.memory_space<vmem>> -> memref<1x4x640xi32, #tpu.memory_space<vmem>>
    %dma_wait3A_114 = tpu.memref_squeeze %dma_wait3A_113 : memref<1x4x640xi32, #tpu.memory_space<vmem>> -> memref<4x640xi32, #tpu.memory_space<vmem>>
    %dma_wait3A_115 = arith.constant 4 : i32
    %dma_wait3A_116 = arith.constant 0 : i32
    %dma_wait3A_117 = tpu.memref_slice %arg3[%arg1, %dma_wait3A_115, %dma_wait3A_116] : memref<16x32x640xi32, #tpu.memory_space<hbm>> -> memref<1x4x640xi32, #tpu.memory_space<hbm>>
    %dma_wait3A_118 = tpu.memref_squeeze %dma_wait3A_117 : memref<1x4x640xi32, #tpu.memory_space<hbm>> -> memref<4x640xi32, #tpu.memory_space<hbm>>
    tpu.wait_dma2 semaphore(%arg13 : memref<!tpu.dma_semaphore, #tpu.memory_space<semaphore_mem>>) src(%dma_wait3A_118 : memref<4x640xi32, #tpu.memory_space<hbm>>) dst(%dma_wait3A_114 : memref<4x640xi32, #tpu.memory_space<vmem>>)
    %dma_start3A_119 = arith.constant 0 : i32
    %dma_start3A_120 = arith.constant 0 : i32
    %dma_start3A_121 = arith.constant 0 : i32
    %dma_start3A_122 = tpu.memref_slice %arg7[%dma_start3A_119, %dma_start3A_120, %dma_start3A_121] : memref<2x4x640xi32, #tpu.memory_space<vmem>> -> memref<1x4x640xi32, #tpu.memory_space<vmem>>
    %dma_start3A_123 = tpu.memref_squeeze %dma_start3A_122 : memref<1x4x640xi32, #tpu.memory_space<vmem>> -> memref<4x640xi32, #tpu.memory_space<vmem>>
    %dma_start3A_124 = arith.constant 8 : i32
    %dma_start3A_125 = arith.constant 0 : i32
    %dma_start3A_126 = tpu.memref_slice %arg3[%arg1, %dma_start3A_124, %dma_start3A_125] : memref<16x32x640xi32, #tpu.memory_space<hbm>> -> memref<1x4x640xi32, #tpu.memory_space<hbm>>
    %dma_start3A_127 = tpu.memref_squeeze %dma_start3A_126 : memref<1x4x640xi32, #tpu.memory_space<hbm>> -> memref<4x640xi32, #tpu.memory_space<hbm>>
    %dma_start3A_128 = arith.constant 0 : i32
    %dma_start3A_129 = arith.constant 0 : i32
    %dma_start3A_130 = tpu.memref_slice %arg7[%dma_start3A_119, %dma_start3A_128, %dma_start3A_129] : memref<2x4x640xi32, #tpu.memory_space<vmem>> -> memref<1x4x640xi32, #tpu.memory_space<vmem>>
    %dma_start3A_131 = tpu.memref_squeeze %dma_start3A_130 : memref<1x4x640xi32, #tpu.memory_space<vmem>> -> memref<4x640xi32, #tpu.memory_space<vmem>>
    %dma_start3A_132 = arith.constant 8 : i32
    %dma_start3A_133 = arith.constant 0 : i32
    %dma_start3A_134 = tpu.memref_slice %arg3[%arg1, %dma_start3A_132, %dma_start3A_133] : memref<16x32x640xi32, #tpu.memory_space<hbm>> -> memref<1x4x640xi32, #tpu.memory_space<hbm>>
    %dma_start3A_135 = tpu.memref_squeeze %dma_start3A_134 : memref<1x4x640xi32, #tpu.memory_space<hbm>> -> memref<4x640xi32, #tpu.memory_space<hbm>>
    tpu.enqueue_dma source(%dma_start3A_135 : memref<4x640xi32, #tpu.memory_space<hbm>>) target(%dma_start3A_131 : memref<4x640xi32, #tpu.memory_space<vmem>>) target_semaphore(%arg13 : memref<!tpu.dma_semaphore, #tpu.memory_space<semaphore_mem>>)
    %dma_start3A_136 = arith.constant 1 : i32
    %dma_start3A_137 = arith.constant 0 : i32
    %dma_start3A_138 = arith.constant 0 : i32
    %dma_start3A_139 = tpu.memref_slice %arg7[%dma_start3A_136, %dma_start3A_137, %dma_start3A_138] : memref<2x4x640xi32, #tpu.memory_space<vmem>> -> memref<1x1x640xi32, #tpu.memory_space<vmem>>
    %dma_start3A_140 = tpu.memref_squeeze %dma_start3A_139 : memref<1x1x640xi32, #tpu.memory_space<vmem>> -> memref<640xi32, #tpu.memory_space<vmem>>
    %dma_start3A_141 = arith.constant 0 : i32
    %dma_start3A_142 = arith.constant 0 : i32
    %dma_start3A_143 = tpu.memref_slice %arg10[%dma_start3A_141, %dma_start3A_142] : memref<10240x64xf32, #tpu.memory_space<vmem_shared>> -> memref<10240x64xf32, #tpu.memory_space<vmem_shared>>
    tpu.enqueue_indirect_dma source(%dma_start3A_143 : memref<10240x64xf32, #tpu.memory_space<vmem_shared>>) target(%arg9 : memref<640x64xf32, #tpu.memory_space<vmem>>) offsets(%dma_start3A_140 : memref<640xi32, #tpu.memory_space<vmem>>) semaphore(%arg12 : memref<!tpu.dma_semaphore, #tpu.memory_space<semaphore_mem>>)
    %dma_start3A_144 = arith.constant 4 : i32
    %dma_start3A_145 = arith.constant 0 : i32
    %dma_start3A_146 = tpu.memref_slice %arg4[%arg1, %dma_start3A_144, %dma_start3A_145] : memref<16x32x640xi32, #tpu.memory_space<hbm>> -> memref<1x4x640xi32, #tpu.memory_space<hbm>>
    %dma_start3A_147 = tpu.memref_squeeze %dma_start3A_146 : memref<1x4x640xi32, #tpu.memory_space<hbm>> -> memref<4x640xi32, #tpu.memory_space<hbm>>
    %dma_start3A_148 = arith.constant 4 : i32
    %dma_start3A_149 = arith.constant 0 : i32
    %dma_start3A_150 = tpu.memref_slice %arg4[%arg1, %dma_start3A_148, %dma_start3A_149] : memref<16x32x640xi32, #tpu.memory_space<hbm>> -> memref<1x4x640xi32, #tpu.memory_space<hbm>>
    %dma_start3A_151 = tpu.memref_squeeze %dma_start3A_150 : memref<1x4x640xi32, #tpu.memory_space<hbm>> -> memref<4x640xi32, #tpu.memory_space<hbm>>
    tpu.enqueue_dma source(%dma_start3A_151 : memref<4x640xi32, #tpu.memory_space<hbm>>) target(%arg8 : memref<4x640xi32, #tpu.memory_space<vmem>>) target_semaphore(%arg14 : memref<!tpu.dma_semaphore, #tpu.memory_space<semaphore_mem>>)
    %dma_wait3A_152 = arith.constant 1 : i32
    %dma_wait3A_153 = arith.constant 0 : i32
    %dma_wait3A_154 = arith.constant 0 : i32
    %dma_wait3A_155 = tpu.memref_slice %arg7[%dma_wait3A_152, %dma_wait3A_153, %dma_wait3A_154] : memref<2x4x640xi32, #tpu.memory_space<vmem>> -> memref<1x1x640xi32, #tpu.memory_space<vmem>>
    %dma_wait3A_156 = tpu.memref_squeeze %dma_wait3A_155 : memref<1x1x640xi32, #tpu.memory_space<vmem>> -> memref<640xi32, #tpu.memory_space<vmem>>
    %dma_wait3A_157 = arith.constant 0 : i32
    %dma_wait3A_158 = arith.constant 0 : i32
    %dma_wait3A_159 = tpu.memref_slice %arg10[%dma_wait3A_157, %dma_wait3A_158] : memref<10240x64xf32, #tpu.memory_space<vmem_shared>> -> memref<10240x64xf32, #tpu.memory_space<vmem_shared>>
    tpu.wait_indirect_dma semaphore(%arg12 : memref<!tpu.dma_semaphore, #tpu.memory_space<semaphore_mem>>) src(%dma_wait3A_159 : memref<10240x64xf32, #tpu.memory_space<vmem_shared>>) dst(%arg9 : memref<640x64xf32, #tpu.memory_space<vmem>>)
    %dma_wait3A_160 = arith.constant 4 : i32
    %dma_wait3A_161 = arith.constant 0 : i32
    %dma_wait3A_162 = tpu.memref_slice %arg4[%arg1, %dma_wait3A_160, %dma_wait3A_161] : memref<16x32x640xi32, #tpu.memory_space<hbm>> -> memref<1x4x640xi32, #tpu.memory_space<hbm>>
    %dma_wait3A_163 = tpu.memref_squeeze %dma_wait3A_162 : memref<1x4x640xi32, #tpu.memory_space<hbm>> -> memref<4x640xi32, #tpu.memory_space<hbm>>
    %dma_wait3A_164 = arith.constant 4 : i32
    %dma_wait3A_165 = arith.constant 0 : i32
    %dma_wait3A_166 = tpu.memref_slice %arg4[%arg1, %dma_wait3A_164, %dma_wait3A_165] : memref<16x32x640xi32, #tpu.memory_space<hbm>> -> memref<1x4x640xi32, #tpu.memory_space<hbm>>
    %dma_wait3A_167 = tpu.memref_squeeze %dma_wait3A_166 : memref<1x4x640xi32, #tpu.memory_space<hbm>> -> memref<4x640xi32, #tpu.memory_space<hbm>>
    tpu.wait_dma2 semaphore(%arg14 : memref<!tpu.dma_semaphore, #tpu.memory_space<semaphore_mem>>) src(%dma_wait3A_167 : memref<4x640xi32, #tpu.memory_space<hbm>>) dst(%arg8 : memref<4x640xi32, #tpu.memory_space<vmem>>)
    %run_scoped3A_168 = arith.constant 0 : i32
    "tpu.region"() ({
      %run_scoped3A_912 = tpu.sem_alloc : memref<!tpu.dma_semaphore, #tpu.memory_space<semaphore_mem>>
      %dma_start3A_913 = arith.constant 0 : i32
      %dma_start3A_914 = tpu.memref_slice %arg8[%run_scoped3A_168, %dma_start3A_913] : memref<4x640xi32, #tpu.memory_space<vmem>> -> memref<1x640xi32, #tpu.memory_space<vmem>>
      %dma_start3A_915 = tpu.memref_squeeze %dma_start3A_914 : memref<1x640xi32, #tpu.memory_space<vmem>> -> memref<640xi32, #tpu.memory_space<vmem>>
      %dma_start3A_916 = arith.constant 0 : i32
      %dma_start3A_917 = arith.constant 0 : i32
      %dma_start3A_918 = tpu.memref_slice %arg11[%dma_start3A_916, %dma_start3A_917] : memref<10240x64xf32, #tpu.memory_space<vmem_shared>> -> memref<10240x64xf32, #tpu.memory_space<vmem_shared>>
      tpu.enqueue_indirect_dma source(%arg9 : memref<640x64xf32, #tpu.memory_space<vmem>>) target(%dma_start3A_918 : memref<10240x64xf32, #tpu.memory_space<vmem_shared>>) offsets(%dma_start3A_915 : memref<640xi32, #tpu.memory_space<vmem>>) semaphore(%run_scoped3A_912 : memref<!tpu.dma_semaphore, #tpu.memory_space<semaphore_mem>>) {add = true}
      %dma_wait3A_919 = arith.constant 0 : i32
      %dma_wait3A_920 = tpu.memref_slice %arg8[%run_scoped3A_168, %dma_wait3A_919] : memref<4x640xi32, #tpu.memory_space<vmem>> -> memref<1x640xi32, #tpu.memory_space<vmem>>
      %dma_wait3A_921 = tpu.memref_squeeze %dma_wait3A_920 : memref<1x640xi32, #tpu.memory_space<vmem>> -> memref<640xi32, #tpu.memory_space<vmem>>
      %dma_wait3A_922 = arith.constant 0 : i32
      %dma_wait3A_923 = arith.constant 0 : i32
      %dma_wait3A_924 = tpu.memref_slice %arg11[%dma_wait3A_922, %dma_wait3A_923] : memref<10240x64xf32, #tpu.memory_space<vmem_shared>> -> memref<10240x64xf32, #tpu.memory_space<vmem_shared>>
      tpu.wait_indirect_dma semaphore(%run_scoped3A_912 : memref<!tpu.dma_semaphore, #tpu.memory_space<semaphore_mem>>) src(%arg9 : memref<640x64xf32, #tpu.memory_space<vmem>>) dst(%dma_wait3A_924 : memref<10240x64xf32, #tpu.memory_space<vmem_shared>>)
      tpu.yield
    }) : () -> ()
    %dma_start3A_169 = arith.constant 1 : i32
    %dma_start3A_170 = arith.constant 1 : i32
    %dma_start3A_171 = arith.constant 0 : i32
    %dma_start3A_172 = tpu.memref_slice %arg7[%dma_start3A_169, %dma_start3A_170, %dma_start3A_171] : memref<2x4x640xi32, #tpu.memory_space<vmem>> -> memref<1x1x640xi32, #tpu.memory_space<vmem>>
    %dma_start3A_173 = tpu.memref_squeeze %dma_start3A_172 : memref<1x1x640xi32, #tpu.memory_space<vmem>> -> memref<640xi32, #tpu.memory_space<vmem>>
    %dma_start3A_174 = arith.constant 0 : i32
    %dma_start3A_175 = arith.constant 0 : i32
    %dma_start3A_176 = tpu.memref_slice %arg10[%dma_start3A_174, %dma_start3A_175] : memref<10240x64xf32, #tpu.memory_space<vmem_shared>> -> memref<10240x64xf32, #tpu.memory_space<vmem_shared>>
    tpu.enqueue_indirect_dma source(%dma_start3A_176 : memref<10240x64xf32, #tpu.memory_space<vmem_shared>>) target(%arg9 : memref<640x64xf32, #tpu.memory_space<vmem>>) offsets(%dma_start3A_173 : memref<640xi32, #tpu.memory_space<vmem>>) semaphore(%arg12 : memref<!tpu.dma_semaphore, #tpu.memory_space<semaphore_mem>>)
    %dma_wait3A_177 = arith.constant 1 : i32
    %dma_wait3A_178 = arith.constant 1 : i32
    %dma_wait3A_179 = arith.constant 0 : i32
    %dma_wait3A_180 = tpu.memref_slice %arg7[%dma_wait3A_177, %dma_wait3A_178, %dma_wait3A_179] : memref<2x4x640xi32, #tpu.memory_space<vmem>> -> memref<1x1x640xi32, #tpu.memory_space<vmem>>
    %dma_wait3A_181 = tpu.memref_squeeze %dma_wait3A_180 : memref<1x1x640xi32, #tpu.memory_space<vmem>> -> memref<640xi32, #tpu.memory_space<vmem>>
    %dma_wait3A_182 = arith.constant 0 : i32
    %dma_wait3A_183 = arith.constant 0 : i32
    %dma_wait3A_184 = tpu.memref_slice %arg10[%dma_wait3A_182, %dma_wait3A_183] : memref<10240x64xf32, #tpu.memory_space<vmem_shared>> -> memref<10240x64xf32, #tpu.memory_space<vmem_shared>>
    tpu.wait_indirect_dma semaphore(%arg12 : memref<!tpu.dma_semaphore, #tpu.memory_space<semaphore_mem>>) src(%dma_wait3A_184 : memref<10240x64xf32, #tpu.memory_space<vmem_shared>>) dst(%arg9 : memref<640x64xf32, #tpu.memory_space<vmem>>)
    %run_scoped3A_185 = arith.constant 1 : i32
    "tpu.region"() ({
      %run_scoped3A_912 = tpu.sem_alloc : memref<!tpu.dma_semaphore, #tpu.memory_space<semaphore_mem>>
      %dma_start3A_913 = arith.constant 0 : i32
      %dma_start3A_914 = tpu.memref_slice %arg8[%run_scoped3A_185, %dma_start3A_913] : memref<4x640xi32, #tpu.memory_space<vmem>> -> memref<1x640xi32, #tpu.memory_space<vmem>>
      %dma_start3A_915 = tpu.memref_squeeze %dma_start3A_914 : memref<1x640xi32, #tpu.memory_space<vmem>> -> memref<640xi32, #tpu.memory_space<vmem>>
      %dma_start3A_916 = arith.constant 0 : i32
      %dma_start3A_917 = arith.constant 0 : i32
      %dma_start3A_918 = tpu.memref_slice %arg11[%dma_start3A_916, %dma_start3A_917] : memref<10240x64xf32, #tpu.memory_space<vmem_shared>> -> memref<10240x64xf32, #tpu.memory_space<vmem_shared>>
      tpu.enqueue_indirect_dma source(%arg9 : memref<640x64xf32, #tpu.memory_space<vmem>>) target(%dma_start3A_918 : memref<10240x64xf32, #tpu.memory_space<vmem_shared>>) offsets(%dma_start3A_915 : memref<640xi32, #tpu.memory_space<vmem>>) semaphore(%run_scoped3A_912 : memref<!tpu.dma_semaphore, #tpu.memory_space<semaphore_mem>>) {add = true}
      %dma_wait3A_919 = arith.constant 0 : i32
      %dma_wait3A_920 = tpu.memref_slice %arg8[%run_scoped3A_185, %dma_wait3A_919] : memref<4x640xi32, #tpu.memory_space<vmem>> -> memref<1x640xi32, #tpu.memory_space<vmem>>
      %dma_wait3A_921 = tpu.memref_squeeze %dma_wait3A_920 : memref<1x640xi32, #tpu.memory_space<vmem>> -> memref<640xi32, #tpu.memory_space<vmem>>
      %dma_wait3A_922 = arith.constant 0 : i32
      %dma_wait3A_923 = arith.constant 0 : i32
      %dma_wait3A_924 = tpu.memref_slice %arg11[%dma_wait3A_922, %dma_wait3A_923] : memref<10240x64xf32, #tpu.memory_space<vmem_shared>> -> memref<10240x64xf32, #tpu.memory_space<vmem_shared>>
      tpu.wait_indirect_dma semaphore(%run_scoped3A_912 : memref<!tpu.dma_semaphore, #tpu.memory_space<semaphore_mem>>) src(%arg9 : memref<640x64xf32, #tpu.memory_space<vmem>>) dst(%dma_wait3A_924 : memref<10240x64xf32, #tpu.memory_space<vmem_shared>>)
      tpu.yield
    }) : () -> ()
    %dma_start3A_186 = arith.constant 1 : i32
    %dma_start3A_187 = arith.constant 2 : i32
    %dma_start3A_188 = arith.constant 0 : i32
    %dma_start3A_189 = tpu.memref_slice %arg7[%dma_start3A_186, %dma_start3A_187, %dma_start3A_188] : memref<2x4x640xi32, #tpu.memory_space<vmem>> -> memref<1x1x640xi32, #tpu.memory_space<vmem>>
    %dma_start3A_190 = tpu.memref_squeeze %dma_start3A_189 : memref<1x1x640xi32, #tpu.memory_space<vmem>> -> memref<640xi32, #tpu.memory_space<vmem>>
    %dma_start3A_191 = arith.constant 0 : i32
    %dma_start3A_192 = arith.constant 0 : i32
    %dma_start3A_193 = tpu.memref_slice %arg10[%dma_start3A_191, %dma_start3A_192] : memref<10240x64xf32, #tpu.memory_space<vmem_shared>> -> memref<10240x64xf32, #tpu.memory_space<vmem_shared>>
    tpu.enqueue_indirect_dma source(%dma_start3A_193 : memref<10240x64xf32, #tpu.memory_space<vmem_shared>>) target(%arg9 : memref<640x64xf32, #tpu.memory_space<vmem>>) offsets(%dma_start3A_190 : memref<640xi32, #tpu.memory_space<vmem>>) semaphore(%arg12 : memref<!tpu.dma_semaphore, #tpu.memory_space<semaphore_mem>>)
    %dma_wait3A_194 = arith.constant 1 : i32
    %dma_wait3A_195 = arith.constant 2 : i32
    %dma_wait3A_196 = arith.constant 0 : i32
    %dma_wait3A_197 = tpu.memref_slice %arg7[%dma_wait3A_194, %dma_wait3A_195, %dma_wait3A_196] : memref<2x4x640xi32, #tpu.memory_space<vmem>> -> memref<1x1x640xi32, #tpu.memory_space<vmem>>
    %dma_wait3A_198 = tpu.memref_squeeze %dma_wait3A_197 : memref<1x1x640xi32, #tpu.memory_space<vmem>> -> memref<640xi32, #tpu.memory_space<vmem>>
    %dma_wait3A_199 = arith.constant 0 : i32
    %dma_wait3A_200 = arith.constant 0 : i32
    %dma_wait3A_201 = tpu.memref_slice %arg10[%dma_wait3A_199, %dma_wait3A_200] : memref<10240x64xf32, #tpu.memory_space<vmem_shared>> -> memref<10240x64xf32, #tpu.memory_space<vmem_shared>>
    tpu.wait_indirect_dma semaphore(%arg12 : memref<!tpu.dma_semaphore, #tpu.memory_space<semaphore_mem>>) src(%dma_wait3A_201 : memref<10240x64xf32, #tpu.memory_space<vmem_shared>>) dst(%arg9 : memref<640x64xf32, #tpu.memory_space<vmem>>)
    %run_scoped3A_202 = arith.constant 2 : i32
    "tpu.region"() ({
      %run_scoped3A_912 = tpu.sem_alloc : memref<!tpu.dma_semaphore, #tpu.memory_space<semaphore_mem>>
      %dma_start3A_913 = arith.constant 0 : i32
      %dma_start3A_914 = tpu.memref_slice %arg8[%run_scoped3A_202, %dma_start3A_913] : memref<4x640xi32, #tpu.memory_space<vmem>> -> memref<1x640xi32, #tpu.memory_space<vmem>>
      %dma_start3A_915 = tpu.memref_squeeze %dma_start3A_914 : memref<1x640xi32, #tpu.memory_space<vmem>> -> memref<640xi32, #tpu.memory_space<vmem>>
      %dma_start3A_916 = arith.constant 0 : i32
      %dma_start3A_917 = arith.constant 0 : i32
      %dma_start3A_918 = tpu.memref_slice %arg11[%dma_start3A_916, %dma_start3A_917] : memref<10240x64xf32, #tpu.memory_space<vmem_shared>> -> memref<10240x64xf32, #tpu.memory_space<vmem_shared>>
      tpu.enqueue_indirect_dma source(%arg9 : memref<640x64xf32, #tpu.memory_space<vmem>>) target(%dma_start3A_918 : memref<10240x64xf32, #tpu.memory_space<vmem_shared>>) offsets(%dma_start3A_915 : memref<640xi32, #tpu.memory_space<vmem>>) semaphore(%run_scoped3A_912 : memref<!tpu.dma_semaphore, #tpu.memory_space<semaphore_mem>>) {add = true}
      %dma_wait3A_919 = arith.constant 0 : i32
      %dma_wait3A_920 = tpu.memref_slice %arg8[%run_scoped3A_202, %dma_wait3A_919] : memref<4x640xi32, #tpu.memory_space<vmem>> -> memref<1x640xi32, #tpu.memory_space<vmem>>
      %dma_wait3A_921 = tpu.memref_squeeze %dma_wait3A_920 : memref<1x640xi32, #tpu.memory_space<vmem>> -> memref<640xi32, #tpu.memory_space<vmem>>
      %dma_wait3A_922 = arith.constant 0 : i32
      %dma_wait3A_923 = arith.constant 0 : i32
      %dma_wait3A_924 = tpu.memref_slice %arg11[%dma_wait3A_922, %dma_wait3A_923] : memref<10240x64xf32, #tpu.memory_space<vmem_shared>> -> memref<10240x64xf32, #tpu.memory_space<vmem_shared>>
      tpu.wait_indirect_dma semaphore(%run_scoped3A_912 : memref<!tpu.dma_semaphore, #tpu.memory_space<semaphore_mem>>) src(%arg9 : memref<640x64xf32, #tpu.memory_space<vmem>>) dst(%dma_wait3A_924 : memref<10240x64xf32, #tpu.memory_space<vmem_shared>>)
      tpu.yield
    }) : () -> ()
    %dma_start3A_203 = arith.constant 1 : i32
    %dma_start3A_204 = arith.constant 3 : i32
    %dma_start3A_205 = arith.constant 0 : i32
    %dma_start3A_206 = tpu.memref_slice %arg7[%dma_start3A_203, %dma_start3A_204, %dma_start3A_205] : memref<2x4x640xi32, #tpu.memory_space<vmem>> -> memref<1x1x640xi32, #tpu.memory_space<vmem>>
    %dma_start3A_207 = tpu.memref_squeeze %dma_start3A_206 : memref<1x1x640xi32, #tpu.memory_space<vmem>> -> memref<640xi32, #tpu.memory_space<vmem>>
    %dma_start3A_208 = arith.constant 0 : i32
    %dma_start3A_209 = arith.constant 0 : i32
    %dma_start3A_210 = tpu.memref_slice %arg10[%dma_start3A_208, %dma_start3A_209] : memref<10240x64xf32, #tpu.memory_space<vmem_shared>> -> memref<10240x64xf32, #tpu.memory_space<vmem_shared>>
    tpu.enqueue_indirect_dma source(%dma_start3A_210 : memref<10240x64xf32, #tpu.memory_space<vmem_shared>>) target(%arg9 : memref<640x64xf32, #tpu.memory_space<vmem>>) offsets(%dma_start3A_207 : memref<640xi32, #tpu.memory_space<vmem>>) semaphore(%arg12 : memref<!tpu.dma_semaphore, #tpu.memory_space<semaphore_mem>>)
    %dma_wait3A_211 = arith.constant 1 : i32
    %dma_wait3A_212 = arith.constant 3 : i32
    %dma_wait3A_213 = arith.constant 0 : i32
    %dma_wait3A_214 = tpu.memref_slice %arg7[%dma_wait3A_211, %dma_wait3A_212, %dma_wait3A_213] : memref<2x4x640xi32, #tpu.memory_space<vmem>> -> memref<1x1x640xi32, #tpu.memory_space<vmem>>
    %dma_wait3A_215 = tpu.memref_squeeze %dma_wait3A_214 : memref<1x1x640xi32, #tpu.memory_space<vmem>> -> memref<640xi32, #tpu.memory_space<vmem>>
    %dma_wait3A_216 = arith.constant 0 : i32
    %dma_wait3A_217 = arith.constant 0 : i32
    %dma_wait3A_218 = tpu.memref_slice %arg10[%dma_wait3A_216, %dma_wait3A_217] : memref<10240x64xf32, #tpu.memory_space<vmem_shared>> -> memref<10240x64xf32, #tpu.memory_space<vmem_shared>>
    tpu.wait_indirect_dma semaphore(%arg12 : memref<!tpu.dma_semaphore, #tpu.memory_space<semaphore_mem>>) src(%dma_wait3A_218 : memref<10240x64xf32, #tpu.memory_space<vmem_shared>>) dst(%arg9 : memref<640x64xf32, #tpu.memory_space<vmem>>)
    %run_scoped3A_219 = arith.constant 3 : i32
    "tpu.region"() ({
      %run_scoped3A_912 = tpu.sem_alloc : memref<!tpu.dma_semaphore, #tpu.memory_space<semaphore_mem>>
      %dma_start3A_913 = arith.constant 0 : i32
      %dma_start3A_914 = tpu.memref_slice %arg8[%run_scoped3A_219, %dma_start3A_913] : memref<4x640xi32, #tpu.memory_space<vmem>> -> memref<1x640xi32, #tpu.memory_space<vmem>>
      %dma_start3A_915 = tpu.memref_squeeze %dma_start3A_914 : memref<1x640xi32, #tpu.memory_space<vmem>> -> memref<640xi32, #tpu.memory_space<vmem>>
      %dma_start3A_916 = arith.constant 0 : i32
      %dma_start3A_917 = arith.constant 0 : i32
      %dma_start3A_918 = tpu.memref_slice %arg11[%dma_start3A_916, %dma_start3A_917] : memref<10240x64xf32, #tpu.memory_space<vmem_shared>> -> memref<10240x64xf32, #tpu.memory_space<vmem_shared>>
      tpu.enqueue_indirect_dma source(%arg9 : memref<640x64xf32, #tpu.memory_space<vmem>>) target(%dma_start3A_918 : memref<10240x64xf32, #tpu.memory_space<vmem_shared>>) offsets(%dma_start3A_915 : memref<640xi32, #tpu.memory_space<vmem>>) semaphore(%run_scoped3A_912 : memref<!tpu.dma_semaphore, #tpu.memory_space<semaphore_mem>>) {add = true}
      %dma_wait3A_919 = arith.constant 0 : i32
      %dma_wait3A_920 = tpu.memref_slice %arg8[%run_scoped3A_219, %dma_wait3A_919] : memref<4x640xi32, #tpu.memory_space<vmem>> -> memref<1x640xi32, #tpu.memory_space<vmem>>
      %dma_wait3A_921 = tpu.memref_squeeze %dma_wait3A_920 : memref<1x640xi32, #tpu.memory_space<vmem>> -> memref<640xi32, #tpu.memory_space<vmem>>
      %dma_wait3A_922 = arith.constant 0 : i32
      %dma_wait3A_923 = arith.constant 0 : i32
      %dma_wait3A_924 = tpu.memref_slice %arg11[%dma_wait3A_922, %dma_wait3A_923] : memref<10240x64xf32, #tpu.memory_space<vmem_shared>> -> memref<10240x64xf32, #tpu.memory_space<vmem_shared>>
      tpu.wait_indirect_dma semaphore(%run_scoped3A_912 : memref<!tpu.dma_semaphore, #tpu.memory_space<semaphore_mem>>) src(%arg9 : memref<640x64xf32, #tpu.memory_space<vmem>>) dst(%dma_wait3A_924 : memref<10240x64xf32, #tpu.memory_space<vmem_shared>>)
      tpu.yield
    }) : () -> ()
    %dma_wait3A_220 = arith.constant 0 : i32
    %dma_wait3A_221 = arith.constant 0 : i32
    %dma_wait3A_222 = arith.constant 0 : i32
    %dma_wait3A_223 = tpu.memref_slice %arg7[%dma_wait3A_220, %dma_wait3A_221, %dma_wait3A_222] : memref<2x4x640xi32, #tpu.memory_space<vmem>> -> memref<1x4x640xi32, #tpu.memory_space<vmem>>
    %dma_wait3A_224 = tpu.memref_squeeze %dma_wait3A_223 : memref<1x4x640xi32, #tpu.memory_space<vmem>> -> memref<4x640xi32, #tpu.memory_space<vmem>>
    %dma_wait3A_225 = arith.constant 8 : i32
    %dma_wait3A_226 = arith.constant 0 : i32
    %dma_wait3A_227 = tpu.memref_slice %arg3[%arg1, %dma_wait3A_225, %dma_wait3A_226] : memref<16x32x640xi32, #tpu.memory_space<hbm>> -> memref<1x4x640xi32, #tpu.memory_space<hbm>>
    %dma_wait3A_228 = tpu.memref_squeeze %dma_wait3A_227 : memref<1x4x640xi32, #tpu.memory_space<hbm>> -> memref<4x640xi32, #tpu.memory_space<hbm>>
    %dma_wait3A_229 = arith.constant 0 : i32
    %dma_wait3A_230 = arith.constant 0 : i32
    %dma_wait3A_231 = tpu.memref_slice %arg7[%dma_wait3A_220, %dma_wait3A_229, %dma_wait3A_230] : memref<2x4x640xi32, #tpu.memory_space<vmem>> -> memref<1x4x640xi32, #tpu.memory_space<vmem>>
    %dma_wait3A_232 = tpu.memref_squeeze %dma_wait3A_231 : memref<1x4x640xi32, #tpu.memory_space<vmem>> -> memref<4x640xi32, #tpu.memory_space<vmem>>
    %dma_wait3A_233 = arith.constant 8 : i32
    %dma_wait3A_234 = arith.constant 0 : i32
    %dma_wait3A_235 = tpu.memref_slice %arg3[%arg1, %dma_wait3A_233, %dma_wait3A_234] : memref<16x32x640xi32, #tpu.memory_space<hbm>> -> memref<1x4x640xi32, #tpu.memory_space<hbm>>
    %dma_wait3A_236 = tpu.memref_squeeze %dma_wait3A_235 : memref<1x4x640xi32, #tpu.memory_space<hbm>> -> memref<4x640xi32, #tpu.memory_space<hbm>>
    tpu.wait_dma2 semaphore(%arg13 : memref<!tpu.dma_semaphore, #tpu.memory_space<semaphore_mem>>) src(%dma_wait3A_236 : memref<4x640xi32, #tpu.memory_space<hbm>>) dst(%dma_wait3A_232 : memref<4x640xi32, #tpu.memory_space<vmem>>)
    %dma_start3A_237 = arith.constant 1 : i32
    %dma_start3A_238 = arith.constant 0 : i32
    %dma_start3A_239 = arith.constant 0 : i32
    %dma_start3A_240 = tpu.memref_slice %arg7[%dma_start3A_237, %dma_start3A_238, %dma_start3A_239] : memref<2x4x640xi32, #tpu.memory_space<vmem>> -> memref<1x4x640xi32, #tpu.memory_space<vmem>>
    %dma_start3A_241 = tpu.memref_squeeze %dma_start3A_240 : memref<1x4x640xi32, #tpu.memory_space<vmem>> -> memref<4x640xi32, #tpu.memory_space<vmem>>
    %dma_start3A_242 = arith.constant 12 : i32
    %dma_start3A_243 = arith.constant 0 : i32
    %dma_start3A_244 = tpu.memref_slice %arg3[%arg1, %dma_start3A_242, %dma_start3A_243] : memref<16x32x640xi32, #tpu.memory_space<hbm>> -> memref<1x4x640xi32, #tpu.memory_space<hbm>>
    %dma_start3A_245 = tpu.memref_squeeze %dma_start3A_244 : memref<1x4x640xi32, #tpu.memory_space<hbm>> -> memref<4x640xi32, #tpu.memory_space<hbm>>
    %dma_start3A_246 = arith.constant 0 : i32
    %dma_start3A_247 = arith.constant 0 : i32
    %dma_start3A_248 = tpu.memref_slice %arg7[%dma_start3A_237, %dma_start3A_246, %dma_start3A_247] : memref<2x4x640xi32, #tpu.memory_space<vmem>> -> memref<1x4x640xi32, #tpu.memory_space<vmem>>
    %dma_start3A_249 = tpu.memref_squeeze %dma_start3A_248 : memref<1x4x640xi32, #tpu.memory_space<vmem>> -> memref<4x640xi32, #tpu.memory_space<vmem>>
    %dma_start3A_250 = arith.constant 12 : i32
    %dma_start3A_251 = arith.constant 0 : i32
    %dma_start3A_252 = tpu.memref_slice %arg3[%arg1, %dma_start3A_250, %dma_start3A_251] : memref<16x32x640xi32, #tpu.memory_space<hbm>> -> memref<1x4x640xi32, #tpu.memory_space<hbm>>
    %dma_start3A_253 = tpu.memref_squeeze %dma_start3A_252 : memref<1x4x640xi32, #tpu.memory_space<hbm>> -> memref<4x640xi32, #tpu.memory_space<hbm>>
    tpu.enqueue_dma source(%dma_start3A_253 : memref<4x640xi32, #tpu.memory_space<hbm>>) target(%dma_start3A_249 : memref<4x640xi32, #tpu.memory_space<vmem>>) target_semaphore(%arg13 : memref<!tpu.dma_semaphore, #tpu.memory_space<semaphore_mem>>)
    %dma_start3A_254 = arith.constant 0 : i32
    %dma_start3A_255 = arith.constant 0 : i32
    %dma_start3A_256 = arith.constant 0 : i32
    %dma_start3A_257 = tpu.memref_slice %arg7[%dma_start3A_254, %dma_start3A_255, %dma_start3A_256] : memref<2x4x640xi32, #tpu.memory_space<vmem>> -> memref<1x1x640xi32, #tpu.memory_space<vmem>>
    %dma_start3A_258 = tpu.memref_squeeze %dma_start3A_257 : memref<1x1x640xi32, #tpu.memory_space<vmem>> -> memref<640xi32, #tpu.memory_space<vmem>>
    %dma_start3A_259 = arith.constant 0 : i32
    %dma_start3A_260 = arith.constant 0 : i32
    %dma_start3A_261 = tpu.memref_slice %arg10[%dma_start3A_259, %dma_start3A_260] : memref<10240x64xf32, #tpu.memory_space<vmem_shared>> -> memref<10240x64xf32, #tpu.memory_space<vmem_shared>>
    tpu.enqueue_indirect_dma source(%dma_start3A_261 : memref<10240x64xf32, #tpu.memory_space<vmem_shared>>) target(%arg9 : memref<640x64xf32, #tpu.memory_space<vmem>>) offsets(%dma_start3A_258 : memref<640xi32, #tpu.memory_space<vmem>>) semaphore(%arg12 : memref<!tpu.dma_semaphore, #tpu.memory_space<semaphore_mem>>)
    %dma_start3A_262 = arith.constant 8 : i32
    %dma_start3A_263 = arith.constant 0 : i32
    %dma_start3A_264 = tpu.memref_slice %arg4[%arg1, %dma_start3A_262, %dma_start3A_263] : memref<16x32x640xi32, #tpu.memory_space<hbm>> -> memref<1x4x640xi32, #tpu.memory_space<hbm>>
    %dma_start3A_265 = tpu.memref_squeeze %dma_start3A_264 : memref<1x4x640xi32, #tpu.memory_space<hbm>> -> memref<4x640xi32, #tpu.memory_space<hbm>>
    %dma_start3A_266 = arith.constant 8 : i32
    %dma_start3A_267 = arith.constant 0 : i32
    %dma_start3A_268 = tpu.memref_slice %arg4[%arg1, %dma_start3A_266, %dma_start3A_267] : memref<16x32x640xi32, #tpu.memory_space<hbm>> -> memref<1x4x640xi32, #tpu.memory_space<hbm>>
    %dma_start3A_269 = tpu.memref_squeeze %dma_start3A_268 : memref<1x4x640xi32, #tpu.memory_space<hbm>> -> memref<4x640xi32, #tpu.memory_space<hbm>>
    tpu.enqueue_dma source(%dma_start3A_269 : memref<4x640xi32, #tpu.memory_space<hbm>>) target(%arg8 : memref<4x640xi32, #tpu.memory_space<vmem>>) target_semaphore(%arg14 : memref<!tpu.dma_semaphore, #tpu.memory_space<semaphore_mem>>)
    %dma_wait3A_270 = arith.constant 0 : i32
    %dma_wait3A_271 = arith.constant 0 : i32
    %dma_wait3A_272 = arith.constant 0 : i32
    %dma_wait3A_273 = tpu.memref_slice %arg7[%dma_wait3A_270, %dma_wait3A_271, %dma_wait3A_272] : memref<2x4x640xi32, #tpu.memory_space<vmem>> -> memref<1x1x640xi32, #tpu.memory_space<vmem>>
    %dma_wait3A_274 = tpu.memref_squeeze %dma_wait3A_273 : memref<1x1x640xi32, #tpu.memory_space<vmem>> -> memref<640xi32, #tpu.memory_space<vmem>>
    %dma_wait3A_275 = arith.constant 0 : i32
    %dma_wait3A_276 = arith.constant 0 : i32
    %dma_wait3A_277 = tpu.memref_slice %arg10[%dma_wait3A_275, %dma_wait3A_276] : memref<10240x64xf32, #tpu.memory_space<vmem_shared>> -> memref<10240x64xf32, #tpu.memory_space<vmem_shared>>
    tpu.wait_indirect_dma semaphore(%arg12 : memref<!tpu.dma_semaphore, #tpu.memory_space<semaphore_mem>>) src(%dma_wait3A_277 : memref<10240x64xf32, #tpu.memory_space<vmem_shared>>) dst(%arg9 : memref<640x64xf32, #tpu.memory_space<vmem>>)
    %dma_wait3A_278 = arith.constant 8 : i32
    %dma_wait3A_279 = arith.constant 0 : i32
    %dma_wait3A_280 = tpu.memref_slice %arg4[%arg1, %dma_wait3A_278, %dma_wait3A_279] : memref<16x32x640xi32, #tpu.memory_space<hbm>> -> memref<1x4x640xi32, #tpu.memory_space<hbm>>
    %dma_wait3A_281 = tpu.memref_squeeze %dma_wait3A_280 : memref<1x4x640xi32, #tpu.memory_space<hbm>> -> memref<4x640xi32, #tpu.memory_space<hbm>>
    %dma_wait3A_282 = arith.constant 8 : i32
    %dma_wait3A_283 = arith.constant 0 : i32
    %dma_wait3A_284 = tpu.memref_slice %arg4[%arg1, %dma_wait3A_282, %dma_wait3A_283] : memref<16x32x640xi32, #tpu.memory_space<hbm>> -> memref<1x4x640xi32, #tpu.memory_space<hbm>>
    %dma_wait3A_285 = tpu.memref_squeeze %dma_wait3A_284 : memref<1x4x640xi32, #tpu.memory_space<hbm>> -> memref<4x640xi32, #tpu.memory_space<hbm>>
    tpu.wait_dma2 semaphore(%arg14 : memref<!tpu.dma_semaphore, #tpu.memory_space<semaphore_mem>>) src(%dma_wait3A_285 : memref<4x640xi32, #tpu.memory_space<hbm>>) dst(%arg8 : memref<4x640xi32, #tpu.memory_space<vmem>>)
    %run_scoped3A_286 = arith.constant 0 : i32
    "tpu.region"() ({
      %run_scoped3A_912 = tpu.sem_alloc : memref<!tpu.dma_semaphore, #tpu.memory_space<semaphore_mem>>
      %dma_start3A_913 = arith.constant 0 : i32
      %dma_start3A_914 = tpu.memref_slice %arg8[%run_scoped3A_286, %dma_start3A_913] : memref<4x640xi32, #tpu.memory_space<vmem>> -> memref<1x640xi32, #tpu.memory_space<vmem>>
      %dma_start3A_915 = tpu.memref_squeeze %dma_start3A_914 : memref<1x640xi32, #tpu.memory_space<vmem>> -> memref<640xi32, #tpu.memory_space<vmem>>
      %dma_start3A_916 = arith.constant 0 : i32
      %dma_start3A_917 = arith.constant 0 : i32
      %dma_start3A_918 = tpu.memref_slice %arg11[%dma_start3A_916, %dma_start3A_917] : memref<10240x64xf32, #tpu.memory_space<vmem_shared>> -> memref<10240x64xf32, #tpu.memory_space<vmem_shared>>
      tpu.enqueue_indirect_dma source(%arg9 : memref<640x64xf32, #tpu.memory_space<vmem>>) target(%dma_start3A_918 : memref<10240x64xf32, #tpu.memory_space<vmem_shared>>) offsets(%dma_start3A_915 : memref<640xi32, #tpu.memory_space<vmem>>) semaphore(%run_scoped3A_912 : memref<!tpu.dma_semaphore, #tpu.memory_space<semaphore_mem>>) {add = true}
      %dma_wait3A_919 = arith.constant 0 : i32
      %dma_wait3A_920 = tpu.memref_slice %arg8[%run_scoped3A_286, %dma_wait3A_919] : memref<4x640xi32, #tpu.memory_space<vmem>> -> memref<1x640xi32, #tpu.memory_space<vmem>>
      %dma_wait3A_921 = tpu.memref_squeeze %dma_wait3A_920 : memref<1x640xi32, #tpu.memory_space<vmem>> -> memref<640xi32, #tpu.memory_space<vmem>>
      %dma_wait3A_922 = arith.constant 0 : i32
      %dma_wait3A_923 = arith.constant 0 : i32
      %dma_wait3A_924 = tpu.memref_slice %arg11[%dma_wait3A_922, %dma_wait3A_923] : memref<10240x64xf32, #tpu.memory_space<vmem_shared>> -> memref<10240x64xf32, #tpu.memory_space<vmem_shared>>
      tpu.wait_indirect_dma semaphore(%run_scoped3A_912 : memref<!tpu.dma_semaphore, #tpu.memory_space<semaphore_mem>>) src(%arg9 : memref<640x64xf32, #tpu.memory_space<vmem>>) dst(%dma_wait3A_924 : memref<10240x64xf32, #tpu.memory_space<vmem_shared>>)
      tpu.yield
    }) : () -> ()
    %dma_start3A_287 = arith.constant 0 : i32
    %dma_start3A_288 = arith.constant 1 : i32
    %dma_start3A_289 = arith.constant 0 : i32
    %dma_start3A_290 = tpu.memref_slice %arg7[%dma_start3A_287, %dma_start3A_288, %dma_start3A_289] : memref<2x4x640xi32, #tpu.memory_space<vmem>> -> memref<1x1x640xi32, #tpu.memory_space<vmem>>
    %dma_start3A_291 = tpu.memref_squeeze %dma_start3A_290 : memref<1x1x640xi32, #tpu.memory_space<vmem>> -> memref<640xi32, #tpu.memory_space<vmem>>
    %dma_start3A_292 = arith.constant 0 : i32
    %dma_start3A_293 = arith.constant 0 : i32
    %dma_start3A_294 = tpu.memref_slice %arg10[%dma_start3A_292, %dma_start3A_293] : memref<10240x64xf32, #tpu.memory_space<vmem_shared>> -> memref<10240x64xf32, #tpu.memory_space<vmem_shared>>
    tpu.enqueue_indirect_dma source(%dma_start3A_294 : memref<10240x64xf32, #tpu.memory_space<vmem_shared>>) target(%arg9 : memref<640x64xf32, #tpu.memory_space<vmem>>) offsets(%dma_start3A_291 : memref<640xi32, #tpu.memory_space<vmem>>) semaphore(%arg12 : memref<!tpu.dma_semaphore, #tpu.memory_space<semaphore_mem>>)
    %dma_wait3A_295 = arith.constant 0 : i32
    %dma_wait3A_296 = arith.constant 1 : i32
    %dma_wait3A_297 = arith.constant 0 : i32
    %dma_wait3A_298 = tpu.memref_slice %arg7[%dma_wait3A_295, %dma_wait3A_296, %dma_wait3A_297] : memref<2x4x640xi32, #tpu.memory_space<vmem>> -> memref<1x1x640xi32, #tpu.memory_space<vmem>>
    %dma_wait3A_299 = tpu.memref_squeeze %dma_wait3A_298 : memref<1x1x640xi32, #tpu.memory_space<vmem>> -> memref<640xi32, #tpu.memory_space<vmem>>
    %dma_wait3A_300 = arith.constant 0 : i32
    %dma_wait3A_301 = arith.constant 0 : i32
    %dma_wait3A_302 = tpu.memref_slice %arg10[%dma_wait3A_300, %dma_wait3A_301] : memref<10240x64xf32, #tpu.memory_space<vmem_shared>> -> memref<10240x64xf32, #tpu.memory_space<vmem_shared>>
    tpu.wait_indirect_dma semaphore(%arg12 : memref<!tpu.dma_semaphore, #tpu.memory_space<semaphore_mem>>) src(%dma_wait3A_302 : memref<10240x64xf32, #tpu.memory_space<vmem_shared>>) dst(%arg9 : memref<640x64xf32, #tpu.memory_space<vmem>>)
    %run_scoped3A_303 = arith.constant 1 : i32
    "tpu.region"() ({
      %run_scoped3A_912 = tpu.sem_alloc : memref<!tpu.dma_semaphore, #tpu.memory_space<semaphore_mem>>
      %dma_start3A_913 = arith.constant 0 : i32
      %dma_start3A_914 = tpu.memref_slice %arg8[%run_scoped3A_303, %dma_start3A_913] : memref<4x640xi32, #tpu.memory_space<vmem>> -> memref<1x640xi32, #tpu.memory_space<vmem>>
      %dma_start3A_915 = tpu.memref_squeeze %dma_start3A_914 : memref<1x640xi32, #tpu.memory_space<vmem>> -> memref<640xi32, #tpu.memory_space<vmem>>
      %dma_start3A_916 = arith.constant 0 : i32
      %dma_start3A_917 = arith.constant 0 : i32
      %dma_start3A_918 = tpu.memref_slice %arg11[%dma_start3A_916, %dma_start3A_917] : memref<10240x64xf32, #tpu.memory_space<vmem_shared>> -> memref<10240x64xf32, #tpu.memory_space<vmem_shared>>
      tpu.enqueue_indirect_dma source(%arg9 : memref<640x64xf32, #tpu.memory_space<vmem>>) target(%dma_start3A_918 : memref<10240x64xf32, #tpu.memory_space<vmem_shared>>) offsets(%dma_start3A_915 : memref<640xi32, #tpu.memory_space<vmem>>) semaphore(%run_scoped3A_912 : memref<!tpu.dma_semaphore, #tpu.memory_space<semaphore_mem>>) {add = true}
      %dma_wait3A_919 = arith.constant 0 : i32
      %dma_wait3A_920 = tpu.memref_slice %arg8[%run_scoped3A_303, %dma_wait3A_919] : memref<4x640xi32, #tpu.memory_space<vmem>> -> memref<1x640xi32, #tpu.memory_space<vmem>>
      %dma_wait3A_921 = tpu.memref_squeeze %dma_wait3A_920 : memref<1x640xi32, #tpu.memory_space<vmem>> -> memref<640xi32, #tpu.memory_space<vmem>>
      %dma_wait3A_922 = arith.constant 0 : i32
      %dma_wait3A_923 = arith.constant 0 : i32
      %dma_wait3A_924 = tpu.memref_slice %arg11[%dma_wait3A_922, %dma_wait3A_923] : memref<10240x64xf32, #tpu.memory_space<vmem_shared>> -> memref<10240x64xf32, #tpu.memory_space<vmem_shared>>
      tpu.wait_indirect_dma semaphore(%run_scoped3A_912 : memref<!tpu.dma_semaphore, #tpu.memory_space<semaphore_mem>>) src(%arg9 : memref<640x64xf32, #tpu.memory_space<vmem>>) dst(%dma_wait3A_924 : memref<10240x64xf32, #tpu.memory_space<vmem_shared>>)
      tpu.yield
    }) : () -> ()
    %dma_start3A_304 = arith.constant 0 : i32
    %dma_start3A_305 = arith.constant 2 : i32
    %dma_start3A_306 = arith.constant 0 : i32
    %dma_start3A_307 = tpu.memref_slice %arg7[%dma_start3A_304, %dma_start3A_305, %dma_start3A_306] : memref<2x4x640xi32, #tpu.memory_space<vmem>> -> memref<1x1x640xi32, #tpu.memory_space<vmem>>
    %dma_start3A_308 = tpu.memref_squeeze %dma_start3A_307 : memref<1x1x640xi32, #tpu.memory_space<vmem>> -> memref<640xi32, #tpu.memory_space<vmem>>
    %dma_start3A_309 = arith.constant 0 : i32
    %dma_start3A_310 = arith.constant 0 : i32
    %dma_start3A_311 = tpu.memref_slice %arg10[%dma_start3A_309, %dma_start3A_310] : memref<10240x64xf32, #tpu.memory_space<vmem_shared>> -> memref<10240x64xf32, #tpu.memory_space<vmem_shared>>
    tpu.enqueue_indirect_dma source(%dma_start3A_311 : memref<10240x64xf32, #tpu.memory_space<vmem_shared>>) target(%arg9 : memref<640x64xf32, #tpu.memory_space<vmem>>) offsets(%dma_start3A_308 : memref<640xi32, #tpu.memory_space<vmem>>) semaphore(%arg12 : memref<!tpu.dma_semaphore, #tpu.memory_space<semaphore_mem>>)
    %dma_wait3A_312 = arith.constant 0 : i32
    %dma_wait3A_313 = arith.constant 2 : i32
    %dma_wait3A_314 = arith.constant 0 : i32
    %dma_wait3A_315 = tpu.memref_slice %arg7[%dma_wait3A_312, %dma_wait3A_313, %dma_wait3A_314] : memref<2x4x640xi32, #tpu.memory_space<vmem>> -> memref<1x1x640xi32, #tpu.memory_space<vmem>>
    %dma_wait3A_316 = tpu.memref_squeeze %dma_wait3A_315 : memref<1x1x640xi32, #tpu.memory_space<vmem>> -> memref<640xi32, #tpu.memory_space<vmem>>
    %dma_wait3A_317 = arith.constant 0 : i32
    %dma_wait3A_318 = arith.constant 0 : i32
    %dma_wait3A_319 = tpu.memref_slice %arg10[%dma_wait3A_317, %dma_wait3A_318] : memref<10240x64xf32, #tpu.memory_space<vmem_shared>> -> memref<10240x64xf32, #tpu.memory_space<vmem_shared>>
    tpu.wait_indirect_dma semaphore(%arg12 : memref<!tpu.dma_semaphore, #tpu.memory_space<semaphore_mem>>) src(%dma_wait3A_319 : memref<10240x64xf32, #tpu.memory_space<vmem_shared>>) dst(%arg9 : memref<640x64xf32, #tpu.memory_space<vmem>>)
    %run_scoped3A_320 = arith.constant 2 : i32
    "tpu.region"() ({
      %run_scoped3A_912 = tpu.sem_alloc : memref<!tpu.dma_semaphore, #tpu.memory_space<semaphore_mem>>
      %dma_start3A_913 = arith.constant 0 : i32
      %dma_start3A_914 = tpu.memref_slice %arg8[%run_scoped3A_320, %dma_start3A_913] : memref<4x640xi32, #tpu.memory_space<vmem>> -> memref<1x640xi32, #tpu.memory_space<vmem>>
      %dma_start3A_915 = tpu.memref_squeeze %dma_start3A_914 : memref<1x640xi32, #tpu.memory_space<vmem>> -> memref<640xi32, #tpu.memory_space<vmem>>
      %dma_start3A_916 = arith.constant 0 : i32
      %dma_start3A_917 = arith.constant 0 : i32
      %dma_start3A_918 = tpu.memref_slice %arg11[%dma_start3A_916, %dma_start3A_917] : memref<10240x64xf32, #tpu.memory_space<vmem_shared>> -> memref<10240x64xf32, #tpu.memory_space<vmem_shared>>
      tpu.enqueue_indirect_dma source(%arg9 : memref<640x64xf32, #tpu.memory_space<vmem>>) target(%dma_start3A_918 : memref<10240x64xf32, #tpu.memory_space<vmem_shared>>) offsets(%dma_start3A_915 : memref<640xi32, #tpu.memory_space<vmem>>) semaphore(%run_scoped3A_912 : memref<!tpu.dma_semaphore, #tpu.memory_space<semaphore_mem>>) {add = true}
      %dma_wait3A_919 = arith.constant 0 : i32
      %dma_wait3A_920 = tpu.memref_slice %arg8[%run_scoped3A_320, %dma_wait3A_919] : memref<4x640xi32, #tpu.memory_space<vmem>> -> memref<1x640xi32, #tpu.memory_space<vmem>>
      %dma_wait3A_921 = tpu.memref_squeeze %dma_wait3A_920 : memref<1x640xi32, #tpu.memory_space<vmem>> -> memref<640xi32, #tpu.memory_space<vmem>>
      %dma_wait3A_922 = arith.constant 0 : i32
      %dma_wait3A_923 = arith.constant 0 : i32
      %dma_wait3A_924 = tpu.memref_slice %arg11[%dma_wait3A_922, %dma_wait3A_923] : memref<10240x64xf32, #tpu.memory_space<vmem_shared>> -> memref<10240x64xf32, #tpu.memory_space<vmem_shared>>
      tpu.wait_indirect_dma semaphore(%run_scoped3A_912 : memref<!tpu.dma_semaphore, #tpu.memory_space<semaphore_mem>>) src(%arg9 : memref<640x64xf32, #tpu.memory_space<vmem>>) dst(%dma_wait3A_924 : memref<10240x64xf32, #tpu.memory_space<vmem_shared>>)
      tpu.yield
    }) : () -> ()
    %dma_start3A_321 = arith.constant 0 : i32
    %dma_start3A_322 = arith.constant 3 : i32
    %dma_start3A_323 = arith.constant 0 : i32
    %dma_start3A_324 = tpu.memref_slice %arg7[%dma_start3A_321, %dma_start3A_322, %dma_start3A_323] : memref<2x4x640xi32, #tpu.memory_space<vmem>> -> memref<1x1x640xi32, #tpu.memory_space<vmem>>
    %dma_start3A_325 = tpu.memref_squeeze %dma_start3A_324 : memref<1x1x640xi32, #tpu.memory_space<vmem>> -> memref<640xi32, #tpu.memory_space<vmem>>
    %dma_start3A_326 = arith.constant 0 : i32
    %dma_start3A_327 = arith.constant 0 : i32
    %dma_start3A_328 = tpu.memref_slice %arg10[%dma_start3A_326, %dma_start3A_327] : memref<10240x64xf32, #tpu.memory_space<vmem_shared>> -> memref<10240x64xf32, #tpu.memory_space<vmem_shared>>
    tpu.enqueue_indirect_dma source(%dma_start3A_328 : memref<10240x64xf32, #tpu.memory_space<vmem_shared>>) target(%arg9 : memref<640x64xf32, #tpu.memory_space<vmem>>) offsets(%dma_start3A_325 : memref<640xi32, #tpu.memory_space<vmem>>) semaphore(%arg12 : memref<!tpu.dma_semaphore, #tpu.memory_space<semaphore_mem>>)
    %dma_wait3A_329 = arith.constant 0 : i32
    %dma_wait3A_330 = arith.constant 3 : i32
    %dma_wait3A_331 = arith.constant 0 : i32
    %dma_wait3A_332 = tpu.memref_slice %arg7[%dma_wait3A_329, %dma_wait3A_330, %dma_wait3A_331] : memref<2x4x640xi32, #tpu.memory_space<vmem>> -> memref<1x1x640xi32, #tpu.memory_space<vmem>>
    %dma_wait3A_333 = tpu.memref_squeeze %dma_wait3A_332 : memref<1x1x640xi32, #tpu.memory_space<vmem>> -> memref<640xi32, #tpu.memory_space<vmem>>
    %dma_wait3A_334 = arith.constant 0 : i32
    %dma_wait3A_335 = arith.constant 0 : i32
    %dma_wait3A_336 = tpu.memref_slice %arg10[%dma_wait3A_334, %dma_wait3A_335] : memref<10240x64xf32, #tpu.memory_space<vmem_shared>> -> memref<10240x64xf32, #tpu.memory_space<vmem_shared>>
    tpu.wait_indirect_dma semaphore(%arg12 : memref<!tpu.dma_semaphore, #tpu.memory_space<semaphore_mem>>) src(%dma_wait3A_336 : memref<10240x64xf32, #tpu.memory_space<vmem_shared>>) dst(%arg9 : memref<640x64xf32, #tpu.memory_space<vmem>>)
    %run_scoped3A_337 = arith.constant 3 : i32
    "tpu.region"() ({
      %run_scoped3A_912 = tpu.sem_alloc : memref<!tpu.dma_semaphore, #tpu.memory_space<semaphore_mem>>
      %dma_start3A_913 = arith.constant 0 : i32
      %dma_start3A_914 = tpu.memref_slice %arg8[%run_scoped3A_337, %dma_start3A_913] : memref<4x640xi32, #tpu.memory_space<vmem>> -> memref<1x640xi32, #tpu.memory_space<vmem>>
      %dma_start3A_915 = tpu.memref_squeeze %dma_start3A_914 : memref<1x640xi32, #tpu.memory_space<vmem>> -> memref<640xi32, #tpu.memory_space<vmem>>
      %dma_start3A_916 = arith.constant 0 : i32
      %dma_start3A_917 = arith.constant 0 : i32
      %dma_start3A_918 = tpu.memref_slice %arg11[%dma_start3A_916, %dma_start3A_917] : memref<10240x64xf32, #tpu.memory_space<vmem_shared>> -> memref<10240x64xf32, #tpu.memory_space<vmem_shared>>
      tpu.enqueue_indirect_dma source(%arg9 : memref<640x64xf32, #tpu.memory_space<vmem>>) target(%dma_start3A_918 : memref<10240x64xf32, #tpu.memory_space<vmem_shared>>) offsets(%dma_start3A_915 : memref<640xi32, #tpu.memory_space<vmem>>) semaphore(%run_scoped3A_912 : memref<!tpu.dma_semaphore, #tpu.memory_space<semaphore_mem>>) {add = true}
      %dma_wait3A_919 = arith.constant 0 : i32
      %dma_wait3A_920 = tpu.memref_slice %arg8[%run_scoped3A_337, %dma_wait3A_919] : memref<4x640xi32, #tpu.memory_space<vmem>> -> memref<1x640xi32, #tpu.memory_space<vmem>>
      %dma_wait3A_921 = tpu.memref_squeeze %dma_wait3A_920 : memref<1x640xi32, #tpu.memory_space<vmem>> -> memref<640xi32, #tpu.memory_space<vmem>>
      %dma_wait3A_922 = arith.constant 0 : i32
      %dma_wait3A_923 = arith.constant 0 : i32
      %dma_wait3A_924 = tpu.memref_slice %arg11[%dma_wait3A_922, %dma_wait3A_923] : memref<10240x64xf32, #tpu.memory_space<vmem_shared>> -> memref<10240x64xf32, #tpu.memory_space<vmem_shared>>
      tpu.wait_indirect_dma semaphore(%run_scoped3A_912 : memref<!tpu.dma_semaphore, #tpu.memory_space<semaphore_mem>>) src(%arg9 : memref<640x64xf32, #tpu.memory_space<vmem>>) dst(%dma_wait3A_924 : memref<10240x64xf32, #tpu.memory_space<vmem_shared>>)
      tpu.yield
    }) : () -> ()
    %dma_wait3A_338 = arith.constant 1 : i32
    %dma_wait3A_339 = arith.constant 0 : i32
    %dma_wait3A_340 = arith.constant 0 : i32
    %dma_wait3A_341 = tpu.memref_slice %arg7[%dma_wait3A_338, %dma_wait3A_339, %dma_wait3A_340] : memref<2x4x640xi32, #tpu.memory_space<vmem>> -> memref<1x4x640xi32, #tpu.memory_space<vmem>>
    %dma_wait3A_342 = tpu.memref_squeeze %dma_wait3A_341 : memref<1x4x640xi32, #tpu.memory_space<vmem>> -> memref<4x640xi32, #tpu.memory_space<vmem>>
    %dma_wait3A_343 = arith.constant 12 : i32
    %dma_wait3A_344 = arith.constant 0 : i32
    %dma_wait3A_345 = tpu.memref_slice %arg3[%arg1, %dma_wait3A_343, %dma_wait3A_344] : memref<16x32x640xi32, #tpu.memory_space<hbm>> -> memref<1x4x640xi32, #tpu.memory_space<hbm>>
    %dma_wait3A_346 = tpu.memref_squeeze %dma_wait3A_345 : memref<1x4x640xi32, #tpu.memory_space<hbm>> -> memref<4x640xi32, #tpu.memory_space<hbm>>
    %dma_wait3A_347 = arith.constant 0 : i32
    %dma_wait3A_348 = arith.constant 0 : i32
    %dma_wait3A_349 = tpu.memref_slice %arg7[%dma_wait3A_338, %dma_wait3A_347, %dma_wait3A_348] : memref<2x4x640xi32, #tpu.memory_space<vmem>> -> memref<1x4x640xi32, #tpu.memory_space<vmem>>
    %dma_wait3A_350 = tpu.memref_squeeze %dma_wait3A_349 : memref<1x4x640xi32, #tpu.memory_space<vmem>> -> memref<4x640xi32, #tpu.memory_space<vmem>>
    %dma_wait3A_351 = arith.constant 12 : i32
    %dma_wait3A_352 = arith.constant 0 : i32
    %dma_wait3A_353 = tpu.memref_slice %arg3[%arg1, %dma_wait3A_351, %dma_wait3A_352] : memref<16x32x640xi32, #tpu.memory_space<hbm>> -> memref<1x4x640xi32, #tpu.memory_space<hbm>>
    %dma_wait3A_354 = tpu.memref_squeeze %dma_wait3A_353 : memref<1x4x640xi32, #tpu.memory_space<hbm>> -> memref<4x640xi32, #tpu.memory_space<hbm>>
    tpu.wait_dma2 semaphore(%arg13 : memref<!tpu.dma_semaphore, #tpu.memory_space<semaphore_mem>>) src(%dma_wait3A_354 : memref<4x640xi32, #tpu.memory_space<hbm>>) dst(%dma_wait3A_350 : memref<4x640xi32, #tpu.memory_space<vmem>>)
    %dma_start3A_355 = arith.constant 0 : i32
    %dma_start3A_356 = arith.constant 0 : i32
    %dma_start3A_357 = arith.constant 0 : i32
    %dma_start3A_358 = tpu.memref_slice %arg7[%dma_start3A_355, %dma_start3A_356, %dma_start3A_357] : memref<2x4x640xi32, #tpu.memory_space<vmem>> -> memref<1x4x640xi32, #tpu.memory_space<vmem>>
    %dma_start3A_359 = tpu.memref_squeeze %dma_start3A_358 : memref<1x4x640xi32, #tpu.memory_space<vmem>> -> memref<4x640xi32, #tpu.memory_space<vmem>>
    %dma_start3A_360 = arith.constant 16 : i32
    %dma_start3A_361 = arith.constant 0 : i32
    %dma_start3A_362 = tpu.memref_slice %arg3[%arg1, %dma_start3A_360, %dma_start3A_361] : memref<16x32x640xi32, #tpu.memory_space<hbm>> -> memref<1x4x640xi32, #tpu.memory_space<hbm>>
    %dma_start3A_363 = tpu.memref_squeeze %dma_start3A_362 : memref<1x4x640xi32, #tpu.memory_space<hbm>> -> memref<4x640xi32, #tpu.memory_space<hbm>>
    %dma_start3A_364 = arith.constant 0 : i32
    %dma_start3A_365 = arith.constant 0 : i32
    %dma_start3A_366 = tpu.memref_slice %arg7[%dma_start3A_355, %dma_start3A_364, %dma_start3A_365] : memref<2x4x640xi32, #tpu.memory_space<vmem>> -> memref<1x4x640xi32, #tpu.memory_space<vmem>>
    %dma_start3A_367 = tpu.memref_squeeze %dma_start3A_366 : memref<1x4x640xi32, #tpu.memory_space<vmem>> -> memref<4x640xi32, #tpu.memory_space<vmem>>
    %dma_start3A_368 = arith.constant 16 : i32
    %dma_start3A_369 = arith.constant 0 : i32
    %dma_start3A_370 = tpu.memref_slice %arg3[%arg1, %dma_start3A_368, %dma_start3A_369] : memref<16x32x640xi32, #tpu.memory_space<hbm>> -> memref<1x4x640xi32, #tpu.memory_space<hbm>>
    %dma_start3A_371 = tpu.memref_squeeze %dma_start3A_370 : memref<1x4x640xi32, #tpu.memory_space<hbm>> -> memref<4x640xi32, #tpu.memory_space<hbm>>
    tpu.enqueue_dma source(%dma_start3A_371 : memref<4x640xi32, #tpu.memory_space<hbm>>) target(%dma_start3A_367 : memref<4x640xi32, #tpu.memory_space<vmem>>) target_semaphore(%arg13 : memref<!tpu.dma_semaphore, #tpu.memory_space<semaphore_mem>>)
    %dma_start3A_372 = arith.constant 1 : i32
    %dma_start3A_373 = arith.constant 0 : i32
    %dma_start3A_374 = arith.constant 0 : i32
    %dma_start3A_375 = tpu.memref_slice %arg7[%dma_start3A_372, %dma_start3A_373, %dma_start3A_374] : memref<2x4x640xi32, #tpu.memory_space<vmem>> -> memref<1x1x640xi32, #tpu.memory_space<vmem>>
    %dma_start3A_376 = tpu.memref_squeeze %dma_start3A_375 : memref<1x1x640xi32, #tpu.memory_space<vmem>> -> memref<640xi32, #tpu.memory_space<vmem>>
    %dma_start3A_377 = arith.constant 0 : i32
    %dma_start3A_378 = arith.constant 0 : i32
    %dma_start3A_379 = tpu.memref_slice %arg10[%dma_start3A_377, %dma_start3A_378] : memref<10240x64xf32, #tpu.memory_space<vmem_shared>> -> memref<10240x64xf32, #tpu.memory_space<vmem_shared>>
    tpu.enqueue_indirect_dma source(%dma_start3A_379 : memref<10240x64xf32, #tpu.memory_space<vmem_shared>>) target(%arg9 : memref<640x64xf32, #tpu.memory_space<vmem>>) offsets(%dma_start3A_376 : memref<640xi32, #tpu.memory_space<vmem>>) semaphore(%arg12 : memref<!tpu.dma_semaphore, #tpu.memory_space<semaphore_mem>>)
    %dma_start3A_380 = arith.constant 12 : i32
    %dma_start3A_381 = arith.constant 0 : i32
    %dma_start3A_382 = tpu.memref_slice %arg4[%arg1, %dma_start3A_380, %dma_start3A_381] : memref<16x32x640xi32, #tpu.memory_space<hbm>> -> memref<1x4x640xi32, #tpu.memory_space<hbm>>
    %dma_start3A_383 = tpu.memref_squeeze %dma_start3A_382 : memref<1x4x640xi32, #tpu.memory_space<hbm>> -> memref<4x640xi32, #tpu.memory_space<hbm>>
    %dma_start3A_384 = arith.constant 12 : i32
    %dma_start3A_385 = arith.constant 0 : i32
    %dma_start3A_386 = tpu.memref_slice %arg4[%arg1, %dma_start3A_384, %dma_start3A_385] : memref<16x32x640xi32, #tpu.memory_space<hbm>> -> memref<1x4x640xi32, #tpu.memory_space<hbm>>
    %dma_start3A_387 = tpu.memref_squeeze %dma_start3A_386 : memref<1x4x640xi32, #tpu.memory_space<hbm>> -> memref<4x640xi32, #tpu.memory_space<hbm>>
    tpu.enqueue_dma source(%dma_start3A_387 : memref<4x640xi32, #tpu.memory_space<hbm>>) target(%arg8 : memref<4x640xi32, #tpu.memory_space<vmem>>) target_semaphore(%arg14 : memref<!tpu.dma_semaphore, #tpu.memory_space<semaphore_mem>>)
    %dma_wait3A_388 = arith.constant 1 : i32
    %dma_wait3A_389 = arith.constant 0 : i32
    %dma_wait3A_390 = arith.constant 0 : i32
    %dma_wait3A_391 = tpu.memref_slice %arg7[%dma_wait3A_388, %dma_wait3A_389, %dma_wait3A_390] : memref<2x4x640xi32, #tpu.memory_space<vmem>> -> memref<1x1x640xi32, #tpu.memory_space<vmem>>
    %dma_wait3A_392 = tpu.memref_squeeze %dma_wait3A_391 : memref<1x1x640xi32, #tpu.memory_space<vmem>> -> memref<640xi32, #tpu.memory_space<vmem>>
    %dma_wait3A_393 = arith.constant 0 : i32
    %dma_wait3A_394 = arith.constant 0 : i32
    %dma_wait3A_395 = tpu.memref_slice %arg10[%dma_wait3A_393, %dma_wait3A_394] : memref<10240x64xf32, #tpu.memory_space<vmem_shared>> -> memref<10240x64xf32, #tpu.memory_space<vmem_shared>>
    tpu.wait_indirect_dma semaphore(%arg12 : memref<!tpu.dma_semaphore, #tpu.memory_space<semaphore_mem>>) src(%dma_wait3A_395 : memref<10240x64xf32, #tpu.memory_space<vmem_shared>>) dst(%arg9 : memref<640x64xf32, #tpu.memory_space<vmem>>)
    %dma_wait3A_396 = arith.constant 12 : i32
    %dma_wait3A_397 = arith.constant 0 : i32
    %dma_wait3A_398 = tpu.memref_slice %arg4[%arg1, %dma_wait3A_396, %dma_wait3A_397] : memref<16x32x640xi32, #tpu.memory_space<hbm>> -> memref<1x4x640xi32, #tpu.memory_space<hbm>>
    %dma_wait3A_399 = tpu.memref_squeeze %dma_wait3A_398 : memref<1x4x640xi32, #tpu.memory_space<hbm>> -> memref<4x640xi32, #tpu.memory_space<hbm>>
    %dma_wait3A_400 = arith.constant 12 : i32
    %dma_wait3A_401 = arith.constant 0 : i32
    %dma_wait3A_402 = tpu.memref_slice %arg4[%arg1, %dma_wait3A_400, %dma_wait3A_401] : memref<16x32x640xi32, #tpu.memory_space<hbm>> -> memref<1x4x640xi32, #tpu.memory_space<hbm>>
    %dma_wait3A_403 = tpu.memref_squeeze %dma_wait3A_402 : memref<1x4x640xi32, #tpu.memory_space<hbm>> -> memref<4x640xi32, #tpu.memory_space<hbm>>
    tpu.wait_dma2 semaphore(%arg14 : memref<!tpu.dma_semaphore, #tpu.memory_space<semaphore_mem>>) src(%dma_wait3A_403 : memref<4x640xi32, #tpu.memory_space<hbm>>) dst(%arg8 : memref<4x640xi32, #tpu.memory_space<vmem>>)
    %run_scoped3A_404 = arith.constant 0 : i32
    "tpu.region"() ({
      %run_scoped3A_912 = tpu.sem_alloc : memref<!tpu.dma_semaphore, #tpu.memory_space<semaphore_mem>>
      %dma_start3A_913 = arith.constant 0 : i32
      %dma_start3A_914 = tpu.memref_slice %arg8[%run_scoped3A_404, %dma_start3A_913] : memref<4x640xi32, #tpu.memory_space<vmem>> -> memref<1x640xi32, #tpu.memory_space<vmem>>
      %dma_start3A_915 = tpu.memref_squeeze %dma_start3A_914 : memref<1x640xi32, #tpu.memory_space<vmem>> -> memref<640xi32, #tpu.memory_space<vmem>>
      %dma_start3A_916 = arith.constant 0 : i32
      %dma_start3A_917 = arith.constant 0 : i32
      %dma_start3A_918 = tpu.memref_slice %arg11[%dma_start3A_916, %dma_start3A_917] : memref<10240x64xf32, #tpu.memory_space<vmem_shared>> -> memref<10240x64xf32, #tpu.memory_space<vmem_shared>>
      tpu.enqueue_indirect_dma source(%arg9 : memref<640x64xf32, #tpu.memory_space<vmem>>) target(%dma_start3A_918 : memref<10240x64xf32, #tpu.memory_space<vmem_shared>>) offsets(%dma_start3A_915 : memref<640xi32, #tpu.memory_space<vmem>>) semaphore(%run_scoped3A_912 : memref<!tpu.dma_semaphore, #tpu.memory_space<semaphore_mem>>) {add = true}
      %dma_wait3A_919 = arith.constant 0 : i32
      %dma_wait3A_920 = tpu.memref_slice %arg8[%run_scoped3A_404, %dma_wait3A_919] : memref<4x640xi32, #tpu.memory_space<vmem>> -> memref<1x640xi32, #tpu.memory_space<vmem>>
      %dma_wait3A_921 = tpu.memref_squeeze %dma_wait3A_920 : memref<1x640xi32, #tpu.memory_space<vmem>> -> memref<640xi32, #tpu.memory_space<vmem>>
      %dma_wait3A_922 = arith.constant 0 : i32
      %dma_wait3A_923 = arith.constant 0 : i32
      %dma_wait3A_924 = tpu.memref_slice %arg11[%dma_wait3A_922, %dma_wait3A_923] : memref<10240x64xf32, #tpu.memory_space<vmem_shared>> -> memref<10240x64xf32, #tpu.memory_space<vmem_shared>>
      tpu.wait_indirect_dma semaphore(%run_scoped3A_912 : memref<!tpu.dma_semaphore, #tpu.memory_space<semaphore_mem>>) src(%arg9 : memref<640x64xf32, #tpu.memory_space<vmem>>) dst(%dma_wait3A_924 : memref<10240x64xf32, #tpu.memory_space<vmem_shared>>)
      tpu.yield
    }) : () -> ()
    %dma_start3A_405 = arith.constant 1 : i32
    %dma_start3A_406 = arith.constant 1 : i32
    %dma_start3A_407 = arith.constant 0 : i32
    %dma_start3A_408 = tpu.memref_slice %arg7[%dma_start3A_405, %dma_start3A_406, %dma_start3A_407] : memref<2x4x640xi32, #tpu.memory_space<vmem>> -> memref<1x1x640xi32, #tpu.memory_space<vmem>>
    %dma_start3A_409 = tpu.memref_squeeze %dma_start3A_408 : memref<1x1x640xi32, #tpu.memory_space<vmem>> -> memref<640xi32, #tpu.memory_space<vmem>>
    %dma_start3A_410 = arith.constant 0 : i32
    %dma_start3A_411 = arith.constant 0 : i32
    %dma_start3A_412 = tpu.memref_slice %arg10[%dma_start3A_410, %dma_start3A_411] : memref<10240x64xf32, #tpu.memory_space<vmem_shared>> -> memref<10240x64xf32, #tpu.memory_space<vmem_shared>>
    tpu.enqueue_indirect_dma source(%dma_start3A_412 : memref<10240x64xf32, #tpu.memory_space<vmem_shared>>) target(%arg9 : memref<640x64xf32, #tpu.memory_space<vmem>>) offsets(%dma_start3A_409 : memref<640xi32, #tpu.memory_space<vmem>>) semaphore(%arg12 : memref<!tpu.dma_semaphore, #tpu.memory_space<semaphore_mem>>)
    %dma_wait3A_413 = arith.constant 1 : i32
    %dma_wait3A_414 = arith.constant 1 : i32
    %dma_wait3A_415 = arith.constant 0 : i32
    %dma_wait3A_416 = tpu.memref_slice %arg7[%dma_wait3A_413, %dma_wait3A_414, %dma_wait3A_415] : memref<2x4x640xi32, #tpu.memory_space<vmem>> -> memref<1x1x640xi32, #tpu.memory_space<vmem>>
    %dma_wait3A_417 = tpu.memref_squeeze %dma_wait3A_416 : memref<1x1x640xi32, #tpu.memory_space<vmem>> -> memref<640xi32, #tpu.memory_space<vmem>>
    %dma_wait3A_418 = arith.constant 0 : i32
    %dma_wait3A_419 = arith.constant 0 : i32
    %dma_wait3A_420 = tpu.memref_slice %arg10[%dma_wait3A_418, %dma_wait3A_419] : memref<10240x64xf32, #tpu.memory_space<vmem_shared>> -> memref<10240x64xf32, #tpu.memory_space<vmem_shared>>
    tpu.wait_indirect_dma semaphore(%arg12 : memref<!tpu.dma_semaphore, #tpu.memory_space<semaphore_mem>>) src(%dma_wait3A_420 : memref<10240x64xf32, #tpu.memory_space<vmem_shared>>) dst(%arg9 : memref<640x64xf32, #tpu.memory_space<vmem>>)
    %run_scoped3A_421 = arith.constant 1 : i32
    "tpu.region"() ({
      %run_scoped3A_912 = tpu.sem_alloc : memref<!tpu.dma_semaphore, #tpu.memory_space<semaphore_mem>>
      %dma_start3A_913 = arith.constant 0 : i32
      %dma_start3A_914 = tpu.memref_slice %arg8[%run_scoped3A_421, %dma_start3A_913] : memref<4x640xi32, #tpu.memory_space<vmem>> -> memref<1x640xi32, #tpu.memory_space<vmem>>
      %dma_start3A_915 = tpu.memref_squeeze %dma_start3A_914 : memref<1x640xi32, #tpu.memory_space<vmem>> -> memref<640xi32, #tpu.memory_space<vmem>>
      %dma_start3A_916 = arith.constant 0 : i32
      %dma_start3A_917 = arith.constant 0 : i32
      %dma_start3A_918 = tpu.memref_slice %arg11[%dma_start3A_916, %dma_start3A_917] : memref<10240x64xf32, #tpu.memory_space<vmem_shared>> -> memref<10240x64xf32, #tpu.memory_space<vmem_shared>>
      tpu.enqueue_indirect_dma source(%arg9 : memref<640x64xf32, #tpu.memory_space<vmem>>) target(%dma_start3A_918 : memref<10240x64xf32, #tpu.memory_space<vmem_shared>>) offsets(%dma_start3A_915 : memref<640xi32, #tpu.memory_space<vmem>>) semaphore(%run_scoped3A_912 : memref<!tpu.dma_semaphore, #tpu.memory_space<semaphore_mem>>) {add = true}
      %dma_wait3A_919 = arith.constant 0 : i32
      %dma_wait3A_920 = tpu.memref_slice %arg8[%run_scoped3A_421, %dma_wait3A_919] : memref<4x640xi32, #tpu.memory_space<vmem>> -> memref<1x640xi32, #tpu.memory_space<vmem>>
      %dma_wait3A_921 = tpu.memref_squeeze %dma_wait3A_920 : memref<1x640xi32, #tpu.memory_space<vmem>> -> memref<640xi32, #tpu.memory_space<vmem>>
      %dma_wait3A_922 = arith.constant 0 : i32
      %dma_wait3A_923 = arith.constant 0 : i32
      %dma_wait3A_924 = tpu.memref_slice %arg11[%dma_wait3A_922, %dma_wait3A_923] : memref<10240x64xf32, #tpu.memory_space<vmem_shared>> -> memref<10240x64xf32, #tpu.memory_space<vmem_shared>>
      tpu.wait_indirect_dma semaphore(%run_scoped3A_912 : memref<!tpu.dma_semaphore, #tpu.memory_space<semaphore_mem>>) src(%arg9 : memref<640x64xf32, #tpu.memory_space<vmem>>) dst(%dma_wait3A_924 : memref<10240x64xf32, #tpu.memory_space<vmem_shared>>)
      tpu.yield
    }) : () -> ()
    %dma_start3A_422 = arith.constant 1 : i32
    %dma_start3A_423 = arith.constant 2 : i32
    %dma_start3A_424 = arith.constant 0 : i32
    %dma_start3A_425 = tpu.memref_slice %arg7[%dma_start3A_422, %dma_start3A_423, %dma_start3A_424] : memref<2x4x640xi32, #tpu.memory_space<vmem>> -> memref<1x1x640xi32, #tpu.memory_space<vmem>>
    %dma_start3A_426 = tpu.memref_squeeze %dma_start3A_425 : memref<1x1x640xi32, #tpu.memory_space<vmem>> -> memref<640xi32, #tpu.memory_space<vmem>>
    %dma_start3A_427 = arith.constant 0 : i32
    %dma_start3A_428 = arith.constant 0 : i32
    %dma_start3A_429 = tpu.memref_slice %arg10[%dma_start3A_427, %dma_start3A_428] : memref<10240x64xf32, #tpu.memory_space<vmem_shared>> -> memref<10240x64xf32, #tpu.memory_space<vmem_shared>>
    tpu.enqueue_indirect_dma source(%dma_start3A_429 : memref<10240x64xf32, #tpu.memory_space<vmem_shared>>) target(%arg9 : memref<640x64xf32, #tpu.memory_space<vmem>>) offsets(%dma_start3A_426 : memref<640xi32, #tpu.memory_space<vmem>>) semaphore(%arg12 : memref<!tpu.dma_semaphore, #tpu.memory_space<semaphore_mem>>)
    %dma_wait3A_430 = arith.constant 1 : i32
    %dma_wait3A_431 = arith.constant 2 : i32
    %dma_wait3A_432 = arith.constant 0 : i32
    %dma_wait3A_433 = tpu.memref_slice %arg7[%dma_wait3A_430, %dma_wait3A_431, %dma_wait3A_432] : memref<2x4x640xi32, #tpu.memory_space<vmem>> -> memref<1x1x640xi32, #tpu.memory_space<vmem>>
    %dma_wait3A_434 = tpu.memref_squeeze %dma_wait3A_433 : memref<1x1x640xi32, #tpu.memory_space<vmem>> -> memref<640xi32, #tpu.memory_space<vmem>>
    %dma_wait3A_435 = arith.constant 0 : i32
    %dma_wait3A_436 = arith.constant 0 : i32
    %dma_wait3A_437 = tpu.memref_slice %arg10[%dma_wait3A_435, %dma_wait3A_436] : memref<10240x64xf32, #tpu.memory_space<vmem_shared>> -> memref<10240x64xf32, #tpu.memory_space<vmem_shared>>
    tpu.wait_indirect_dma semaphore(%arg12 : memref<!tpu.dma_semaphore, #tpu.memory_space<semaphore_mem>>) src(%dma_wait3A_437 : memref<10240x64xf32, #tpu.memory_space<vmem_shared>>) dst(%arg9 : memref<640x64xf32, #tpu.memory_space<vmem>>)
    %run_scoped3A_438 = arith.constant 2 : i32
    "tpu.region"() ({
      %run_scoped3A_912 = tpu.sem_alloc : memref<!tpu.dma_semaphore, #tpu.memory_space<semaphore_mem>>
      %dma_start3A_913 = arith.constant 0 : i32
      %dma_start3A_914 = tpu.memref_slice %arg8[%run_scoped3A_438, %dma_start3A_913] : memref<4x640xi32, #tpu.memory_space<vmem>> -> memref<1x640xi32, #tpu.memory_space<vmem>>
      %dma_start3A_915 = tpu.memref_squeeze %dma_start3A_914 : memref<1x640xi32, #tpu.memory_space<vmem>> -> memref<640xi32, #tpu.memory_space<vmem>>
      %dma_start3A_916 = arith.constant 0 : i32
      %dma_start3A_917 = arith.constant 0 : i32
      %dma_start3A_918 = tpu.memref_slice %arg11[%dma_start3A_916, %dma_start3A_917] : memref<10240x64xf32, #tpu.memory_space<vmem_shared>> -> memref<10240x64xf32, #tpu.memory_space<vmem_shared>>
      tpu.enqueue_indirect_dma source(%arg9 : memref<640x64xf32, #tpu.memory_space<vmem>>) target(%dma_start3A_918 : memref<10240x64xf32, #tpu.memory_space<vmem_shared>>) offsets(%dma_start3A_915 : memref<640xi32, #tpu.memory_space<vmem>>) semaphore(%run_scoped3A_912 : memref<!tpu.dma_semaphore, #tpu.memory_space<semaphore_mem>>) {add = true}
      %dma_wait3A_919 = arith.constant 0 : i32
      %dma_wait3A_920 = tpu.memref_slice %arg8[%run_scoped3A_438, %dma_wait3A_919] : memref<4x640xi32, #tpu.memory_space<vmem>> -> memref<1x640xi32, #tpu.memory_space<vmem>>
      %dma_wait3A_921 = tpu.memref_squeeze %dma_wait3A_920 : memref<1x640xi32, #tpu.memory_space<vmem>> -> memref<640xi32, #tpu.memory_space<vmem>>
      %dma_wait3A_922 = arith.constant 0 : i32
      %dma_wait3A_923 = arith.constant 0 : i32
      %dma_wait3A_924 = tpu.memref_slice %arg11[%dma_wait3A_922, %dma_wait3A_923] : memref<10240x64xf32, #tpu.memory_space<vmem_shared>> -> memref<10240x64xf32, #tpu.memory_space<vmem_shared>>
      tpu.wait_indirect_dma semaphore(%run_scoped3A_912 : memref<!tpu.dma_semaphore, #tpu.memory_space<semaphore_mem>>) src(%arg9 : memref<640x64xf32, #tpu.memory_space<vmem>>) dst(%dma_wait3A_924 : memref<10240x64xf32, #tpu.memory_space<vmem_shared>>)
      tpu.yield
    }) : () -> ()
    %dma_start3A_439 = arith.constant 1 : i32
    %dma_start3A_440 = arith.constant 3 : i32
    %dma_start3A_441 = arith.constant 0 : i32
    %dma_start3A_442 = tpu.memref_slice %arg7[%dma_start3A_439, %dma_start3A_440, %dma_start3A_441] : memref<2x4x640xi32, #tpu.memory_space<vmem>> -> memref<1x1x640xi32, #tpu.memory_space<vmem>>
    %dma_start3A_443 = tpu.memref_squeeze %dma_start3A_442 : memref<1x1x640xi32, #tpu.memory_space<vmem>> -> memref<640xi32, #tpu.memory_space<vmem>>
    %dma_start3A_444 = arith.constant 0 : i32
    %dma_start3A_445 = arith.constant 0 : i32
    %dma_start3A_446 = tpu.memref_slice %arg10[%dma_start3A_444, %dma_start3A_445] : memref<10240x64xf32, #tpu.memory_space<vmem_shared>> -> memref<10240x64xf32, #tpu.memory_space<vmem_shared>>
    tpu.enqueue_indirect_dma source(%dma_start3A_446 : memref<10240x64xf32, #tpu.memory_space<vmem_shared>>) target(%arg9 : memref<640x64xf32, #tpu.memory_space<vmem>>) offsets(%dma_start3A_443 : memref<640xi32, #tpu.memory_space<vmem>>) semaphore(%arg12 : memref<!tpu.dma_semaphore, #tpu.memory_space<semaphore_mem>>)
    %dma_wait3A_447 = arith.constant 1 : i32
    %dma_wait3A_448 = arith.constant 3 : i32
    %dma_wait3A_449 = arith.constant 0 : i32
    %dma_wait3A_450 = tpu.memref_slice %arg7[%dma_wait3A_447, %dma_wait3A_448, %dma_wait3A_449] : memref<2x4x640xi32, #tpu.memory_space<vmem>> -> memref<1x1x640xi32, #tpu.memory_space<vmem>>
    %dma_wait3A_451 = tpu.memref_squeeze %dma_wait3A_450 : memref<1x1x640xi32, #tpu.memory_space<vmem>> -> memref<640xi32, #tpu.memory_space<vmem>>
    %dma_wait3A_452 = arith.constant 0 : i32
    %dma_wait3A_453 = arith.constant 0 : i32
    %dma_wait3A_454 = tpu.memref_slice %arg10[%dma_wait3A_452, %dma_wait3A_453] : memref<10240x64xf32, #tpu.memory_space<vmem_shared>> -> memref<10240x64xf32, #tpu.memory_space<vmem_shared>>
    tpu.wait_indirect_dma semaphore(%arg12 : memref<!tpu.dma_semaphore, #tpu.memory_space<semaphore_mem>>) src(%dma_wait3A_454 : memref<10240x64xf32, #tpu.memory_space<vmem_shared>>) dst(%arg9 : memref<640x64xf32, #tpu.memory_space<vmem>>)
    %run_scoped3A_455 = arith.constant 3 : i32
    "tpu.region"() ({
      %run_scoped3A_912 = tpu.sem_alloc : memref<!tpu.dma_semaphore, #tpu.memory_space<semaphore_mem>>
      %dma_start3A_913 = arith.constant 0 : i32
      %dma_start3A_914 = tpu.memref_slice %arg8[%run_scoped3A_455, %dma_start3A_913] : memref<4x640xi32, #tpu.memory_space<vmem>> -> memref<1x640xi32, #tpu.memory_space<vmem>>
      %dma_start3A_915 = tpu.memref_squeeze %dma_start3A_914 : memref<1x640xi32, #tpu.memory_space<vmem>> -> memref<640xi32, #tpu.memory_space<vmem>>
      %dma_start3A_916 = arith.constant 0 : i32
      %dma_start3A_917 = arith.constant 0 : i32
      %dma_start3A_918 = tpu.memref_slice %arg11[%dma_start3A_916, %dma_start3A_917] : memref<10240x64xf32, #tpu.memory_space<vmem_shared>> -> memref<10240x64xf32, #tpu.memory_space<vmem_shared>>
      tpu.enqueue_indirect_dma source(%arg9 : memref<640x64xf32, #tpu.memory_space<vmem>>) target(%dma_start3A_918 : memref<10240x64xf32, #tpu.memory_space<vmem_shared>>) offsets(%dma_start3A_915 : memref<640xi32, #tpu.memory_space<vmem>>) semaphore(%run_scoped3A_912 : memref<!tpu.dma_semaphore, #tpu.memory_space<semaphore_mem>>) {add = true}
      %dma_wait3A_919 = arith.constant 0 : i32
      %dma_wait3A_920 = tpu.memref_slice %arg8[%run_scoped3A_455, %dma_wait3A_919] : memref<4x640xi32, #tpu.memory_space<vmem>> -> memref<1x640xi32, #tpu.memory_space<vmem>>
      %dma_wait3A_921 = tpu.memref_squeeze %dma_wait3A_920 : memref<1x640xi32, #tpu.memory_space<vmem>> -> memref<640xi32, #tpu.memory_space<vmem>>
      %dma_wait3A_922 = arith.constant 0 : i32
      %dma_wait3A_923 = arith.constant 0 : i32
      %dma_wait3A_924 = tpu.memref_slice %arg11[%dma_wait3A_922, %dma_wait3A_923] : memref<10240x64xf32, #tpu.memory_space<vmem_shared>> -> memref<10240x64xf32, #tpu.memory_space<vmem_shared>>
      tpu.wait_indirect_dma semaphore(%run_scoped3A_912 : memref<!tpu.dma_semaphore, #tpu.memory_space<semaphore_mem>>) src(%arg9 : memref<640x64xf32, #tpu.memory_space<vmem>>) dst(%dma_wait3A_924 : memref<10240x64xf32, #tpu.memory_space<vmem_shared>>)
      tpu.yield
    }) : () -> ()
    %dma_wait3A_456 = arith.constant 0 : i32
    %dma_wait3A_457 = arith.constant 0 : i32
    %dma_wait3A_458 = arith.constant 0 : i32
    %dma_wait3A_459 = tpu.memref_slice %arg7[%dma_wait3A_456, %dma_wait3A_457, %dma_wait3A_458] : memref<2x4x640xi32, #tpu.memory_space<vmem>> -> memref<1x4x640xi32, #tpu.memory_space<vmem>>
    %dma_wait3A_460 = tpu.memref_squeeze %dma_wait3A_459 : memref<1x4x640xi32, #tpu.memory_space<vmem>> -> memref<4x640xi32, #tpu.memory_space<vmem>>
    %dma_wait3A_461 = arith.constant 16 : i32
    %dma_wait3A_462 = arith.constant 0 : i32
    %dma_wait3A_463 = tpu.memref_slice %arg3[%arg1, %dma_wait3A_461, %dma_wait3A_462] : memref<16x32x640xi32, #tpu.memory_space<hbm>> -> memref<1x4x640xi32, #tpu.memory_space<hbm>>
    %dma_wait3A_464 = tpu.memref_squeeze %dma_wait3A_463 : memref<1x4x640xi32, #tpu.memory_space<hbm>> -> memref<4x640xi32, #tpu.memory_space<hbm>>
    %dma_wait3A_465 = arith.constant 0 : i32
    %dma_wait3A_466 = arith.constant 0 : i32
    %dma_wait3A_467 = tpu.memref_slice %arg7[%dma_wait3A_456, %dma_wait3A_465, %dma_wait3A_466] : memref<2x4x640xi32, #tpu.memory_space<vmem>> -> memref<1x4x640xi32, #tpu.memory_space<vmem>>
    %dma_wait3A_468 = tpu.memref_squeeze %dma_wait3A_467 : memref<1x4x640xi32, #tpu.memory_space<vmem>> -> memref<4x640xi32, #tpu.memory_space<vmem>>
    %dma_wait3A_469 = arith.constant 16 : i32
    %dma_wait3A_470 = arith.constant 0 : i32
    %dma_wait3A_471 = tpu.memref_slice %arg3[%arg1, %dma_wait3A_469, %dma_wait3A_470] : memref<16x32x640xi32, #tpu.memory_space<hbm>> -> memref<1x4x640xi32, #tpu.memory_space<hbm>>
    %dma_wait3A_472 = tpu.memref_squeeze %dma_wait3A_471 : memref<1x4x640xi32, #tpu.memory_space<hbm>> -> memref<4x640xi32, #tpu.memory_space<hbm>>
    tpu.wait_dma2 semaphore(%arg13 : memref<!tpu.dma_semaphore, #tpu.memory_space<semaphore_mem>>) src(%dma_wait3A_472 : memref<4x640xi32, #tpu.memory_space<hbm>>) dst(%dma_wait3A_468 : memref<4x640xi32, #tpu.memory_space<vmem>>)
    %dma_start3A_473 = arith.constant 1 : i32
    %dma_start3A_474 = arith.constant 0 : i32
    %dma_start3A_475 = arith.constant 0 : i32
    %dma_start3A_476 = tpu.memref_slice %arg7[%dma_start3A_473, %dma_start3A_474, %dma_start3A_475] : memref<2x4x640xi32, #tpu.memory_space<vmem>> -> memref<1x4x640xi32, #tpu.memory_space<vmem>>
    %dma_start3A_477 = tpu.memref_squeeze %dma_start3A_476 : memref<1x4x640xi32, #tpu.memory_space<vmem>> -> memref<4x640xi32, #tpu.memory_space<vmem>>
    %dma_start3A_478 = arith.constant 20 : i32
    %dma_start3A_479 = arith.constant 0 : i32
    %dma_start3A_480 = tpu.memref_slice %arg3[%arg1, %dma_start3A_478, %dma_start3A_479] : memref<16x32x640xi32, #tpu.memory_space<hbm>> -> memref<1x4x640xi32, #tpu.memory_space<hbm>>
    %dma_start3A_481 = tpu.memref_squeeze %dma_start3A_480 : memref<1x4x640xi32, #tpu.memory_space<hbm>> -> memref<4x640xi32, #tpu.memory_space<hbm>>
    %dma_start3A_482 = arith.constant 0 : i32
    %dma_start3A_483 = arith.constant 0 : i32
    %dma_start3A_484 = tpu.memref_slice %arg7[%dma_start3A_473, %dma_start3A_482, %dma_start3A_483] : memref<2x4x640xi32, #tpu.memory_space<vmem>> -> memref<1x4x640xi32, #tpu.memory_space<vmem>>
    %dma_start3A_485 = tpu.memref_squeeze %dma_start3A_484 : memref<1x4x640xi32, #tpu.memory_space<vmem>> -> memref<4x640xi32, #tpu.memory_space<vmem>>
    %dma_start3A_486 = arith.constant 20 : i32
    %dma_start3A_487 = arith.constant 0 : i32
    %dma_start3A_488 = tpu.memref_slice %arg3[%arg1, %dma_start3A_486, %dma_start3A_487] : memref<16x32x640xi32, #tpu.memory_space<hbm>> -> memref<1x4x640xi32, #tpu.memory_space<hbm>>
    %dma_start3A_489 = tpu.memref_squeeze %dma_start3A_488 : memref<1x4x640xi32, #tpu.memory_space<hbm>> -> memref<4x640xi32, #tpu.memory_space<hbm>>
    tpu.enqueue_dma source(%dma_start3A_489 : memref<4x640xi32, #tpu.memory_space<hbm>>) target(%dma_start3A_485 : memref<4x640xi32, #tpu.memory_space<vmem>>) target_semaphore(%arg13 : memref<!tpu.dma_semaphore, #tpu.memory_space<semaphore_mem>>)
    %dma_start3A_490 = arith.constant 0 : i32
    %dma_start3A_491 = arith.constant 0 : i32
    %dma_start3A_492 = arith.constant 0 : i32
    %dma_start3A_493 = tpu.memref_slice %arg7[%dma_start3A_490, %dma_start3A_491, %dma_start3A_492] : memref<2x4x640xi32, #tpu.memory_space<vmem>> -> memref<1x1x640xi32, #tpu.memory_space<vmem>>
    %dma_start3A_494 = tpu.memref_squeeze %dma_start3A_493 : memref<1x1x640xi32, #tpu.memory_space<vmem>> -> memref<640xi32, #tpu.memory_space<vmem>>
    %dma_start3A_495 = arith.constant 0 : i32
    %dma_start3A_496 = arith.constant 0 : i32
    %dma_start3A_497 = tpu.memref_slice %arg10[%dma_start3A_495, %dma_start3A_496] : memref<10240x64xf32, #tpu.memory_space<vmem_shared>> -> memref<10240x64xf32, #tpu.memory_space<vmem_shared>>
    tpu.enqueue_indirect_dma source(%dma_start3A_497 : memref<10240x64xf32, #tpu.memory_space<vmem_shared>>) target(%arg9 : memref<640x64xf32, #tpu.memory_space<vmem>>) offsets(%dma_start3A_494 : memref<640xi32, #tpu.memory_space<vmem>>) semaphore(%arg12 : memref<!tpu.dma_semaphore, #tpu.memory_space<semaphore_mem>>)
    %dma_start3A_498 = arith.constant 16 : i32
    %dma_start3A_499 = arith.constant 0 : i32
    %dma_start3A_500 = tpu.memref_slice %arg4[%arg1, %dma_start3A_498, %dma_start3A_499] : memref<16x32x640xi32, #tpu.memory_space<hbm>> -> memref<1x4x640xi32, #tpu.memory_space<hbm>>
    %dma_start3A_501 = tpu.memref_squeeze %dma_start3A_500 : memref<1x4x640xi32, #tpu.memory_space<hbm>> -> memref<4x640xi32, #tpu.memory_space<hbm>>
    %dma_start3A_502 = arith.constant 16 : i32
    %dma_start3A_503 = arith.constant 0 : i32
    %dma_start3A_504 = tpu.memref_slice %arg4[%arg1, %dma_start3A_502, %dma_start3A_503] : memref<16x32x640xi32, #tpu.memory_space<hbm>> -> memref<1x4x640xi32, #tpu.memory_space<hbm>>
    %dma_start3A_505 = tpu.memref_squeeze %dma_start3A_504 : memref<1x4x640xi32, #tpu.memory_space<hbm>> -> memref<4x640xi32, #tpu.memory_space<hbm>>
    tpu.enqueue_dma source(%dma_start3A_505 : memref<4x640xi32, #tpu.memory_space<hbm>>) target(%arg8 : memref<4x640xi32, #tpu.memory_space<vmem>>) target_semaphore(%arg14 : memref<!tpu.dma_semaphore, #tpu.memory_space<semaphore_mem>>)
    %dma_wait3A_506 = arith.constant 0 : i32
    %dma_wait3A_507 = arith.constant 0 : i32
    %dma_wait3A_508 = arith.constant 0 : i32
    %dma_wait3A_509 = tpu.memref_slice %arg7[%dma_wait3A_506, %dma_wait3A_507, %dma_wait3A_508] : memref<2x4x640xi32, #tpu.memory_space<vmem>> -> memref<1x1x640xi32, #tpu.memory_space<vmem>>
    %dma_wait3A_510 = tpu.memref_squeeze %dma_wait3A_509 : memref<1x1x640xi32, #tpu.memory_space<vmem>> -> memref<640xi32, #tpu.memory_space<vmem>>
    %dma_wait3A_511 = arith.constant 0 : i32
    %dma_wait3A_512 = arith.constant 0 : i32
    %dma_wait3A_513 = tpu.memref_slice %arg10[%dma_wait3A_511, %dma_wait3A_512] : memref<10240x64xf32, #tpu.memory_space<vmem_shared>> -> memref<10240x64xf32, #tpu.memory_space<vmem_shared>>
    tpu.wait_indirect_dma semaphore(%arg12 : memref<!tpu.dma_semaphore, #tpu.memory_space<semaphore_mem>>) src(%dma_wait3A_513 : memref<10240x64xf32, #tpu.memory_space<vmem_shared>>) dst(%arg9 : memref<640x64xf32, #tpu.memory_space<vmem>>)
    %dma_wait3A_514 = arith.constant 16 : i32
    %dma_wait3A_515 = arith.constant 0 : i32
    %dma_wait3A_516 = tpu.memref_slice %arg4[%arg1, %dma_wait3A_514, %dma_wait3A_515] : memref<16x32x640xi32, #tpu.memory_space<hbm>> -> memref<1x4x640xi32, #tpu.memory_space<hbm>>
    %dma_wait3A_517 = tpu.memref_squeeze %dma_wait3A_516 : memref<1x4x640xi32, #tpu.memory_space<hbm>> -> memref<4x640xi32, #tpu.memory_space<hbm>>
    %dma_wait3A_518 = arith.constant 16 : i32
    %dma_wait3A_519 = arith.constant 0 : i32
    %dma_wait3A_520 = tpu.memref_slice %arg4[%arg1, %dma_wait3A_518, %dma_wait3A_519] : memref<16x32x640xi32, #tpu.memory_space<hbm>> -> memref<1x4x640xi32, #tpu.memory_space<hbm>>
    %dma_wait3A_521 = tpu.memref_squeeze %dma_wait3A_520 : memref<1x4x640xi32, #tpu.memory_space<hbm>> -> memref<4x640xi32, #tpu.memory_space<hbm>>
    tpu.wait_dma2 semaphore(%arg14 : memref<!tpu.dma_semaphore, #tpu.memory_space<semaphore_mem>>) src(%dma_wait3A_521 : memref<4x640xi32, #tpu.memory_space<hbm>>) dst(%arg8 : memref<4x640xi32, #tpu.memory_space<vmem>>)
    %run_scoped3A_522 = arith.constant 0 : i32
    "tpu.region"() ({
      %run_scoped3A_912 = tpu.sem_alloc : memref<!tpu.dma_semaphore, #tpu.memory_space<semaphore_mem>>
      %dma_start3A_913 = arith.constant 0 : i32
      %dma_start3A_914 = tpu.memref_slice %arg8[%run_scoped3A_522, %dma_start3A_913] : memref<4x640xi32, #tpu.memory_space<vmem>> -> memref<1x640xi32, #tpu.memory_space<vmem>>
      %dma_start3A_915 = tpu.memref_squeeze %dma_start3A_914 : memref<1x640xi32, #tpu.memory_space<vmem>> -> memref<640xi32, #tpu.memory_space<vmem>>
      %dma_start3A_916 = arith.constant 0 : i32
      %dma_start3A_917 = arith.constant 0 : i32
      %dma_start3A_918 = tpu.memref_slice %arg11[%dma_start3A_916, %dma_start3A_917] : memref<10240x64xf32, #tpu.memory_space<vmem_shared>> -> memref<10240x64xf32, #tpu.memory_space<vmem_shared>>
      tpu.enqueue_indirect_dma source(%arg9 : memref<640x64xf32, #tpu.memory_space<vmem>>) target(%dma_start3A_918 : memref<10240x64xf32, #tpu.memory_space<vmem_shared>>) offsets(%dma_start3A_915 : memref<640xi32, #tpu.memory_space<vmem>>) semaphore(%run_scoped3A_912 : memref<!tpu.dma_semaphore, #tpu.memory_space<semaphore_mem>>) {add = true}
      %dma_wait3A_919 = arith.constant 0 : i32
      %dma_wait3A_920 = tpu.memref_slice %arg8[%run_scoped3A_522, %dma_wait3A_919] : memref<4x640xi32, #tpu.memory_space<vmem>> -> memref<1x640xi32, #tpu.memory_space<vmem>>
      %dma_wait3A_921 = tpu.memref_squeeze %dma_wait3A_920 : memref<1x640xi32, #tpu.memory_space<vmem>> -> memref<640xi32, #tpu.memory_space<vmem>>
      %dma_wait3A_922 = arith.constant 0 : i32
      %dma_wait3A_923 = arith.constant 0 : i32
      %dma_wait3A_924 = tpu.memref_slice %arg11[%dma_wait3A_922, %dma_wait3A_923] : memref<10240x64xf32, #tpu.memory_space<vmem_shared>> -> memref<10240x64xf32, #tpu.memory_space<vmem_shared>>
      tpu.wait_indirect_dma semaphore(%run_scoped3A_912 : memref<!tpu.dma_semaphore, #tpu.memory_space<semaphore_mem>>) src(%arg9 : memref<640x64xf32, #tpu.memory_space<vmem>>) dst(%dma_wait3A_924 : memref<10240x64xf32, #tpu.memory_space<vmem_shared>>)
      tpu.yield
    }) : () -> ()
    %dma_start3A_523 = arith.constant 0 : i32
    %dma_start3A_524 = arith.constant 1 : i32
    %dma_start3A_525 = arith.constant 0 : i32
    %dma_start3A_526 = tpu.memref_slice %arg7[%dma_start3A_523, %dma_start3A_524, %dma_start3A_525] : memref<2x4x640xi32, #tpu.memory_space<vmem>> -> memref<1x1x640xi32, #tpu.memory_space<vmem>>
    %dma_start3A_527 = tpu.memref_squeeze %dma_start3A_526 : memref<1x1x640xi32, #tpu.memory_space<vmem>> -> memref<640xi32, #tpu.memory_space<vmem>>
    %dma_start3A_528 = arith.constant 0 : i32
    %dma_start3A_529 = arith.constant 0 : i32
    %dma_start3A_530 = tpu.memref_slice %arg10[%dma_start3A_528, %dma_start3A_529] : memref<10240x64xf32, #tpu.memory_space<vmem_shared>> -> memref<10240x64xf32, #tpu.memory_space<vmem_shared>>
    tpu.enqueue_indirect_dma source(%dma_start3A_530 : memref<10240x64xf32, #tpu.memory_space<vmem_shared>>) target(%arg9 : memref<640x64xf32, #tpu.memory_space<vmem>>) offsets(%dma_start3A_527 : memref<640xi32, #tpu.memory_space<vmem>>) semaphore(%arg12 : memref<!tpu.dma_semaphore, #tpu.memory_space<semaphore_mem>>)
    %dma_wait3A_531 = arith.constant 0 : i32
    %dma_wait3A_532 = arith.constant 1 : i32
    %dma_wait3A_533 = arith.constant 0 : i32
    %dma_wait3A_534 = tpu.memref_slice %arg7[%dma_wait3A_531, %dma_wait3A_532, %dma_wait3A_533] : memref<2x4x640xi32, #tpu.memory_space<vmem>> -> memref<1x1x640xi32, #tpu.memory_space<vmem>>
    %dma_wait3A_535 = tpu.memref_squeeze %dma_wait3A_534 : memref<1x1x640xi32, #tpu.memory_space<vmem>> -> memref<640xi32, #tpu.memory_space<vmem>>
    %dma_wait3A_536 = arith.constant 0 : i32
    %dma_wait3A_537 = arith.constant 0 : i32
    %dma_wait3A_538 = tpu.memref_slice %arg10[%dma_wait3A_536, %dma_wait3A_537] : memref<10240x64xf32, #tpu.memory_space<vmem_shared>> -> memref<10240x64xf32, #tpu.memory_space<vmem_shared>>
    tpu.wait_indirect_dma semaphore(%arg12 : memref<!tpu.dma_semaphore, #tpu.memory_space<semaphore_mem>>) src(%dma_wait3A_538 : memref<10240x64xf32, #tpu.memory_space<vmem_shared>>) dst(%arg9 : memref<640x64xf32, #tpu.memory_space<vmem>>)
    %run_scoped3A_539 = arith.constant 1 : i32
    "tpu.region"() ({
      %run_scoped3A_912 = tpu.sem_alloc : memref<!tpu.dma_semaphore, #tpu.memory_space<semaphore_mem>>
      %dma_start3A_913 = arith.constant 0 : i32
      %dma_start3A_914 = tpu.memref_slice %arg8[%run_scoped3A_539, %dma_start3A_913] : memref<4x640xi32, #tpu.memory_space<vmem>> -> memref<1x640xi32, #tpu.memory_space<vmem>>
      %dma_start3A_915 = tpu.memref_squeeze %dma_start3A_914 : memref<1x640xi32, #tpu.memory_space<vmem>> -> memref<640xi32, #tpu.memory_space<vmem>>
      %dma_start3A_916 = arith.constant 0 : i32
      %dma_start3A_917 = arith.constant 0 : i32
      %dma_start3A_918 = tpu.memref_slice %arg11[%dma_start3A_916, %dma_start3A_917] : memref<10240x64xf32, #tpu.memory_space<vmem_shared>> -> memref<10240x64xf32, #tpu.memory_space<vmem_shared>>
      tpu.enqueue_indirect_dma source(%arg9 : memref<640x64xf32, #tpu.memory_space<vmem>>) target(%dma_start3A_918 : memref<10240x64xf32, #tpu.memory_space<vmem_shared>>) offsets(%dma_start3A_915 : memref<640xi32, #tpu.memory_space<vmem>>) semaphore(%run_scoped3A_912 : memref<!tpu.dma_semaphore, #tpu.memory_space<semaphore_mem>>) {add = true}
      %dma_wait3A_919 = arith.constant 0 : i32
      %dma_wait3A_920 = tpu.memref_slice %arg8[%run_scoped3A_539, %dma_wait3A_919] : memref<4x640xi32, #tpu.memory_space<vmem>> -> memref<1x640xi32, #tpu.memory_space<vmem>>
      %dma_wait3A_921 = tpu.memref_squeeze %dma_wait3A_920 : memref<1x640xi32, #tpu.memory_space<vmem>> -> memref<640xi32, #tpu.memory_space<vmem>>
      %dma_wait3A_922 = arith.constant 0 : i32
      %dma_wait3A_923 = arith.constant 0 : i32
      %dma_wait3A_924 = tpu.memref_slice %arg11[%dma_wait3A_922, %dma_wait3A_923] : memref<10240x64xf32, #tpu.memory_space<vmem_shared>> -> memref<10240x64xf32, #tpu.memory_space<vmem_shared>>
      tpu.wait_indirect_dma semaphore(%run_scoped3A_912 : memref<!tpu.dma_semaphore, #tpu.memory_space<semaphore_mem>>) src(%arg9 : memref<640x64xf32, #tpu.memory_space<vmem>>) dst(%dma_wait3A_924 : memref<10240x64xf32, #tpu.memory_space<vmem_shared>>)
      tpu.yield
    }) : () -> ()
    %dma_start3A_540 = arith.constant 0 : i32
    %dma_start3A_541 = arith.constant 2 : i32
    %dma_start3A_542 = arith.constant 0 : i32
    %dma_start3A_543 = tpu.memref_slice %arg7[%dma_start3A_540, %dma_start3A_541, %dma_start3A_542] : memref<2x4x640xi32, #tpu.memory_space<vmem>> -> memref<1x1x640xi32, #tpu.memory_space<vmem>>
    %dma_start3A_544 = tpu.memref_squeeze %dma_start3A_543 : memref<1x1x640xi32, #tpu.memory_space<vmem>> -> memref<640xi32, #tpu.memory_space<vmem>>
    %dma_start3A_545 = arith.constant 0 : i32
    %dma_start3A_546 = arith.constant 0 : i32
    %dma_start3A_547 = tpu.memref_slice %arg10[%dma_start3A_545, %dma_start3A_546] : memref<10240x64xf32, #tpu.memory_space<vmem_shared>> -> memref<10240x64xf32, #tpu.memory_space<vmem_shared>>
    tpu.enqueue_indirect_dma source(%dma_start3A_547 : memref<10240x64xf32, #tpu.memory_space<vmem_shared>>) target(%arg9 : memref<640x64xf32, #tpu.memory_space<vmem>>) offsets(%dma_start3A_544 : memref<640xi32, #tpu.memory_space<vmem>>) semaphore(%arg12 : memref<!tpu.dma_semaphore, #tpu.memory_space<semaphore_mem>>)
    %dma_wait3A_548 = arith.constant 0 : i32
    %dma_wait3A_549 = arith.constant 2 : i32
    %dma_wait3A_550 = arith.constant 0 : i32
    %dma_wait3A_551 = tpu.memref_slice %arg7[%dma_wait3A_548, %dma_wait3A_549, %dma_wait3A_550] : memref<2x4x640xi32, #tpu.memory_space<vmem>> -> memref<1x1x640xi32, #tpu.memory_space<vmem>>
    %dma_wait3A_552 = tpu.memref_squeeze %dma_wait3A_551 : memref<1x1x640xi32, #tpu.memory_space<vmem>> -> memref<640xi32, #tpu.memory_space<vmem>>
    %dma_wait3A_553 = arith.constant 0 : i32
    %dma_wait3A_554 = arith.constant 0 : i32
    %dma_wait3A_555 = tpu.memref_slice %arg10[%dma_wait3A_553, %dma_wait3A_554] : memref<10240x64xf32, #tpu.memory_space<vmem_shared>> -> memref<10240x64xf32, #tpu.memory_space<vmem_shared>>
    tpu.wait_indirect_dma semaphore(%arg12 : memref<!tpu.dma_semaphore, #tpu.memory_space<semaphore_mem>>) src(%dma_wait3A_555 : memref<10240x64xf32, #tpu.memory_space<vmem_shared>>) dst(%arg9 : memref<640x64xf32, #tpu.memory_space<vmem>>)
    %run_scoped3A_556 = arith.constant 2 : i32
    "tpu.region"() ({
      %run_scoped3A_912 = tpu.sem_alloc : memref<!tpu.dma_semaphore, #tpu.memory_space<semaphore_mem>>
      %dma_start3A_913 = arith.constant 0 : i32
      %dma_start3A_914 = tpu.memref_slice %arg8[%run_scoped3A_556, %dma_start3A_913] : memref<4x640xi32, #tpu.memory_space<vmem>> -> memref<1x640xi32, #tpu.memory_space<vmem>>
      %dma_start3A_915 = tpu.memref_squeeze %dma_start3A_914 : memref<1x640xi32, #tpu.memory_space<vmem>> -> memref<640xi32, #tpu.memory_space<vmem>>
      %dma_start3A_916 = arith.constant 0 : i32
      %dma_start3A_917 = arith.constant 0 : i32
      %dma_start3A_918 = tpu.memref_slice %arg11[%dma_start3A_916, %dma_start3A_917] : memref<10240x64xf32, #tpu.memory_space<vmem_shared>> -> memref<10240x64xf32, #tpu.memory_space<vmem_shared>>
      tpu.enqueue_indirect_dma source(%arg9 : memref<640x64xf32, #tpu.memory_space<vmem>>) target(%dma_start3A_918 : memref<10240x64xf32, #tpu.memory_space<vmem_shared>>) offsets(%dma_start3A_915 : memref<640xi32, #tpu.memory_space<vmem>>) semaphore(%run_scoped3A_912 : memref<!tpu.dma_semaphore, #tpu.memory_space<semaphore_mem>>) {add = true}
      %dma_wait3A_919 = arith.constant 0 : i32
      %dma_wait3A_920 = tpu.memref_slice %arg8[%run_scoped3A_556, %dma_wait3A_919] : memref<4x640xi32, #tpu.memory_space<vmem>> -> memref<1x640xi32, #tpu.memory_space<vmem>>
      %dma_wait3A_921 = tpu.memref_squeeze %dma_wait3A_920 : memref<1x640xi32, #tpu.memory_space<vmem>> -> memref<640xi32, #tpu.memory_space<vmem>>
      %dma_wait3A_922 = arith.constant 0 : i32
      %dma_wait3A_923 = arith.constant 0 : i32
      %dma_wait3A_924 = tpu.memref_slice %arg11[%dma_wait3A_922, %dma_wait3A_923] : memref<10240x64xf32, #tpu.memory_space<vmem_shared>> -> memref<10240x64xf32, #tpu.memory_space<vmem_shared>>
      tpu.wait_indirect_dma semaphore(%run_scoped3A_912 : memref<!tpu.dma_semaphore, #tpu.memory_space<semaphore_mem>>) src(%arg9 : memref<640x64xf32, #tpu.memory_space<vmem>>) dst(%dma_wait3A_924 : memref<10240x64xf32, #tpu.memory_space<vmem_shared>>)
      tpu.yield
    }) : () -> ()
    %dma_start3A_557 = arith.constant 0 : i32
    %dma_start3A_558 = arith.constant 3 : i32
    %dma_start3A_559 = arith.constant 0 : i32
    %dma_start3A_560 = tpu.memref_slice %arg7[%dma_start3A_557, %dma_start3A_558, %dma_start3A_559] : memref<2x4x640xi32, #tpu.memory_space<vmem>> -> memref<1x1x640xi32, #tpu.memory_space<vmem>>
    %dma_start3A_561 = tpu.memref_squeeze %dma_start3A_560 : memref<1x1x640xi32, #tpu.memory_space<vmem>> -> memref<640xi32, #tpu.memory_space<vmem>>
    %dma_start3A_562 = arith.constant 0 : i32
    %dma_start3A_563 = arith.constant 0 : i32
    %dma_start3A_564 = tpu.memref_slice %arg10[%dma_start3A_562, %dma_start3A_563] : memref<10240x64xf32, #tpu.memory_space<vmem_shared>> -> memref<10240x64xf32, #tpu.memory_space<vmem_shared>>
    tpu.enqueue_indirect_dma source(%dma_start3A_564 : memref<10240x64xf32, #tpu.memory_space<vmem_shared>>) target(%arg9 : memref<640x64xf32, #tpu.memory_space<vmem>>) offsets(%dma_start3A_561 : memref<640xi32, #tpu.memory_space<vmem>>) semaphore(%arg12 : memref<!tpu.dma_semaphore, #tpu.memory_space<semaphore_mem>>)
    %dma_wait3A_565 = arith.constant 0 : i32
    %dma_wait3A_566 = arith.constant 3 : i32
    %dma_wait3A_567 = arith.constant 0 : i32
    %dma_wait3A_568 = tpu.memref_slice %arg7[%dma_wait3A_565, %dma_wait3A_566, %dma_wait3A_567] : memref<2x4x640xi32, #tpu.memory_space<vmem>> -> memref<1x1x640xi32, #tpu.memory_space<vmem>>
    %dma_wait3A_569 = tpu.memref_squeeze %dma_wait3A_568 : memref<1x1x640xi32, #tpu.memory_space<vmem>> -> memref<640xi32, #tpu.memory_space<vmem>>
    %dma_wait3A_570 = arith.constant 0 : i32
    %dma_wait3A_571 = arith.constant 0 : i32
    %dma_wait3A_572 = tpu.memref_slice %arg10[%dma_wait3A_570, %dma_wait3A_571] : memref<10240x64xf32, #tpu.memory_space<vmem_shared>> -> memref<10240x64xf32, #tpu.memory_space<vmem_shared>>
    tpu.wait_indirect_dma semaphore(%arg12 : memref<!tpu.dma_semaphore, #tpu.memory_space<semaphore_mem>>) src(%dma_wait3A_572 : memref<10240x64xf32, #tpu.memory_space<vmem_shared>>) dst(%arg9 : memref<640x64xf32, #tpu.memory_space<vmem>>)
    %run_scoped3A_573 = arith.constant 3 : i32
    "tpu.region"() ({
      %run_scoped3A_912 = tpu.sem_alloc : memref<!tpu.dma_semaphore, #tpu.memory_space<semaphore_mem>>
      %dma_start3A_913 = arith.constant 0 : i32
      %dma_start3A_914 = tpu.memref_slice %arg8[%run_scoped3A_573, %dma_start3A_913] : memref<4x640xi32, #tpu.memory_space<vmem>> -> memref<1x640xi32, #tpu.memory_space<vmem>>
      %dma_start3A_915 = tpu.memref_squeeze %dma_start3A_914 : memref<1x640xi32, #tpu.memory_space<vmem>> -> memref<640xi32, #tpu.memory_space<vmem>>
      %dma_start3A_916 = arith.constant 0 : i32
      %dma_start3A_917 = arith.constant 0 : i32
      %dma_start3A_918 = tpu.memref_slice %arg11[%dma_start3A_916, %dma_start3A_917] : memref<10240x64xf32, #tpu.memory_space<vmem_shared>> -> memref<10240x64xf32, #tpu.memory_space<vmem_shared>>
      tpu.enqueue_indirect_dma source(%arg9 : memref<640x64xf32, #tpu.memory_space<vmem>>) target(%dma_start3A_918 : memref<10240x64xf32, #tpu.memory_space<vmem_shared>>) offsets(%dma_start3A_915 : memref<640xi32, #tpu.memory_space<vmem>>) semaphore(%run_scoped3A_912 : memref<!tpu.dma_semaphore, #tpu.memory_space<semaphore_mem>>) {add = true}
      %dma_wait3A_919 = arith.constant 0 : i32
      %dma_wait3A_920 = tpu.memref_slice %arg8[%run_scoped3A_573, %dma_wait3A_919] : memref<4x640xi32, #tpu.memory_space<vmem>> -> memref<1x640xi32, #tpu.memory_space<vmem>>
      %dma_wait3A_921 = tpu.memref_squeeze %dma_wait3A_920 : memref<1x640xi32, #tpu.memory_space<vmem>> -> memref<640xi32, #tpu.memory_space<vmem>>
      %dma_wait3A_922 = arith.constant 0 : i32
      %dma_wait3A_923 = arith.constant 0 : i32
      %dma_wait3A_924 = tpu.memref_slice %arg11[%dma_wait3A_922, %dma_wait3A_923] : memref<10240x64xf32, #tpu.memory_space<vmem_shared>> -> memref<10240x64xf32, #tpu.memory_space<vmem_shared>>
      tpu.wait_indirect_dma semaphore(%run_scoped3A_912 : memref<!tpu.dma_semaphore, #tpu.memory_space<semaphore_mem>>) src(%arg9 : memref<640x64xf32, #tpu.memory_space<vmem>>) dst(%dma_wait3A_924 : memref<10240x64xf32, #tpu.memory_space<vmem_shared>>)
      tpu.yield
    }) : () -> ()
    %dma_wait3A_574 = arith.constant 1 : i32
    %dma_wait3A_575 = arith.constant 0 : i32
    %dma_wait3A_576 = arith.constant 0 : i32
    %dma_wait3A_577 = tpu.memref_slice %arg7[%dma_wait3A_574, %dma_wait3A_575, %dma_wait3A_576] : memref<2x4x640xi32, #tpu.memory_space<vmem>> -> memref<1x4x640xi32, #tpu.memory_space<vmem>>
    %dma_wait3A_578 = tpu.memref_squeeze %dma_wait3A_577 : memref<1x4x640xi32, #tpu.memory_space<vmem>> -> memref<4x640xi32, #tpu.memory_space<vmem>>
    %dma_wait3A_579 = arith.constant 20 : i32
    %dma_wait3A_580 = arith.constant 0 : i32
    %dma_wait3A_581 = tpu.memref_slice %arg3[%arg1, %dma_wait3A_579, %dma_wait3A_580] : memref<16x32x640xi32, #tpu.memory_space<hbm>> -> memref<1x4x640xi32, #tpu.memory_space<hbm>>
    %dma_wait3A_582 = tpu.memref_squeeze %dma_wait3A_581 : memref<1x4x640xi32, #tpu.memory_space<hbm>> -> memref<4x640xi32, #tpu.memory_space<hbm>>
    %dma_wait3A_583 = arith.constant 0 : i32
    %dma_wait3A_584 = arith.constant 0 : i32
    %dma_wait3A_585 = tpu.memref_slice %arg7[%dma_wait3A_574, %dma_wait3A_583, %dma_wait3A_584] : memref<2x4x640xi32, #tpu.memory_space<vmem>> -> memref<1x4x640xi32, #tpu.memory_space<vmem>>
    %dma_wait3A_586 = tpu.memref_squeeze %dma_wait3A_585 : memref<1x4x640xi32, #tpu.memory_space<vmem>> -> memref<4x640xi32, #tpu.memory_space<vmem>>
    %dma_wait3A_587 = arith.constant 20 : i32
    %dma_wait3A_588 = arith.constant 0 : i32
    %dma_wait3A_589 = tpu.memref_slice %arg3[%arg1, %dma_wait3A_587, %dma_wait3A_588] : memref<16x32x640xi32, #tpu.memory_space<hbm>> -> memref<1x4x640xi32, #tpu.memory_space<hbm>>
    %dma_wait3A_590 = tpu.memref_squeeze %dma_wait3A_589 : memref<1x4x640xi32, #tpu.memory_space<hbm>> -> memref<4x640xi32, #tpu.memory_space<hbm>>
    tpu.wait_dma2 semaphore(%arg13 : memref<!tpu.dma_semaphore, #tpu.memory_space<semaphore_mem>>) src(%dma_wait3A_590 : memref<4x640xi32, #tpu.memory_space<hbm>>) dst(%dma_wait3A_586 : memref<4x640xi32, #tpu.memory_space<vmem>>)
    %dma_start3A_591 = arith.constant 0 : i32
    %dma_start3A_592 = arith.constant 0 : i32
    %dma_start3A_593 = arith.constant 0 : i32
    %dma_start3A_594 = tpu.memref_slice %arg7[%dma_start3A_591, %dma_start3A_592, %dma_start3A_593] : memref<2x4x640xi32, #tpu.memory_space<vmem>> -> memref<1x4x640xi32, #tpu.memory_space<vmem>>
    %dma_start3A_595 = tpu.memref_squeeze %dma_start3A_594 : memref<1x4x640xi32, #tpu.memory_space<vmem>> -> memref<4x640xi32, #tpu.memory_space<vmem>>
    %dma_start3A_596 = arith.constant 24 : i32
    %dma_start3A_597 = arith.constant 0 : i32
    %dma_start3A_598 = tpu.memref_slice %arg3[%arg1, %dma_start3A_596, %dma_start3A_597] : memref<16x32x640xi32, #tpu.memory_space<hbm>> -> memref<1x4x640xi32, #tpu.memory_space<hbm>>
    %dma_start3A_599 = tpu.memref_squeeze %dma_start3A_598 : memref<1x4x640xi32, #tpu.memory_space<hbm>> -> memref<4x640xi32, #tpu.memory_space<hbm>>
    %dma_start3A_600 = arith.constant 0 : i32
    %dma_start3A_601 = arith.constant 0 : i32
    %dma_start3A_602 = tpu.memref_slice %arg7[%dma_start3A_591, %dma_start3A_600, %dma_start3A_601] : memref<2x4x640xi32, #tpu.memory_space<vmem>> -> memref<1x4x640xi32, #tpu.memory_space<vmem>>
    %dma_start3A_603 = tpu.memref_squeeze %dma_start3A_602 : memref<1x4x640xi32, #tpu.memory_space<vmem>> -> memref<4x640xi32, #tpu.memory_space<vmem>>
    %dma_start3A_604 = arith.constant 24 : i32
    %dma_start3A_605 = arith.constant 0 : i32
    %dma_start3A_606 = tpu.memref_slice %arg3[%arg1, %dma_start3A_604, %dma_start3A_605] : memref<16x32x640xi32, #tpu.memory_space<hbm>> -> memref<1x4x640xi32, #tpu.memory_space<hbm>>
    %dma_start3A_607 = tpu.memref_squeeze %dma_start3A_606 : memref<1x4x640xi32, #tpu.memory_space<hbm>> -> memref<4x640xi32, #tpu.memory_space<hbm>>
    tpu.enqueue_dma source(%dma_start3A_607 : memref<4x640xi32, #tpu.memory_space<hbm>>) target(%dma_start3A_603 : memref<4x640xi32, #tpu.memory_space<vmem>>) target_semaphore(%arg13 : memref<!tpu.dma_semaphore, #tpu.memory_space<semaphore_mem>>)
    %dma_start3A_608 = arith.constant 1 : i32
    %dma_start3A_609 = arith.constant 0 : i32
    %dma_start3A_610 = arith.constant 0 : i32
    %dma_start3A_611 = tpu.memref_slice %arg7[%dma_start3A_608, %dma_start3A_609, %dma_start3A_610] : memref<2x4x640xi32, #tpu.memory_space<vmem>> -> memref<1x1x640xi32, #tpu.memory_space<vmem>>
    %dma_start3A_612 = tpu.memref_squeeze %dma_start3A_611 : memref<1x1x640xi32, #tpu.memory_space<vmem>> -> memref<640xi32, #tpu.memory_space<vmem>>
    %dma_start3A_613 = arith.constant 0 : i32
    %dma_start3A_614 = arith.constant 0 : i32
    %dma_start3A_615 = tpu.memref_slice %arg10[%dma_start3A_613, %dma_start3A_614] : memref<10240x64xf32, #tpu.memory_space<vmem_shared>> -> memref<10240x64xf32, #tpu.memory_space<vmem_shared>>
    tpu.enqueue_indirect_dma source(%dma_start3A_615 : memref<10240x64xf32, #tpu.memory_space<vmem_shared>>) target(%arg9 : memref<640x64xf32, #tpu.memory_space<vmem>>) offsets(%dma_start3A_612 : memref<640xi32, #tpu.memory_space<vmem>>) semaphore(%arg12 : memref<!tpu.dma_semaphore, #tpu.memory_space<semaphore_mem>>)
    %dma_start3A_616 = arith.constant 20 : i32
    %dma_start3A_617 = arith.constant 0 : i32
    %dma_start3A_618 = tpu.memref_slice %arg4[%arg1, %dma_start3A_616, %dma_start3A_617] : memref<16x32x640xi32, #tpu.memory_space<hbm>> -> memref<1x4x640xi32, #tpu.memory_space<hbm>>
    %dma_start3A_619 = tpu.memref_squeeze %dma_start3A_618 : memref<1x4x640xi32, #tpu.memory_space<hbm>> -> memref<4x640xi32, #tpu.memory_space<hbm>>
    %dma_start3A_620 = arith.constant 20 : i32
    %dma_start3A_621 = arith.constant 0 : i32
    %dma_start3A_622 = tpu.memref_slice %arg4[%arg1, %dma_start3A_620, %dma_start3A_621] : memref<16x32x640xi32, #tpu.memory_space<hbm>> -> memref<1x4x640xi32, #tpu.memory_space<hbm>>
    %dma_start3A_623 = tpu.memref_squeeze %dma_start3A_622 : memref<1x4x640xi32, #tpu.memory_space<hbm>> -> memref<4x640xi32, #tpu.memory_space<hbm>>
    tpu.enqueue_dma source(%dma_start3A_623 : memref<4x640xi32, #tpu.memory_space<hbm>>) target(%arg8 : memref<4x640xi32, #tpu.memory_space<vmem>>) target_semaphore(%arg14 : memref<!tpu.dma_semaphore, #tpu.memory_space<semaphore_mem>>)
    %dma_wait3A_624 = arith.constant 1 : i32
    %dma_wait3A_625 = arith.constant 0 : i32
    %dma_wait3A_626 = arith.constant 0 : i32
    %dma_wait3A_627 = tpu.memref_slice %arg7[%dma_wait3A_624, %dma_wait3A_625, %dma_wait3A_626] : memref<2x4x640xi32, #tpu.memory_space<vmem>> -> memref<1x1x640xi32, #tpu.memory_space<vmem>>
    %dma_wait3A_628 = tpu.memref_squeeze %dma_wait3A_627 : memref<1x1x640xi32, #tpu.memory_space<vmem>> -> memref<640xi32, #tpu.memory_space<vmem>>
    %dma_wait3A_629 = arith.constant 0 : i32
    %dma_wait3A_630 = arith.constant 0 : i32
    %dma_wait3A_631 = tpu.memref_slice %arg10[%dma_wait3A_629, %dma_wait3A_630] : memref<10240x64xf32, #tpu.memory_space<vmem_shared>> -> memref<10240x64xf32, #tpu.memory_space<vmem_shared>>
    tpu.wait_indirect_dma semaphore(%arg12 : memref<!tpu.dma_semaphore, #tpu.memory_space<semaphore_mem>>) src(%dma_wait3A_631 : memref<10240x64xf32, #tpu.memory_space<vmem_shared>>) dst(%arg9 : memref<640x64xf32, #tpu.memory_space<vmem>>)
    %dma_wait3A_632 = arith.constant 20 : i32
    %dma_wait3A_633 = arith.constant 0 : i32
    %dma_wait3A_634 = tpu.memref_slice %arg4[%arg1, %dma_wait3A_632, %dma_wait3A_633] : memref<16x32x640xi32, #tpu.memory_space<hbm>> -> memref<1x4x640xi32, #tpu.memory_space<hbm>>
    %dma_wait3A_635 = tpu.memref_squeeze %dma_wait3A_634 : memref<1x4x640xi32, #tpu.memory_space<hbm>> -> memref<4x640xi32, #tpu.memory_space<hbm>>
    %dma_wait3A_636 = arith.constant 20 : i32
    %dma_wait3A_637 = arith.constant 0 : i32
    %dma_wait3A_638 = tpu.memref_slice %arg4[%arg1, %dma_wait3A_636, %dma_wait3A_637] : memref<16x32x640xi32, #tpu.memory_space<hbm>> -> memref<1x4x640xi32, #tpu.memory_space<hbm>>
    %dma_wait3A_639 = tpu.memref_squeeze %dma_wait3A_638 : memref<1x4x640xi32, #tpu.memory_space<hbm>> -> memref<4x640xi32, #tpu.memory_space<hbm>>
    tpu.wait_dma2 semaphore(%arg14 : memref<!tpu.dma_semaphore, #tpu.memory_space<semaphore_mem>>) src(%dma_wait3A_639 : memref<4x640xi32, #tpu.memory_space<hbm>>) dst(%arg8 : memref<4x640xi32, #tpu.memory_space<vmem>>)
    %run_scoped3A_640 = arith.constant 0 : i32
    "tpu.region"() ({
      %run_scoped3A_912 = tpu.sem_alloc : memref<!tpu.dma_semaphore, #tpu.memory_space<semaphore_mem>>
      %dma_start3A_913 = arith.constant 0 : i32
      %dma_start3A_914 = tpu.memref_slice %arg8[%run_scoped3A_640, %dma_start3A_913] : memref<4x640xi32, #tpu.memory_space<vmem>> -> memref<1x640xi32, #tpu.memory_space<vmem>>
      %dma_start3A_915 = tpu.memref_squeeze %dma_start3A_914 : memref<1x640xi32, #tpu.memory_space<vmem>> -> memref<640xi32, #tpu.memory_space<vmem>>
      %dma_start3A_916 = arith.constant 0 : i32
      %dma_start3A_917 = arith.constant 0 : i32
      %dma_start3A_918 = tpu.memref_slice %arg11[%dma_start3A_916, %dma_start3A_917] : memref<10240x64xf32, #tpu.memory_space<vmem_shared>> -> memref<10240x64xf32, #tpu.memory_space<vmem_shared>>
      tpu.enqueue_indirect_dma source(%arg9 : memref<640x64xf32, #tpu.memory_space<vmem>>) target(%dma_start3A_918 : memref<10240x64xf32, #tpu.memory_space<vmem_shared>>) offsets(%dma_start3A_915 : memref<640xi32, #tpu.memory_space<vmem>>) semaphore(%run_scoped3A_912 : memref<!tpu.dma_semaphore, #tpu.memory_space<semaphore_mem>>) {add = true}
      %dma_wait3A_919 = arith.constant 0 : i32
      %dma_wait3A_920 = tpu.memref_slice %arg8[%run_scoped3A_640, %dma_wait3A_919] : memref<4x640xi32, #tpu.memory_space<vmem>> -> memref<1x640xi32, #tpu.memory_space<vmem>>
      %dma_wait3A_921 = tpu.memref_squeeze %dma_wait3A_920 : memref<1x640xi32, #tpu.memory_space<vmem>> -> memref<640xi32, #tpu.memory_space<vmem>>
      %dma_wait3A_922 = arith.constant 0 : i32
      %dma_wait3A_923 = arith.constant 0 : i32
      %dma_wait3A_924 = tpu.memref_slice %arg11[%dma_wait3A_922, %dma_wait3A_923] : memref<10240x64xf32, #tpu.memory_space<vmem_shared>> -> memref<10240x64xf32, #tpu.memory_space<vmem_shared>>
      tpu.wait_indirect_dma semaphore(%run_scoped3A_912 : memref<!tpu.dma_semaphore, #tpu.memory_space<semaphore_mem>>) src(%arg9 : memref<640x64xf32, #tpu.memory_space<vmem>>) dst(%dma_wait3A_924 : memref<10240x64xf32, #tpu.memory_space<vmem_shared>>)
      tpu.yield
    }) : () -> ()
    %dma_start3A_641 = arith.constant 1 : i32
    %dma_start3A_642 = arith.constant 1 : i32
    %dma_start3A_643 = arith.constant 0 : i32
    %dma_start3A_644 = tpu.memref_slice %arg7[%dma_start3A_641, %dma_start3A_642, %dma_start3A_643] : memref<2x4x640xi32, #tpu.memory_space<vmem>> -> memref<1x1x640xi32, #tpu.memory_space<vmem>>
    %dma_start3A_645 = tpu.memref_squeeze %dma_start3A_644 : memref<1x1x640xi32, #tpu.memory_space<vmem>> -> memref<640xi32, #tpu.memory_space<vmem>>
    %dma_start3A_646 = arith.constant 0 : i32
    %dma_start3A_647 = arith.constant 0 : i32
    %dma_start3A_648 = tpu.memref_slice %arg10[%dma_start3A_646, %dma_start3A_647] : memref<10240x64xf32, #tpu.memory_space<vmem_shared>> -> memref<10240x64xf32, #tpu.memory_space<vmem_shared>>
    tpu.enqueue_indirect_dma source(%dma_start3A_648 : memref<10240x64xf32, #tpu.memory_space<vmem_shared>>) target(%arg9 : memref<640x64xf32, #tpu.memory_space<vmem>>) offsets(%dma_start3A_645 : memref<640xi32, #tpu.memory_space<vmem>>) semaphore(%arg12 : memref<!tpu.dma_semaphore, #tpu.memory_space<semaphore_mem>>)
    %dma_wait3A_649 = arith.constant 1 : i32
    %dma_wait3A_650 = arith.constant 1 : i32
    %dma_wait3A_651 = arith.constant 0 : i32
    %dma_wait3A_652 = tpu.memref_slice %arg7[%dma_wait3A_649, %dma_wait3A_650, %dma_wait3A_651] : memref<2x4x640xi32, #tpu.memory_space<vmem>> -> memref<1x1x640xi32, #tpu.memory_space<vmem>>
    %dma_wait3A_653 = tpu.memref_squeeze %dma_wait3A_652 : memref<1x1x640xi32, #tpu.memory_space<vmem>> -> memref<640xi32, #tpu.memory_space<vmem>>
    %dma_wait3A_654 = arith.constant 0 : i32
    %dma_wait3A_655 = arith.constant 0 : i32
    %dma_wait3A_656 = tpu.memref_slice %arg10[%dma_wait3A_654, %dma_wait3A_655] : memref<10240x64xf32, #tpu.memory_space<vmem_shared>> -> memref<10240x64xf32, #tpu.memory_space<vmem_shared>>
    tpu.wait_indirect_dma semaphore(%arg12 : memref<!tpu.dma_semaphore, #tpu.memory_space<semaphore_mem>>) src(%dma_wait3A_656 : memref<10240x64xf32, #tpu.memory_space<vmem_shared>>) dst(%arg9 : memref<640x64xf32, #tpu.memory_space<vmem>>)
    %run_scoped3A_657 = arith.constant 1 : i32
    "tpu.region"() ({
      %run_scoped3A_912 = tpu.sem_alloc : memref<!tpu.dma_semaphore, #tpu.memory_space<semaphore_mem>>
      %dma_start3A_913 = arith.constant 0 : i32
      %dma_start3A_914 = tpu.memref_slice %arg8[%run_scoped3A_657, %dma_start3A_913] : memref<4x640xi32, #tpu.memory_space<vmem>> -> memref<1x640xi32, #tpu.memory_space<vmem>>
      %dma_start3A_915 = tpu.memref_squeeze %dma_start3A_914 : memref<1x640xi32, #tpu.memory_space<vmem>> -> memref<640xi32, #tpu.memory_space<vmem>>
      %dma_start3A_916 = arith.constant 0 : i32
      %dma_start3A_917 = arith.constant 0 : i32
      %dma_start3A_918 = tpu.memref_slice %arg11[%dma_start3A_916, %dma_start3A_917] : memref<10240x64xf32, #tpu.memory_space<vmem_shared>> -> memref<10240x64xf32, #tpu.memory_space<vmem_shared>>
      tpu.enqueue_indirect_dma source(%arg9 : memref<640x64xf32, #tpu.memory_space<vmem>>) target(%dma_start3A_918 : memref<10240x64xf32, #tpu.memory_space<vmem_shared>>) offsets(%dma_start3A_915 : memref<640xi32, #tpu.memory_space<vmem>>) semaphore(%run_scoped3A_912 : memref<!tpu.dma_semaphore, #tpu.memory_space<semaphore_mem>>) {add = true}
      %dma_wait3A_919 = arith.constant 0 : i32
      %dma_wait3A_920 = tpu.memref_slice %arg8[%run_scoped3A_657, %dma_wait3A_919] : memref<4x640xi32, #tpu.memory_space<vmem>> -> memref<1x640xi32, #tpu.memory_space<vmem>>
      %dma_wait3A_921 = tpu.memref_squeeze %dma_wait3A_920 : memref<1x640xi32, #tpu.memory_space<vmem>> -> memref<640xi32, #tpu.memory_space<vmem>>
      %dma_wait3A_922 = arith.constant 0 : i32
      %dma_wait3A_923 = arith.constant 0 : i32
      %dma_wait3A_924 = tpu.memref_slice %arg11[%dma_wait3A_922, %dma_wait3A_923] : memref<10240x64xf32, #tpu.memory_space<vmem_shared>> -> memref<10240x64xf32, #tpu.memory_space<vmem_shared>>
      tpu.wait_indirect_dma semaphore(%run_scoped3A_912 : memref<!tpu.dma_semaphore, #tpu.memory_space<semaphore_mem>>) src(%arg9 : memref<640x64xf32, #tpu.memory_space<vmem>>) dst(%dma_wait3A_924 : memref<10240x64xf32, #tpu.memory_space<vmem_shared>>)
      tpu.yield
    }) : () -> ()
    %dma_start3A_658 = arith.constant 1 : i32
    %dma_start3A_659 = arith.constant 2 : i32
    %dma_start3A_660 = arith.constant 0 : i32
    %dma_start3A_661 = tpu.memref_slice %arg7[%dma_start3A_658, %dma_start3A_659, %dma_start3A_660] : memref<2x4x640xi32, #tpu.memory_space<vmem>> -> memref<1x1x640xi32, #tpu.memory_space<vmem>>
    %dma_start3A_662 = tpu.memref_squeeze %dma_start3A_661 : memref<1x1x640xi32, #tpu.memory_space<vmem>> -> memref<640xi32, #tpu.memory_space<vmem>>
    %dma_start3A_663 = arith.constant 0 : i32
    %dma_start3A_664 = arith.constant 0 : i32
    %dma_start3A_665 = tpu.memref_slice %arg10[%dma_start3A_663, %dma_start3A_664] : memref<10240x64xf32, #tpu.memory_space<vmem_shared>> -> memref<10240x64xf32, #tpu.memory_space<vmem_shared>>
    tpu.enqueue_indirect_dma source(%dma_start3A_665 : memref<10240x64xf32, #tpu.memory_space<vmem_shared>>) target(%arg9 : memref<640x64xf32, #tpu.memory_space<vmem>>) offsets(%dma_start3A_662 : memref<640xi32, #tpu.memory_space<vmem>>) semaphore(%arg12 : memref<!tpu.dma_semaphore, #tpu.memory_space<semaphore_mem>>)
    %dma_wait3A_666 = arith.constant 1 : i32
    %dma_wait3A_667 = arith.constant 2 : i32
    %dma_wait3A_668 = arith.constant 0 : i32
    %dma_wait3A_669 = tpu.memref_slice %arg7[%dma_wait3A_666, %dma_wait3A_667, %dma_wait3A_668] : memref<2x4x640xi32, #tpu.memory_space<vmem>> -> memref<1x1x640xi32, #tpu.memory_space<vmem>>
    %dma_wait3A_670 = tpu.memref_squeeze %dma_wait3A_669 : memref<1x1x640xi32, #tpu.memory_space<vmem>> -> memref<640xi32, #tpu.memory_space<vmem>>
    %dma_wait3A_671 = arith.constant 0 : i32
    %dma_wait3A_672 = arith.constant 0 : i32
    %dma_wait3A_673 = tpu.memref_slice %arg10[%dma_wait3A_671, %dma_wait3A_672] : memref<10240x64xf32, #tpu.memory_space<vmem_shared>> -> memref<10240x64xf32, #tpu.memory_space<vmem_shared>>
    tpu.wait_indirect_dma semaphore(%arg12 : memref<!tpu.dma_semaphore, #tpu.memory_space<semaphore_mem>>) src(%dma_wait3A_673 : memref<10240x64xf32, #tpu.memory_space<vmem_shared>>) dst(%arg9 : memref<640x64xf32, #tpu.memory_space<vmem>>)
    %run_scoped3A_674 = arith.constant 2 : i32
    "tpu.region"() ({
      %run_scoped3A_912 = tpu.sem_alloc : memref<!tpu.dma_semaphore, #tpu.memory_space<semaphore_mem>>
      %dma_start3A_913 = arith.constant 0 : i32
      %dma_start3A_914 = tpu.memref_slice %arg8[%run_scoped3A_674, %dma_start3A_913] : memref<4x640xi32, #tpu.memory_space<vmem>> -> memref<1x640xi32, #tpu.memory_space<vmem>>
      %dma_start3A_915 = tpu.memref_squeeze %dma_start3A_914 : memref<1x640xi32, #tpu.memory_space<vmem>> -> memref<640xi32, #tpu.memory_space<vmem>>
      %dma_start3A_916 = arith.constant 0 : i32
      %dma_start3A_917 = arith.constant 0 : i32
      %dma_start3A_918 = tpu.memref_slice %arg11[%dma_start3A_916, %dma_start3A_917] : memref<10240x64xf32, #tpu.memory_space<vmem_shared>> -> memref<10240x64xf32, #tpu.memory_space<vmem_shared>>
      tpu.enqueue_indirect_dma source(%arg9 : memref<640x64xf32, #tpu.memory_space<vmem>>) target(%dma_start3A_918 : memref<10240x64xf32, #tpu.memory_space<vmem_shared>>) offsets(%dma_start3A_915 : memref<640xi32, #tpu.memory_space<vmem>>) semaphore(%run_scoped3A_912 : memref<!tpu.dma_semaphore, #tpu.memory_space<semaphore_mem>>) {add = true}
      %dma_wait3A_919 = arith.constant 0 : i32
      %dma_wait3A_920 = tpu.memref_slice %arg8[%run_scoped3A_674, %dma_wait3A_919] : memref<4x640xi32, #tpu.memory_space<vmem>> -> memref<1x640xi32, #tpu.memory_space<vmem>>
      %dma_wait3A_921 = tpu.memref_squeeze %dma_wait3A_920 : memref<1x640xi32, #tpu.memory_space<vmem>> -> memref<640xi32, #tpu.memory_space<vmem>>
      %dma_wait3A_922 = arith.constant 0 : i32
      %dma_wait3A_923 = arith.constant 0 : i32
      %dma_wait3A_924 = tpu.memref_slice %arg11[%dma_wait3A_922, %dma_wait3A_923] : memref<10240x64xf32, #tpu.memory_space<vmem_shared>> -> memref<10240x64xf32, #tpu.memory_space<vmem_shared>>
      tpu.wait_indirect_dma semaphore(%run_scoped3A_912 : memref<!tpu.dma_semaphore, #tpu.memory_space<semaphore_mem>>) src(%arg9 : memref<640x64xf32, #tpu.memory_space<vmem>>) dst(%dma_wait3A_924 : memref<10240x64xf32, #tpu.memory_space<vmem_shared>>)
      tpu.yield
    }) : () -> ()
    %dma_start3A_675 = arith.constant 1 : i32
    %dma_start3A_676 = arith.constant 3 : i32
    %dma_start3A_677 = arith.constant 0 : i32
    %dma_start3A_678 = tpu.memref_slice %arg7[%dma_start3A_675, %dma_start3A_676, %dma_start3A_677] : memref<2x4x640xi32, #tpu.memory_space<vmem>> -> memref<1x1x640xi32, #tpu.memory_space<vmem>>
    %dma_start3A_679 = tpu.memref_squeeze %dma_start3A_678 : memref<1x1x640xi32, #tpu.memory_space<vmem>> -> memref<640xi32, #tpu.memory_space<vmem>>
    %dma_start3A_680 = arith.constant 0 : i32
    %dma_start3A_681 = arith.constant 0 : i32
    %dma_start3A_682 = tpu.memref_slice %arg10[%dma_start3A_680, %dma_start3A_681] : memref<10240x64xf32, #tpu.memory_space<vmem_shared>> -> memref<10240x64xf32, #tpu.memory_space<vmem_shared>>
    tpu.enqueue_indirect_dma source(%dma_start3A_682 : memref<10240x64xf32, #tpu.memory_space<vmem_shared>>) target(%arg9 : memref<640x64xf32, #tpu.memory_space<vmem>>) offsets(%dma_start3A_679 : memref<640xi32, #tpu.memory_space<vmem>>) semaphore(%arg12 : memref<!tpu.dma_semaphore, #tpu.memory_space<semaphore_mem>>)
    %dma_wait3A_683 = arith.constant 1 : i32
    %dma_wait3A_684 = arith.constant 3 : i32
    %dma_wait3A_685 = arith.constant 0 : i32
    %dma_wait3A_686 = tpu.memref_slice %arg7[%dma_wait3A_683, %dma_wait3A_684, %dma_wait3A_685] : memref<2x4x640xi32, #tpu.memory_space<vmem>> -> memref<1x1x640xi32, #tpu.memory_space<vmem>>
    %dma_wait3A_687 = tpu.memref_squeeze %dma_wait3A_686 : memref<1x1x640xi32, #tpu.memory_space<vmem>> -> memref<640xi32, #tpu.memory_space<vmem>>
    %dma_wait3A_688 = arith.constant 0 : i32
    %dma_wait3A_689 = arith.constant 0 : i32
    %dma_wait3A_690 = tpu.memref_slice %arg10[%dma_wait3A_688, %dma_wait3A_689] : memref<10240x64xf32, #tpu.memory_space<vmem_shared>> -> memref<10240x64xf32, #tpu.memory_space<vmem_shared>>
    tpu.wait_indirect_dma semaphore(%arg12 : memref<!tpu.dma_semaphore, #tpu.memory_space<semaphore_mem>>) src(%dma_wait3A_690 : memref<10240x64xf32, #tpu.memory_space<vmem_shared>>) dst(%arg9 : memref<640x64xf32, #tpu.memory_space<vmem>>)
    %run_scoped3A_691 = arith.constant 3 : i32
    "tpu.region"() ({
      %run_scoped3A_912 = tpu.sem_alloc : memref<!tpu.dma_semaphore, #tpu.memory_space<semaphore_mem>>
      %dma_start3A_913 = arith.constant 0 : i32
      %dma_start3A_914 = tpu.memref_slice %arg8[%run_scoped3A_691, %dma_start3A_913] : memref<4x640xi32, #tpu.memory_space<vmem>> -> memref<1x640xi32, #tpu.memory_space<vmem>>
      %dma_start3A_915 = tpu.memref_squeeze %dma_start3A_914 : memref<1x640xi32, #tpu.memory_space<vmem>> -> memref<640xi32, #tpu.memory_space<vmem>>
      %dma_start3A_916 = arith.constant 0 : i32
      %dma_start3A_917 = arith.constant 0 : i32
      %dma_start3A_918 = tpu.memref_slice %arg11[%dma_start3A_916, %dma_start3A_917] : memref<10240x64xf32, #tpu.memory_space<vmem_shared>> -> memref<10240x64xf32, #tpu.memory_space<vmem_shared>>
      tpu.enqueue_indirect_dma source(%arg9 : memref<640x64xf32, #tpu.memory_space<vmem>>) target(%dma_start3A_918 : memref<10240x64xf32, #tpu.memory_space<vmem_shared>>) offsets(%dma_start3A_915 : memref<640xi32, #tpu.memory_space<vmem>>) semaphore(%run_scoped3A_912 : memref<!tpu.dma_semaphore, #tpu.memory_space<semaphore_mem>>) {add = true}
      %dma_wait3A_919 = arith.constant 0 : i32
      %dma_wait3A_920 = tpu.memref_slice %arg8[%run_scoped3A_691, %dma_wait3A_919] : memref<4x640xi32, #tpu.memory_space<vmem>> -> memref<1x640xi32, #tpu.memory_space<vmem>>
      %dma_wait3A_921 = tpu.memref_squeeze %dma_wait3A_920 : memref<1x640xi32, #tpu.memory_space<vmem>> -> memref<640xi32, #tpu.memory_space<vmem>>
      %dma_wait3A_922 = arith.constant 0 : i32
      %dma_wait3A_923 = arith.constant 0 : i32
      %dma_wait3A_924 = tpu.memref_slice %arg11[%dma_wait3A_922, %dma_wait3A_923] : memref<10240x64xf32, #tpu.memory_space<vmem_shared>> -> memref<10240x64xf32, #tpu.memory_space<vmem_shared>>
      tpu.wait_indirect_dma semaphore(%run_scoped3A_912 : memref<!tpu.dma_semaphore, #tpu.memory_space<semaphore_mem>>) src(%arg9 : memref<640x64xf32, #tpu.memory_space<vmem>>) dst(%dma_wait3A_924 : memref<10240x64xf32, #tpu.memory_space<vmem_shared>>)
      tpu.yield
    }) : () -> ()
    %dma_wait3A_692 = arith.constant 0 : i32
    %dma_wait3A_693 = arith.constant 0 : i32
    %dma_wait3A_694 = arith.constant 0 : i32
    %dma_wait3A_695 = tpu.memref_slice %arg7[%dma_wait3A_692, %dma_wait3A_693, %dma_wait3A_694] : memref<2x4x640xi32, #tpu.memory_space<vmem>> -> memref<1x4x640xi32, #tpu.memory_space<vmem>>
    %dma_wait3A_696 = tpu.memref_squeeze %dma_wait3A_695 : memref<1x4x640xi32, #tpu.memory_space<vmem>> -> memref<4x640xi32, #tpu.memory_space<vmem>>
    %dma_wait3A_697 = arith.constant 24 : i32
    %dma_wait3A_698 = arith.constant 0 : i32
    %dma_wait3A_699 = tpu.memref_slice %arg3[%arg1, %dma_wait3A_697, %dma_wait3A_698] : memref<16x32x640xi32, #tpu.memory_space<hbm>> -> memref<1x4x640xi32, #tpu.memory_space<hbm>>
    %dma_wait3A_700 = tpu.memref_squeeze %dma_wait3A_699 : memref<1x4x640xi32, #tpu.memory_space<hbm>> -> memref<4x640xi32, #tpu.memory_space<hbm>>
    %dma_wait3A_701 = arith.constant 0 : i32
    %dma_wait3A_702 = arith.constant 0 : i32
    %dma_wait3A_703 = tpu.memref_slice %arg7[%dma_wait3A_692, %dma_wait3A_701, %dma_wait3A_702] : memref<2x4x640xi32, #tpu.memory_space<vmem>> -> memref<1x4x640xi32, #tpu.memory_space<vmem>>
    %dma_wait3A_704 = tpu.memref_squeeze %dma_wait3A_703 : memref<1x4x640xi32, #tpu.memory_space<vmem>> -> memref<4x640xi32, #tpu.memory_space<vmem>>
    %dma_wait3A_705 = arith.constant 24 : i32
    %dma_wait3A_706 = arith.constant 0 : i32
    %dma_wait3A_707 = tpu.memref_slice %arg3[%arg1, %dma_wait3A_705, %dma_wait3A_706] : memref<16x32x640xi32, #tpu.memory_space<hbm>> -> memref<1x4x640xi32, #tpu.memory_space<hbm>>
    %dma_wait3A_708 = tpu.memref_squeeze %dma_wait3A_707 : memref<1x4x640xi32, #tpu.memory_space<hbm>> -> memref<4x640xi32, #tpu.memory_space<hbm>>
    tpu.wait_dma2 semaphore(%arg13 : memref<!tpu.dma_semaphore, #tpu.memory_space<semaphore_mem>>) src(%dma_wait3A_708 : memref<4x640xi32, #tpu.memory_space<hbm>>) dst(%dma_wait3A_704 : memref<4x640xi32, #tpu.memory_space<vmem>>)
    %dma_start3A_709 = arith.constant 1 : i32
    %dma_start3A_710 = arith.constant 0 : i32
    %dma_start3A_711 = arith.constant 0 : i32
    %dma_start3A_712 = tpu.memref_slice %arg7[%dma_start3A_709, %dma_start3A_710, %dma_start3A_711] : memref<2x4x640xi32, #tpu.memory_space<vmem>> -> memref<1x4x640xi32, #tpu.memory_space<vmem>>
    %dma_start3A_713 = tpu.memref_squeeze %dma_start3A_712 : memref<1x4x640xi32, #tpu.memory_space<vmem>> -> memref<4x640xi32, #tpu.memory_space<vmem>>
    %dma_start3A_714 = arith.constant 28 : i32
    %dma_start3A_715 = arith.constant 0 : i32
    %dma_start3A_716 = tpu.memref_slice %arg3[%arg1, %dma_start3A_714, %dma_start3A_715] : memref<16x32x640xi32, #tpu.memory_space<hbm>> -> memref<1x4x640xi32, #tpu.memory_space<hbm>>
    %dma_start3A_717 = tpu.memref_squeeze %dma_start3A_716 : memref<1x4x640xi32, #tpu.memory_space<hbm>> -> memref<4x640xi32, #tpu.memory_space<hbm>>
    %dma_start3A_718 = arith.constant 0 : i32
    %dma_start3A_719 = arith.constant 0 : i32
    %dma_start3A_720 = tpu.memref_slice %arg7[%dma_start3A_709, %dma_start3A_718, %dma_start3A_719] : memref<2x4x640xi32, #tpu.memory_space<vmem>> -> memref<1x4x640xi32, #tpu.memory_space<vmem>>
    %dma_start3A_721 = tpu.memref_squeeze %dma_start3A_720 : memref<1x4x640xi32, #tpu.memory_space<vmem>> -> memref<4x640xi32, #tpu.memory_space<vmem>>
    %dma_start3A_722 = arith.constant 28 : i32
    %dma_start3A_723 = arith.constant 0 : i32
    %dma_start3A_724 = tpu.memref_slice %arg3[%arg1, %dma_start3A_722, %dma_start3A_723] : memref<16x32x640xi32, #tpu.memory_space<hbm>> -> memref<1x4x640xi32, #tpu.memory_space<hbm>>
    %dma_start3A_725 = tpu.memref_squeeze %dma_start3A_724 : memref<1x4x640xi32, #tpu.memory_space<hbm>> -> memref<4x640xi32, #tpu.memory_space<hbm>>
    tpu.enqueue_dma source(%dma_start3A_725 : memref<4x640xi32, #tpu.memory_space<hbm>>) target(%dma_start3A_721 : memref<4x640xi32, #tpu.memory_space<vmem>>) target_semaphore(%arg13 : memref<!tpu.dma_semaphore, #tpu.memory_space<semaphore_mem>>)
    %dma_start3A_726 = arith.constant 0 : i32
    %dma_start3A_727 = arith.constant 0 : i32
    %dma_start3A_728 = arith.constant 0 : i32
    %dma_start3A_729 = tpu.memref_slice %arg7[%dma_start3A_726, %dma_start3A_727, %dma_start3A_728] : memref<2x4x640xi32, #tpu.memory_space<vmem>> -> memref<1x1x640xi32, #tpu.memory_space<vmem>>
    %dma_start3A_730 = tpu.memref_squeeze %dma_start3A_729 : memref<1x1x640xi32, #tpu.memory_space<vmem>> -> memref<640xi32, #tpu.memory_space<vmem>>
    %dma_start3A_731 = arith.constant 0 : i32
    %dma_start3A_732 = arith.constant 0 : i32
    %dma_start3A_733 = tpu.memref_slice %arg10[%dma_start3A_731, %dma_start3A_732] : memref<10240x64xf32, #tpu.memory_space<vmem_shared>> -> memref<10240x64xf32, #tpu.memory_space<vmem_shared>>
    tpu.enqueue_indirect_dma source(%dma_start3A_733 : memref<10240x64xf32, #tpu.memory_space<vmem_shared>>) target(%arg9 : memref<640x64xf32, #tpu.memory_space<vmem>>) offsets(%dma_start3A_730 : memref<640xi32, #tpu.memory_space<vmem>>) semaphore(%arg12 : memref<!tpu.dma_semaphore, #tpu.memory_space<semaphore_mem>>)
    %dma_start3A_734 = arith.constant 24 : i32
    %dma_start3A_735 = arith.constant 0 : i32
    %dma_start3A_736 = tpu.memref_slice %arg4[%arg1, %dma_start3A_734, %dma_start3A_735] : memref<16x32x640xi32, #tpu.memory_space<hbm>> -> memref<1x4x640xi32, #tpu.memory_space<hbm>>
    %dma_start3A_737 = tpu.memref_squeeze %dma_start3A_736 : memref<1x4x640xi32, #tpu.memory_space<hbm>> -> memref<4x640xi32, #tpu.memory_space<hbm>>
    %dma_start3A_738 = arith.constant 24 : i32
    %dma_start3A_739 = arith.constant 0 : i32
    %dma_start3A_740 = tpu.memref_slice %arg4[%arg1, %dma_start3A_738, %dma_start3A_739] : memref<16x32x640xi32, #tpu.memory_space<hbm>> -> memref<1x4x640xi32, #tpu.memory_space<hbm>>
    %dma_start3A_741 = tpu.memref_squeeze %dma_start3A_740 : memref<1x4x640xi32, #tpu.memory_space<hbm>> -> memref<4x640xi32, #tpu.memory_space<hbm>>
    tpu.enqueue_dma source(%dma_start3A_741 : memref<4x640xi32, #tpu.memory_space<hbm>>) target(%arg8 : memref<4x640xi32, #tpu.memory_space<vmem>>) target_semaphore(%arg14 : memref<!tpu.dma_semaphore, #tpu.memory_space<semaphore_mem>>)
    %dma_wait3A_742 = arith.constant 0 : i32
    %dma_wait3A_743 = arith.constant 0 : i32
    %dma_wait3A_744 = arith.constant 0 : i32
    %dma_wait3A_745 = tpu.memref_slice %arg7[%dma_wait3A_742, %dma_wait3A_743, %dma_wait3A_744] : memref<2x4x640xi32, #tpu.memory_space<vmem>> -> memref<1x1x640xi32, #tpu.memory_space<vmem>>
    %dma_wait3A_746 = tpu.memref_squeeze %dma_wait3A_745 : memref<1x1x640xi32, #tpu.memory_space<vmem>> -> memref<640xi32, #tpu.memory_space<vmem>>
    %dma_wait3A_747 = arith.constant 0 : i32
    %dma_wait3A_748 = arith.constant 0 : i32
    %dma_wait3A_749 = tpu.memref_slice %arg10[%dma_wait3A_747, %dma_wait3A_748] : memref<10240x64xf32, #tpu.memory_space<vmem_shared>> -> memref<10240x64xf32, #tpu.memory_space<vmem_shared>>
    tpu.wait_indirect_dma semaphore(%arg12 : memref<!tpu.dma_semaphore, #tpu.memory_space<semaphore_mem>>) src(%dma_wait3A_749 : memref<10240x64xf32, #tpu.memory_space<vmem_shared>>) dst(%arg9 : memref<640x64xf32, #tpu.memory_space<vmem>>)
    %dma_wait3A_750 = arith.constant 24 : i32
    %dma_wait3A_751 = arith.constant 0 : i32
    %dma_wait3A_752 = tpu.memref_slice %arg4[%arg1, %dma_wait3A_750, %dma_wait3A_751] : memref<16x32x640xi32, #tpu.memory_space<hbm>> -> memref<1x4x640xi32, #tpu.memory_space<hbm>>
    %dma_wait3A_753 = tpu.memref_squeeze %dma_wait3A_752 : memref<1x4x640xi32, #tpu.memory_space<hbm>> -> memref<4x640xi32, #tpu.memory_space<hbm>>
    %dma_wait3A_754 = arith.constant 24 : i32
    %dma_wait3A_755 = arith.constant 0 : i32
    %dma_wait3A_756 = tpu.memref_slice %arg4[%arg1, %dma_wait3A_754, %dma_wait3A_755] : memref<16x32x640xi32, #tpu.memory_space<hbm>> -> memref<1x4x640xi32, #tpu.memory_space<hbm>>
    %dma_wait3A_757 = tpu.memref_squeeze %dma_wait3A_756 : memref<1x4x640xi32, #tpu.memory_space<hbm>> -> memref<4x640xi32, #tpu.memory_space<hbm>>
    tpu.wait_dma2 semaphore(%arg14 : memref<!tpu.dma_semaphore, #tpu.memory_space<semaphore_mem>>) src(%dma_wait3A_757 : memref<4x640xi32, #tpu.memory_space<hbm>>) dst(%arg8 : memref<4x640xi32, #tpu.memory_space<vmem>>)
    %run_scoped3A_758 = arith.constant 0 : i32
    "tpu.region"() ({
      %run_scoped3A_912 = tpu.sem_alloc : memref<!tpu.dma_semaphore, #tpu.memory_space<semaphore_mem>>
      %dma_start3A_913 = arith.constant 0 : i32
      %dma_start3A_914 = tpu.memref_slice %arg8[%run_scoped3A_758, %dma_start3A_913] : memref<4x640xi32, #tpu.memory_space<vmem>> -> memref<1x640xi32, #tpu.memory_space<vmem>>
      %dma_start3A_915 = tpu.memref_squeeze %dma_start3A_914 : memref<1x640xi32, #tpu.memory_space<vmem>> -> memref<640xi32, #tpu.memory_space<vmem>>
      %dma_start3A_916 = arith.constant 0 : i32
      %dma_start3A_917 = arith.constant 0 : i32
      %dma_start3A_918 = tpu.memref_slice %arg11[%dma_start3A_916, %dma_start3A_917] : memref<10240x64xf32, #tpu.memory_space<vmem_shared>> -> memref<10240x64xf32, #tpu.memory_space<vmem_shared>>
      tpu.enqueue_indirect_dma source(%arg9 : memref<640x64xf32, #tpu.memory_space<vmem>>) target(%dma_start3A_918 : memref<10240x64xf32, #tpu.memory_space<vmem_shared>>) offsets(%dma_start3A_915 : memref<640xi32, #tpu.memory_space<vmem>>) semaphore(%run_scoped3A_912 : memref<!tpu.dma_semaphore, #tpu.memory_space<semaphore_mem>>) {add = true}
      %dma_wait3A_919 = arith.constant 0 : i32
      %dma_wait3A_920 = tpu.memref_slice %arg8[%run_scoped3A_758, %dma_wait3A_919] : memref<4x640xi32, #tpu.memory_space<vmem>> -> memref<1x640xi32, #tpu.memory_space<vmem>>
      %dma_wait3A_921 = tpu.memref_squeeze %dma_wait3A_920 : memref<1x640xi32, #tpu.memory_space<vmem>> -> memref<640xi32, #tpu.memory_space<vmem>>
      %dma_wait3A_922 = arith.constant 0 : i32
      %dma_wait3A_923 = arith.constant 0 : i32
      %dma_wait3A_924 = tpu.memref_slice %arg11[%dma_wait3A_922, %dma_wait3A_923] : memref<10240x64xf32, #tpu.memory_space<vmem_shared>> -> memref<10240x64xf32, #tpu.memory_space<vmem_shared>>
      tpu.wait_indirect_dma semaphore(%run_scoped3A_912 : memref<!tpu.dma_semaphore, #tpu.memory_space<semaphore_mem>>) src(%arg9 : memref<640x64xf32, #tpu.memory_space<vmem>>) dst(%dma_wait3A_924 : memref<10240x64xf32, #tpu.memory_space<vmem_shared>>)
      tpu.yield
    }) : () -> ()
    %dma_start3A_759 = arith.constant 0 : i32
    %dma_start3A_760 = arith.constant 1 : i32
    %dma_start3A_761 = arith.constant 0 : i32
    %dma_start3A_762 = tpu.memref_slice %arg7[%dma_start3A_759, %dma_start3A_760, %dma_start3A_761] : memref<2x4x640xi32, #tpu.memory_space<vmem>> -> memref<1x1x640xi32, #tpu.memory_space<vmem>>
    %dma_start3A_763 = tpu.memref_squeeze %dma_start3A_762 : memref<1x1x640xi32, #tpu.memory_space<vmem>> -> memref<640xi32, #tpu.memory_space<vmem>>
    %dma_start3A_764 = arith.constant 0 : i32
    %dma_start3A_765 = arith.constant 0 : i32
    %dma_start3A_766 = tpu.memref_slice %arg10[%dma_start3A_764, %dma_start3A_765] : memref<10240x64xf32, #tpu.memory_space<vmem_shared>> -> memref<10240x64xf32, #tpu.memory_space<vmem_shared>>
    tpu.enqueue_indirect_dma source(%dma_start3A_766 : memref<10240x64xf32, #tpu.memory_space<vmem_shared>>) target(%arg9 : memref<640x64xf32, #tpu.memory_space<vmem>>) offsets(%dma_start3A_763 : memref<640xi32, #tpu.memory_space<vmem>>) semaphore(%arg12 : memref<!tpu.dma_semaphore, #tpu.memory_space<semaphore_mem>>)
    %dma_wait3A_767 = arith.constant 0 : i32
    %dma_wait3A_768 = arith.constant 1 : i32
    %dma_wait3A_769 = arith.constant 0 : i32
    %dma_wait3A_770 = tpu.memref_slice %arg7[%dma_wait3A_767, %dma_wait3A_768, %dma_wait3A_769] : memref<2x4x640xi32, #tpu.memory_space<vmem>> -> memref<1x1x640xi32, #tpu.memory_space<vmem>>
    %dma_wait3A_771 = tpu.memref_squeeze %dma_wait3A_770 : memref<1x1x640xi32, #tpu.memory_space<vmem>> -> memref<640xi32, #tpu.memory_space<vmem>>
    %dma_wait3A_772 = arith.constant 0 : i32
    %dma_wait3A_773 = arith.constant 0 : i32
    %dma_wait3A_774 = tpu.memref_slice %arg10[%dma_wait3A_772, %dma_wait3A_773] : memref<10240x64xf32, #tpu.memory_space<vmem_shared>> -> memref<10240x64xf32, #tpu.memory_space<vmem_shared>>
    tpu.wait_indirect_dma semaphore(%arg12 : memref<!tpu.dma_semaphore, #tpu.memory_space<semaphore_mem>>) src(%dma_wait3A_774 : memref<10240x64xf32, #tpu.memory_space<vmem_shared>>) dst(%arg9 : memref<640x64xf32, #tpu.memory_space<vmem>>)
    %run_scoped3A_775 = arith.constant 1 : i32
    "tpu.region"() ({
      %run_scoped3A_912 = tpu.sem_alloc : memref<!tpu.dma_semaphore, #tpu.memory_space<semaphore_mem>>
      %dma_start3A_913 = arith.constant 0 : i32
      %dma_start3A_914 = tpu.memref_slice %arg8[%run_scoped3A_775, %dma_start3A_913] : memref<4x640xi32, #tpu.memory_space<vmem>> -> memref<1x640xi32, #tpu.memory_space<vmem>>
      %dma_start3A_915 = tpu.memref_squeeze %dma_start3A_914 : memref<1x640xi32, #tpu.memory_space<vmem>> -> memref<640xi32, #tpu.memory_space<vmem>>
      %dma_start3A_916 = arith.constant 0 : i32
      %dma_start3A_917 = arith.constant 0 : i32
      %dma_start3A_918 = tpu.memref_slice %arg11[%dma_start3A_916, %dma_start3A_917] : memref<10240x64xf32, #tpu.memory_space<vmem_shared>> -> memref<10240x64xf32, #tpu.memory_space<vmem_shared>>
      tpu.enqueue_indirect_dma source(%arg9 : memref<640x64xf32, #tpu.memory_space<vmem>>) target(%dma_start3A_918 : memref<10240x64xf32, #tpu.memory_space<vmem_shared>>) offsets(%dma_start3A_915 : memref<640xi32, #tpu.memory_space<vmem>>) semaphore(%run_scoped3A_912 : memref<!tpu.dma_semaphore, #tpu.memory_space<semaphore_mem>>) {add = true}
      %dma_wait3A_919 = arith.constant 0 : i32
      %dma_wait3A_920 = tpu.memref_slice %arg8[%run_scoped3A_775, %dma_wait3A_919] : memref<4x640xi32, #tpu.memory_space<vmem>> -> memref<1x640xi32, #tpu.memory_space<vmem>>
      %dma_wait3A_921 = tpu.memref_squeeze %dma_wait3A_920 : memref<1x640xi32, #tpu.memory_space<vmem>> -> memref<640xi32, #tpu.memory_space<vmem>>
      %dma_wait3A_922 = arith.constant 0 : i32
      %dma_wait3A_923 = arith.constant 0 : i32
      %dma_wait3A_924 = tpu.memref_slice %arg11[%dma_wait3A_922, %dma_wait3A_923] : memref<10240x64xf32, #tpu.memory_space<vmem_shared>> -> memref<10240x64xf32, #tpu.memory_space<vmem_shared>>
      tpu.wait_indirect_dma semaphore(%run_scoped3A_912 : memref<!tpu.dma_semaphore, #tpu.memory_space<semaphore_mem>>) src(%arg9 : memref<640x64xf32, #tpu.memory_space<vmem>>) dst(%dma_wait3A_924 : memref<10240x64xf32, #tpu.memory_space<vmem_shared>>)
      tpu.yield
    }) : () -> ()
    %dma_start3A_776 = arith.constant 0 : i32
    %dma_start3A_777 = arith.constant 2 : i32
    %dma_start3A_778 = arith.constant 0 : i32
    %dma_start3A_779 = tpu.memref_slice %arg7[%dma_start3A_776, %dma_start3A_777, %dma_start3A_778] : memref<2x4x640xi32, #tpu.memory_space<vmem>> -> memref<1x1x640xi32, #tpu.memory_space<vmem>>
    %dma_start3A_780 = tpu.memref_squeeze %dma_start3A_779 : memref<1x1x640xi32, #tpu.memory_space<vmem>> -> memref<640xi32, #tpu.memory_space<vmem>>
    %dma_start3A_781 = arith.constant 0 : i32
    %dma_start3A_782 = arith.constant 0 : i32
    %dma_start3A_783 = tpu.memref_slice %arg10[%dma_start3A_781, %dma_start3A_782] : memref<10240x64xf32, #tpu.memory_space<vmem_shared>> -> memref<10240x64xf32, #tpu.memory_space<vmem_shared>>
    tpu.enqueue_indirect_dma source(%dma_start3A_783 : memref<10240x64xf32, #tpu.memory_space<vmem_shared>>) target(%arg9 : memref<640x64xf32, #tpu.memory_space<vmem>>) offsets(%dma_start3A_780 : memref<640xi32, #tpu.memory_space<vmem>>) semaphore(%arg12 : memref<!tpu.dma_semaphore, #tpu.memory_space<semaphore_mem>>)
    %dma_wait3A_784 = arith.constant 0 : i32
    %dma_wait3A_785 = arith.constant 2 : i32
    %dma_wait3A_786 = arith.constant 0 : i32
    %dma_wait3A_787 = tpu.memref_slice %arg7[%dma_wait3A_784, %dma_wait3A_785, %dma_wait3A_786] : memref<2x4x640xi32, #tpu.memory_space<vmem>> -> memref<1x1x640xi32, #tpu.memory_space<vmem>>
    %dma_wait3A_788 = tpu.memref_squeeze %dma_wait3A_787 : memref<1x1x640xi32, #tpu.memory_space<vmem>> -> memref<640xi32, #tpu.memory_space<vmem>>
    %dma_wait3A_789 = arith.constant 0 : i32
    %dma_wait3A_790 = arith.constant 0 : i32
    %dma_wait3A_791 = tpu.memref_slice %arg10[%dma_wait3A_789, %dma_wait3A_790] : memref<10240x64xf32, #tpu.memory_space<vmem_shared>> -> memref<10240x64xf32, #tpu.memory_space<vmem_shared>>
    tpu.wait_indirect_dma semaphore(%arg12 : memref<!tpu.dma_semaphore, #tpu.memory_space<semaphore_mem>>) src(%dma_wait3A_791 : memref<10240x64xf32, #tpu.memory_space<vmem_shared>>) dst(%arg9 : memref<640x64xf32, #tpu.memory_space<vmem>>)
    %run_scoped3A_792 = arith.constant 2 : i32
    "tpu.region"() ({
      %run_scoped3A_912 = tpu.sem_alloc : memref<!tpu.dma_semaphore, #tpu.memory_space<semaphore_mem>>
      %dma_start3A_913 = arith.constant 0 : i32
      %dma_start3A_914 = tpu.memref_slice %arg8[%run_scoped3A_792, %dma_start3A_913] : memref<4x640xi32, #tpu.memory_space<vmem>> -> memref<1x640xi32, #tpu.memory_space<vmem>>
      %dma_start3A_915 = tpu.memref_squeeze %dma_start3A_914 : memref<1x640xi32, #tpu.memory_space<vmem>> -> memref<640xi32, #tpu.memory_space<vmem>>
      %dma_start3A_916 = arith.constant 0 : i32
      %dma_start3A_917 = arith.constant 0 : i32
      %dma_start3A_918 = tpu.memref_slice %arg11[%dma_start3A_916, %dma_start3A_917] : memref<10240x64xf32, #tpu.memory_space<vmem_shared>> -> memref<10240x64xf32, #tpu.memory_space<vmem_shared>>
      tpu.enqueue_indirect_dma source(%arg9 : memref<640x64xf32, #tpu.memory_space<vmem>>) target(%dma_start3A_918 : memref<10240x64xf32, #tpu.memory_space<vmem_shared>>) offsets(%dma_start3A_915 : memref<640xi32, #tpu.memory_space<vmem>>) semaphore(%run_scoped3A_912 : memref<!tpu.dma_semaphore, #tpu.memory_space<semaphore_mem>>) {add = true}
      %dma_wait3A_919 = arith.constant 0 : i32
      %dma_wait3A_920 = tpu.memref_slice %arg8[%run_scoped3A_792, %dma_wait3A_919] : memref<4x640xi32, #tpu.memory_space<vmem>> -> memref<1x640xi32, #tpu.memory_space<vmem>>
      %dma_wait3A_921 = tpu.memref_squeeze %dma_wait3A_920 : memref<1x640xi32, #tpu.memory_space<vmem>> -> memref<640xi32, #tpu.memory_space<vmem>>
      %dma_wait3A_922 = arith.constant 0 : i32
      %dma_wait3A_923 = arith.constant 0 : i32
      %dma_wait3A_924 = tpu.memref_slice %arg11[%dma_wait3A_922, %dma_wait3A_923] : memref<10240x64xf32, #tpu.memory_space<vmem_shared>> -> memref<10240x64xf32, #tpu.memory_space<vmem_shared>>
      tpu.wait_indirect_dma semaphore(%run_scoped3A_912 : memref<!tpu.dma_semaphore, #tpu.memory_space<semaphore_mem>>) src(%arg9 : memref<640x64xf32, #tpu.memory_space<vmem>>) dst(%dma_wait3A_924 : memref<10240x64xf32, #tpu.memory_space<vmem_shared>>)
      tpu.yield
    }) : () -> ()
    %dma_start3A_793 = arith.constant 0 : i32
    %dma_start3A_794 = arith.constant 3 : i32
    %dma_start3A_795 = arith.constant 0 : i32
    %dma_start3A_796 = tpu.memref_slice %arg7[%dma_start3A_793, %dma_start3A_794, %dma_start3A_795] : memref<2x4x640xi32, #tpu.memory_space<vmem>> -> memref<1x1x640xi32, #tpu.memory_space<vmem>>
    %dma_start3A_797 = tpu.memref_squeeze %dma_start3A_796 : memref<1x1x640xi32, #tpu.memory_space<vmem>> -> memref<640xi32, #tpu.memory_space<vmem>>
    %dma_start3A_798 = arith.constant 0 : i32
    %dma_start3A_799 = arith.constant 0 : i32
    %dma_start3A_800 = tpu.memref_slice %arg10[%dma_start3A_798, %dma_start3A_799] : memref<10240x64xf32, #tpu.memory_space<vmem_shared>> -> memref<10240x64xf32, #tpu.memory_space<vmem_shared>>
    tpu.enqueue_indirect_dma source(%dma_start3A_800 : memref<10240x64xf32, #tpu.memory_space<vmem_shared>>) target(%arg9 : memref<640x64xf32, #tpu.memory_space<vmem>>) offsets(%dma_start3A_797 : memref<640xi32, #tpu.memory_space<vmem>>) semaphore(%arg12 : memref<!tpu.dma_semaphore, #tpu.memory_space<semaphore_mem>>)
    %dma_wait3A_801 = arith.constant 0 : i32
    %dma_wait3A_802 = arith.constant 3 : i32
    %dma_wait3A_803 = arith.constant 0 : i32
    %dma_wait3A_804 = tpu.memref_slice %arg7[%dma_wait3A_801, %dma_wait3A_802, %dma_wait3A_803] : memref<2x4x640xi32, #tpu.memory_space<vmem>> -> memref<1x1x640xi32, #tpu.memory_space<vmem>>
    %dma_wait3A_805 = tpu.memref_squeeze %dma_wait3A_804 : memref<1x1x640xi32, #tpu.memory_space<vmem>> -> memref<640xi32, #tpu.memory_space<vmem>>
    %dma_wait3A_806 = arith.constant 0 : i32
    %dma_wait3A_807 = arith.constant 0 : i32
    %dma_wait3A_808 = tpu.memref_slice %arg10[%dma_wait3A_806, %dma_wait3A_807] : memref<10240x64xf32, #tpu.memory_space<vmem_shared>> -> memref<10240x64xf32, #tpu.memory_space<vmem_shared>>
    tpu.wait_indirect_dma semaphore(%arg12 : memref<!tpu.dma_semaphore, #tpu.memory_space<semaphore_mem>>) src(%dma_wait3A_808 : memref<10240x64xf32, #tpu.memory_space<vmem_shared>>) dst(%arg9 : memref<640x64xf32, #tpu.memory_space<vmem>>)
    %run_scoped3A_809 = arith.constant 3 : i32
    "tpu.region"() ({
      %run_scoped3A_912 = tpu.sem_alloc : memref<!tpu.dma_semaphore, #tpu.memory_space<semaphore_mem>>
      %dma_start3A_913 = arith.constant 0 : i32
      %dma_start3A_914 = tpu.memref_slice %arg8[%run_scoped3A_809, %dma_start3A_913] : memref<4x640xi32, #tpu.memory_space<vmem>> -> memref<1x640xi32, #tpu.memory_space<vmem>>
      %dma_start3A_915 = tpu.memref_squeeze %dma_start3A_914 : memref<1x640xi32, #tpu.memory_space<vmem>> -> memref<640xi32, #tpu.memory_space<vmem>>
      %dma_start3A_916 = arith.constant 0 : i32
      %dma_start3A_917 = arith.constant 0 : i32
      %dma_start3A_918 = tpu.memref_slice %arg11[%dma_start3A_916, %dma_start3A_917] : memref<10240x64xf32, #tpu.memory_space<vmem_shared>> -> memref<10240x64xf32, #tpu.memory_space<vmem_shared>>
      tpu.enqueue_indirect_dma source(%arg9 : memref<640x64xf32, #tpu.memory_space<vmem>>) target(%dma_start3A_918 : memref<10240x64xf32, #tpu.memory_space<vmem_shared>>) offsets(%dma_start3A_915 : memref<640xi32, #tpu.memory_space<vmem>>) semaphore(%run_scoped3A_912 : memref<!tpu.dma_semaphore, #tpu.memory_space<semaphore_mem>>) {add = true}
      %dma_wait3A_919 = arith.constant 0 : i32
      %dma_wait3A_920 = tpu.memref_slice %arg8[%run_scoped3A_809, %dma_wait3A_919] : memref<4x640xi32, #tpu.memory_space<vmem>> -> memref<1x640xi32, #tpu.memory_space<vmem>>
      %dma_wait3A_921 = tpu.memref_squeeze %dma_wait3A_920 : memref<1x640xi32, #tpu.memory_space<vmem>> -> memref<640xi32, #tpu.memory_space<vmem>>
      %dma_wait3A_922 = arith.constant 0 : i32
      %dma_wait3A_923 = arith.constant 0 : i32
      %dma_wait3A_924 = tpu.memref_slice %arg11[%dma_wait3A_922, %dma_wait3A_923] : memref<10240x64xf32, #tpu.memory_space<vmem_shared>> -> memref<10240x64xf32, #tpu.memory_space<vmem_shared>>
      tpu.wait_indirect_dma semaphore(%run_scoped3A_912 : memref<!tpu.dma_semaphore, #tpu.memory_space<semaphore_mem>>) src(%arg9 : memref<640x64xf32, #tpu.memory_space<vmem>>) dst(%dma_wait3A_924 : memref<10240x64xf32, #tpu.memory_space<vmem_shared>>)
      tpu.yield
    }) : () -> ()
    %dma_wait3A_810 = arith.constant 1 : i32
    %dma_wait3A_811 = arith.constant 0 : i32
    %dma_wait3A_812 = arith.constant 0 : i32
    %dma_wait3A_813 = tpu.memref_slice %arg7[%dma_wait3A_810, %dma_wait3A_811, %dma_wait3A_812] : memref<2x4x640xi32, #tpu.memory_space<vmem>> -> memref<1x4x640xi32, #tpu.memory_space<vmem>>
    %dma_wait3A_814 = tpu.memref_squeeze %dma_wait3A_813 : memref<1x4x640xi32, #tpu.memory_space<vmem>> -> memref<4x640xi32, #tpu.memory_space<vmem>>
    %dma_wait3A_815 = arith.constant 28 : i32
    %dma_wait3A_816 = arith.constant 0 : i32
    %dma_wait3A_817 = tpu.memref_slice %arg3[%arg1, %dma_wait3A_815, %dma_wait3A_816] : memref<16x32x640xi32, #tpu.memory_space<hbm>> -> memref<1x4x640xi32, #tpu.memory_space<hbm>>
    %dma_wait3A_818 = tpu.memref_squeeze %dma_wait3A_817 : memref<1x4x640xi32, #tpu.memory_space<hbm>> -> memref<4x640xi32, #tpu.memory_space<hbm>>
    %dma_wait3A_819 = arith.constant 0 : i32
    %dma_wait3A_820 = arith.constant 0 : i32
    %dma_wait3A_821 = tpu.memref_slice %arg7[%dma_wait3A_810, %dma_wait3A_819, %dma_wait3A_820] : memref<2x4x640xi32, #tpu.memory_space<vmem>> -> memref<1x4x640xi32, #tpu.memory_space<vmem>>
    %dma_wait3A_822 = tpu.memref_squeeze %dma_wait3A_821 : memref<1x4x640xi32, #tpu.memory_space<vmem>> -> memref<4x640xi32, #tpu.memory_space<vmem>>
    %dma_wait3A_823 = arith.constant 28 : i32
    %dma_wait3A_824 = arith.constant 0 : i32
    %dma_wait3A_825 = tpu.memref_slice %arg3[%arg1, %dma_wait3A_823, %dma_wait3A_824] : memref<16x32x640xi32, #tpu.memory_space<hbm>> -> memref<1x4x640xi32, #tpu.memory_space<hbm>>
    %dma_wait3A_826 = tpu.memref_squeeze %dma_wait3A_825 : memref<1x4x640xi32, #tpu.memory_space<hbm>> -> memref<4x640xi32, #tpu.memory_space<hbm>>
    tpu.wait_dma2 semaphore(%arg13 : memref<!tpu.dma_semaphore, #tpu.memory_space<semaphore_mem>>) src(%dma_wait3A_826 : memref<4x640xi32, #tpu.memory_space<hbm>>) dst(%dma_wait3A_822 : memref<4x640xi32, #tpu.memory_space<vmem>>)
    %dma_start3A_827 = arith.constant 1 : i32
    %dma_start3A_828 = arith.constant 0 : i32
    %dma_start3A_829 = arith.constant 0 : i32
    %dma_start3A_830 = tpu.memref_slice %arg7[%dma_start3A_827, %dma_start3A_828, %dma_start3A_829] : memref<2x4x640xi32, #tpu.memory_space<vmem>> -> memref<1x1x640xi32, #tpu.memory_space<vmem>>
    %dma_start3A_831 = tpu.memref_squeeze %dma_start3A_830 : memref<1x1x640xi32, #tpu.memory_space<vmem>> -> memref<640xi32, #tpu.memory_space<vmem>>
    %dma_start3A_832 = arith.constant 0 : i32
    %dma_start3A_833 = arith.constant 0 : i32
    %dma_start3A_834 = tpu.memref_slice %arg10[%dma_start3A_832, %dma_start3A_833] : memref<10240x64xf32, #tpu.memory_space<vmem_shared>> -> memref<10240x64xf32, #tpu.memory_space<vmem_shared>>
    tpu.enqueue_indirect_dma source(%dma_start3A_834 : memref<10240x64xf32, #tpu.memory_space<vmem_shared>>) target(%arg9 : memref<640x64xf32, #tpu.memory_space<vmem>>) offsets(%dma_start3A_831 : memref<640xi32, #tpu.memory_space<vmem>>) semaphore(%arg12 : memref<!tpu.dma_semaphore, #tpu.memory_space<semaphore_mem>>)
    %dma_start3A_835 = arith.constant 28 : i32
    %dma_start3A_836 = arith.constant 0 : i32
    %dma_start3A_837 = tpu.memref_slice %arg4[%arg1, %dma_start3A_835, %dma_start3A_836] : memref<16x32x640xi32, #tpu.memory_space<hbm>> -> memref<1x4x640xi32, #tpu.memory_space<hbm>>
    %dma_start3A_838 = tpu.memref_squeeze %dma_start3A_837 : memref<1x4x640xi32, #tpu.memory_space<hbm>> -> memref<4x640xi32, #tpu.memory_space<hbm>>
    %dma_start3A_839 = arith.constant 28 : i32
    %dma_start3A_840 = arith.constant 0 : i32
    %dma_start3A_841 = tpu.memref_slice %arg4[%arg1, %dma_start3A_839, %dma_start3A_840] : memref<16x32x640xi32, #tpu.memory_space<hbm>> -> memref<1x4x640xi32, #tpu.memory_space<hbm>>
    %dma_start3A_842 = tpu.memref_squeeze %dma_start3A_841 : memref<1x4x640xi32, #tpu.memory_space<hbm>> -> memref<4x640xi32, #tpu.memory_space<hbm>>
    tpu.enqueue_dma source(%dma_start3A_842 : memref<4x640xi32, #tpu.memory_space<hbm>>) target(%arg8 : memref<4x640xi32, #tpu.memory_space<vmem>>) target_semaphore(%arg14 : memref<!tpu.dma_semaphore, #tpu.memory_space<semaphore_mem>>)
    %dma_wait3A_843 = arith.constant 1 : i32
    %dma_wait3A_844 = arith.constant 0 : i32
    %dma_wait3A_845 = arith.constant 0 : i32
    %dma_wait3A_846 = tpu.memref_slice %arg7[%dma_wait3A_843, %dma_wait3A_844, %dma_wait3A_845] : memref<2x4x640xi32, #tpu.memory_space<vmem>> -> memref<1x1x640xi32, #tpu.memory_space<vmem>>
    %dma_wait3A_847 = tpu.memref_squeeze %dma_wait3A_846 : memref<1x1x640xi32, #tpu.memory_space<vmem>> -> memref<640xi32, #tpu.memory_space<vmem>>
    %dma_wait3A_848 = arith.constant 0 : i32
    %dma_wait3A_849 = arith.constant 0 : i32
    %dma_wait3A_850 = tpu.memref_slice %arg10[%dma_wait3A_848, %dma_wait3A_849] : memref<10240x64xf32, #tpu.memory_space<vmem_shared>> -> memref<10240x64xf32, #tpu.memory_space<vmem_shared>>
    tpu.wait_indirect_dma semaphore(%arg12 : memref<!tpu.dma_semaphore, #tpu.memory_space<semaphore_mem>>) src(%dma_wait3A_850 : memref<10240x64xf32, #tpu.memory_space<vmem_shared>>) dst(%arg9 : memref<640x64xf32, #tpu.memory_space<vmem>>)
    %dma_wait3A_851 = arith.constant 28 : i32
    %dma_wait3A_852 = arith.constant 0 : i32
    %dma_wait3A_853 = tpu.memref_slice %arg4[%arg1, %dma_wait3A_851, %dma_wait3A_852] : memref<16x32x640xi32, #tpu.memory_space<hbm>> -> memref<1x4x640xi32, #tpu.memory_space<hbm>>
    %dma_wait3A_854 = tpu.memref_squeeze %dma_wait3A_853 : memref<1x4x640xi32, #tpu.memory_space<hbm>> -> memref<4x640xi32, #tpu.memory_space<hbm>>
    %dma_wait3A_855 = arith.constant 28 : i32
    %dma_wait3A_856 = arith.constant 0 : i32
    %dma_wait3A_857 = tpu.memref_slice %arg4[%arg1, %dma_wait3A_855, %dma_wait3A_856] : memref<16x32x640xi32, #tpu.memory_space<hbm>> -> memref<1x4x640xi32, #tpu.memory_space<hbm>>
    %dma_wait3A_858 = tpu.memref_squeeze %dma_wait3A_857 : memref<1x4x640xi32, #tpu.memory_space<hbm>> -> memref<4x640xi32, #tpu.memory_space<hbm>>
    tpu.wait_dma2 semaphore(%arg14 : memref<!tpu.dma_semaphore, #tpu.memory_space<semaphore_mem>>) src(%dma_wait3A_858 : memref<4x640xi32, #tpu.memory_space<hbm>>) dst(%arg8 : memref<4x640xi32, #tpu.memory_space<vmem>>)
    %run_scoped3A_859 = arith.constant 0 : i32
    "tpu.region"() ({
      %run_scoped3A_912 = tpu.sem_alloc : memref<!tpu.dma_semaphore, #tpu.memory_space<semaphore_mem>>
      %dma_start3A_913 = arith.constant 0 : i32
      %dma_start3A_914 = tpu.memref_slice %arg8[%run_scoped3A_859, %dma_start3A_913] : memref<4x640xi32, #tpu.memory_space<vmem>> -> memref<1x640xi32, #tpu.memory_space<vmem>>
      %dma_start3A_915 = tpu.memref_squeeze %dma_start3A_914 : memref<1x640xi32, #tpu.memory_space<vmem>> -> memref<640xi32, #tpu.memory_space<vmem>>
      %dma_start3A_916 = arith.constant 0 : i32
      %dma_start3A_917 = arith.constant 0 : i32
      %dma_start3A_918 = tpu.memref_slice %arg11[%dma_start3A_916, %dma_start3A_917] : memref<10240x64xf32, #tpu.memory_space<vmem_shared>> -> memref<10240x64xf32, #tpu.memory_space<vmem_shared>>
      tpu.enqueue_indirect_dma source(%arg9 : memref<640x64xf32, #tpu.memory_space<vmem>>) target(%dma_start3A_918 : memref<10240x64xf32, #tpu.memory_space<vmem_shared>>) offsets(%dma_start3A_915 : memref<640xi32, #tpu.memory_space<vmem>>) semaphore(%run_scoped3A_912 : memref<!tpu.dma_semaphore, #tpu.memory_space<semaphore_mem>>) {add = true}
      %dma_wait3A_919 = arith.constant 0 : i32
      %dma_wait3A_920 = tpu.memref_slice %arg8[%run_scoped3A_859, %dma_wait3A_919] : memref<4x640xi32, #tpu.memory_space<vmem>> -> memref<1x640xi32, #tpu.memory_space<vmem>>
      %dma_wait3A_921 = tpu.memref_squeeze %dma_wait3A_920 : memref<1x640xi32, #tpu.memory_space<vmem>> -> memref<640xi32, #tpu.memory_space<vmem>>
      %dma_wait3A_922 = arith.constant 0 : i32
      %dma_wait3A_923 = arith.constant 0 : i32
      %dma_wait3A_924 = tpu.memref_slice %arg11[%dma_wait3A_922, %dma_wait3A_923] : memref<10240x64xf32, #tpu.memory_space<vmem_shared>> -> memref<10240x64xf32, #tpu.memory_space<vmem_shared>>
      tpu.wait_indirect_dma semaphore(%run_scoped3A_912 : memref<!tpu.dma_semaphore, #tpu.memory_space<semaphore_mem>>) src(%arg9 : memref<640x64xf32, #tpu.memory_space<vmem>>) dst(%dma_wait3A_924 : memref<10240x64xf32, #tpu.memory_space<vmem_shared>>)
      tpu.yield
    }) : () -> ()
    %dma_start3A_860 = arith.constant 1 : i32
    %dma_start3A_861 = arith.constant 1 : i32
    %dma_start3A_862 = arith.constant 0 : i32
    %dma_start3A_863 = tpu.memref_slice %arg7[%dma_start3A_860, %dma_start3A_861, %dma_start3A_862] : memref<2x4x640xi32, #tpu.memory_space<vmem>> -> memref<1x1x640xi32, #tpu.memory_space<vmem>>
    %dma_start3A_864 = tpu.memref_squeeze %dma_start3A_863 : memref<1x1x640xi32, #tpu.memory_space<vmem>> -> memref<640xi32, #tpu.memory_space<vmem>>
    %dma_start3A_865 = arith.constant 0 : i32
    %dma_start3A_866 = arith.constant 0 : i32
    %dma_start3A_867 = tpu.memref_slice %arg10[%dma_start3A_865, %dma_start3A_866] : memref<10240x64xf32, #tpu.memory_space<vmem_shared>> -> memref<10240x64xf32, #tpu.memory_space<vmem_shared>>
    tpu.enqueue_indirect_dma source(%dma_start3A_867 : memref<10240x64xf32, #tpu.memory_space<vmem_shared>>) target(%arg9 : memref<640x64xf32, #tpu.memory_space<vmem>>) offsets(%dma_start3A_864 : memref<640xi32, #tpu.memory_space<vmem>>) semaphore(%arg12 : memref<!tpu.dma_semaphore, #tpu.memory_space<semaphore_mem>>)
    %dma_wait3A_868 = arith.constant 1 : i32
    %dma_wait3A_869 = arith.constant 1 : i32
    %dma_wait3A_870 = arith.constant 0 : i32
    %dma_wait3A_871 = tpu.memref_slice %arg7[%dma_wait3A_868, %dma_wait3A_869, %dma_wait3A_870] : memref<2x4x640xi32, #tpu.memory_space<vmem>> -> memref<1x1x640xi32, #tpu.memory_space<vmem>>
    %dma_wait3A_872 = tpu.memref_squeeze %dma_wait3A_871 : memref<1x1x640xi32, #tpu.memory_space<vmem>> -> memref<640xi32, #tpu.memory_space<vmem>>
    %dma_wait3A_873 = arith.constant 0 : i32
    %dma_wait3A_874 = arith.constant 0 : i32
    %dma_wait3A_875 = tpu.memref_slice %arg10[%dma_wait3A_873, %dma_wait3A_874] : memref<10240x64xf32, #tpu.memory_space<vmem_shared>> -> memref<10240x64xf32, #tpu.memory_space<vmem_shared>>
    tpu.wait_indirect_dma semaphore(%arg12 : memref<!tpu.dma_semaphore, #tpu.memory_space<semaphore_mem>>) src(%dma_wait3A_875 : memref<10240x64xf32, #tpu.memory_space<vmem_shared>>) dst(%arg9 : memref<640x64xf32, #tpu.memory_space<vmem>>)
    %run_scoped3A_876 = arith.constant 1 : i32
    "tpu.region"() ({
      %run_scoped3A_912 = tpu.sem_alloc : memref<!tpu.dma_semaphore, #tpu.memory_space<semaphore_mem>>
      %dma_start3A_913 = arith.constant 0 : i32
      %dma_start3A_914 = tpu.memref_slice %arg8[%run_scoped3A_876, %dma_start3A_913] : memref<4x640xi32, #tpu.memory_space<vmem>> -> memref<1x640xi32, #tpu.memory_space<vmem>>
      %dma_start3A_915 = tpu.memref_squeeze %dma_start3A_914 : memref<1x640xi32, #tpu.memory_space<vmem>> -> memref<640xi32, #tpu.memory_space<vmem>>
      %dma_start3A_916 = arith.constant 0 : i32
      %dma_start3A_917 = arith.constant 0 : i32
      %dma_start3A_918 = tpu.memref_slice %arg11[%dma_start3A_916, %dma_start3A_917] : memref<10240x64xf32, #tpu.memory_space<vmem_shared>> -> memref<10240x64xf32, #tpu.memory_space<vmem_shared>>
      tpu.enqueue_indirect_dma source(%arg9 : memref<640x64xf32, #tpu.memory_space<vmem>>) target(%dma_start3A_918 : memref<10240x64xf32, #tpu.memory_space<vmem_shared>>) offsets(%dma_start3A_915 : memref<640xi32, #tpu.memory_space<vmem>>) semaphore(%run_scoped3A_912 : memref<!tpu.dma_semaphore, #tpu.memory_space<semaphore_mem>>) {add = true}
      %dma_wait3A_919 = arith.constant 0 : i32
      %dma_wait3A_920 = tpu.memref_slice %arg8[%run_scoped3A_876, %dma_wait3A_919] : memref<4x640xi32, #tpu.memory_space<vmem>> -> memref<1x640xi32, #tpu.memory_space<vmem>>
      %dma_wait3A_921 = tpu.memref_squeeze %dma_wait3A_920 : memref<1x640xi32, #tpu.memory_space<vmem>> -> memref<640xi32, #tpu.memory_space<vmem>>
      %dma_wait3A_922 = arith.constant 0 : i32
      %dma_wait3A_923 = arith.constant 0 : i32
      %dma_wait3A_924 = tpu.memref_slice %arg11[%dma_wait3A_922, %dma_wait3A_923] : memref<10240x64xf32, #tpu.memory_space<vmem_shared>> -> memref<10240x64xf32, #tpu.memory_space<vmem_shared>>
      tpu.wait_indirect_dma semaphore(%run_scoped3A_912 : memref<!tpu.dma_semaphore, #tpu.memory_space<semaphore_mem>>) src(%arg9 : memref<640x64xf32, #tpu.memory_space<vmem>>) dst(%dma_wait3A_924 : memref<10240x64xf32, #tpu.memory_space<vmem_shared>>)
      tpu.yield
    }) : () -> ()
    %dma_start3A_877 = arith.constant 1 : i32
    %dma_start3A_878 = arith.constant 2 : i32
    %dma_start3A_879 = arith.constant 0 : i32
    %dma_start3A_880 = tpu.memref_slice %arg7[%dma_start3A_877, %dma_start3A_878, %dma_start3A_879] : memref<2x4x640xi32, #tpu.memory_space<vmem>> -> memref<1x1x640xi32, #tpu.memory_space<vmem>>
    %dma_start3A_881 = tpu.memref_squeeze %dma_start3A_880 : memref<1x1x640xi32, #tpu.memory_space<vmem>> -> memref<640xi32, #tpu.memory_space<vmem>>
    %dma_start3A_882 = arith.constant 0 : i32
    %dma_start3A_883 = arith.constant 0 : i32
    %dma_start3A_884 = tpu.memref_slice %arg10[%dma_start3A_882, %dma_start3A_883] : memref<10240x64xf32, #tpu.memory_space<vmem_shared>> -> memref<10240x64xf32, #tpu.memory_space<vmem_shared>>
    tpu.enqueue_indirect_dma source(%dma_start3A_884 : memref<10240x64xf32, #tpu.memory_space<vmem_shared>>) target(%arg9 : memref<640x64xf32, #tpu.memory_space<vmem>>) offsets(%dma_start3A_881 : memref<640xi32, #tpu.memory_space<vmem>>) semaphore(%arg12 : memref<!tpu.dma_semaphore, #tpu.memory_space<semaphore_mem>>)
    %dma_wait3A_885 = arith.constant 1 : i32
    %dma_wait3A_886 = arith.constant 2 : i32
    %dma_wait3A_887 = arith.constant 0 : i32
    %dma_wait3A_888 = tpu.memref_slice %arg7[%dma_wait3A_885, %dma_wait3A_886, %dma_wait3A_887] : memref<2x4x640xi32, #tpu.memory_space<vmem>> -> memref<1x1x640xi32, #tpu.memory_space<vmem>>
    %dma_wait3A_889 = tpu.memref_squeeze %dma_wait3A_888 : memref<1x1x640xi32, #tpu.memory_space<vmem>> -> memref<640xi32, #tpu.memory_space<vmem>>
    %dma_wait3A_890 = arith.constant 0 : i32
    %dma_wait3A_891 = arith.constant 0 : i32
    %dma_wait3A_892 = tpu.memref_slice %arg10[%dma_wait3A_890, %dma_wait3A_891] : memref<10240x64xf32, #tpu.memory_space<vmem_shared>> -> memref<10240x64xf32, #tpu.memory_space<vmem_shared>>
    tpu.wait_indirect_dma semaphore(%arg12 : memref<!tpu.dma_semaphore, #tpu.memory_space<semaphore_mem>>) src(%dma_wait3A_892 : memref<10240x64xf32, #tpu.memory_space<vmem_shared>>) dst(%arg9 : memref<640x64xf32, #tpu.memory_space<vmem>>)
    %run_scoped3A_893 = arith.constant 2 : i32
    "tpu.region"() ({
      %run_scoped3A_912 = tpu.sem_alloc : memref<!tpu.dma_semaphore, #tpu.memory_space<semaphore_mem>>
      %dma_start3A_913 = arith.constant 0 : i32
      %dma_start3A_914 = tpu.memref_slice %arg8[%run_scoped3A_893, %dma_start3A_913] : memref<4x640xi32, #tpu.memory_space<vmem>> -> memref<1x640xi32, #tpu.memory_space<vmem>>
      %dma_start3A_915 = tpu.memref_squeeze %dma_start3A_914 : memref<1x640xi32, #tpu.memory_space<vmem>> -> memref<640xi32, #tpu.memory_space<vmem>>
      %dma_start3A_916 = arith.constant 0 : i32
      %dma_start3A_917 = arith.constant 0 : i32
      %dma_start3A_918 = tpu.memref_slice %arg11[%dma_start3A_916, %dma_start3A_917] : memref<10240x64xf32, #tpu.memory_space<vmem_shared>> -> memref<10240x64xf32, #tpu.memory_space<vmem_shared>>
      tpu.enqueue_indirect_dma source(%arg9 : memref<640x64xf32, #tpu.memory_space<vmem>>) target(%dma_start3A_918 : memref<10240x64xf32, #tpu.memory_space<vmem_shared>>) offsets(%dma_start3A_915 : memref<640xi32, #tpu.memory_space<vmem>>) semaphore(%run_scoped3A_912 : memref<!tpu.dma_semaphore, #tpu.memory_space<semaphore_mem>>) {add = true}
      %dma_wait3A_919 = arith.constant 0 : i32
      %dma_wait3A_920 = tpu.memref_slice %arg8[%run_scoped3A_893, %dma_wait3A_919] : memref<4x640xi32, #tpu.memory_space<vmem>> -> memref<1x640xi32, #tpu.memory_space<vmem>>
      %dma_wait3A_921 = tpu.memref_squeeze %dma_wait3A_920 : memref<1x640xi32, #tpu.memory_space<vmem>> -> memref<640xi32, #tpu.memory_space<vmem>>
      %dma_wait3A_922 = arith.constant 0 : i32
      %dma_wait3A_923 = arith.constant 0 : i32
      %dma_wait3A_924 = tpu.memref_slice %arg11[%dma_wait3A_922, %dma_wait3A_923] : memref<10240x64xf32, #tpu.memory_space<vmem_shared>> -> memref<10240x64xf32, #tpu.memory_space<vmem_shared>>
      tpu.wait_indirect_dma semaphore(%run_scoped3A_912 : memref<!tpu.dma_semaphore, #tpu.memory_space<semaphore_mem>>) src(%arg9 : memref<640x64xf32, #tpu.memory_space<vmem>>) dst(%dma_wait3A_924 : memref<10240x64xf32, #tpu.memory_space<vmem_shared>>)
      tpu.yield
    }) : () -> ()
    %dma_start3A_894 = arith.constant 1 : i32
    %dma_start3A_895 = arith.constant 3 : i32
    %dma_start3A_896 = arith.constant 0 : i32
    %dma_start3A_897 = tpu.memref_slice %arg7[%dma_start3A_894, %dma_start3A_895, %dma_start3A_896] : memref<2x4x640xi32, #tpu.memory_space<vmem>> -> memref<1x1x640xi32, #tpu.memory_space<vmem>>
    %dma_start3A_898 = tpu.memref_squeeze %dma_start3A_897 : memref<1x1x640xi32, #tpu.memory_space<vmem>> -> memref<640xi32, #tpu.memory_space<vmem>>
    %dma_start3A_899 = arith.constant 0 : i32
    %dma_start3A_900 = arith.constant 0 : i32
    %dma_start3A_901 = tpu.memref_slice %arg10[%dma_start3A_899, %dma_start3A_900] : memref<10240x64xf32, #tpu.memory_space<vmem_shared>> -> memref<10240x64xf32, #tpu.memory_space<vmem_shared>>
    tpu.enqueue_indirect_dma source(%dma_start3A_901 : memref<10240x64xf32, #tpu.memory_space<vmem_shared>>) target(%arg9 : memref<640x64xf32, #tpu.memory_space<vmem>>) offsets(%dma_start3A_898 : memref<640xi32, #tpu.memory_space<vmem>>) semaphore(%arg12 : memref<!tpu.dma_semaphore, #tpu.memory_space<semaphore_mem>>)
    %dma_wait3A_902 = arith.constant 1 : i32
    %dma_wait3A_903 = arith.constant 3 : i32
    %dma_wait3A_904 = arith.constant 0 : i32
    %dma_wait3A_905 = tpu.memref_slice %arg7[%dma_wait3A_902, %dma_wait3A_903, %dma_wait3A_904] : memref<2x4x640xi32, #tpu.memory_space<vmem>> -> memref<1x1x640xi32, #tpu.memory_space<vmem>>
    %dma_wait3A_906 = tpu.memref_squeeze %dma_wait3A_905 : memref<1x1x640xi32, #tpu.memory_space<vmem>> -> memref<640xi32, #tpu.memory_space<vmem>>
    %dma_wait3A_907 = arith.constant 0 : i32
    %dma_wait3A_908 = arith.constant 0 : i32
    %dma_wait3A_909 = tpu.memref_slice %arg10[%dma_wait3A_907, %dma_wait3A_908] : memref<10240x64xf32, #tpu.memory_space<vmem_shared>> -> memref<10240x64xf32, #tpu.memory_space<vmem_shared>>
    tpu.wait_indirect_dma semaphore(%arg12 : memref<!tpu.dma_semaphore, #tpu.memory_space<semaphore_mem>>) src(%dma_wait3A_909 : memref<10240x64xf32, #tpu.memory_space<vmem_shared>>) dst(%arg9 : memref<640x64xf32, #tpu.memory_space<vmem>>)
    %run_scoped3A_910 = arith.constant 3 : i32
    "tpu.region"() ({
      %run_scoped3A_912 = tpu.sem_alloc : memref<!tpu.dma_semaphore, #tpu.memory_space<semaphore_mem>>
      %dma_start3A_913 = arith.constant 0 : i32
      %dma_start3A_914 = tpu.memref_slice %arg8[%run_scoped3A_910, %dma_start3A_913] : memref<4x640xi32, #tpu.memory_space<vmem>> -> memref<1x640xi32, #tpu.memory_space<vmem>>
      %dma_start3A_915 = tpu.memref_squeeze %dma_start3A_914 : memref<1x640xi32, #tpu.memory_space<vmem>> -> memref<640xi32, #tpu.memory_space<vmem>>
      %dma_start3A_916 = arith.constant 0 : i32
      %dma_start3A_917 = arith.constant 0 : i32
      %dma_start3A_918 = tpu.memref_slice %arg11[%dma_start3A_916, %dma_start3A_917] : memref<10240x64xf32, #tpu.memory_space<vmem_shared>> -> memref<10240x64xf32, #tpu.memory_space<vmem_shared>>
      tpu.enqueue_indirect_dma source(%arg9 : memref<640x64xf32, #tpu.memory_space<vmem>>) target(%dma_start3A_918 : memref<10240x64xf32, #tpu.memory_space<vmem_shared>>) offsets(%dma_start3A_915 : memref<640xi32, #tpu.memory_space<vmem>>) semaphore(%run_scoped3A_912 : memref<!tpu.dma_semaphore, #tpu.memory_space<semaphore_mem>>) {add = true}
      %dma_wait3A_919 = arith.constant 0 : i32
      %dma_wait3A_920 = tpu.memref_slice %arg8[%run_scoped3A_910, %dma_wait3A_919] : memref<4x640xi32, #tpu.memory_space<vmem>> -> memref<1x640xi32, #tpu.memory_space<vmem>>
      %dma_wait3A_921 = tpu.memref_squeeze %dma_wait3A_920 : memref<1x640xi32, #tpu.memory_space<vmem>> -> memref<640xi32, #tpu.memory_space<vmem>>
      %dma_wait3A_922 = arith.constant 0 : i32
      %dma_wait3A_923 = arith.constant 0 : i32
      %dma_wait3A_924 = tpu.memref_slice %arg11[%dma_wait3A_922, %dma_wait3A_923] : memref<10240x64xf32, #tpu.memory_space<vmem_shared>> -> memref<10240x64xf32, #tpu.memory_space<vmem_shared>>
      tpu.wait_indirect_dma semaphore(%run_scoped3A_912 : memref<!tpu.dma_semaphore, #tpu.memory_space<semaphore_mem>>) src(%arg9 : memref<640x64xf32, #tpu.memory_space<vmem>>) dst(%dma_wait3A_924 : memref<10240x64xf32, #tpu.memory_space<vmem_shared>>)
      tpu.yield
    }) : () -> ()
    %barrier3A_911 = arith.constant 0 : index
    tpu.barrier barrier_id(%barrier3A_911)
    "tpu.region"() ({
      %run_scoped3A_912 = tpu.sem_alloc : memref<!tpu.dma_semaphore, #tpu.memory_space<semaphore_mem>>
      %dma_start3A_913 = arith.constant 0 : i32
      %dma_start3A_914 = tpu.memref_slice %arg6[%arg0, %mul3A_0, %dma_start3A_913] : memref<2x10240x64xf32, #tpu.memory_space<hbm>> -> memref<1x640x64xf32, #tpu.memory_space<hbm>>
      %dma_start3A_915 = tpu.memref_squeeze %dma_start3A_914 : memref<1x640x64xf32, #tpu.memory_space<hbm>> -> memref<640x64xf32, #tpu.memory_space<hbm>>
      %dma_start3A_916 = arith.constant 0 : i32
      %dma_start3A_917 = tpu.memref_slice %arg11[%mul3A_0, %dma_start3A_916] : memref<10240x64xf32, #tpu.memory_space<vmem_shared>> -> memref<640x64xf32, #tpu.memory_space<vmem_shared>>
      tpu.enqueue_dma source(%dma_start3A_917 : memref<640x64xf32, #tpu.memory_space<vmem_shared>>) target(%dma_start3A_915 : memref<640x64xf32, #tpu.memory_space<hbm>>) target_semaphore(%run_scoped3A_912 : memref<!tpu.dma_semaphore, #tpu.memory_space<semaphore_mem>>)
      %dma_wait3A_918 = arith.constant 0 : i32
      %dma_wait3A_919 = tpu.memref_slice %arg6[%arg0, %mul3A_0, %dma_wait3A_918] : memref<2x10240x64xf32, #tpu.memory_space<hbm>> -> memref<1x640x64xf32, #tpu.memory_space<hbm>>
      %dma_wait3A_920 = tpu.memref_squeeze %dma_wait3A_919 : memref<1x640x64xf32, #tpu.memory_space<hbm>> -> memref<640x64xf32, #tpu.memory_space<hbm>>
      %dma_wait3A_921 = arith.constant 0 : i32
      %dma_wait3A_922 = tpu.memref_slice %arg11[%mul3A_0, %dma_wait3A_921] : memref<10240x64xf32, #tpu.memory_space<vmem_shared>> -> memref<640x64xf32, #tpu.memory_space<vmem_shared>>
      tpu.wait_dma2 semaphore(%run_scoped3A_912 : memref<!tpu.dma_semaphore, #tpu.memory_space<semaphore_mem>>) src(%dma_wait3A_922 : memref<640x64xf32, #tpu.memory_space<vmem_shared>>) dst(%dma_wait3A_920 : memref<640x64xf32, #tpu.memory_space<hbm>>)
      tpu.yield
    }) : () -> ()
    return
  }
}

module attributes {stable_mosaic.version = 14 : i64} {
  func.func @body(%arg0: i32, %arg1: memref<1280x128xf32, #tpu.memory_space<vmem>>, %arg2: memref<2x1280x64xf32, #tpu.memory_space<vmem>>, %arg3: memref<128x128xf32, #tpu.memory_space<vmem>>, %arg4: memref<1x128xf32, #tpu.memory_space<vmem>>, %arg5: memref<128x128xf32, #tpu.memory_space<vmem>>, %arg6: memref<1x128xf32, #tpu.memory_space<vmem>>, %arg7: memref<1280x128xf32, #tpu.memory_space<vmem>>) attributes {dimension_semantics = [#tpu.dimension_semantics<arbitrary>], iteration_bounds = array<i64: 8>, scalar_prefetch = 0 : i64, scratch_operands = 0 : i64, tpu.core_type = #tpu.core_type<tc>, window_params = [{transform_indices = @transform_0, window_bounds = array<i64: 1280, 128>}, {transform_indices = @transform_1, window_bounds = array<i64: 2, 1280, 64>}, {pipeline_mode = #tpu.pipeline_mode<synchronous>, transform_indices = @transform_2, window_bounds = array<i64: 128, 128>}, {pipeline_mode = #tpu.pipeline_mode<synchronous>, transform_indices = @transform_3, window_bounds = array<i64: 1, 128>}, {pipeline_mode = #tpu.pipeline_mode<synchronous>, transform_indices = @transform_4, window_bounds = array<i64: 128, 128>}, {pipeline_mode = #tpu.pipeline_mode<synchronous>, transform_indices = @transform_5, window_bounds = array<i64: 1, 128>}, {transform_indices = @transform_6, window_bounds = array<i64: 1280, 128>}]} {
    %get3A = arith.constant 0 : index
    %get3A_0 = arith.constant 0 : index
    %get3A_1 = vector.load %arg1[%get3A, %get3A_0] : memref<1280x128xf32, #tpu.memory_space<vmem>>, vector<1280x128xf32>
    %get3A_2 = arith.constant 0 : index
    %get3A_3 = arith.constant 0 : index
    %get3A_4 = arith.constant 0 : index
    %get3A_5 = vector.load %arg2[%get3A_2, %get3A_3, %get3A_4] : memref<2x1280x64xf32, #tpu.memory_space<vmem>>, vector<1x1280x64xf32>
    %get3A_6 = vector.shape_cast %get3A_5 : vector<1x1280x64xf32> to vector<1280x64xf32>
    %get3A_7 = arith.constant 1 : index
    %get3A_8 = arith.constant 0 : index
    %get3A_9 = arith.constant 0 : index
    %get3A_10 = vector.load %arg2[%get3A_7, %get3A_8, %get3A_9] : memref<2x1280x64xf32, #tpu.memory_space<vmem>>, vector<1x1280x64xf32>
    %get3A_11 = vector.shape_cast %get3A_10 : vector<1x1280x64xf32> to vector<1280x64xf32>
    %concatenate3A = tpu.concatenate %get3A_6, %get3A_11 in 1 : vector<1280x64xf32>, vector<1280x64xf32> -> vector<1280x128xf32>
    %add3A = arith.addf %get3A_1, %concatenate3A : vector<1280x128xf32>
    %get3A_12 = arith.constant 0 : index
    %get3A_13 = arith.constant 0 : index
    %get3A_14 = vector.load %arg3[%get3A_12, %get3A_13] : memref<128x128xf32, #tpu.memory_space<vmem>>, vector<128x128xf32>
    %dot_general3A = arith.constant dense<0.000000e+00> : vector<1280x128xf32>
    %dot_general3A_15 = tpu.matmul %add3A, %get3A_14, %dot_general3A {dimension_numbers = #tpu.dot_dimension_numbers<[1], [0], [0], [1], [0, 0, 1, 1], [], []>, transpose_lhs_hint = false} : vector<1280x128xf32>, vector<128x128xf32>, vector<1280x128xf32> -> vector<1280x128xf32>
    %get3A_16 = arith.constant 0 : index
    %get3A_17 = arith.constant 0 : index
    %get3A_18 = vector.load %arg4[%get3A_16, %get3A_17] : memref<1x128xf32, #tpu.memory_space<vmem>>, vector<1x128xf32>
    %add3A_19 = vector.broadcast %get3A_18 : vector<1x128xf32> to vector<1280x128xf32>
    %add3A_20 = arith.addf %dot_general3A_15, %add3A_19 : vector<1280x128xf32>
    %max3A = arith.constant 0.000000e+00 : f32
    %max3A_21 = vector.broadcast %max3A : f32 to vector<1280x128xf32>
    %max3A_22 = arith.maximumf %add3A_20, %max3A_21 : vector<1280x128xf32>
    %get3A_23 = arith.constant 0 : index
    %get3A_24 = arith.constant 0 : index
    %get3A_25 = vector.load %arg5[%get3A_23, %get3A_24] : memref<128x128xf32, #tpu.memory_space<vmem>>, vector<128x128xf32>
    %dot_general3A_26 = arith.constant dense<0.000000e+00> : vector<1280x128xf32>
    %dot_general3A_27 = tpu.matmul %max3A_22, %get3A_25, %dot_general3A_26 {dimension_numbers = #tpu.dot_dimension_numbers<[1], [0], [0], [1], [0, 0, 1, 1], [], []>, transpose_lhs_hint = false} : vector<1280x128xf32>, vector<128x128xf32>, vector<1280x128xf32> -> vector<1280x128xf32>
    %get3A_28 = arith.constant 0 : index
    %get3A_29 = arith.constant 0 : index
    %get3A_30 = vector.load %arg6[%get3A_28, %get3A_29] : memref<1x128xf32, #tpu.memory_space<vmem>>, vector<1x128xf32>
    %add3A_31 = vector.broadcast %get3A_30 : vector<1x128xf32> to vector<1280x128xf32>
    %add3A_32 = arith.addf %dot_general3A_27, %add3A_31 : vector<1280x128xf32>
    %max3A_33 = arith.constant 0.000000e+00 : f32
    %max3A_34 = vector.broadcast %max3A_33 : f32 to vector<1280x128xf32>
    %max3A_35 = arith.maximumf %add3A_32, %max3A_34 : vector<1280x128xf32>
    %swap3A = arith.constant 0 : index
    %swap3A_36 = arith.constant 0 : index
    %swap3A_37 = vector.load %arg7[%swap3A, %swap3A_36] : memref<1280x128xf32, #tpu.memory_space<vmem>>, vector<1280x128xf32>
    tpu.vector_store %arg7[%swap3A, %swap3A_36], %max3A_35 {strides = array<i32>} : memref<1280x128xf32, #tpu.memory_space<vmem>>, vector<1280x128xf32>,
    return
  }
  func.func @transform_0(%arg0: i32) -> (i32, i32) {
    %c0_i32 = arith.constant 0 : i32
    %c0_i32_0 = arith.constant 0 : i32
    return %arg0, %c0_i32 : i32, i32
  }
  func.func @transform_1(%arg0: i32) -> (i32, i32, i32) {
    %c0_i32 = arith.constant 0 : i32
    %c0_i32_0 = arith.constant 0 : i32
    %c0_i32_1 = arith.constant 0 : i32
    return %c0_i32, %arg0, %c0_i32_0 : i32, i32, i32
  }
  func.func @transform_2(%arg0: i32) -> (i32, i32) {
    %c0_i32 = arith.constant 0 : i32
    %c0_i32_0 = arith.constant 0 : i32
    %c0_i32_1 = arith.constant 0 : i32
    return %c0_i32, %c0_i32_0 : i32, i32
  }
  func.func @transform_3(%arg0: i32) -> (i32, i32) {
    %c0_i32 = arith.constant 0 : i32
    %c0_i32_0 = arith.constant 0 : i32
    %c0_i32_1 = arith.constant 0 : i32
    return %c0_i32, %c0_i32_0 : i32, i32
  }
  func.func @transform_4(%arg0: i32) -> (i32, i32) {
    %c0_i32 = arith.constant 0 : i32
    %c0_i32_0 = arith.constant 0 : i32
    %c0_i32_1 = arith.constant 0 : i32
    return %c0_i32, %c0_i32_0 : i32, i32
  }
  func.func @transform_5(%arg0: i32) -> (i32, i32) {
    %c0_i32 = arith.constant 0 : i32
    %c0_i32_0 = arith.constant 0 : i32
    %c0_i32_1 = arith.constant 0 : i32
    return %c0_i32, %c0_i32_0 : i32, i32
  }
  func.func @transform_6(%arg0: i32) -> (i32, i32) {
    %c0_i32 = arith.constant 0 : i32
    %c0_i32_0 = arith.constant 0 : i32
    return %arg0, %c0_i32 : i32, i32
  }
}

module attributes {stable_mosaic.version = 14 : i64} {
  func.func @body(%arg0: i32, %arg1: memref<2000x128xf32, #tpu.memory_space<vmem>>, %arg2: memref<2x2000x64xf32, #tpu.memory_space<vmem>>, %arg3: memref<128x128xf32, #tpu.memory_space<vmem>>, %arg4: memref<1x128xf32, #tpu.memory_space<vmem>>, %arg5: memref<128x128xf32, #tpu.memory_space<vmem>>, %arg6: memref<1x128xf32, #tpu.memory_space<vmem>>, %arg7: memref<2000x128xf32, #tpu.memory_space<vmem>>) attributes {dimension_semantics = [#tpu.dimension_semantics<arbitrary>], iteration_bounds = array<i64: 5>, scalar_prefetch = 0 : i64, scratch_operands = 0 : i64, tpu.core_type = #tpu.core_type<tc>, window_params = [{transform_indices = @transform_0, window_bounds = array<i64: 2000, 128>}, {transform_indices = @transform_1, window_bounds = array<i64: 2, 2000, 64>}, {pipeline_mode = #tpu.pipeline_mode<synchronous>, transform_indices = @transform_2, window_bounds = array<i64: 128, 128>}, {pipeline_mode = #tpu.pipeline_mode<synchronous>, transform_indices = @transform_3, window_bounds = array<i64: 1, 128>}, {pipeline_mode = #tpu.pipeline_mode<synchronous>, transform_indices = @transform_4, window_bounds = array<i64: 128, 128>}, {pipeline_mode = #tpu.pipeline_mode<synchronous>, transform_indices = @transform_5, window_bounds = array<i64: 1, 128>}, {transform_indices = @transform_6, window_bounds = array<i64: 2000, 128>}]} {
    %get3A = arith.constant 0 : index
    %get3A_0 = arith.constant 0 : index
    %get3A_1 = vector.load %arg1[%get3A, %get3A_0] : memref<2000x128xf32, #tpu.memory_space<vmem>>, vector<2000x128xf32>
    %get3A_2 = arith.constant 0 : index
    %get3A_3 = arith.constant 0 : index
    %get3A_4 = arith.constant 0 : index
    %get3A_5 = vector.load %arg2[%get3A_2, %get3A_3, %get3A_4] : memref<2x2000x64xf32, #tpu.memory_space<vmem>>, vector<1x2000x64xf32>
    %get3A_6 = vector.shape_cast %get3A_5 : vector<1x2000x64xf32> to vector<2000x64xf32>
    %get3A_7 = arith.constant 1 : index
    %get3A_8 = arith.constant 0 : index
    %get3A_9 = arith.constant 0 : index
    %get3A_10 = vector.load %arg2[%get3A_7, %get3A_8, %get3A_9] : memref<2x2000x64xf32, #tpu.memory_space<vmem>>, vector<1x2000x64xf32>
    %get3A_11 = vector.shape_cast %get3A_10 : vector<1x2000x64xf32> to vector<2000x64xf32>
    %concatenate3A = tpu.concatenate %get3A_6, %get3A_11 in 1 : vector<2000x64xf32>, vector<2000x64xf32> -> vector<2000x128xf32>
    %add3A = arith.addf %get3A_1, %concatenate3A : vector<2000x128xf32>
    %get3A_12 = arith.constant 0 : index
    %get3A_13 = arith.constant 0 : index
    %get3A_14 = vector.load %arg3[%get3A_12, %get3A_13] : memref<128x128xf32, #tpu.memory_space<vmem>>, vector<128x128xf32>
    %dot_general3A = arith.constant dense<0.000000e+00> : vector<2000x128xf32>
    %dot_general3A_15 = tpu.matmul %add3A, %get3A_14, %dot_general3A {dimension_numbers = #tpu.dot_dimension_numbers<[1], [0], [0], [1], [0, 0, 1, 1], [], []>, transpose_lhs_hint = false} : vector<2000x128xf32>, vector<128x128xf32>, vector<2000x128xf32> -> vector<2000x128xf32>
    %get3A_16 = arith.constant 0 : index
    %get3A_17 = arith.constant 0 : index
    %get3A_18 = vector.load %arg4[%get3A_16, %get3A_17] : memref<1x128xf32, #tpu.memory_space<vmem>>, vector<1x128xf32>
    %add3A_19 = vector.broadcast %get3A_18 : vector<1x128xf32> to vector<2000x128xf32>
    %add3A_20 = arith.addf %dot_general3A_15, %add3A_19 : vector<2000x128xf32>
    %max3A = arith.constant 0.000000e+00 : f32
    %max3A_21 = vector.broadcast %max3A : f32 to vector<2000x128xf32>
    %max3A_22 = arith.maximumf %add3A_20, %max3A_21 : vector<2000x128xf32>
    %get3A_23 = arith.constant 0 : index
    %get3A_24 = arith.constant 0 : index
    %get3A_25 = vector.load %arg5[%get3A_23, %get3A_24] : memref<128x128xf32, #tpu.memory_space<vmem>>, vector<128x128xf32>
    %dot_general3A_26 = arith.constant dense<0.000000e+00> : vector<2000x128xf32>
    %dot_general3A_27 = tpu.matmul %max3A_22, %get3A_25, %dot_general3A_26 {dimension_numbers = #tpu.dot_dimension_numbers<[1], [0], [0], [1], [0, 0, 1, 1], [], []>, transpose_lhs_hint = false} : vector<2000x128xf32>, vector<128x128xf32>, vector<2000x128xf32> -> vector<2000x128xf32>
    %get3A_28 = arith.constant 0 : index
    %get3A_29 = arith.constant 0 : index
    %get3A_30 = vector.load %arg6[%get3A_28, %get3A_29] : memref<1x128xf32, #tpu.memory_space<vmem>>, vector<1x128xf32>
    %add3A_31 = vector.broadcast %get3A_30 : vector<1x128xf32> to vector<2000x128xf32>
    %add3A_32 = arith.addf %dot_general3A_27, %add3A_31 : vector<2000x128xf32>
    %swap3A = arith.constant 0 : index
    %swap3A_33 = arith.constant 0 : index
    %swap3A_34 = vector.load %arg7[%swap3A, %swap3A_33] : memref<2000x128xf32, #tpu.memory_space<vmem>>, vector<2000x128xf32>
    tpu.vector_store %arg7[%swap3A, %swap3A_33], %add3A_32 {strides = array<i32>} : memref<2000x128xf32, #tpu.memory_space<vmem>>, vector<2000x128xf32>,
    return
  }
  func.func @transform_0(%arg0: i32) -> (i32, i32) {
    %c0_i32 = arith.constant 0 : i32
    %c0_i32_0 = arith.constant 0 : i32
    return %arg0, %c0_i32 : i32, i32
  }
  func.func @transform_1(%arg0: i32) -> (i32, i32, i32) {
    %c0_i32 = arith.constant 0 : i32
    %c0_i32_0 = arith.constant 0 : i32
    %c0_i32_1 = arith.constant 0 : i32
    return %c0_i32, %arg0, %c0_i32_0 : i32, i32, i32
  }
  func.func @transform_2(%arg0: i32) -> (i32, i32) {
    %c0_i32 = arith.constant 0 : i32
    %c0_i32_0 = arith.constant 0 : i32
    %c0_i32_1 = arith.constant 0 : i32
    return %c0_i32, %c0_i32_0 : i32, i32
  }
  func.func @transform_3(%arg0: i32) -> (i32, i32) {
    %c0_i32 = arith.constant 0 : i32
    %c0_i32_0 = arith.constant 0 : i32
    %c0_i32_1 = arith.constant 0 : i32
    return %c0_i32, %c0_i32_0 : i32, i32
  }
  func.func @transform_4(%arg0: i32) -> (i32, i32) {
    %c0_i32 = arith.constant 0 : i32
    %c0_i32_0 = arith.constant 0 : i32
    %c0_i32_1 = arith.constant 0 : i32
    return %c0_i32, %c0_i32_0 : i32, i32
  }
  func.func @transform_5(%arg0: i32) -> (i32, i32) {
    %c0_i32 = arith.constant 0 : i32
    %c0_i32_0 = arith.constant 0 : i32
    %c0_i32_1 = arith.constant 0 : i32
    return %c0_i32, %c0_i32_0 : i32, i32
  }
  func.func @transform_6(%arg0: i32) -> (i32, i32) {
    %c0_i32 = arith.constant 0 : i32
    %c0_i32_0 = arith.constant 0 : i32
    return %arg0, %c0_i32 : i32, i32
  }
}

</mosaic_0001>

<sc_bundles>
// kernel: _run.6.cloned.1.call-start
scs
__scs_entry_jumppad:
0x0: {  	(pc) =	sbr.rel $0x88, $3  }
0x1: {  	(tag) =	ssettag $0x0;
	lr =	simm.s32 $0x1  }
0x2: {  	[smem:$0x3F97] =	sst lr;
	_ =	strace $0xD0000000  }
0x3: {  	_ = 	snop  }
0x4: {  	_ = 	snop  }
0x5: {  	_ = 	snop  }
0x6: {  	_ = 	snop  }
0x7: {  	_ = 	snop  }
__scs_overlays_trampoline_lowered:
0x8: {  	[smem:$0x3FA6] =	sst s0  }
0x9: {  	[smem:$0x3FA7] =	sst s1  }
0xa: {  	[smem:$0x3FA8] =	sst s2  }
0xb: {  	[smem:$0x3FA9] =	sst s3  }
0xc: {  	[smem:$0x3FAA] =	sst s4  }
0xd: {  	[smem:$0x3FAB] =	sst s5  }
0xe: {  	[smem:$0x3FAC] =	sst s6  }
0xf: {  	[smem:$0x3FAD] =	sst s7  }
0x10: {  	[smem:$0x3FAE] =	sst s8  }
0x11: {  	[smem:$0x3FAF] =	sst s9;
	s0 =	simm.s32 @!p0 $0x0  }
0x12: {  	s1 =	sld [smem:$0x3F95];
	s0 =	simm.s32 @p0 $0x1  }
0x13: {  	[smem:$0x3FB0] =	sst s0;
	s0 =	simm.s32 @!p1 $0x0  }
0x14: {  	s2 =	sld [smem:$0x3F94];
	s0 =	simm.s32 @p1 $0x1  }
0x15: {  	[smem:$0x3FB1] =	sst s0;
	s0 =	simm.s32 @!p2 $0x0  }
0x16: {  	s3 =	sld [smem:$0x3FDB];
	s0 =	simm.s32 @p2 $0x1  }
0x17: {  	s4 =	simm.s32 $0x1BF5;
	[smem:$0x3FB3] =	sst s0  }
0x18: {  	s0 =	sld [smem:$0x3F96];
	_ =	swait.ge [sflag:s4], $0x0  }
0x19: {  	s7 =	sld [smem:$0x3F97]  }
0x1a: {  	s8 =	sadd.s32 $0xFFFFE003, lr  }
0x1b: {  	s9 =	sadd.s32 $0xFFFFFEF7, lr;
	s5 =	simm.s32 $0xFFFFFFFF;
	p2 =	slt.u32 s8, $0xFFFFF086  }
0x1c: {  	p1 =	slt.u32 s9, $0xF7A;
	s5 =	simm.s32 @!p2 $0x0  }
0x1d: {  	s5 =	simm.s32 @p1 $0x1;
	p0 =	seq.s32 s7, s2  }
0x1e: {  	s7 =	smul.u32 @!p0 $0xF7A, s2;
	p2 =	seq.s32 @!p0 s5, $0x0  }
0x1f: {  	s9 =	smul.u32 $0xF7A, s1;
	s8 =	simm.s32 @!p0 $0x1BF5;
	p2 =	por !p2, p0  }
0x20: {  	[sflag:s8] =	ssyncset.s32 @!p0 $0xFFFFF086;
	s6 =	sadd.s32 @!p0 s3, s7;
	s7 =	simm.s32 @!p0 $0x108  }
0x21: {  	s3 =	sadd.s32 s3, s9;
	s6 =	sadd.s32 @!p0 $0x88, s6;
	s7 =	simm.s32 @p2 $0x1082  }
0x22: {  	[simem:s7], [sflag:s8] =	dma.local @!p0 [hbm:s6], $0xF7A  }
0x23: {  	s9 =	sor.u32 $0xD0000000, s2;
	s6 =	simm.s32 $0x108;
	_ =	swait.ge @!p0 [sflag:s8], $0x0  }
0x24: {  	s3 =	sadd.s32 $0x88, s3;
	s6 =	simm.s32 @!p1 $0x1082;
	[sflag:s4] =	ssyncset.s32 $0xFFFFF086  }
0x25: {  	[simem:s6], [sflag:s4] =	dma.local [hbm:s3], $0xF7A  }
0x26: {  	[smem:$0x3F97] =	sst s1;
	(tag) =	ssettag s2;
	_ =	strace s9  }
0x27: {  	s1 =	sld [smem:$0x3FA7]  }
0x28: {  	s2 =	sld [smem:$0x3FA8]  }
0x29: {  	s4 =	sld [smem:$0x3FAA]  }
0x2a: {  	p0 =	seq.s32 s5, $0x0;
	s5 =	sld [smem:$0x3FAB]  }
0x2b: {  	s6 =	sld [smem:$0x3FAC]  }
0x2c: {  	s7 =	sld [smem:$0x3FAD]  }
0x2d: {  	s3 =	simm.s32 $0x108;
	s8 =	sld [smem:$0x3FAE]  }
0x2e: {  	s3 =	simm.s32 @!p0 $0x1082;
	s9 =	sld [smem:$0x3FAF]  }
0x2f: {  	lr =	sadd.s32 s0, s3;
	s0 =	sld [smem:$0x3FA6]  }
0x30: {  	s3 =	sld [smem:$0x3FA9]  }
0x31: {  	[smem:$0x3FB2] =	sst s10  }
0x32: {  	s10 =	sld [smem:$0x3FB0];
	_ =	sdelay $0x3  }
0x33: {  	p0 =	seq.s32 s10, $0x1;
	s10 =	sld [smem:$0x3FB2];
	_ =	sdelay $0x3  }
0x34: {  	[smem:$0x3FB2] =	sst s10  }
0x35: {  	s10 =	sld [smem:$0x3FB1];
	_ =	sdelay $0x3  }
0x36: {  	p1 =	seq.s32 s10, $0x1;
	s10 =	sld [smem:$0x3FB2];
	_ =	sdelay $0x3  }
0x37: {  	[smem:$0x3FB2] =	sst s10  }
0x38: {  	s10 =	sld [smem:$0x3FB3]  }
0x39: {  	_ = 	snop;
	(pc) =	sbr.ind lr, $3  }
0x3a: {  	_ = 	snop  }
0x3b: {  	_ = 	snop  }
0x3c: {  	p2 =	seq.s32 s10, $0x1;
	s10 =	sld [smem:$0x3FB2]  }
0x3d: {  	_ =	shalt  }
0x3e: {  	_ =	shalt  }
0x3f: {  	_ =	shalt  }
0x40: {  	_ =	shalt  }
0x41: {  	_ =	shalt  }
0x42: {  	_ =	shalt  }
0x43: {  	_ =	shalt  }
0x44: {  	_ =	shalt  }
0x45: {  	_ =	shalt  }
0x46: {  	_ =	shalt  }
0x47: {  	_ =	shalt  }
0x48: {  	_ =	shalt  }
0x49: {  	_ =	shalt  }
0x4a: {  	_ =	shalt  }
0x4b: {  	_ =	shalt  }
0x4c: {  	_ =	shalt  }
0x4d: {  	_ =	shalt  }
0x4e: {  	_ =	shalt  }
0x4f: {  	_ =	shalt  }
0x50: {  	_ =	shalt  }
0x51: {  	_ =	shalt  }
0x52: {  	_ =	shalt  }
0x53: {  	_ =	shalt  }
0x54: {  	_ =	shalt  }
0x55: {  	_ =	shalt  }
0x56: {  	_ =	shalt  }
0x57: {  	_ =	shalt  }
0x58: {  	_ =	shalt  }
0x59: {  	_ =	shalt  }
0x5a: {  	_ =	shalt  }
0x5b: {  	_ =	shalt  }
0x5c: {  	_ =	shalt  }
0x5d: {  	_ =	shalt  }
0x5e: {  	_ =	shalt  }
0x5f: {  	_ =	shalt  }
0x60: {  	_ =	shalt  }
0x61: {  	_ =	shalt  }
0x62: {  	_ =	shalt  }
0x63: {  	_ =	shalt  }
0x64: {  	_ =	shalt  }
0x65: {  	_ =	shalt  }
0x66: {  	_ =	shalt  }
0x67: {  	_ =	shalt  }
0x68: {  	_ =	shalt  }
0x69: {  	_ =	shalt  }
0x6a: {  	_ =	shalt  }
0x6b: {  	_ =	shalt  }
0x6c: {  	_ =	shalt  }
0x6d: {  	_ =	shalt  }
0x6e: {  	_ =	shalt  }
0x6f: {  	_ =	shalt  }
0x70: {  	_ =	shalt  }
0x71: {  	_ =	shalt  }
0x72: {  	_ =	shalt  }
0x73: {  	_ =	shalt  }
0x74: {  	_ =	shalt  }
0x75: {  	_ =	shalt  }
0x76: {  	_ =	shalt  }
0x77: {  	_ =	shalt  }
0x78: {  	_ =	shalt  }
0x79: {  	_ =	shalt  }
0x7a: {  	_ =	shalt  }
0x7b: {  	_ =	shalt  }
0x7c: {  	_ =	shalt  }
0x7d: {  	_ =	shalt  }
0x7e: {  	_ =	shalt  }
0x7f: {  	_ =	shalt  }
0x80: {  	_ =	shalt  }
0x81: {  	_ =	shalt  }
0x82: {  	_ =	shalt  }
0x83: {  	_ =	shalt  }
0x84: {  	_ =	shalt  }
0x85: {  	_ =	shalt  }
0x86: {  	_ =	shalt  }
0x87: {  	_ =	shalt  }
.Lfunc_end0:
.L_simem_size_0:
called_computation_lowered:
.L_overlay_start_0:
0x88: {  	s2 =	sld [smem:$0x3FD9]  }
0x89: {  	s3 =	sld [smem:$0x3FFE];
	_ =	sdelay $0x1  }
0x8a: {  	s1 =	srdreg.scid  }
0x8b: {  	s0 =	sand.u32 $0x1, s1  }
0x8c: {  	s17 =	sshll.u32 s0, $0xA;
	s2 =	sadd.s32 s3, s2  }
0x8d: {  	s2 =	sadd.s32 s2, s17  }
0x8e: {  	[smem:$0x3FBE] =	sst s2  }
0x8f: {  	_ = 	snop  }
0x90: {  	s2 =	sld [smem:$0x3FD0];
	(tm) =	ssettm $0x1  }
0x91: {  	s18 =	sld [smem:$0x3FFB];
	_ =	sdelay $0x3  }
0x92: {  	_ =	strace s18  }
0x93: {  	s3 =	sld [smem:$0x3FFC];
	_ =	sdelay $0x3  }
0x94: {  	_ =	strace s3  }
0x95: {  	s3 =	sld [smem:$0x3FFD];
	_ =	sdelay $0x3  }
0x96: {  	_ =	strace s3  }
0x97: {  	_ =	strace $0x8FFFFFFF  }
0x98: {  	s19 =	sld [smem:$0x3FDB];
	_ =	sdelay $0x1  }
0x99: {  	s4 =	simm.s32 $_scs_section_size  }
0x9a: {  	s5 =	simm.s32 $_size__tile_overlayer_lowered;
	s6 =	simm.s32 $_tile_overlayer_lowered  }
0x9b: {  	s22 =	simm.s32 $0x1BFF;
	s21 =	sshll.u32 s6, $0x1;
	s3 =	sadd.s32 s4, s19  }
0x9c: {  	s7 =	simm.s32 $0x0;
	s20 =	sshll.u32 s5, $0x1;
	s5 =	sadd.s32 s21, s3  }
0x9d: {  	[timem:s7], [sflag:s22] =	dma.local [hbm:s5], s20  }
0x9e: {  	_ =	swait.ge [sflag:s22], s20  }
0x9f: {  	s4 =	ssub.s32 $0x0, s20;
	[sflag:s22] =	ssyncset.done $0x0  }
0xa0: {  	[sflag:s22] =	ssyncadd.s32 s4;
	_ =	sdelay $0x1  }
0xa1: {  	s23 =	simm.s32 $0x1B8B  }
0xa2: {  	_ =	swait.ge [sflag:s23], $0x1  }
0xa3: {  	[sflag:s23] =	ssyncset.done $0x0  }
0xa4: {  	s25 =	simm.s32 $0x1B8E;
	s24 =	sld [smem:$0x3FFE];
	[sflag:s23] =	ssyncadd.s32 $0xFFFFFFFF  }
0xa5: {  	s26 =	simm.s32 $execute0_lowered;
	[smem:$0x3FD2] =	sst s25  }
0xa6: {  	s5 =	sshll.u32 s26, $0x1;
	_ =	strace $0x80000046;
	[dreg:$0x1] =	wrdreg $0xFFFFFFFF  }
0xa7: {  	s28 =	simm.s32 $_size_execute0_lowered;
	s3 =	sadd.s32 s3, s5;
	[dreg:$0x0] =	wrdreg $0x0  }
0xa8: {  	s5 =	sshll.u32 s28, $0x1;
	[dreg:$0x2] =	wrdreg s3  }
0xa9: {  	[dreg:$0x3] =	wrdreg s5  }
0xaa: {  	[dreg:$0x4] =	wrdreg $0xC0  }
0xab: {  	_ =	task [dreg:s7], $0x5FFFF  }
0xac: {  	[dreg:$0x1] =	wrdreg $0xFFFFFFFF  }
0xad: {  	[dreg:$0x0] =	wrdreg $0x60  }
0xae: {  	[dreg:$0x2] =	wrdreg s24  }
0xaf: {  	[dreg:$0x3] =	wrdreg s2  }
0xb0: {  	[dreg:$0x4] =	wrdreg $0xBE000  }
0xb1: {  	[dreg:$0x5] =	wrdreg $0x15E000  }
0xb2: {  	[dreg:$0x6] =	wrdreg $0x9  }
0xb3: {  	_ =	task.clear_ibuf [dreg:s7], $0x7FFFF;
	_ =	strace $0x90000046  }
0xb4: {  	s29 =	simm.s32 $0x9;
	_ =	strace $0x80000048  }
0xb5: {  	_ =	swait.ge [sflag:s29], $0x1  }
0xb6: {  	[sflag:s29] =	ssyncadd.s32 $0xFFFFFFFF  }
0xb7: {  	_ =	strace $0x90000048  }
0xb8: {  	_ =	sfence  }
0xb9: {  	s30 =	sld [smem:$0x0];
	_ =	sdelay $0x2  }
0xba: {  	s31 =	sshll.u32 s1, $0xD;
	s1 =	sshrl.u32 s1, $0x2  }
0xbb: {  	s3 =	sand.u32 $0x4000, s31;
	s1 =	sadd.s32 s1, s30  }
0xbc: {  	s0 =	sor.u32 s3, s0;
	s1 =	sshll.u32 s1, $0x11  }
0xbd: {  	s0 =	sor.u32 s1, s0  }
0xbe: {  	s0 =	sadd.s32 $0x8F2B, s0  }
0xbf: {  	[sflag:s0] =	ssyncadd.remote.s32 $0x1  }
0xc0: {  	_ =	sfence.sel $0xFFFF  }
0xc1: {  	[dreg:$0x0] =	wrdreg $0xFFFFFFFF;
	(pc) =	sbr.abs _section_cstart, $3  }
0xc2: {  	[dreg:$0x1] =	wrdreg $0xFFFFFFFF  }
0xc3: {  	_ =	task.clear_ibuf [dreg:s7], $0x2FFFF;
	_ =	strace $0x9FFFFFFF  }
0xc4: {  	(tm) =	ssettm $0x7FFFFFFF  }
0xc5: {  	_ =	shalt  }
tec
execute0_lowered:
.L_overlay_start_1:
0x0: {  	(tag) =	ssettag $0x1  }
0x1: {  	s6 =	rddreg [dreg:$0x0]  }
0x2: {  	s28 =	rddreg [dreg:$0x1]  }
0x3: {  	s0 =	srdreg.scid;
	s2 =	rddreg [dreg:$0x2]  }
0x4: {  	s8 =	stileid.u32;
	s3 =	rddreg [dreg:$0x3]  }
0x5: {  	s4 =	simm.s32 $0x0;
	s1 =	sand.u32 $0x1, s0;
	s7 =	smul.u32 $0x14000, s8  }
0x6: {  	[smem:$0x7FF] =	sst s4;
	s9 =	smul.u32 $0x5000, s8;
	s5 =	sadd.s32 $0x34400, s6  }
0x7: {  	s30 =	sadd.s32 $0x2400, s6;
	[dreg:$0x13] =	wrdreg s1;
	s1 =	sshll.u32 s1, $0x6  }
0x8: {  	s31 =	smul.u32 $0xA000, s8;
	s0 =	sor.u32 s1, s7;
	s29 =	sshrl.u32 s9, $0x3  }
0x9: {  	_ =	strace $0x80000047;
	[dreg:$0x5] =	wrdreg s5;
	s10 =	sadd.s32 s28, s29  }
0xa: {  	s1 =	sor.u32 $0x140, s29;
	s12 =	sadd.s32 s30, s29;
	[dreg:$0x7] =	wrdreg s10  }
0xb: {  	s13 =	sadd.s32 $0x280, s29;
	s11 =	sadd.s32 s28, s1;
	[dreg:$0x9] =	wrdreg s12  }
0xc: {  	s22 =	sshll.u32 s8, $0x6;
	s14 =	sadd.s32 s28, s13;
	[dreg:$0x8] =	wrdreg s11  }
0xd: {  	s16 =	sadd.s32 $0x3C0, s29;
	s15 =	sadd.s32 s30, s1;
	[dreg:$0xa] =	wrdreg s14  }
0xe: {  	s8 =	simm.s32 $0x4;
	s17 =	sadd.s32 s28, s16;
	[dreg:$0xb] =	wrdreg s15  }
0xf: {  	s18 =	sadd.s32 $0x500, s29;
	s5 =	sadd.s32 s30, s13;
	[dreg:$0xc] =	wrdreg s17  }
0x10: {  	s7 =	sadd.s32 s31, s2;
	s19 =	sadd.s32 s28, s18;
	[dreg:$0xd] =	wrdreg s5  }
0x11: {  	s26 =	sadd.s32 $0x640, s29;
	s1 =	sadd.s32 s30, s16;
	[dreg:$0xe] =	wrdreg s19  }
0x12: {  	s0 =	sshrl.u32 s0, $0x3;
	s20 =	sadd.s32 s28, s26;
	[dreg:$0xf] =	wrdreg s1  }
0x13: {  	s0 =	sadd.s32 s0, s6;
	s21 =	sadd.s32 s30, s18;
	[dreg:$0x10] =	wrdreg s20  }
0x14: {  	s9 =	simm.s32 $0x8;
	s0 =	sadd.s32 $0xC400, s0;
	[dreg:$0x11] =	wrdreg s21  }
0x15: {  	s6 =	sshrl.u32 s7, $0x3;
	s1 =	sadd.s32 $0x780, s29;
	[dreg:$0x6] =	wrdreg s0  }
0x16: {  	s7 =	simm.s32 $0x1;
	s23 =	sadd.s32 s28, s1;
	s11 =	rddreg [dreg:$0x6]  }
0x17: {  	s10 =	simm.s32 $0x10;
	s5 =	sor.u32 $0x1C04, s22;
	[dreg:$0x12] =	wrdreg s23  }
0x18: {  	[spmem:s6@s9], [sflag:s5] =	dma.strided [hbm:s11@s10], $0x1400, s7, $0x8   }
0x19: {  	_ =	swait.ge [sflag:s8], $0x1400  }
0x1a: {  	s24 =	sadd.s32 s31, s3;
	[sflag:s8] =	ssyncset.done $0x0  }
0x1b: {  	s11 =	sshrl.u32 s24, $0x3;
	s12 =	rddreg [dreg:$0x5];
	[sflag:s8] =	ssyncadd.s32 $0xFFFFEC00  }
0x1c: {  	[spmem:s11], [sflag:s5] =	dma.local [hbm:s12], $0x1400  }
0x1d: {  	_ =	swait.ge [sflag:s8], $0x1400  }
0x1e: {  	[sflag:s8] =	ssyncset.done $0x0  }
0x1f: {  	[sflag:s8] =	ssyncadd.s32 $0xFFFFEC00  }
0x20: {  	[bflag:$0x0] =	sbarrier.arrive $0xFFFF  }
0x21: {  	s25 =	rddreg [dreg:$0x7]  }
0x22: {  	[tilespmem:s4], [sflag:$0x4] =	stream.linear.gather [hbm4b:s25+s4], $0xA00, $0x38;
	[tilespmem:$0x1FE00] =	vst v63  }
0x23: {  	_ =	swait.ge [sflag:s8], $0xA00  }
0x24: {  	[sflag:s8] =	ssyncset.done $0x0  }
0x25: {  	s12 =	simm.s32 $0xA00;
	s13 =	rddreg [dreg:$0x8];
	[sflag:s8] =	ssyncadd.s32 $0xFFFFF600  }
0x26: {  	[tilespmem:s12], [sflag:$0x2] =	stream.linear.gather [hbm4b:s13+s4], $0xA00, $0x38;
	[tilespmem:$0x1FE00] =	vst v63  }
0x27: {  	s14 =	simm.s32 $0x1E00;
	s13 =	simm.s32 $0x280  }
0x28: {  	[tilespmem:s14], [sflag:$0x1] =	stream.indirect.gather [spmem:s2], $0x40, s4, s13, $0xb8;
	[tilespmem:$0x1FE00] =	vst v63  }
0x29: {  	s15 =	simm.s32 $0x1400;
	s16 =	rddreg [dreg:$0x9]  }
0x2a: {  	[tilespmem:s15], [sflag:$0x3] =	stream.linear.gather [hbm4b:s16+s4], $0xA00, $0x38;
	[tilespmem:$0x1FE00] =	vst v63  }
0x2b: {  	_ =	swait.ge [sflag:s7], $0xA000  }
0x2c: {  	[sflag:s7] =	ssyncset.done $0x0  }
0x2d: {  	s16 =	simm.s32 $0x3;
	[sflag:s7] =	ssyncadd.s32 $0xFFFF6000  }
0x2e: {  	_ =	swait.ge [sflag:s16], $0xA00  }
0x2f: {  	[sflag:s16] =	ssyncset.done $0x0  }
0x30: {  	[sflag:s16] =	ssyncadd.s32 $0xFFFFF600  }
0x31: {  	[spmem:s3] =	stream.indirect.scatter.add.f32 [tilespmem:s14], [sflag:$0x4], $0x40, s15, s13, $0xb8;
	[tilespmem:$0x1FE00] =	vst v63  }
0x32: {  	_ =	swait.ge [sflag:s8], $0xA000  }
0x33: {  	[sflag:s8] =	ssyncset.done $0x0  }
0x34: {  	[sflag:s8] =	ssyncadd.s32 $0xFFFF6000  }
0x35: {  	[tilespmem:s14], [sflag:$0x1] =	stream.indirect.gather [spmem:s2], $0x40, s13, s13, $0xb8;
	[tilespmem:$0x1FE00] =	vst v63  }
0x36: {  	_ =	swait.ge [sflag:s7], $0xA000  }
0x37: {  	[sflag:s7] =	ssyncset.done $0x0  }
0x38: {  	s17 =	simm.s32 $0x1680;
	[sflag:s7] =	ssyncadd.s32 $0xFFFF6000  }
0x39: {  	[spmem:s3] =	stream.indirect.scatter.add.f32 [tilespmem:s14], [sflag:$0x4], $0x40, s17, s13, $0xb8;
	[tilespmem:$0x1FE00] =	vst v63  }
0x3a: {  	_ =	swait.ge [sflag:s8], $0xA000  }
0x3b: {  	[sflag:s8] =	ssyncset.done $0x0  }
0x3c: {  	s18 =	simm.s32 $0x500;
	[sflag:s8] =	ssyncadd.s32 $0xFFFF6000  }
0x3d: {  	[tilespmem:s14], [sflag:$0x1] =	stream.indirect.gather [spmem:s2], $0x40, s18, s13, $0xb8;
	[tilespmem:$0x1FE00] =	vst v63  }
0x3e: {  	_ =	swait.ge [sflag:s7], $0xA000  }
0x3f: {  	[sflag:s7] =	ssyncset.done $0x0  }
0x40: {  	s19 =	simm.s32 $0x1900;
	[sflag:s7] =	ssyncadd.s32 $0xFFFF6000  }
0x41: {  	[spmem:s3] =	stream.indirect.scatter.add.f32 [tilespmem:s14], [sflag:$0x4], $0x40, s19, s13, $0xb8;
	[tilespmem:$0x1FE00] =	vst v63  }
0x42: {  	_ =	swait.ge [sflag:s8], $0xA000  }
0x43: {  	[sflag:s8] =	ssyncset.done $0x0  }
0x44: {  	s20 =	simm.s32 $0x780;
	[sflag:s8] =	ssyncadd.s32 $0xFFFF6000  }
0x45: {  	[tilespmem:s14], [sflag:$0x1] =	stream.indirect.gather [spmem:s2], $0x40, s20, s13, $0xb8;
	[tilespmem:$0x1FE00] =	vst v63  }
0x46: {  	_ =	swait.ge [sflag:s7], $0xA000  }
0x47: {  	[sflag:s7] =	ssyncset.done $0x0  }
0x48: {  	s21 =	simm.s32 $0x1B80;
	[sflag:s7] =	ssyncadd.s32 $0xFFFF6000  }
0x49: {  	[spmem:s3] =	stream.indirect.scatter.add.f32 [tilespmem:s14], [sflag:$0x4], $0x40, s21, s13, $0xb8;
	[tilespmem:$0x1FE00] =	vst v63  }
0x4a: {  	_ =	swait.ge [sflag:s8], $0xA000  }
0x4b: {  	[sflag:s8] =	ssyncset.done $0x0  }
0x4c: {  	s22 =	simm.s32 $0x2;
	[sflag:s8] =	ssyncadd.s32 $0xFFFF6000  }
0x4d: {  	_ =	swait.ge [sflag:s22], $0xA00  }
0x4e: {  	[sflag:s22] =	ssyncset.done $0x0  }
0x4f: {  	s23 =	rddreg [dreg:$0xa];
	[sflag:s22] =	ssyncadd.s32 $0xFFFFF600  }
0x50: {  	[tilespmem:s4], [sflag:$0x2] =	stream.linear.gather [hbm4b:s23+s4], $0xA00, $0x38;
	[tilespmem:$0x1FE00] =	vst v63  }
0x51: {  	_ = 	snop  }
0x52: {  	[tilespmem:s14], [sflag:$0x1] =	stream.indirect.gather [spmem:s2], $0x40, s12, s13, $0xb8;
	[tilespmem:$0x1FE00] =	vst v63  }
0x53: {  	s0 =	rddreg [dreg:$0xb]  }
0x54: {  	[tilespmem:s15], [sflag:$0x3] =	stream.linear.gather [hbm4b:s0+s4], $0xA00, $0x38;
	[tilespmem:$0x1FE00] =	vst v63  }
0x55: {  	_ =	swait.ge [sflag:s7], $0xA000  }
0x56: {  	[sflag:s7] =	ssyncset.done $0x0  }
0x57: {  	[sflag:s7] =	ssyncadd.s32 $0xFFFF6000  }
0x58: {  	_ =	swait.ge [sflag:s16], $0xA00  }
0x59: {  	[sflag:s16] =	ssyncset.done $0x0  }
0x5a: {  	[sflag:s16] =	ssyncadd.s32 $0xFFFFF600  }
0x5b: {  	[spmem:s3] =	stream.indirect.scatter.add.f32 [tilespmem:s14], [sflag:$0x4], $0x40, s15, s13, $0xb8;
	[tilespmem:$0x1FE00] =	vst v63  }
0x5c: {  	_ =	swait.ge [sflag:s8], $0xA000  }
0x5d: {  	[sflag:s8] =	ssyncset.done $0x0  }
0x5e: {  	s23 =	simm.s32 $0xC80;
	[sflag:s8] =	ssyncadd.s32 $0xFFFF6000  }
0x5f: {  	[tilespmem:s14], [sflag:$0x1] =	stream.indirect.gather [spmem:s2], $0x40, s23, s13, $0xb8;
	[tilespmem:$0x1FE00] =	vst v63  }
0x60: {  	_ =	swait.ge [sflag:s7], $0xA000  }
0x61: {  	[sflag:s7] =	ssyncset.done $0x0  }
0x62: {  	[sflag:s7] =	ssyncadd.s32 $0xFFFF6000  }
0x63: {  	[spmem:s3] =	stream.indirect.scatter.add.f32 [tilespmem:s14], [sflag:$0x4], $0x40, s17, s13, $0xb8;
	[tilespmem:$0x1FE00] =	vst v63  }
0x64: {  	_ =	swait.ge [sflag:s8], $0xA000  }
0x65: {  	[sflag:s8] =	ssyncset.done $0x0  }
0x66: {  	s24 =	simm.s32 $0xF00;
	[sflag:s8] =	ssyncadd.s32 $0xFFFF6000  }
0x67: {  	[tilespmem:s14], [sflag:$0x1] =	stream.indirect.gather [spmem:s2], $0x40, s24, s13, $0xb8;
	[tilespmem:$0x1FE00] =	vst v63  }
0x68: {  	_ =	swait.ge [sflag:s7], $0xA000  }
0x69: {  	[sflag:s7] =	ssyncset.done $0x0  }
0x6a: {  	[sflag:s7] =	ssyncadd.s32 $0xFFFF6000  }
0x6b: {  	[spmem:s3] =	stream.indirect.scatter.add.f32 [tilespmem:s14], [sflag:$0x4], $0x40, s19, s13, $0xb8;
	[tilespmem:$0x1FE00] =	vst v63  }
0x6c: {  	_ =	swait.ge [sflag:s8], $0xA000  }
0x6d: {  	[sflag:s8] =	ssyncset.done $0x0  }
0x6e: {  	s25 =	simm.s32 $0x1180;
	[sflag:s8] =	ssyncadd.s32 $0xFFFF6000  }
0x6f: {  	[tilespmem:s14], [sflag:$0x1] =	stream.indirect.gather [spmem:s2], $0x40, s25, s13, $0xb8;
	[tilespmem:$0x1FE00] =	vst v63  }
0x70: {  	_ =	swait.ge [sflag:s7], $0xA000  }
0x71: {  	[sflag:s7] =	ssyncset.done $0x0  }
0x72: {  	[sflag:s7] =	ssyncadd.s32 $0xFFFF6000  }
0x73: {  	[spmem:s3] =	stream.indirect.scatter.add.f32 [tilespmem:s14], [sflag:$0x4], $0x40, s21, s13, $0xb8;
	[tilespmem:$0x1FE00] =	vst v63  }
0x74: {  	_ =	swait.ge [sflag:s8], $0xA000  }
0x75: {  	[sflag:s8] =	ssyncset.done $0x0  }
0x76: {  	[sflag:s8] =	ssyncadd.s32 $0xFFFF6000  }
0x77: {  	_ =	swait.ge [sflag:s22], $0xA00  }
0x78: {  	[sflag:s22] =	ssyncset.done $0x0  }
0x79: {  	s0 =	rddreg [dreg:$0xc];
	[sflag:s22] =	ssyncadd.s32 $0xFFFFF600  }
0x7a: {  	[tilespmem:s12], [sflag:$0x2] =	stream.linear.gather [hbm4b:s0+s4], $0xA00, $0x38;
	[tilespmem:$0x1FE00] =	vst v63  }
0x7b: {  	_ = 	snop  }
0x7c: {  	[tilespmem:s14], [sflag:$0x1] =	stream.indirect.gather [spmem:s2], $0x40, s4, s13, $0xb8;
	[tilespmem:$0x1FE00] =	vst v63  }
0x7d: {  	s0 =	rddreg [dreg:$0xd]  }
0x7e: {  	[tilespmem:s15], [sflag:$0x3] =	stream.linear.gather [hbm4b:s0+s4], $0xA00, $0x38;
	[tilespmem:$0x1FE00] =	vst v63  }
0x7f: {  	_ =	swait.ge [sflag:s7], $0xA000  }
0x80: {  	[sflag:s7] =	ssyncset.done $0x0  }
0x81: {  	[sflag:s7] =	ssyncadd.s32 $0xFFFF6000  }
0x82: {  	_ =	swait.ge [sflag:s16], $0xA00  }
0x83: {  	[sflag:s16] =	ssyncset.done $0x0  }
0x84: {  	[sflag:s16] =	ssyncadd.s32 $0xFFFFF600  }
0x85: {  	[spmem:s3] =	stream.indirect.scatter.add.f32 [tilespmem:s14], [sflag:$0x4], $0x40, s15, s13, $0xb8;
	[tilespmem:$0x1FE00] =	vst v63  }
0x86: {  	_ =	swait.ge [sflag:s8], $0xA000  }
0x87: {  	[sflag:s8] =	ssyncset.done $0x0  }
0x88: {  	[sflag:s8] =	ssyncadd.s32 $0xFFFF6000  }
0x89: {  	[tilespmem:s14], [sflag:$0x1] =	stream.indirect.gather [spmem:s2], $0x40, s13, s13, $0xb8;
	[tilespmem:$0x1FE00] =	vst v63  }
0x8a: {  	_ =	swait.ge [sflag:s7], $0xA000  }
0x8b: {  	[sflag:s7] =	ssyncset.done $0x0  }
0x8c: {  	[sflag:s7] =	ssyncadd.s32 $0xFFFF6000  }
0x8d: {  	[spmem:s3] =	stream.indirect.scatter.add.f32 [tilespmem:s14], [sflag:$0x4], $0x40, s17, s13, $0xb8;
	[tilespmem:$0x1FE00] =	vst v63  }
0x8e: {  	_ =	swait.ge [sflag:s8], $0xA000  }
0x8f: {  	[sflag:s8] =	ssyncset.done $0x0  }
0x90: {  	[sflag:s8] =	ssyncadd.s32 $0xFFFF6000  }
0x91: {  	[tilespmem:s14], [sflag:$0x1] =	stream.indirect.gather [spmem:s2], $0x40, s18, s13, $0xb8;
	[tilespmem:$0x1FE00] =	vst v63  }
0x92: {  	_ =	swait.ge [sflag:s7], $0xA000  }
0x93: {  	[sflag:s7] =	ssyncset.done $0x0  }
0x94: {  	[sflag:s7] =	ssyncadd.s32 $0xFFFF6000  }
0x95: {  	[spmem:s3] =	stream.indirect.scatter.add.f32 [tilespmem:s14], [sflag:$0x4], $0x40, s19, s13, $0xb8;
	[tilespmem:$0x1FE00] =	vst v63  }
0x96: {  	_ =	swait.ge [sflag:s8], $0xA000  }
0x97: {  	[sflag:s8] =	ssyncset.done $0x0  }
0x98: {  	[sflag:s8] =	ssyncadd.s32 $0xFFFF6000  }
0x99: {  	[tilespmem:s14], [sflag:$0x1] =	stream.indirect.gather [spmem:s2], $0x40, s20, s13, $0xb8;
	[tilespmem:$0x1FE00] =	vst v63  }
0x9a: {  	_ =	swait.ge [sflag:s7], $0xA000  }
0x9b: {  	[sflag:s7] =	ssyncset.done $0x0  }
0x9c: {  	[sflag:s7] =	ssyncadd.s32 $0xFFFF6000  }
0x9d: {  	[spmem:s3] =	stream.indirect.scatter.add.f32 [tilespmem:s14], [sflag:$0x4], $0x40, s21, s13, $0xb8;
	[tilespmem:$0x1FE00] =	vst v63  }
0x9e: {  	_ =	swait.ge [sflag:s8], $0xA000  }
0x9f: {  	[sflag:s8] =	ssyncset.done $0x0  }
0xa0: {  	[sflag:s8] =	ssyncadd.s32 $0xFFFF6000  }
0xa1: {  	_ =	swait.ge [sflag:s22], $0xA00  }
0xa2: {  	[sflag:s22] =	ssyncset.done $0x0  }
0xa3: {  	s0 =	rddreg [dreg:$0xe];
	[sflag:s22] =	ssyncadd.s32 $0xFFFFF600  }
0xa4: {  	[tilespmem:s4], [sflag:$0x2] =	stream.linear.gather [hbm4b:s0+s4], $0xA00, $0x38;
	[tilespmem:$0x1FE00] =	vst v63  }
0xa5: {  	_ = 	snop  }
0xa6: {  	[tilespmem:s14], [sflag:$0x1] =	stream.indirect.gather [spmem:s2], $0x40, s12, s13, $0xb8;
	[tilespmem:$0x1FE00] =	vst v63  }
0xa7: {  	s0 =	rddreg [dreg:$0xf]  }
0xa8: {  	[tilespmem:s15], [sflag:$0x3] =	stream.linear.gather [hbm4b:s0+s4], $0xA00, $0x38;
	[tilespmem:$0x1FE00] =	vst v63  }
0xa9: {  	_ =	swait.ge [sflag:s7], $0xA000  }
0xaa: {  	[sflag:s7] =	ssyncset.done $0x0  }
0xab: {  	[sflag:s7] =	ssyncadd.s32 $0xFFFF6000  }
0xac: {  	_ =	swait.ge [sflag:s16], $0xA00  }
0xad: {  	[sflag:s16] =	ssyncset.done $0x0  }
0xae: {  	[sflag:s16] =	ssyncadd.s32 $0xFFFFF600  }
0xaf: {  	[spmem:s3] =	stream.indirect.scatter.add.f32 [tilespmem:s14], [sflag:$0x4], $0x40, s15, s13, $0xb8;
	[tilespmem:$0x1FE00] =	vst v63  }
0xb0: {  	_ =	swait.ge [sflag:s8], $0xA000  }
0xb1: {  	[sflag:s8] =	ssyncset.done $0x0  }
0xb2: {  	[sflag:s8] =	ssyncadd.s32 $0xFFFF6000  }
0xb3: {  	[tilespmem:s14], [sflag:$0x1] =	stream.indirect.gather [spmem:s2], $0x40, s23, s13, $0xb8;
	[tilespmem:$0x1FE00] =	vst v63  }
0xb4: {  	_ =	swait.ge [sflag:s7], $0xA000  }
0xb5: {  	[sflag:s7] =	ssyncset.done $0x0  }
0xb6: {  	[sflag:s7] =	ssyncadd.s32 $0xFFFF6000  }
0xb7: {  	[spmem:s3] =	stream.indirect.scatter.add.f32 [tilespmem:s14], [sflag:$0x4], $0x40, s17, s13, $0xb8;
	[tilespmem:$0x1FE00] =	vst v63  }
0xb8: {  	_ =	swait.ge [sflag:s8], $0xA000  }
0xb9: {  	[sflag:s8] =	ssyncset.done $0x0  }
0xba: {  	[sflag:s8] =	ssyncadd.s32 $0xFFFF6000  }
0xbb: {  	[tilespmem:s14], [sflag:$0x1] =	stream.indirect.gather [spmem:s2], $0x40, s24, s13, $0xb8;
	[tilespmem:$0x1FE00] =	vst v63  }
0xbc: {  	_ =	swait.ge [sflag:s7], $0xA000  }
0xbd: {  	[sflag:s7] =	ssyncset.done $0x0  }
0xbe: {  	[sflag:s7] =	ssyncadd.s32 $0xFFFF6000  }
0xbf: {  	[spmem:s3] =	stream.indirect.scatter.add.f32 [tilespmem:s14], [sflag:$0x4], $0x40, s19, s13, $0xb8;
	[tilespmem:$0x1FE00] =	vst v63  }
0xc0: {  	_ =	swait.ge [sflag:s8], $0xA000  }
0xc1: {  	[sflag:s8] =	ssyncset.done $0x0  }
0xc2: {  	[sflag:s8] =	ssyncadd.s32 $0xFFFF6000  }
0xc3: {  	[tilespmem:s14], [sflag:$0x1] =	stream.indirect.gather [spmem:s2], $0x40, s25, s13, $0xb8;
	[tilespmem:$0x1FE00] =	vst v63  }
0xc4: {  	_ =	swait.ge [sflag:s7], $0xA000  }
0xc5: {  	[sflag:s7] =	ssyncset.done $0x0  }
0xc6: {  	[sflag:s7] =	ssyncadd.s32 $0xFFFF6000  }
0xc7: {  	[spmem:s3] =	stream.indirect.scatter.add.f32 [tilespmem:s14], [sflag:$0x4], $0x40, s21, s13, $0xb8;
	[tilespmem:$0x1FE00] =	vst v63  }
0xc8: {  	_ =	swait.ge [sflag:s8], $0xA000  }
0xc9: {  	[sflag:s8] =	ssyncset.done $0x0  }
0xca: {  	[sflag:s8] =	ssyncadd.s32 $0xFFFF6000  }
0xcb: {  	_ =	swait.ge [sflag:s22], $0xA00  }
0xcc: {  	[sflag:s22] =	ssyncset.done $0x0  }
0xcd: {  	s0 =	rddreg [dreg:$0x10];
	[sflag:s22] =	ssyncadd.s32 $0xFFFFF600  }
0xce: {  	[tilespmem:s12], [sflag:$0x2] =	stream.linear.gather [hbm4b:s0+s4], $0xA00, $0x38;
	[tilespmem:$0x1FE00] =	vst v63  }
0xcf: {  	_ = 	snop  }
0xd0: {  	[tilespmem:s14], [sflag:$0x1] =	stream.indirect.gather [spmem:s2], $0x40, s4, s13, $0xb8;
	[tilespmem:$0x1FE00] =	vst v63  }
0xd1: {  	s0 =	rddreg [dreg:$0x11]  }
0xd2: {  	[tilespmem:s15], [sflag:$0x3] =	stream.linear.gather [hbm4b:s0+s4], $0xA00, $0x38;
	[tilespmem:$0x1FE00] =	vst v63  }
0xd3: {  	_ =	swait.ge [sflag:s7], $0xA000  }
0xd4: {  	[sflag:s7] =	ssyncset.done $0x0  }
0xd5: {  	[sflag:s7] =	ssyncadd.s32 $0xFFFF6000  }
0xd6: {  	_ =	swait.ge [sflag:s16], $0xA00  }
0xd7: {  	[sflag:s16] =	ssyncset.done $0x0  }
0xd8: {  	[sflag:s16] =	ssyncadd.s32 $0xFFFFF600  }
0xd9: {  	[spmem:s3] =	stream.indirect.scatter.add.f32 [tilespmem:s14], [sflag:$0x4], $0x40, s15, s13, $0xb8;
	[tilespmem:$0x1FE00] =	vst v63  }
0xda: {  	_ =	swait.ge [sflag:s8], $0xA000  }
0xdb: {  	[sflag:s8] =	ssyncset.done $0x0  }
0xdc: {  	[sflag:s8] =	ssyncadd.s32 $0xFFFF6000  }
0xdd: {  	[tilespmem:s14], [sflag:$0x1] =	stream.indirect.gather [spmem:s2], $0x40, s13, s13, $0xb8;
	[tilespmem:$0x1FE00] =	vst v63  }
0xde: {  	_ =	swait.ge [sflag:s7], $0xA000  }
0xdf: {  	[sflag:s7] =	ssyncset.done $0x0  }
0xe0: {  	[sflag:s7] =	ssyncadd.s32 $0xFFFF6000  }
0xe1: {  	[spmem:s3] =	stream.indirect.scatter.add.f32 [tilespmem:s14], [sflag:$0x4], $0x40, s17, s13, $0xb8;
	[tilespmem:$0x1FE00] =	vst v63  }
0xe2: {  	_ =	swait.ge [sflag:s8], $0xA000  }
0xe3: {  	[sflag:s8] =	ssyncset.done $0x0  }
0xe4: {  	[sflag:s8] =	ssyncadd.s32 $0xFFFF6000  }
0xe5: {  	[tilespmem:s14], [sflag:$0x1] =	stream.indirect.gather [spmem:s2], $0x40, s18, s13, $0xb8;
	[tilespmem:$0x1FE00] =	vst v63  }
0xe6: {  	_ =	swait.ge [sflag:s7], $0xA000  }
0xe7: {  	[sflag:s7] =	ssyncset.done $0x0  }
0xe8: {  	[sflag:s7] =	ssyncadd.s32 $0xFFFF6000  }
0xe9: {  	[spmem:s3] =	stream.indirect.scatter.add.f32 [tilespmem:s14], [sflag:$0x4], $0x40, s19, s13, $0xb8;
	[tilespmem:$0x1FE00] =	vst v63  }
0xea: {  	_ =	swait.ge [sflag:s8], $0xA000  }
0xeb: {  	[sflag:s8] =	ssyncset.done $0x0  }
0xec: {  	[sflag:s8] =	ssyncadd.s32 $0xFFFF6000  }
0xed: {  	[tilespmem:s14], [sflag:$0x1] =	stream.indirect.gather [spmem:s2], $0x40, s20, s13, $0xb8;
	[tilespmem:$0x1FE00] =	vst v63  }
0xee: {  	_ =	swait.ge [sflag:s7], $0xA000  }
0xef: {  	[sflag:s7] =	ssyncset.done $0x0  }
0xf0: {  	[sflag:s7] =	ssyncadd.s32 $0xFFFF6000  }
0xf1: {  	[spmem:s3] =	stream.indirect.scatter.add.f32 [tilespmem:s14], [sflag:$0x4], $0x40, s21, s13, $0xb8;
	[tilespmem:$0x1FE00] =	vst v63  }
0xf2: {  	_ =	swait.ge [sflag:s8], $0xA000  }
0xf3: {  	[sflag:s8] =	ssyncset.done $0x0  }
0xf4: {  	[sflag:s8] =	ssyncadd.s32 $0xFFFF6000  }
0xf5: {  	_ =	swait.ge [sflag:s22], $0xA00  }
0xf6: {  	[sflag:s22] =	ssyncset.done $0x0  }
0xf7: {  	s0 =	rddreg [dreg:$0x12];
	[sflag:s22] =	ssyncadd.s32 $0xFFFFF600  }
0xf8: {  	[tilespmem:s4], [sflag:$0x2] =	stream.linear.gather [hbm4b:s0+s4], $0xA00, $0x38;
	[tilespmem:$0x1FE00] =	vst v63  }
0xf9: {  	_ = 	snop  }
0xfa: {  	[tilespmem:s14], [sflag:$0x1] =	stream.indirect.gather [spmem:s2], $0x40, s12, s13, $0xb8;
	[tilespmem:$0x1FE00] =	vst v63  }
0xfb: {  	s26 =	sadd.s32 s30, s26  }
0xfc: {  	[tilespmem:s15], [sflag:$0x3] =	stream.linear.gather [hbm4b:s26+s4], $0xA00, $0x38;
	[tilespmem:$0x1FE00] =	vst v63  }
0xfd: {  	_ =	swait.ge [sflag:s7], $0xA000  }
0xfe: {  	[sflag:s7] =	ssyncset.done $0x0  }
0xff: {  	[sflag:s7] =	ssyncadd.s32 $0xFFFF6000  }
0x100: {  	_ =	swait.ge [sflag:s16], $0xA00  }
0x101: {  	[sflag:s16] =	ssyncset.done $0x0  }
0x102: {  	[sflag:s16] =	ssyncadd.s32 $0xFFFFF600  }
0x103: {  	[spmem:s3] =	stream.indirect.scatter.add.f32 [tilespmem:s14], [sflag:$0x4], $0x40, s15, s13, $0xb8;
	[tilespmem:$0x1FE00] =	vst v63  }
0x104: {  	_ =	swait.ge [sflag:s8], $0xA000  }
0x105: {  	[sflag:s8] =	ssyncset.done $0x0  }
0x106: {  	[sflag:s8] =	ssyncadd.s32 $0xFFFF6000  }
0x107: {  	[tilespmem:s14], [sflag:$0x1] =	stream.indirect.gather [spmem:s2], $0x40, s23, s13, $0xb8;
	[tilespmem:$0x1FE00] =	vst v63  }
0x108: {  	_ =	swait.ge [sflag:s7], $0xA000  }
0x109: {  	[sflag:s7] =	ssyncset.done $0x0  }
0x10a: {  	[sflag:s7] =	ssyncadd.s32 $0xFFFF6000  }
0x10b: {  	[spmem:s3] =	stream.indirect.scatter.add.f32 [tilespmem:s14], [sflag:$0x4], $0x40, s17, s13, $0xb8;
	[tilespmem:$0x1FE00] =	vst v63  }
0x10c: {  	_ =	swait.ge [sflag:s8], $0xA000  }
0x10d: {  	[sflag:s8] =	ssyncset.done $0x0  }
0x10e: {  	[sflag:s8] =	ssyncadd.s32 $0xFFFF6000  }
0x10f: {  	[tilespmem:s14], [sflag:$0x1] =	stream.indirect.gather [spmem:s2], $0x40, s24, s13, $0xb8;
	[tilespmem:$0x1FE00] =	vst v63  }
0x110: {  	_ =	swait.ge [sflag:s7], $0xA000  }
0x111: {  	[sflag:s7] =	ssyncset.done $0x0  }
0x112: {  	[sflag:s7] =	ssyncadd.s32 $0xFFFF6000  }
0x113: {  	[spmem:s3] =	stream.indirect.scatter.add.f32 [tilespmem:s14], [sflag:$0x4], $0x40, s19, s13, $0xb8;
	[tilespmem:$0x1FE00] =	vst v63  }
0x114: {  	_ =	swait.ge [sflag:s8], $0xA000  }
0x115: {  	[sflag:s8] =	ssyncset.done $0x0  }
0x116: {  	[sflag:s8] =	ssyncadd.s32 $0xFFFF6000  }
0x117: {  	[tilespmem:s14], [sflag:$0x1] =	stream.indirect.gather [spmem:s2], $0x40, s25, s13, $0xb8;
	[tilespmem:$0x1FE00] =	vst v63  }
0x118: {  	_ =	swait.ge [sflag:s7], $0xA000  }
0x119: {  	[sflag:s7] =	ssyncset.done $0x0  }
0x11a: {  	[sflag:s7] =	ssyncadd.s32 $0xFFFF6000  }
0x11b: {  	[spmem:s3] =	stream.indirect.scatter.add.f32 [tilespmem:s14], [sflag:$0x4], $0x40, s21, s13, $0xb8;
	[tilespmem:$0x1FE00] =	vst v63  }
0x11c: {  	_ =	swait.ge [sflag:s8], $0xA000  }
0x11d: {  	[sflag:s8] =	ssyncset.done $0x0  }
0x11e: {  	[sflag:s8] =	ssyncadd.s32 $0xFFFF6000  }
0x11f: {  	_ =	swait.ge [sflag:s22], $0xA00  }
0x120: {  	s0 =	sadd.s32 $0x8C0, s29;
	[sflag:s22] =	ssyncset.done $0x0  }
0x121: {  	s28 =	sadd.s32 s28, s0;
	[sflag:s22] =	ssyncadd.s32 $0xFFFFF600  }
0x122: {  	[tilespmem:s12], [sflag:$0x2] =	stream.linear.gather [hbm4b:s28+s4], $0xA00, $0x38;
	[tilespmem:$0x1FE00] =	vst v63  }
0x123: {  	_ = 	snop  }
0x124: {  	[tilespmem:s14], [sflag:$0x1] =	stream.indirect.gather [spmem:s2], $0x40, s4, s13, $0xb8;
	[tilespmem:$0x1FE00] =	vst v63  }
0x125: {  	s29 =	sadd.s32 s30, s1  }
0x126: {  	[tilespmem:s15], [sflag:$0x3] =	stream.linear.gather [hbm4b:s29+s4], $0xA00, $0x38;
	[tilespmem:$0x1FE00] =	vst v63  }
0x127: {  	_ =	swait.ge [sflag:s7], $0xA000  }
0x128: {  	[sflag:s7] =	ssyncset.done $0x0  }
0x129: {  	[sflag:s7] =	ssyncadd.s32 $0xFFFF6000  }
0x12a: {  	_ =	swait.ge [sflag:s16], $0xA00  }
0x12b: {  	[sflag:s16] =	ssyncset.done $0x0  }
0x12c: {  	[sflag:s16] =	ssyncadd.s32 $0xFFFFF600  }
0x12d: {  	[spmem:s3] =	stream.indirect.scatter.add.f32 [tilespmem:s14], [sflag:$0x4], $0x40, s15, s13, $0xb8;
	[tilespmem:$0x1FE00] =	vst v63  }
0x12e: {  	_ =	swait.ge [sflag:s8], $0xA000  }
0x12f: {  	[sflag:s8] =	ssyncset.done $0x0  }
0x130: {  	[sflag:s8] =	ssyncadd.s32 $0xFFFF6000  }
0x131: {  	[tilespmem:s14], [sflag:$0x1] =	stream.indirect.gather [spmem:s2], $0x40, s13, s13, $0xb8;
	[tilespmem:$0x1FE00] =	vst v63  }
0x132: {  	_ =	swait.ge [sflag:s7], $0xA000  }
0x133: {  	[sflag:s7] =	ssyncset.done $0x0  }
0x134: {  	[sflag:s7] =	ssyncadd.s32 $0xFFFF6000  }
0x135: {  	[spmem:s3] =	stream.indirect.scatter.add.f32 [tilespmem:s14], [sflag:$0x4], $0x40, s17, s13, $0xb8;
	[tilespmem:$0x1FE00] =	vst v63  }
0x136: {  	_ =	swait.ge [sflag:s8], $0xA000  }
0x137: {  	[sflag:s8] =	ssyncset.done $0x0  }
0x138: {  	[sflag:s8] =	ssyncadd.s32 $0xFFFF6000  }
0x139: {  	[tilespmem:s14], [sflag:$0x1] =	stream.indirect.gather [spmem:s2], $0x40, s18, s13, $0xb8;
	[tilespmem:$0x1FE00] =	vst v63  }
0x13a: {  	_ =	swait.ge [sflag:s7], $0xA000  }
0x13b: {  	[sflag:s7] =	ssyncset.done $0x0  }
0x13c: {  	[sflag:s7] =	ssyncadd.s32 $0xFFFF6000  }
0x13d: {  	[spmem:s3] =	stream.indirect.scatter.add.f32 [tilespmem:s14], [sflag:$0x4], $0x40, s19, s13, $0xb8;
	[tilespmem:$0x1FE00] =	vst v63  }
0x13e: {  	_ =	swait.ge [sflag:s8], $0xA000  }
0x13f: {  	[sflag:s8] =	ssyncset.done $0x0  }
0x140: {  	[sflag:s8] =	ssyncadd.s32 $0xFFFF6000  }
0x141: {  	[tilespmem:s14], [sflag:$0x1] =	stream.indirect.gather [spmem:s2], $0x40, s20, s13, $0xb8;
	[tilespmem:$0x1FE00] =	vst v63  }
0x142: {  	_ =	swait.ge [sflag:s7], $0xA000  }
0x143: {  	[sflag:s7] =	ssyncset.done $0x0  }
0x144: {  	[sflag:s7] =	ssyncadd.s32 $0xFFFF6000  }
0x145: {  	[spmem:s3] =	stream.indirect.scatter.add.f32 [tilespmem:s14], [sflag:$0x4], $0x40, s21, s13, $0xb8;
	[tilespmem:$0x1FE00] =	vst v63  }
0x146: {  	_ =	swait.ge [sflag:s8], $0xA000  }
0x147: {  	[sflag:s8] =	ssyncset.done $0x0  }
0x148: {  	[sflag:s8] =	ssyncadd.s32 $0xFFFF6000  }
0x149: {  	_ =	swait.ge [sflag:s22], $0xA00  }
0x14a: {  	[sflag:s22] =	ssyncset.done $0x0  }
0x14b: {  	[sflag:s22] =	ssyncadd.s32 $0xFFFFF600  }
0x14c: {  	[tilespmem:s14], [sflag:$0x1] =	stream.indirect.gather [spmem:s2], $0x40, s12, s13, $0xb8;
	[tilespmem:$0x1FE00] =	vst v63  }
0x14d: {  	s30 =	sadd.s32 s30, s0  }
0x14e: {  	[tilespmem:s15], [sflag:$0x3] =	stream.linear.gather [hbm4b:s30+s4], $0xA00, $0x38;
	[tilespmem:$0x1FE00] =	vst v63  }
0x14f: {  	_ =	swait.ge [sflag:s7], $0xA000  }
0x150: {  	[sflag:s7] =	ssyncset.done $0x0  }
0x151: {  	[sflag:s7] =	ssyncadd.s32 $0xFFFF6000  }
0x152: {  	_ =	swait.ge [sflag:s16], $0xA00  }
0x153: {  	[sflag:s16] =	ssyncset.done $0x0  }
0x154: {  	[sflag:s16] =	ssyncadd.s32 $0xFFFFF600  }
0x155: {  	[spmem:s3] =	stream.indirect.scatter.add.f32 [tilespmem:s14], [sflag:$0x4], $0x40, s15, s13, $0xb8;
	[tilespmem:$0x1FE00] =	vst v63  }
0x156: {  	_ =	swait.ge [sflag:s8], $0xA000  }
0x157: {  	[sflag:s8] =	ssyncset.done $0x0  }
0x158: {  	[sflag:s8] =	ssyncadd.s32 $0xFFFF6000  }
0x159: {  	[tilespmem:s14], [sflag:$0x1] =	stream.indirect.gather [spmem:s2], $0x40, s23, s13, $0xb8;
	[tilespmem:$0x1FE00] =	vst v63  }
0x15a: {  	_ =	swait.ge [sflag:s7], $0xA000  }
0x15b: {  	[sflag:s7] =	ssyncset.done $0x0  }
0x15c: {  	[sflag:s7] =	ssyncadd.s32 $0xFFFF6000  }
0x15d: {  	[spmem:s3] =	stream.indirect.scatter.add.f32 [tilespmem:s14], [sflag:$0x4], $0x40, s17, s13, $0xb8;
	[tilespmem:$0x1FE00] =	vst v63  }
0x15e: {  	_ =	swait.ge [sflag:s8], $0xA000  }
0x15f: {  	[sflag:s8] =	ssyncset.done $0x0  }
0x160: {  	[sflag:s8] =	ssyncadd.s32 $0xFFFF6000  }
0x161: {  	[tilespmem:s14], [sflag:$0x1] =	stream.indirect.gather [spmem:s2], $0x40, s24, s13, $0xb8;
	[tilespmem:$0x1FE00] =	vst v63  }
0x162: {  	_ =	swait.ge [sflag:s7], $0xA000  }
0x163: {  	[sflag:s7] =	ssyncset.done $0x0  }
0x164: {  	[sflag:s7] =	ssyncadd.s32 $0xFFFF6000  }
0x165: {  	[spmem:s3] =	stream.indirect.scatter.add.f32 [tilespmem:s14], [sflag:$0x4], $0x40, s19, s13, $0xb8;
	[tilespmem:$0x1FE00] =	vst v63  }
0x166: {  	_ =	swait.ge [sflag:s8], $0xA000  }
0x167: {  	[sflag:s8] =	ssyncset.done $0x0  }
0x168: {  	[sflag:s8] =	ssyncadd.s32 $0xFFFF6000  }
0x169: {  	[tilespmem:s14], [sflag:$0x1] =	stream.indirect.gather [spmem:s2], $0x40, s25, s13, $0xb8;
	[tilespmem:$0x1FE00] =	vst v63  }
0x16a: {  	_ =	swait.ge [sflag:s7], $0xA000  }
0x16b: {  	[sflag:s7] =	ssyncset.done $0x0;
	s1 =	rddreg [dreg:$0x13]  }
0x16c: {  	[sflag:s7] =	ssyncadd.s32 $0xFFFF6000;
	s0 =	smul.u32 $0xA0000, s1  }
0x16d: {  	[spmem:s3] =	stream.indirect.scatter.add.f32 [tilespmem:s14], [sflag:$0x4], $0x40, s21, s13, $0xb8;
	[tilespmem:$0x1FE00] =	vst v63  }
0x16e: {  	s0 =	sadd.s32 s31, s0  }
0x16f: {  	s1 =	ssub.s32 $0x2, s1;
	s0 =	sshrl.u32 s0, $0x3  }
0x170: {  	_ =	swait.ge [sflag:s8], $0xA000;
	[dreg:$0x14] =	wrdreg s0;
	s0 =	sshrl.u32 s1, $0x1  }
0x171: {  	[sflag:s8] =	ssyncset.done $0x0;
	[dreg:$0x15] =	wrdreg s0  }
0x172: {  	s0 =	rddreg [dreg:$0x0]  }
0x173: {  	s31 =	rddreg [dreg:$0x14]  }
0x174: {  	s0 =	sadd.s32 s31, s0;
	s31 =	rddreg [dreg:$0x15]  }
0x175: {  	s1 =	ssub.s32 s1, s31  }
0x176: {  	s1 =	smax.u32 s1, $0x1  }
0x177: {  	p0 =	sne.s32 s1, $0x1  }
.Ltmp0:
0x178: {  	_ = 	snop;
	(pc) =	sbr.rel @!p0 .LBB2_2-.Ltmp0, $4  }
0x179: {  	[sflag:s8] =	ssyncadd.s32 $0xFFFF6000  }
0x17a: {  	[bflag:$0x0] =	sbarrier.arrive $0xFFFF;
	s31 =	sadd.s32 $0x35800, s0  }
0x17b: {  	[hbm:s31], [sflag:s5] =	dma.local [spmem:s11], $0x1400  }
0x17c: {  	s1 =	sadd.s32 $0xFFFFFFFF, s1;
	_ =	swait.ge [sflag:s8], $0x1400  }
.LBB2_1:
0x17d: {  	[sflag:s8] =	ssyncset.done $0x0  }
0x17e: {  	s0 =	rddreg [dreg:$0x6];
	[sflag:s8] =	ssyncadd.s32 $0xFFFFEC00  }
0x17f: {  	[spmem:s6@s9], [sflag:s5] =	dma.strided [hbm:s0@s10], $0x1400, s7, $0x8   }
0x180: {  	_ =	swait.ge [sflag:s8], $0x1400  }
0x181: {  	[sflag:s8] =	ssyncset.done $0x0  }
0x182: {  	s0 =	rddreg [dreg:$0x5];
	[sflag:s8] =	ssyncadd.s32 $0xFFFFEC00  }
0x183: {  	[spmem:s11], [sflag:s5] =	dma.local [hbm:s0], $0x1400  }
0x184: {  	_ =	swait.ge [sflag:s8], $0x1400  }
0x185: {  	[sflag:s8] =	ssyncset.done $0x0  }
0x186: {  	[sflag:s8] =	ssyncadd.s32 $0xFFFFEC00  }
0x187: {  	[bflag:$0x0] =	sbarrier.arrive $0xFFFF  }
0x188: {  	s0 =	rddreg [dreg:$0x7]  }
0x189: {  	[tilespmem:s4], [sflag:$0x4] =	stream.linear.gather [hbm4b:s0+s4], $0xA00, $0x38;
	[tilespmem:$0x1FE00] =	vst v63  }
0x18a: {  	_ =	swait.ge [sflag:s8], $0xA00  }
0x18b: {  	[sflag:s8] =	ssyncset.done $0x0  }
0x18c: {  	s0 =	rddreg [dreg:$0x8];
	[sflag:s8] =	ssyncadd.s32 $0xFFFFF600  }
0x18d: {  	[tilespmem:s12], [sflag:$0x2] =	stream.linear.gather [hbm4b:s0+s4], $0xA00, $0x38;
	[tilespmem:$0x1FE00] =	vst v63  }
0x18e: {  	_ = 	snop  }
0x18f: {  	[tilespmem:s14], [sflag:$0x1] =	stream.indirect.gather [spmem:s2], $0x40, s4, s13, $0xb8;
	[tilespmem:$0x1FE00] =	vst v63  }
0x190: {  	s0 =	rddreg [dreg:$0x9]  }
0x191: {  	[tilespmem:s15], [sflag:$0x3] =	stream.linear.gather [hbm4b:s0+s4], $0xA00, $0x38;
	[tilespmem:$0x1FE00] =	vst v63  }
0x192: {  	_ =	swait.ge [sflag:s7], $0xA000  }
0x193: {  	[sflag:s7] =	ssyncset.done $0x0  }
0x194: {  	[sflag:s7] =	ssyncadd.s32 $0xFFFF6000  }
0x195: {  	_ =	swait.ge [sflag:s16], $0xA00  }
0x196: {  	[sflag:s16] =	ssyncset.done $0x0  }
0x197: {  	[sflag:s16] =	ssyncadd.s32 $0xFFFFF600  }
0x198: {  	[spmem:s3] =	stream.indirect.scatter.add.f32 [tilespmem:s14], [sflag:$0x4], $0x40, s15, s13, $0xb8;
	[tilespmem:$0x1FE00] =	vst v63  }
0x199: {  	_ =	swait.ge [sflag:s8], $0xA000  }
0x19a: {  	[sflag:s8] =	ssyncset.done $0x0  }
0x19b: {  	[sflag:s8] =	ssyncadd.s32 $0xFFFF6000  }
0x19c: {  	[tilespmem:s14], [sflag:$0x1] =	stream.indirect.gather [spmem:s2], $0x40, s13, s13, $0xb8;
	[tilespmem:$0x1FE00] =	vst v63  }
0x19d: {  	_ =	swait.ge [sflag:s7], $0xA000  }
0x19e: {  	[sflag:s7] =	ssyncset.done $0x0  }
0x19f: {  	[sflag:s7] =	ssyncadd.s32 $0xFFFF6000  }
0x1a0: {  	[spmem:s3] =	stream.indirect.scatter.add.f32 [tilespmem:s14], [sflag:$0x4], $0x40, s17, s13, $0xb8;
	[tilespmem:$0x1FE00] =	vst v63  }
0x1a1: {  	_ =	swait.ge [sflag:s8], $0xA000  }
0x1a2: {  	[sflag:s8] =	ssyncset.done $0x0  }
0x1a3: {  	[sflag:s8] =	ssyncadd.s32 $0xFFFF6000  }
0x1a4: {  	[tilespmem:s14], [sflag:$0x1] =	stream.indirect.gather [spmem:s2], $0x40, s18, s13, $0xb8;
	[tilespmem:$0x1FE00] =	vst v63  }
0x1a5: {  	_ =	swait.ge [sflag:s7], $0xA000  }
0x1a6: {  	[sflag:s7] =	ssyncset.done $0x0  }
0x1a7: {  	[sflag:s7] =	ssyncadd.s32 $0xFFFF6000  }
0x1a8: {  	[spmem:s3] =	stream.indirect.scatter.add.f32 [tilespmem:s14], [sflag:$0x4], $0x40, s19, s13, $0xb8;
	[tilespmem:$0x1FE00] =	vst v63  }
0x1a9: {  	_ =	swait.ge [sflag:s8], $0xA000  }
0x1aa: {  	[sflag:s8] =	ssyncset.done $0x0  }
0x1ab: {  	[sflag:s8] =	ssyncadd.s32 $0xFFFF6000  }
0x1ac: {  	[tilespmem:s14], [sflag:$0x1] =	stream.indirect.gather [spmem:s2], $0x40, s20, s13, $0xb8;
	[tilespmem:$0x1FE00] =	vst v63  }
0x1ad: {  	_ =	swait.ge [sflag:s7], $0xA000  }
0x1ae: {  	[sflag:s7] =	ssyncset.done $0x0  }
0x1af: {  	[sflag:s7] =	ssyncadd.s32 $0xFFFF6000  }
0x1b0: {  	[spmem:s3] =	stream.indirect.scatter.add.f32 [tilespmem:s14], [sflag:$0x4], $0x40, s21, s13, $0xb8;
	[tilespmem:$0x1FE00] =	vst v63  }
0x1b1: {  	_ =	swait.ge [sflag:s8], $0xA000  }
0x1b2: {  	[sflag:s8] =	ssyncset.done $0x0  }
0x1b3: {  	[sflag:s8] =	ssyncadd.s32 $0xFFFF6000  }
0x1b4: {  	_ =	swait.ge [sflag:s22], $0xA00  }
0x1b5: {  	[sflag:s22] =	ssyncset.done $0x0  }
0x1b6: {  	s0 =	rddreg [dreg:$0xa];
	[sflag:s22] =	ssyncadd.s32 $0xFFFFF600  }
0x1b7: {  	[tilespmem:s4], [sflag:$0x2] =	stream.linear.gather [hbm4b:s0+s4], $0xA00, $0x38;
	[tilespmem:$0x1FE00] =	vst v63  }
0x1b8: {  	_ = 	snop  }
0x1b9: {  	[tilespmem:s14], [sflag:$0x1] =	stream.indirect.gather [spmem:s2], $0x40, s12, s13, $0xb8;
	[tilespmem:$0x1FE00] =	vst v63  }
0x1ba: {  	s0 =	rddreg [dreg:$0xb]  }
0x1bb: {  	[tilespmem:s15], [sflag:$0x3] =	stream.linear.gather [hbm4b:s0+s4], $0xA00, $0x38;
	[tilespmem:$0x1FE00] =	vst v63  }
0x1bc: {  	_ =	swait.ge [sflag:s7], $0xA000  }
0x1bd: {  	[sflag:s7] =	ssyncset.done $0x0  }
0x1be: {  	[sflag:s7] =	ssyncadd.s32 $0xFFFF6000  }
0x1bf: {  	_ =	swait.ge [sflag:s16], $0xA00  }
0x1c0: {  	[sflag:s16] =	ssyncset.done $0x0  }
0x1c1: {  	[sflag:s16] =	ssyncadd.s32 $0xFFFFF600  }
0x1c2: {  	[spmem:s3] =	stream.indirect.scatter.add.f32 [tilespmem:s14], [sflag:$0x4], $0x40, s15, s13, $0xb8;
	[tilespmem:$0x1FE00] =	vst v63  }
0x1c3: {  	_ =	swait.ge [sflag:s8], $0xA000  }
0x1c4: {  	[sflag:s8] =	ssyncset.done $0x0  }
0x1c5: {  	[sflag:s8] =	ssyncadd.s32 $0xFFFF6000  }
0x1c6: {  	[tilespmem:s14], [sflag:$0x1] =	stream.indirect.gather [spmem:s2], $0x40, s23, s13, $0xb8;
	[tilespmem:$0x1FE00] =	vst v63  }
0x1c7: {  	_ =	swait.ge [sflag:s7], $0xA000  }
0x1c8: {  	[sflag:s7] =	ssyncset.done $0x0  }
0x1c9: {  	[sflag:s7] =	ssyncadd.s32 $0xFFFF6000  }
0x1ca: {  	[spmem:s3] =	stream.indirect.scatter.add.f32 [tilespmem:s14], [sflag:$0x4], $0x40, s17, s13, $0xb8;
	[tilespmem:$0x1FE00] =	vst v63  }
0x1cb: {  	_ =	swait.ge [sflag:s8], $0xA000  }
0x1cc: {  	[sflag:s8] =	ssyncset.done $0x0  }
0x1cd: {  	[sflag:s8] =	ssyncadd.s32 $0xFFFF6000  }
0x1ce: {  	[tilespmem:s14], [sflag:$0x1] =	stream.indirect.gather [spmem:s2], $0x40, s24, s13, $0xb8;
	[tilespmem:$0x1FE00] =	vst v63  }
0x1cf: {  	_ =	swait.ge [sflag:s7], $0xA000  }
0x1d0: {  	[sflag:s7] =	ssyncset.done $0x0  }
0x1d1: {  	[sflag:s7] =	ssyncadd.s32 $0xFFFF6000  }
0x1d2: {  	[spmem:s3] =	stream.indirect.scatter.add.f32 [tilespmem:s14], [sflag:$0x4], $0x40, s19, s13, $0xb8;
	[tilespmem:$0x1FE00] =	vst v63  }
0x1d3: {  	_ =	swait.ge [sflag:s8], $0xA000  }
0x1d4: {  	[sflag:s8] =	ssyncset.done $0x0  }
0x1d5: {  	[sflag:s8] =	ssyncadd.s32 $0xFFFF6000  }
0x1d6: {  	[tilespmem:s14], [sflag:$0x1] =	stream.indirect.gather [spmem:s2], $0x40, s25, s13, $0xb8;
	[tilespmem:$0x1FE00] =	vst v63  }
0x1d7: {  	_ =	swait.ge [sflag:s7], $0xA000  }
0x1d8: {  	[sflag:s7] =	ssyncset.done $0x0  }
0x1d9: {  	[sflag:s7] =	ssyncadd.s32 $0xFFFF6000  }
0x1da: {  	[spmem:s3] =	stream.indirect.scatter.add.f32 [tilespmem:s14], [sflag:$0x4], $0x40, s21, s13, $0xb8;
	[tilespmem:$0x1FE00] =	vst v63  }
0x1db: {  	_ =	swait.ge [sflag:s8], $0xA000  }
0x1dc: {  	[sflag:s8] =	ssyncset.done $0x0  }
0x1dd: {  	[sflag:s8] =	ssyncadd.s32 $0xFFFF6000  }
0x1de: {  	_ =	swait.ge [sflag:s22], $0xA00  }
0x1df: {  	[sflag:s22] =	ssyncset.done $0x0  }
0x1e0: {  	s0 =	rddreg [dreg:$0xc];
	[sflag:s22] =	ssyncadd.s32 $0xFFFFF600  }
0x1e1: {  	[tilespmem:s12], [sflag:$0x2] =	stream.linear.gather [hbm4b:s0+s4], $0xA00, $0x38;
	[tilespmem:$0x1FE00] =	vst v63  }
0x1e2: {  	_ = 	snop  }
0x1e3: {  	[tilespmem:s14], [sflag:$0x1] =	stream.indirect.gather [spmem:s2], $0x40, s4, s13, $0xb8;
	[tilespmem:$0x1FE00] =	vst v63  }
0x1e4: {  	s0 =	rddreg [dreg:$0xd]  }
0x1e5: {  	[tilespmem:s15], [sflag:$0x3] =	stream.linear.gather [hbm4b:s0+s4], $0xA00, $0x38;
	[tilespmem:$0x1FE00] =	vst v63  }
0x1e6: {  	_ =	swait.ge [sflag:s7], $0xA000  }
0x1e7: {  	[sflag:s7] =	ssyncset.done $0x0  }
0x1e8: {  	[sflag:s7] =	ssyncadd.s32 $0xFFFF6000  }
0x1e9: {  	_ =	swait.ge [sflag:s16], $0xA00  }
0x1ea: {  	[sflag:s16] =	ssyncset.done $0x0  }
0x1eb: {  	[sflag:s16] =	ssyncadd.s32 $0xFFFFF600  }
0x1ec: {  	[spmem:s3] =	stream.indirect.scatter.add.f32 [tilespmem:s14], [sflag:$0x4], $0x40, s15, s13, $0xb8;
	[tilespmem:$0x1FE00] =	vst v63  }
0x1ed: {  	_ =	swait.ge [sflag:s8], $0xA000  }
0x1ee: {  	[sflag:s8] =	ssyncset.done $0x0  }
0x1ef: {  	[sflag:s8] =	ssyncadd.s32 $0xFFFF6000  }
0x1f0: {  	[tilespmem:s14], [sflag:$0x1] =	stream.indirect.gather [spmem:s2], $0x40, s13, s13, $0xb8;
	[tilespmem:$0x1FE00] =	vst v63  }
0x1f1: {  	_ =	swait.ge [sflag:s7], $0xA000  }
0x1f2: {  	[sflag:s7] =	ssyncset.done $0x0  }
0x1f3: {  	[sflag:s7] =	ssyncadd.s32 $0xFFFF6000  }
0x1f4: {  	[spmem:s3] =	stream.indirect.scatter.add.f32 [tilespmem:s14], [sflag:$0x4], $0x40, s17, s13, $0xb8;
	[tilespmem:$0x1FE00] =	vst v63  }
0x1f5: {  	_ =	swait.ge [sflag:s8], $0xA000  }
0x1f6: {  	[sflag:s8] =	ssyncset.done $0x0  }
0x1f7: {  	[sflag:s8] =	ssyncadd.s32 $0xFFFF6000  }
0x1f8: {  	[tilespmem:s14], [sflag:$0x1] =	stream.indirect.gather [spmem:s2], $0x40, s18, s13, $0xb8;
	[tilespmem:$0x1FE00] =	vst v63  }
0x1f9: {  	_ =	swait.ge [sflag:s7], $0xA000  }
0x1fa: {  	[sflag:s7] =	ssyncset.done $0x0  }
0x1fb: {  	[sflag:s7] =	ssyncadd.s32 $0xFFFF6000  }
0x1fc: {  	[spmem:s3] =	stream.indirect.scatter.add.f32 [tilespmem:s14], [sflag:$0x4], $0x40, s19, s13, $0xb8;
	[tilespmem:$0x1FE00] =	vst v63  }
0x1fd: {  	_ =	swait.ge [sflag:s8], $0xA000  }
0x1fe: {  	[sflag:s8] =	ssyncset.done $0x0  }
0x1ff: {  	[sflag:s8] =	ssyncadd.s32 $0xFFFF6000  }
0x200: {  	[tilespmem:s14], [sflag:$0x1] =	stream.indirect.gather [spmem:s2], $0x40, s20, s13, $0xb8;
	[tilespmem:$0x1FE00] =	vst v63  }
0x201: {  	_ =	swait.ge [sflag:s7], $0xA000  }
0x202: {  	[sflag:s7] =	ssyncset.done $0x0  }
0x203: {  	[sflag:s7] =	ssyncadd.s32 $0xFFFF6000  }
0x204: {  	[spmem:s3] =	stream.indirect.scatter.add.f32 [tilespmem:s14], [sflag:$0x4], $0x40, s21, s13, $0xb8;
	[tilespmem:$0x1FE00] =	vst v63  }
0x205: {  	_ =	swait.ge [sflag:s8], $0xA000  }
0x206: {  	[sflag:s8] =	ssyncset.done $0x0  }
0x207: {  	[sflag:s8] =	ssyncadd.s32 $0xFFFF6000  }
0x208: {  	_ =	swait.ge [sflag:s22], $0xA00  }
0x209: {  	[sflag:s22] =	ssyncset.done $0x0  }
0x20a: {  	s0 =	rddreg [dreg:$0xe];
	[sflag:s22] =	ssyncadd.s32 $0xFFFFF600  }
0x20b: {  	[tilespmem:s4], [sflag:$0x2] =	stream.linear.gather [hbm4b:s0+s4], $0xA00, $0x38;
	[tilespmem:$0x1FE00] =	vst v63  }
0x20c: {  	_ = 	snop  }
0x20d: {  	[tilespmem:s14], [sflag:$0x1] =	stream.indirect.gather [spmem:s2], $0x40, s12, s13, $0xb8;
	[tilespmem:$0x1FE00] =	vst v63  }
0x20e: {  	s0 =	rddreg [dreg:$0xf]  }
0x20f: {  	[tilespmem:s15], [sflag:$0x3] =	stream.linear.gather [hbm4b:s0+s4], $0xA00, $0x38;
	[tilespmem:$0x1FE00] =	vst v63  }
0x210: {  	_ =	swait.ge [sflag:s7], $0xA000  }
0x211: {  	[sflag:s7] =	ssyncset.done $0x0  }
0x212: {  	[sflag:s7] =	ssyncadd.s32 $0xFFFF6000  }
0x213: {  	_ =	swait.ge [sflag:s16], $0xA00  }
0x214: {  	[sflag:s16] =	ssyncset.done $0x0  }
0x215: {  	[sflag:s16] =	ssyncadd.s32 $0xFFFFF600  }
0x216: {  	[spmem:s3] =	stream.indirect.scatter.add.f32 [tilespmem:s14], [sflag:$0x4], $0x40, s15, s13, $0xb8;
	[tilespmem:$0x1FE00] =	vst v63  }
0x217: {  	_ =	swait.ge [sflag:s8], $0xA000  }
0x218: {  	[sflag:s8] =	ssyncset.done $0x0  }
0x219: {  	[sflag:s8] =	ssyncadd.s32 $0xFFFF6000  }
0x21a: {  	[tilespmem:s14], [sflag:$0x1] =	stream.indirect.gather [spmem:s2], $0x40, s23, s13, $0xb8;
	[tilespmem:$0x1FE00] =	vst v63  }
0x21b: {  	_ =	swait.ge [sflag:s7], $0xA000  }
0x21c: {  	[sflag:s7] =	ssyncset.done $0x0  }
0x21d: {  	[sflag:s7] =	ssyncadd.s32 $0xFFFF6000  }
0x21e: {  	[spmem:s3] =	stream.indirect.scatter.add.f32 [tilespmem:s14], [sflag:$0x4], $0x40, s17, s13, $0xb8;
	[tilespmem:$0x1FE00] =	vst v63  }
0x21f: {  	_ =	swait.ge [sflag:s8], $0xA000  }
0x220: {  	[sflag:s8] =	ssyncset.done $0x0  }
0x221: {  	[sflag:s8] =	ssyncadd.s32 $0xFFFF6000  }
0x222: {  	[tilespmem:s14], [sflag:$0x1] =	stream.indirect.gather [spmem:s2], $0x40, s24, s13, $0xb8;
	[tilespmem:$0x1FE00] =	vst v63  }
0x223: {  	_ =	swait.ge [sflag:s7], $0xA000  }
0x224: {  	[sflag:s7] =	ssyncset.done $0x0  }
0x225: {  	[sflag:s7] =	ssyncadd.s32 $0xFFFF6000  }
0x226: {  	[spmem:s3] =	stream.indirect.scatter.add.f32 [tilespmem:s14], [sflag:$0x4], $0x40, s19, s13, $0xb8;
	[tilespmem:$0x1FE00] =	vst v63  }
0x227: {  	_ =	swait.ge [sflag:s8], $0xA000  }
0x228: {  	[sflag:s8] =	ssyncset.done $0x0  }
0x229: {  	[sflag:s8] =	ssyncadd.s32 $0xFFFF6000  }
0x22a: {  	[tilespmem:s14], [sflag:$0x1] =	stream.indirect.gather [spmem:s2], $0x40, s25, s13, $0xb8;
	[tilespmem:$0x1FE00] =	vst v63  }
0x22b: {  	_ =	swait.ge [sflag:s7], $0xA000  }
0x22c: {  	[sflag:s7] =	ssyncset.done $0x0  }
0x22d: {  	[sflag:s7] =	ssyncadd.s32 $0xFFFF6000  }
0x22e: {  	[spmem:s3] =	stream.indirect.scatter.add.f32 [tilespmem:s14], [sflag:$0x4], $0x40, s21, s13, $0xb8;
	[tilespmem:$0x1FE00] =	vst v63  }
0x22f: {  	_ =	swait.ge [sflag:s8], $0xA000  }
0x230: {  	[sflag:s8] =	ssyncset.done $0x0  }
0x231: {  	[sflag:s8] =	ssyncadd.s32 $0xFFFF6000  }
0x232: {  	_ =	swait.ge [sflag:s22], $0xA00  }
0x233: {  	[sflag:s22] =	ssyncset.done $0x0  }
0x234: {  	s0 =	rddreg [dreg:$0x10];
	[sflag:s22] =	ssyncadd.s32 $0xFFFFF600  }
0x235: {  	[tilespmem:s12], [sflag:$0x2] =	stream.linear.gather [hbm4b:s0+s4], $0xA00, $0x38;
	[tilespmem:$0x1FE00] =	vst v63  }
0x236: {  	_ = 	snop  }
0x237: {  	[tilespmem:s14], [sflag:$0x1] =	stream.indirect.gather [spmem:s2], $0x40, s4, s13, $0xb8;
	[tilespmem:$0x1FE00] =	vst v63  }
0x238: {  	s0 =	rddreg [dreg:$0x11]  }
0x239: {  	[tilespmem:s15], [sflag:$0x3] =	stream.linear.gather [hbm4b:s0+s4], $0xA00, $0x38;
	[tilespmem:$0x1FE00] =	vst v63  }
0x23a: {  	_ =	swait.ge [sflag:s7], $0xA000  }
0x23b: {  	[sflag:s7] =	ssyncset.done $0x0  }
0x23c: {  	[sflag:s7] =	ssyncadd.s32 $0xFFFF6000  }
0x23d: {  	_ =	swait.ge [sflag:s16], $0xA00  }
0x23e: {  	[sflag:s16] =	ssyncset.done $0x0  }
0x23f: {  	[sflag:s16] =	ssyncadd.s32 $0xFFFFF600  }
0x240: {  	[spmem:s3] =	stream.indirect.scatter.add.f32 [tilespmem:s14], [sflag:$0x4], $0x40, s15, s13, $0xb8;
	[tilespmem:$0x1FE00] =	vst v63  }
0x241: {  	_ =	swait.ge [sflag:s8], $0xA000  }
0x242: {  	[sflag:s8] =	ssyncset.done $0x0  }
0x243: {  	[sflag:s8] =	ssyncadd.s32 $0xFFFF6000  }
0x244: {  	[tilespmem:s14], [sflag:$0x1] =	stream.indirect.gather [spmem:s2], $0x40, s13, s13, $0xb8;
	[tilespmem:$0x1FE00] =	vst v63  }
0x245: {  	_ =	swait.ge [sflag:s7], $0xA000  }
0x246: {  	[sflag:s7] =	ssyncset.done $0x0  }
0x247: {  	[sflag:s7] =	ssyncadd.s32 $0xFFFF6000  }
0x248: {  	[spmem:s3] =	stream.indirect.scatter.add.f32 [tilespmem:s14], [sflag:$0x4], $0x40, s17, s13, $0xb8;
	[tilespmem:$0x1FE00] =	vst v63  }
0x249: {  	_ =	swait.ge [sflag:s8], $0xA000  }
0x24a: {  	[sflag:s8] =	ssyncset.done $0x0  }
0x24b: {  	[sflag:s8] =	ssyncadd.s32 $0xFFFF6000  }
0x24c: {  	[tilespmem:s14], [sflag:$0x1] =	stream.indirect.gather [spmem:s2], $0x40, s18, s13, $0xb8;
	[tilespmem:$0x1FE00] =	vst v63  }
0x24d: {  	_ =	swait.ge [sflag:s7], $0xA000  }
0x24e: {  	[sflag:s7] =	ssyncset.done $0x0  }
0x24f: {  	[sflag:s7] =	ssyncadd.s32 $0xFFFF6000  }
0x250: {  	[spmem:s3] =	stream.indirect.scatter.add.f32 [tilespmem:s14], [sflag:$0x4], $0x40, s19, s13, $0xb8;
	[tilespmem:$0x1FE00] =	vst v63  }
0x251: {  	_ =	swait.ge [sflag:s8], $0xA000  }
0x252: {  	[sflag:s8] =	ssyncset.done $0x0  }
0x253: {  	[sflag:s8] =	ssyncadd.s32 $0xFFFF6000  }
0x254: {  	[tilespmem:s14], [sflag:$0x1] =	stream.indirect.gather [spmem:s2], $0x40, s20, s13, $0xb8;
	[tilespmem:$0x1FE00] =	vst v63  }
0x255: {  	_ =	swait.ge [sflag:s7], $0xA000  }
0x256: {  	[sflag:s7] =	ssyncset.done $0x0  }
0x257: {  	[sflag:s7] =	ssyncadd.s32 $0xFFFF6000  }
0x258: {  	[spmem:s3] =	stream.indirect.scatter.add.f32 [tilespmem:s14], [sflag:$0x4], $0x40, s21, s13, $0xb8;
	[tilespmem:$0x1FE00] =	vst v63  }
0x259: {  	_ =	swait.ge [sflag:s8], $0xA000  }
0x25a: {  	[sflag:s8] =	ssyncset.done $0x0  }
0x25b: {  	[sflag:s8] =	ssyncadd.s32 $0xFFFF6000  }
0x25c: {  	_ =	swait.ge [sflag:s22], $0xA00  }
0x25d: {  	[sflag:s22] =	ssyncset.done $0x0  }
0x25e: {  	s0 =	rddreg [dreg:$0x12];
	[sflag:s22] =	ssyncadd.s32 $0xFFFFF600  }
0x25f: {  	[tilespmem:s4], [sflag:$0x2] =	stream.linear.gather [hbm4b:s0+s4], $0xA00, $0x38;
	[tilespmem:$0x1FE00] =	vst v63  }
0x260: {  	_ = 	snop  }
0x261: {  	[tilespmem:s14], [sflag:$0x1] =	stream.indirect.gather [spmem:s2], $0x40, s12, s13, $0xb8;
	[tilespmem:$0x1FE00] =	vst v63  }
0x262: {  	_ = 	snop  }
0x263: {  	[tilespmem:s15], [sflag:$0x3] =	stream.linear.gather [hbm4b:s26+s4], $0xA00, $0x38;
	[tilespmem:$0x1FE00] =	vst v63  }
0x264: {  	_ =	swait.ge [sflag:s7], $0xA000  }
0x265: {  	[sflag:s7] =	ssyncset.done $0x0  }
0x266: {  	[sflag:s7] =	ssyncadd.s32 $0xFFFF6000  }
0x267: {  	_ =	swait.ge [sflag:s16], $0xA00  }
0x268: {  	[sflag:s16] =	ssyncset.done $0x0  }
0x269: {  	[sflag:s16] =	ssyncadd.s32 $0xFFFFF600  }
0x26a: {  	[spmem:s3] =	stream.indirect.scatter.add.f32 [tilespmem:s14], [sflag:$0x4], $0x40, s15, s13, $0xb8;
	[tilespmem:$0x1FE00] =	vst v63  }
0x26b: {  	_ =	swait.ge [sflag:s8], $0xA000  }
0x26c: {  	[sflag:s8] =	ssyncset.done $0x0  }
0x26d: {  	[sflag:s8] =	ssyncadd.s32 $0xFFFF6000  }
0x26e: {  	[tilespmem:s14], [sflag:$0x1] =	stream.indirect.gather [spmem:s2], $0x40, s23, s13, $0xb8;
	[tilespmem:$0x1FE00] =	vst v63  }
0x26f: {  	_ =	swait.ge [sflag:s7], $0xA000  }
0x270: {  	[sflag:s7] =	ssyncset.done $0x0  }
0x271: {  	[sflag:s7] =	ssyncadd.s32 $0xFFFF6000  }
0x272: {  	[spmem:s3] =	stream.indirect.scatter.add.f32 [tilespmem:s14], [sflag:$0x4], $0x40, s17, s13, $0xb8;
	[tilespmem:$0x1FE00] =	vst v63  }
0x273: {  	_ =	swait.ge [sflag:s8], $0xA000  }
0x274: {  	[sflag:s8] =	ssyncset.done $0x0  }
0x275: {  	[sflag:s8] =	ssyncadd.s32 $0xFFFF6000  }
0x276: {  	[tilespmem:s14], [sflag:$0x1] =	stream.indirect.gather [spmem:s2], $0x40, s24, s13, $0xb8;
	[tilespmem:$0x1FE00] =	vst v63  }
0x277: {  	_ =	swait.ge [sflag:s7], $0xA000  }
0x278: {  	[sflag:s7] =	ssyncset.done $0x0  }
0x279: {  	[sflag:s7] =	ssyncadd.s32 $0xFFFF6000  }
0x27a: {  	[spmem:s3] =	stream.indirect.scatter.add.f32 [tilespmem:s14], [sflag:$0x4], $0x40, s19, s13, $0xb8;
	[tilespmem:$0x1FE00] =	vst v63  }
0x27b: {  	_ =	swait.ge [sflag:s8], $0xA000  }
0x27c: {  	[sflag:s8] =	ssyncset.done $0x0  }
0x27d: {  	[sflag:s8] =	ssyncadd.s32 $0xFFFF6000  }
0x27e: {  	[tilespmem:s14], [sflag:$0x1] =	stream.indirect.gather [spmem:s2], $0x40, s25, s13, $0xb8;
	[tilespmem:$0x1FE00] =	vst v63  }
0x27f: {  	_ =	swait.ge [sflag:s7], $0xA000  }
0x280: {  	[sflag:s7] =	ssyncset.done $0x0  }
0x281: {  	[sflag:s7] =	ssyncadd.s32 $0xFFFF6000  }
0x282: {  	[spmem:s3] =	stream.indirect.scatter.add.f32 [tilespmem:s14], [sflag:$0x4], $0x40, s21, s13, $0xb8;
	[tilespmem:$0x1FE00] =	vst v63  }
0x283: {  	_ =	swait.ge [sflag:s8], $0xA000  }
0x284: {  	[sflag:s8] =	ssyncset.done $0x0  }
0x285: {  	[sflag:s8] =	ssyncadd.s32 $0xFFFF6000  }
0x286: {  	_ =	swait.ge [sflag:s22], $0xA00  }
0x287: {  	[sflag:s22] =	ssyncset.done $0x0  }
0x288: {  	[sflag:s22] =	ssyncadd.s32 $0xFFFFF600  }
0x289: {  	[tilespmem:s12], [sflag:$0x2] =	stream.linear.gather [hbm4b:s28+s4], $0xA00, $0x38;
	[tilespmem:$0x1FE00] =	vst v63  }
0x28a: {  	_ = 	snop  }
0x28b: {  	[tilespmem:s14], [sflag:$0x1] =	stream.indirect.gather [spmem:s2], $0x40, s4, s13, $0xb8;
	[tilespmem:$0x1FE00] =	vst v63  }
0x28c: {  	_ = 	snop  }
0x28d: {  	[tilespmem:s15], [sflag:$0x3] =	stream.linear.gather [hbm4b:s29+s4], $0xA00, $0x38;
	[tilespmem:$0x1FE00] =	vst v63  }
0x28e: {  	_ =	swait.ge [sflag:s7], $0xA000  }
0x28f: {  	[sflag:s7] =	ssyncset.done $0x0  }
0x290: {  	[sflag:s7] =	ssyncadd.s32 $0xFFFF6000  }
0x291: {  	_ =	swait.ge [sflag:s16], $0xA00  }
0x292: {  	[sflag:s16] =	ssyncset.done $0x0  }
0x293: {  	[sflag:s16] =	ssyncadd.s32 $0xFFFFF600  }
0x294: {  	[spmem:s3] =	stream.indirect.scatter.add.f32 [tilespmem:s14], [sflag:$0x4], $0x40, s15, s13, $0xb8;
	[tilespmem:$0x1FE00] =	vst v63  }
0x295: {  	_ =	swait.ge [sflag:s8], $0xA000  }
0x296: {  	[sflag:s8] =	ssyncset.done $0x0  }
0x297: {  	[sflag:s8] =	ssyncadd.s32 $0xFFFF6000  }
0x298: {  	[tilespmem:s14], [sflag:$0x1] =	stream.indirect.gather [spmem:s2], $0x40, s13, s13, $0xb8;
	[tilespmem:$0x1FE00] =	vst v63  }
0x299: {  	_ =	swait.ge [sflag:s7], $0xA000  }
0x29a: {  	[sflag:s7] =	ssyncset.done $0x0  }
0x29b: {  	[sflag:s7] =	ssyncadd.s32 $0xFFFF6000  }
0x29c: {  	[spmem:s3] =	stream.indirect.scatter.add.f32 [tilespmem:s14], [sflag:$0x4], $0x40, s17, s13, $0xb8;
	[tilespmem:$0x1FE00] =	vst v63  }
0x29d: {  	_ =	swait.ge [sflag:s8], $0xA000  }
0x29e: {  	[sflag:s8] =	ssyncset.done $0x0  }
0x29f: {  	[sflag:s8] =	ssyncadd.s32 $0xFFFF6000  }
0x2a0: {  	[tilespmem:s14], [sflag:$0x1] =	stream.indirect.gather [spmem:s2], $0x40, s18, s13, $0xb8;
	[tilespmem:$0x1FE00] =	vst v63  }
0x2a1: {  	_ =	swait.ge [sflag:s7], $0xA000  }
0x2a2: {  	[sflag:s7] =	ssyncset.done $0x0  }
0x2a3: {  	[sflag:s7] =	ssyncadd.s32 $0xFFFF6000  }
0x2a4: {  	[spmem:s3] =	stream.indirect.scatter.add.f32 [tilespmem:s14], [sflag:$0x4], $0x40, s19, s13, $0xb8;
	[tilespmem:$0x1FE00] =	vst v63  }
0x2a5: {  	_ =	swait.ge [sflag:s8], $0xA000  }
0x2a6: {  	[sflag:s8] =	ssyncset.done $0x0  }
0x2a7: {  	[sflag:s8] =	ssyncadd.s32 $0xFFFF6000  }
0x2a8: {  	[tilespmem:s14], [sflag:$0x1] =	stream.indirect.gather [spmem:s2], $0x40, s20, s13, $0xb8;
	[tilespmem:$0x1FE00] =	vst v63  }
0x2a9: {  	_ =	swait.ge [sflag:s7], $0xA000  }
0x2aa: {  	[sflag:s7] =	ssyncset.done $0x0  }
0x2ab: {  	[sflag:s7] =	ssyncadd.s32 $0xFFFF6000  }
0x2ac: {  	[spmem:s3] =	stream.indirect.scatter.add.f32 [tilespmem:s14], [sflag:$0x4], $0x40, s21, s13, $0xb8;
	[tilespmem:$0x1FE00] =	vst v63  }
0x2ad: {  	_ =	swait.ge [sflag:s8], $0xA000  }
0x2ae: {  	[sflag:s8] =	ssyncset.done $0x0  }
0x2af: {  	[sflag:s8] =	ssyncadd.s32 $0xFFFF6000  }
0x2b0: {  	_ =	swait.ge [sflag:s22], $0xA00  }
0x2b1: {  	[sflag:s22] =	ssyncset.done $0x0  }
0x2b2: {  	[sflag:s22] =	ssyncadd.s32 $0xFFFFF600  }
0x2b3: {  	[tilespmem:s14], [sflag:$0x1] =	stream.indirect.gather [spmem:s2], $0x40, s12, s13, $0xb8;
	[tilespmem:$0x1FE00] =	vst v63  }
0x2b4: {  	_ = 	snop  }
0x2b5: {  	[tilespmem:s15], [sflag:$0x3] =	stream.linear.gather [hbm4b:s30+s4], $0xA00, $0x38;
	[tilespmem:$0x1FE00] =	vst v63  }
0x2b6: {  	_ =	swait.ge [sflag:s7], $0xA000  }
0x2b7: {  	[sflag:s7] =	ssyncset.done $0x0  }
0x2b8: {  	[sflag:s7] =	ssyncadd.s32 $0xFFFF6000  }
0x2b9: {  	_ =	swait.ge [sflag:s16], $0xA00  }
0x2ba: {  	[sflag:s16] =	ssyncset.done $0x0  }
0x2bb: {  	[sflag:s16] =	ssyncadd.s32 $0xFFFFF600  }
0x2bc: {  	[spmem:s3] =	stream.indirect.scatter.add.f32 [tilespmem:s14], [sflag:$0x4], $0x40, s15, s13, $0xb8;
	[tilespmem:$0x1FE00] =	vst v63  }
0x2bd: {  	_ =	swait.ge [sflag:s8], $0xA000  }
0x2be: {  	[sflag:s8] =	ssyncset.done $0x0  }
0x2bf: {  	[sflag:s8] =	ssyncadd.s32 $0xFFFF6000  }
0x2c0: {  	[tilespmem:s14], [sflag:$0x1] =	stream.indirect.gather [spmem:s2], $0x40, s23, s13, $0xb8;
	[tilespmem:$0x1FE00] =	vst v63  }
0x2c1: {  	_ =	swait.ge [sflag:s7], $0xA000  }
0x2c2: {  	[sflag:s7] =	ssyncset.done $0x0  }
0x2c3: {  	[sflag:s7] =	ssyncadd.s32 $0xFFFF6000  }
0x2c4: {  	[spmem:s3] =	stream.indirect.scatter.add.f32 [tilespmem:s14], [sflag:$0x4], $0x40, s17, s13, $0xb8;
	[tilespmem:$0x1FE00] =	vst v63  }
0x2c5: {  	_ =	swait.ge [sflag:s8], $0xA000  }
0x2c6: {  	[sflag:s8] =	ssyncset.done $0x0  }
0x2c7: {  	[sflag:s8] =	ssyncadd.s32 $0xFFFF6000  }
0x2c8: {  	[tilespmem:s14], [sflag:$0x1] =	stream.indirect.gather [spmem:s2], $0x40, s24, s13, $0xb8;
	[tilespmem:$0x1FE00] =	vst v63  }
0x2c9: {  	_ =	swait.ge [sflag:s7], $0xA000  }
0x2ca: {  	[sflag:s7] =	ssyncset.done $0x0  }
0x2cb: {  	[sflag:s7] =	ssyncadd.s32 $0xFFFF6000  }
0x2cc: {  	[spmem:s3] =	stream.indirect.scatter.add.f32 [tilespmem:s14], [sflag:$0x4], $0x40, s19, s13, $0xb8;
	[tilespmem:$0x1FE00] =	vst v63  }
0x2cd: {  	_ =	swait.ge [sflag:s8], $0xA000  }
0x2ce: {  	[sflag:s8] =	ssyncset.done $0x0  }
0x2cf: {  	[sflag:s8] =	ssyncadd.s32 $0xFFFF6000  }
0x2d0: {  	[tilespmem:s14], [sflag:$0x1] =	stream.indirect.gather [spmem:s2], $0x40, s25, s13, $0xb8;
	[tilespmem:$0x1FE00] =	vst v63  }
0x2d1: {  	_ =	swait.ge [sflag:s7], $0xA000  }
0x2d2: {  	[sflag:s7] =	ssyncset.done $0x0  }
0x2d3: {  	[sflag:s7] =	ssyncadd.s32 $0xFFFF6000  }
0x2d4: {  	[spmem:s3] =	stream.indirect.scatter.add.f32 [tilespmem:s14], [sflag:$0x4], $0x40, s21, s13, $0xb8;
	[tilespmem:$0x1FE00] =	vst v63  }
0x2d5: {  	p0 =	sne.s32 s1, $0x1;
	_ =	swait.ge [sflag:s8], $0xA000  }
.Ltmp1:
0x2d6: {  	[sflag:s8] =	ssyncset.done $0x0;
	(pc) =	sbr.rel @p0 .LBB2_1-.Ltmp1, $4  }
0x2d7: {  	[sflag:s8] =	ssyncadd.s32 $0xFFFF6000  }
0x2d8: {  	[bflag:$0x0] =	sbarrier.arrive $0xFFFF  }
0x2d9: {  	[hbm:s31], [sflag:s5] =	dma.local [spmem:s11], $0x1400  }
0x2da: {  	s1 =	sadd.s32 $0xFFFFFFFF, s1;
	_ =	swait.ge [sflag:s8], $0x1400  }
.LBB2_2:
0x2db: {  	[sflag:s8] =	ssyncset.done $0x0  }
0x2dc: {  	[sflag:s8] =	ssyncadd.s32 $0xFFFFEC00  }
0x2dd: {  	_ =	sfence.sel $0x180000  }
0x2de: {  	[bflag:$0x0] =	sbarrier.arrive $0xFFFF  }
0x2df: {  	_ =	strace $0x90000047  }
0x2e0: {  	s0 =	stileid.u32;
	[bflag:$0x2] =	sbarrier.arrive $0xFFFF  }
0x2e1: {  	p0 =	sne.s32 s0, $0x0;
	s0 =	rddreg [dreg:$0x4]  }
0x2e2: {  	s0 =	sadd.s32 @!p0 $0x100000, s0  }
0x2e3: {  	[sflag:s0] =	ssyncadd.tile.s32 @!p0 $0x1;
	_ =	shalt  }
.Lfunc_end2:
_tile_overlayer_lowered:
.L_overlay_start_2:
0x2e4: {  	(tag) =	ssettag $0x2  }
0x2e5: {  	s0 =	rddreg [dreg:$0x0];
	s2 =	stileid.u32  }
0x2e6: {  	s1 =	rddreg [dreg:$0x1];
	p0 =	sne.s32 s2, $0x0  }
0x2e7: {  	s3 =	rddreg [dreg:$0x2];
	[bflag:$0x3] =	sbarrier.arrive $0xFFFF;
	s2 =	simm.s32 @!p0 $0x1C04  }
0x2e8: {  	[timem:s3], [sflag:s2] =	dma.local @!p0 [hbm:s0], s1  }
0x2e9: {  	s0 =	simm.s32 @!p0 $0x4  }
0x2ea: {  	_ =	swait.ge @!p0 [sflag:s0], s1  }
0x2eb: {  	s1 =	ssub.s32 @!p0 $0x0, s1;
	[sflag:s0] =	ssyncset.done @!p0 $0x0  }
0x2ec: {  	[sflag:s0] =	ssyncadd.s32 @!p0 s1  }
0x2ed: {  	[bflag:$0x3] =	sbarrier.arrive $0xFFFF  }
0x2ee: {  	_ =	shalt  }

// kernel: _run.9.cloned.1.call-start
scs
__scs_entry_jumppad:
0x0: {  	(pc) =	sbr.rel $0x88, $3  }
0x1: {  	(tag) =	ssettag $0x0;
	lr =	simm.s32 $0x1  }
0x2: {  	[smem:$0x3F97] =	sst lr;
	_ =	strace $0xD0000000  }
0x3: {  	_ = 	snop  }
0x4: {  	_ = 	snop  }
0x5: {  	_ = 	snop  }
0x6: {  	_ = 	snop  }
0x7: {  	_ = 	snop  }
__scs_overlays_trampoline_lowered:
0x8: {  	[smem:$0x3FA6] =	sst s0  }
0x9: {  	[smem:$0x3FA7] =	sst s1  }
0xa: {  	[smem:$0x3FA8] =	sst s2  }
0xb: {  	[smem:$0x3FA9] =	sst s3  }
0xc: {  	[smem:$0x3FAA] =	sst s4  }
0xd: {  	[smem:$0x3FAB] =	sst s5  }
0xe: {  	[smem:$0x3FAC] =	sst s6  }
0xf: {  	[smem:$0x3FAD] =	sst s7  }
0x10: {  	[smem:$0x3FAE] =	sst s8  }
0x11: {  	[smem:$0x3FAF] =	sst s9;
	s0 =	simm.s32 @!p0 $0x0  }
0x12: {  	s1 =	sld [smem:$0x3F95];
	s0 =	simm.s32 @p0 $0x1  }
0x13: {  	[smem:$0x3FB0] =	sst s0;
	s0 =	simm.s32 @!p1 $0x0  }
0x14: {  	s2 =	sld [smem:$0x3F94];
	s0 =	simm.s32 @p1 $0x1  }
0x15: {  	[smem:$0x3FB1] =	sst s0;
	s0 =	simm.s32 @!p2 $0x0  }
0x16: {  	s3 =	sld [smem:$0x3FDB];
	s0 =	simm.s32 @p2 $0x1  }
0x17: {  	s4 =	simm.s32 $0x1BF5;
	[smem:$0x3FB3] =	sst s0  }
0x18: {  	s0 =	sld [smem:$0x3F96];
	_ =	swait.ge [sflag:s4], $0x0  }
0x19: {  	s7 =	sld [smem:$0x3F97]  }
0x1a: {  	s8 =	sadd.s32 $0xFFFFE003, lr  }
0x1b: {  	s9 =	sadd.s32 $0xFFFFFEF7, lr;
	s5 =	simm.s32 $0xFFFFFFFF;
	p2 =	slt.u32 s8, $0xFFFFF086  }
0x1c: {  	p1 =	slt.u32 s9, $0xF7A;
	s5 =	simm.s32 @!p2 $0x0  }
0x1d: {  	s5 =	simm.s32 @p1 $0x1;
	p0 =	seq.s32 s7, s2  }
0x1e: {  	s7 =	smul.u32 @!p0 $0xF7A, s2;
	p2 =	seq.s32 @!p0 s5, $0x0  }
0x1f: {  	s9 =	smul.u32 $0xF7A, s1;
	s8 =	simm.s32 @!p0 $0x1BF5;
	p2 =	por !p2, p0  }
0x20: {  	[sflag:s8] =	ssyncset.s32 @!p0 $0xFFFFF086;
	s6 =	sadd.s32 @!p0 s3, s7;
	s7 =	simm.s32 @!p0 $0x108  }
0x21: {  	s3 =	sadd.s32 s3, s9;
	s6 =	sadd.s32 @!p0 $0x88, s6;
	s7 =	simm.s32 @p2 $0x1082  }
0x22: {  	[simem:s7], [sflag:s8] =	dma.local @!p0 [hbm:s6], $0xF7A  }
0x23: {  	s9 =	sor.u32 $0xD0000000, s2;
	s6 =	simm.s32 $0x108;
	_ =	swait.ge @!p0 [sflag:s8], $0x0  }
0x24: {  	s3 =	sadd.s32 $0x88, s3;
	s6 =	simm.s32 @!p1 $0x1082;
	[sflag:s4] =	ssyncset.s32 $0xFFFFF086  }
0x25: {  	[simem:s6], [sflag:s4] =	dma.local [hbm:s3], $0xF7A  }
0x26: {  	[smem:$0x3F97] =	sst s1;
	(tag) =	ssettag s2;
	_ =	strace s9  }
0x27: {  	s1 =	sld [smem:$0x3FA7]  }
0x28: {  	s2 =	sld [smem:$0x3FA8]  }
0x29: {  	s4 =	sld [smem:$0x3FAA]  }
0x2a: {  	p0 =	seq.s32 s5, $0x0;
	s5 =	sld [smem:$0x3FAB]  }
0x2b: {  	s6 =	sld [smem:$0x3FAC]  }
0x2c: {  	s7 =	sld [smem:$0x3FAD]  }
0x2d: {  	s3 =	simm.s32 $0x108;
	s8 =	sld [smem:$0x3FAE]  }
0x2e: {  	s3 =	simm.s32 @!p0 $0x1082;
	s9 =	sld [smem:$0x3FAF]  }
0x2f: {  	lr =	sadd.s32 s0, s3;
	s0 =	sld [smem:$0x3FA6]  }
0x30: {  	s3 =	sld [smem:$0x3FA9]  }
0x31: {  	[smem:$0x3FB2] =	sst s10  }
0x32: {  	s10 =	sld [smem:$0x3FB0];
	_ =	sdelay $0x3  }
0x33: {  	p0 =	seq.s32 s10, $0x1;
	s10 =	sld [smem:$0x3FB2];
	_ =	sdelay $0x3  }
0x34: {  	[smem:$0x3FB2] =	sst s10  }
0x35: {  	s10 =	sld [smem:$0x3FB1];
	_ =	sdelay $0x3  }
0x36: {  	p1 =	seq.s32 s10, $0x1;
	s10 =	sld [smem:$0x3FB2];
	_ =	sdelay $0x3  }
0x37: {  	[smem:$0x3FB2] =	sst s10  }
0x38: {  	s10 =	sld [smem:$0x3FB3]  }
0x39: {  	_ = 	snop;
	(pc) =	sbr.ind lr, $3  }
0x3a: {  	_ = 	snop  }
0x3b: {  	_ = 	snop  }
0x3c: {  	p2 =	seq.s32 s10, $0x1;
	s10 =	sld [smem:$0x3FB2]  }
0x3d: {  	_ =	shalt  }
0x3e: {  	_ =	shalt  }
0x3f: {  	_ =	shalt  }
0x40: {  	_ =	shalt  }
0x41: {  	_ =	shalt  }
0x42: {  	_ =	shalt  }
0x43: {  	_ =	shalt  }
0x44: {  	_ =	shalt  }
0x45: {  	_ =	shalt  }
0x46: {  	_ =	shalt  }
0x47: {  	_ =	shalt  }
0x48: {  	_ =	shalt  }
0x49: {  	_ =	shalt  }
0x4a: {  	_ =	shalt  }
0x4b: {  	_ =	shalt  }
0x4c: {  	_ =	shalt  }
0x4d: {  	_ =	shalt  }
0x4e: {  	_ =	shalt  }
0x4f: {  	_ =	shalt  }
0x50: {  	_ =	shalt  }
0x51: {  	_ =	shalt  }
0x52: {  	_ =	shalt  }
0x53: {  	_ =	shalt  }
0x54: {  	_ =	shalt  }
0x55: {  	_ =	shalt  }
0x56: {  	_ =	shalt  }
0x57: {  	_ =	shalt  }
0x58: {  	_ =	shalt  }
0x59: {  	_ =	shalt  }
0x5a: {  	_ =	shalt  }
0x5b: {  	_ =	shalt  }
0x5c: {  	_ =	shalt  }
0x5d: {  	_ =	shalt  }
0x5e: {  	_ =	shalt  }
0x5f: {  	_ =	shalt  }
0x60: {  	_ =	shalt  }
0x61: {  	_ =	shalt  }
0x62: {  	_ =	shalt  }
0x63: {  	_ =	shalt  }
0x64: {  	_ =	shalt  }
0x65: {  	_ =	shalt  }
0x66: {  	_ =	shalt  }
0x67: {  	_ =	shalt  }
0x68: {  	_ =	shalt  }
0x69: {  	_ =	shalt  }
0x6a: {  	_ =	shalt  }
0x6b: {  	_ =	shalt  }
0x6c: {  	_ =	shalt  }
0x6d: {  	_ =	shalt  }
0x6e: {  	_ =	shalt  }
0x6f: {  	_ =	shalt  }
0x70: {  	_ =	shalt  }
0x71: {  	_ =	shalt  }
0x72: {  	_ =	shalt  }
0x73: {  	_ =	shalt  }
0x74: {  	_ =	shalt  }
0x75: {  	_ =	shalt  }
0x76: {  	_ =	shalt  }
0x77: {  	_ =	shalt  }
0x78: {  	_ =	shalt  }
0x79: {  	_ =	shalt  }
0x7a: {  	_ =	shalt  }
0x7b: {  	_ =	shalt  }
0x7c: {  	_ =	shalt  }
0x7d: {  	_ =	shalt  }
0x7e: {  	_ =	shalt  }
0x7f: {  	_ =	shalt  }
0x80: {  	_ =	shalt  }
0x81: {  	_ =	shalt  }
0x82: {  	_ =	shalt  }
0x83: {  	_ =	shalt  }
0x84: {  	_ =	shalt  }
0x85: {  	_ =	shalt  }
0x86: {  	_ =	shalt  }
0x87: {  	_ =	shalt  }
.Lfunc_end0:
.L_simem_size_0:
called_computation.1_lowered:
.L_overlay_start_0:
0x88: {  	s2 =	sld [smem:$0x3FD9]  }
0x89: {  	s3 =	sld [smem:$0x3FFE];
	_ =	sdelay $0x1  }
0x8a: {  	s1 =	srdreg.scid  }
0x8b: {  	s0 =	sand.u32 $0x1, s1  }
0x8c: {  	s17 =	sshll.u32 s0, $0xA;
	s2 =	sadd.s32 s3, s2  }
0x8d: {  	s2 =	sadd.s32 s2, s17  }
0x8e: {  	[smem:$0x3FBE] =	sst s2  }
0x8f: {  	_ = 	snop  }
0x90: {  	s2 =	sld [smem:$0x3FD0];
	(tm) =	ssettm $0x1  }
0x91: {  	s18 =	sld [smem:$0x3FFB];
	_ =	sdelay $0x3  }
0x92: {  	_ =	strace s18  }
0x93: {  	s3 =	sld [smem:$0x3FFC];
	_ =	sdelay $0x3  }
0x94: {  	_ =	strace s3  }
0x95: {  	s3 =	sld [smem:$0x3FFD];
	_ =	sdelay $0x3  }
0x96: {  	_ =	strace s3  }
0x97: {  	_ =	strace $0x8FFFFFFF  }
0x98: {  	s19 =	sld [smem:$0x3FDB];
	_ =	sdelay $0x1  }
0x99: {  	s4 =	simm.s32 $_scs_section_size  }
0x9a: {  	s5 =	simm.s32 $_size__tile_overlayer_lowered;
	s6 =	simm.s32 $_tile_overlayer_lowered  }
0x9b: {  	s22 =	simm.s32 $0x1BFF;
	s21 =	sshll.u32 s6, $0x1;
	s3 =	sadd.s32 s4, s19  }
0x9c: {  	s7 =	simm.s32 $0x0;
	s20 =	sshll.u32 s5, $0x1;
	s5 =	sadd.s32 s21, s3  }
0x9d: {  	[timem:s7], [sflag:s22] =	dma.local [hbm:s5], s20  }
0x9e: {  	_ =	swait.ge [sflag:s22], s20  }
0x9f: {  	s4 =	ssub.s32 $0x0, s20;
	[sflag:s22] =	ssyncset.done $0x0  }
0xa0: {  	[sflag:s22] =	ssyncadd.s32 s4;
	_ =	sdelay $0x1  }
0xa1: {  	s23 =	simm.s32 $0x1B8B  }
0xa2: {  	_ =	swait.ge [sflag:s23], $0x1  }
0xa3: {  	[sflag:s23] =	ssyncset.done $0x0  }
0xa4: {  	s25 =	simm.s32 $0x1B8E;
	s24 =	sld [smem:$0x3FFE];
	[sflag:s23] =	ssyncadd.s32 $0xFFFFFFFF  }
0xa5: {  	s26 =	simm.s32 $execute0_lowered;
	[smem:$0x3FD2] =	sst s25  }
0xa6: {  	s5 =	sshll.u32 s26, $0x1;
	_ =	strace $0x80000049;
	[dreg:$0x1] =	wrdreg $0xFFFFFFFF  }
0xa7: {  	s28 =	simm.s32 $_size_execute0_lowered;
	s3 =	sadd.s32 s3, s5;
	[dreg:$0x0] =	wrdreg $0x0  }
0xa8: {  	s5 =	sshll.u32 s28, $0x1;
	[dreg:$0x2] =	wrdreg s3  }
0xa9: {  	[dreg:$0x3] =	wrdreg s5  }
0xaa: {  	[dreg:$0x4] =	wrdreg $0xC0  }
0xab: {  	_ =	task [dreg:s7], $0x5FFFF  }
0xac: {  	[dreg:$0x1] =	wrdreg $0xFFFFFFFF  }
0xad: {  	[dreg:$0x0] =	wrdreg $0x60  }
0xae: {  	[dreg:$0x2] =	wrdreg s24  }
0xaf: {  	[dreg:$0x3] =	wrdreg s2  }
0xb0: {  	[dreg:$0x4] =	wrdreg $0xBE000  }
0xb1: {  	[dreg:$0x5] =	wrdreg $0x15E000  }
0xb2: {  	[dreg:$0x6] =	wrdreg $0x9  }
0xb3: {  	_ =	task.clear_ibuf [dreg:s7], $0x7FFFF;
	_ =	strace $0x90000049  }
0xb4: {  	s29 =	simm.s32 $0x9;
	_ =	strace $0x8000004B  }
0xb5: {  	_ =	swait.ge [sflag:s29], $0x1  }
0xb6: {  	[sflag:s29] =	ssyncadd.s32 $0xFFFFFFFF  }
0xb7: {  	_ =	strace $0x9000004B  }
0xb8: {  	_ =	sfence  }
0xb9: {  	s30 =	sld [smem:$0x0];
	_ =	sdelay $0x2  }
0xba: {  	s31 =	sshll.u32 s1, $0xD;
	s1 =	sshrl.u32 s1, $0x2  }
0xbb: {  	s3 =	sand.u32 $0x4000, s31;
	s1 =	sadd.s32 s1, s30  }
0xbc: {  	s0 =	sor.u32 s3, s0;
	s1 =	sshll.u32 s1, $0x11  }
0xbd: {  	s0 =	sor.u32 s1, s0  }
0xbe: {  	s0 =	sadd.s32 $0x8F2B, s0  }
0xbf: {  	[sflag:s0] =	ssyncadd.remote.s32 $0x1  }
0xc0: {  	_ =	sfence.sel $0xFFFF  }
0xc1: {  	[dreg:$0x0] =	wrdreg $0xFFFFFFFF;
	(pc) =	sbr.abs _section_cstart, $3  }
0xc2: {  	[dreg:$0x1] =	wrdreg $0xFFFFFFFF  }
0xc3: {  	_ =	task.clear_ibuf [dreg:s7], $0x2FFFF;
	_ =	strace $0x9FFFFFFF  }
0xc4: {  	(tm) =	ssettm $0x7FFFFFFF  }
0xc5: {  	_ =	shalt  }
tec
execute0_lowered:
.L_overlay_start_1:
0x0: {  	(tag) =	ssettag $0x1  }
0x1: {  	s6 =	rddreg [dreg:$0x0]  }
0x2: {  	s28 =	rddreg [dreg:$0x1]  }
0x3: {  	s0 =	srdreg.scid;
	s2 =	rddreg [dreg:$0x2]  }
0x4: {  	s8 =	stileid.u32;
	s3 =	rddreg [dreg:$0x3]  }
0x5: {  	s4 =	simm.s32 $0x0;
	s1 =	sand.u32 $0x1, s0;
	s7 =	smul.u32 $0x14000, s8  }
0x6: {  	[smem:$0x7FF] =	sst s4;
	s9 =	smul.u32 $0x5000, s8;
	s5 =	sadd.s32 $0x34400, s6  }
0x7: {  	s30 =	sadd.s32 $0x2400, s6;
	[dreg:$0x13] =	wrdreg s1;
	s1 =	sshll.u32 s1, $0x6  }
0x8: {  	s31 =	smul.u32 $0xA000, s8;
	s0 =	sor.u32 s1, s7;
	s29 =	sshrl.u32 s9, $0x3  }
0x9: {  	_ =	strace $0x8000004A;
	[dreg:$0x5] =	wrdreg s5;
	s10 =	sadd.s32 s28, s29  }
0xa: {  	s1 =	sor.u32 $0x140, s29;
	s12 =	sadd.s32 s30, s29;
	[dreg:$0x7] =	wrdreg s10  }
0xb: {  	s13 =	sadd.s32 $0x280, s29;
	s11 =	sadd.s32 s28, s1;
	[dreg:$0x9] =	wrdreg s12  }
0xc: {  	s22 =	sshll.u32 s8, $0x6;
	s14 =	sadd.s32 s28, s13;
	[dreg:$0x8] =	wrdreg s11  }
0xd: {  	s16 =	sadd.s32 $0x3C0, s29;
	s15 =	sadd.s32 s30, s1;
	[dreg:$0xa] =	wrdreg s14  }
0xe: {  	s8 =	simm.s32 $0x4;
	s17 =	sadd.s32 s28, s16;
	[dreg:$0xb] =	wrdreg s15  }
0xf: {  	s18 =	sadd.s32 $0x500, s29;
	s5 =	sadd.s32 s30, s13;
	[dreg:$0xc] =	wrdreg s17  }
0x10: {  	s7 =	sadd.s32 s31, s2;
	s19 =	sadd.s32 s28, s18;
	[dreg:$0xd] =	wrdreg s5  }
0x11: {  	s26 =	sadd.s32 $0x640, s29;
	s1 =	sadd.s32 s30, s16;
	[dreg:$0xe] =	wrdreg s19  }
0x12: {  	s0 =	sshrl.u32 s0, $0x3;
	s20 =	sadd.s32 s28, s26;
	[dreg:$0xf] =	wrdreg s1  }
0x13: {  	s0 =	sadd.s32 s0, s6;
	s21 =	sadd.s32 s30, s18;
	[dreg:$0x10] =	wrdreg s20  }
0x14: {  	s9 =	simm.s32 $0x8;
	s0 =	sadd.s32 $0xC400, s0;
	[dreg:$0x11] =	wrdreg s21  }
0x15: {  	s6 =	sshrl.u32 s7, $0x3;
	s1 =	sadd.s32 $0x780, s29;
	[dreg:$0x6] =	wrdreg s0  }
0x16: {  	s7 =	simm.s32 $0x1;
	s23 =	sadd.s32 s28, s1;
	s11 =	rddreg [dreg:$0x6]  }
0x17: {  	s10 =	simm.s32 $0x10;
	s5 =	sor.u32 $0x1C04, s22;
	[dreg:$0x12] =	wrdreg s23  }
0x18: {  	[spmem:s6@s9], [sflag:s5] =	dma.strided [hbm:s11@s10], $0x1400, s7, $0x8   }
0x19: {  	_ =	swait.ge [sflag:s8], $0x1400  }
0x1a: {  	s24 =	sadd.s32 s31, s3;
	[sflag:s8] =	ssyncset.done $0x0  }
0x1b: {  	s11 =	sshrl.u32 s24, $0x3;
	s12 =	rddreg [dreg:$0x5];
	[sflag:s8] =	ssyncadd.s32 $0xFFFFEC00  }
0x1c: {  	[spmem:s11], [sflag:s5] =	dma.local [hbm:s12], $0x1400  }
0x1d: {  	_ =	swait.ge [sflag:s8], $0x1400  }
0x1e: {  	[sflag:s8] =	ssyncset.done $0x0  }
0x1f: {  	[sflag:s8] =	ssyncadd.s32 $0xFFFFEC00  }
0x20: {  	[bflag:$0x0] =	sbarrier.arrive $0xFFFF  }
0x21: {  	s25 =	rddreg [dreg:$0x7]  }
0x22: {  	[tilespmem:s4], [sflag:$0x4] =	stream.linear.gather [hbm4b:s25+s4], $0xA00, $0x38;
	[tilespmem:$0x1FE00] =	vst v63  }
0x23: {  	_ =	swait.ge [sflag:s8], $0xA00  }
0x24: {  	[sflag:s8] =	ssyncset.done $0x0  }
0x25: {  	s12 =	simm.s32 $0xA00;
	s13 =	rddreg [dreg:$0x8];
	[sflag:s8] =	ssyncadd.s32 $0xFFFFF600  }
0x26: {  	[tilespmem:s12], [sflag:$0x2] =	stream.linear.gather [hbm4b:s13+s4], $0xA00, $0x38;
	[tilespmem:$0x1FE00] =	vst v63  }
0x27: {  	s14 =	simm.s32 $0x1E00;
	s13 =	simm.s32 $0x280  }
0x28: {  	[tilespmem:s14], [sflag:$0x1] =	stream.indirect.gather [spmem:s2], $0x40, s4, s13, $0xb8;
	[tilespmem:$0x1FE00] =	vst v63  }
0x29: {  	s15 =	simm.s32 $0x1400;
	s16 =	rddreg [dreg:$0x9]  }
0x2a: {  	[tilespmem:s15], [sflag:$0x3] =	stream.linear.gather [hbm4b:s16+s4], $0xA00, $0x38;
	[tilespmem:$0x1FE00] =	vst v63  }
0x2b: {  	_ =	swait.ge [sflag:s7], $0xA000  }
0x2c: {  	[sflag:s7] =	ssyncset.done $0x0  }
0x2d: {  	s16 =	simm.s32 $0x3;
	[sflag:s7] =	ssyncadd.s32 $0xFFFF6000  }
0x2e: {  	_ =	swait.ge [sflag:s16], $0xA00  }
0x2f: {  	[sflag:s16] =	ssyncset.done $0x0  }
0x30: {  	[sflag:s16] =	ssyncadd.s32 $0xFFFFF600  }
0x31: {  	[spmem:s3] =	stream.indirect.scatter.add.f32 [tilespmem:s14], [sflag:$0x4], $0x40, s15, s13, $0xb8;
	[tilespmem:$0x1FE00] =	vst v63  }
0x32: {  	_ =	swait.ge [sflag:s8], $0xA000  }
0x33: {  	[sflag:s8] =	ssyncset.done $0x0  }
0x34: {  	[sflag:s8] =	ssyncadd.s32 $0xFFFF6000  }
0x35: {  	[tilespmem:s14], [sflag:$0x1] =	stream.indirect.gather [spmem:s2], $0x40, s13, s13, $0xb8;
	[tilespmem:$0x1FE00] =	vst v63  }
0x36: {  	_ =	swait.ge [sflag:s7], $0xA000  }
0x37: {  	[sflag:s7] =	ssyncset.done $0x0  }
0x38: {  	s17 =	simm.s32 $0x1680;
	[sflag:s7] =	ssyncadd.s32 $0xFFFF6000  }
0x39: {  	[spmem:s3] =	stream.indirect.scatter.add.f32 [tilespmem:s14], [sflag:$0x4], $0x40, s17, s13, $0xb8;
	[tilespmem:$0x1FE00] =	vst v63  }
0x3a: {  	_ =	swait.ge [sflag:s8], $0xA000  }
0x3b: {  	[sflag:s8] =	ssyncset.done $0x0  }
0x3c: {  	s18 =	simm.s32 $0x500;
	[sflag:s8] =	ssyncadd.s32 $0xFFFF6000  }
0x3d: {  	[tilespmem:s14], [sflag:$0x1] =	stream.indirect.gather [spmem:s2], $0x40, s18, s13, $0xb8;
	[tilespmem:$0x1FE00] =	vst v63  }
0x3e: {  	_ =	swait.ge [sflag:s7], $0xA000  }
0x3f: {  	[sflag:s7] =	ssyncset.done $0x0  }
0x40: {  	s19 =	simm.s32 $0x1900;
	[sflag:s7] =	ssyncadd.s32 $0xFFFF6000  }
0x41: {  	[spmem:s3] =	stream.indirect.scatter.add.f32 [tilespmem:s14], [sflag:$0x4], $0x40, s19, s13, $0xb8;
	[tilespmem:$0x1FE00] =	vst v63  }
0x42: {  	_ =	swait.ge [sflag:s8], $0xA000  }
0x43: {  	[sflag:s8] =	ssyncset.done $0x0  }
0x44: {  	s20 =	simm.s32 $0x780;
	[sflag:s8] =	ssyncadd.s32 $0xFFFF6000  }
0x45: {  	[tilespmem:s14], [sflag:$0x1] =	stream.indirect.gather [spmem:s2], $0x40, s20, s13, $0xb8;
	[tilespmem:$0x1FE00] =	vst v63  }
0x46: {  	_ =	swait.ge [sflag:s7], $0xA000  }
0x47: {  	[sflag:s7] =	ssyncset.done $0x0  }
0x48: {  	s21 =	simm.s32 $0x1B80;
	[sflag:s7] =	ssyncadd.s32 $0xFFFF6000  }
0x49: {  	[spmem:s3] =	stream.indirect.scatter.add.f32 [tilespmem:s14], [sflag:$0x4], $0x40, s21, s13, $0xb8;
	[tilespmem:$0x1FE00] =	vst v63  }
0x4a: {  	_ =	swait.ge [sflag:s8], $0xA000  }
0x4b: {  	[sflag:s8] =	ssyncset.done $0x0  }
0x4c: {  	s22 =	simm.s32 $0x2;
	[sflag:s8] =	ssyncadd.s32 $0xFFFF6000  }
0x4d: {  	_ =	swait.ge [sflag:s22], $0xA00  }
0x4e: {  	[sflag:s22] =	ssyncset.done $0x0  }
0x4f: {  	s23 =	rddreg [dreg:$0xa];
	[sflag:s22] =	ssyncadd.s32 $0xFFFFF600  }
0x50: {  	[tilespmem:s4], [sflag:$0x2] =	stream.linear.gather [hbm4b:s23+s4], $0xA00, $0x38;
	[tilespmem:$0x1FE00] =	vst v63  }
0x51: {  	_ = 	snop  }
0x52: {  	[tilespmem:s14], [sflag:$0x1] =	stream.indirect.gather [spmem:s2], $0x40, s12, s13, $0xb8;
	[tilespmem:$0x1FE00] =	vst v63  }
0x53: {  	s0 =	rddreg [dreg:$0xb]  }
0x54: {  	[tilespmem:s15], [sflag:$0x3] =	stream.linear.gather [hbm4b:s0+s4], $0xA00, $0x38;
	[tilespmem:$0x1FE00] =	vst v63  }
0x55: {  	_ =	swait.ge [sflag:s7], $0xA000  }
0x56: {  	[sflag:s7] =	ssyncset.done $0x0  }
0x57: {  	[sflag:s7] =	ssyncadd.s32 $0xFFFF6000  }
0x58: {  	_ =	swait.ge [sflag:s16], $0xA00  }
0x59: {  	[sflag:s16] =	ssyncset.done $0x0  }
0x5a: {  	[sflag:s16] =	ssyncadd.s32 $0xFFFFF600  }
0x5b: {  	[spmem:s3] =	stream.indirect.scatter.add.f32 [tilespmem:s14], [sflag:$0x4], $0x40, s15, s13, $0xb8;
	[tilespmem:$0x1FE00] =	vst v63  }
0x5c: {  	_ =	swait.ge [sflag:s8], $0xA000  }
0x5d: {  	[sflag:s8] =	ssyncset.done $0x0  }
0x5e: {  	s23 =	simm.s32 $0xC80;
	[sflag:s8] =	ssyncadd.s32 $0xFFFF6000  }
0x5f: {  	[tilespmem:s14], [sflag:$0x1] =	stream.indirect.gather [spmem:s2], $0x40, s23, s13, $0xb8;
	[tilespmem:$0x1FE00] =	vst v63  }
0x60: {  	_ =	swait.ge [sflag:s7], $0xA000  }
0x61: {  	[sflag:s7] =	ssyncset.done $0x0  }
0x62: {  	[sflag:s7] =	ssyncadd.s32 $0xFFFF6000  }
0x63: {  	[spmem:s3] =	stream.indirect.scatter.add.f32 [tilespmem:s14], [sflag:$0x4], $0x40, s17, s13, $0xb8;
	[tilespmem:$0x1FE00] =	vst v63  }
0x64: {  	_ =	swait.ge [sflag:s8], $0xA000  }
0x65: {  	[sflag:s8] =	ssyncset.done $0x0  }
0x66: {  	s24 =	simm.s32 $0xF00;
	[sflag:s8] =	ssyncadd.s32 $0xFFFF6000  }
0x67: {  	[tilespmem:s14], [sflag:$0x1] =	stream.indirect.gather [spmem:s2], $0x40, s24, s13, $0xb8;
	[tilespmem:$0x1FE00] =	vst v63  }
0x68: {  	_ =	swait.ge [sflag:s7], $0xA000  }
0x69: {  	[sflag:s7] =	ssyncset.done $0x0  }
0x6a: {  	[sflag:s7] =	ssyncadd.s32 $0xFFFF6000  }
0x6b: {  	[spmem:s3] =	stream.indirect.scatter.add.f32 [tilespmem:s14], [sflag:$0x4], $0x40, s19, s13, $0xb8;
	[tilespmem:$0x1FE00] =	vst v63  }
0x6c: {  	_ =	swait.ge [sflag:s8], $0xA000  }
0x6d: {  	[sflag:s8] =	ssyncset.done $0x0  }
0x6e: {  	s25 =	simm.s32 $0x1180;
	[sflag:s8] =	ssyncadd.s32 $0xFFFF6000  }
0x6f: {  	[tilespmem:s14], [sflag:$0x1] =	stream.indirect.gather [spmem:s2], $0x40, s25, s13, $0xb8;
	[tilespmem:$0x1FE00] =	vst v63  }
0x70: {  	_ =	swait.ge [sflag:s7], $0xA000  }
0x71: {  	[sflag:s7] =	ssyncset.done $0x0  }
0x72: {  	[sflag:s7] =	ssyncadd.s32 $0xFFFF6000  }
0x73: {  	[spmem:s3] =	stream.indirect.scatter.add.f32 [tilespmem:s14], [sflag:$0x4], $0x40, s21, s13, $0xb8;
	[tilespmem:$0x1FE00] =	vst v63  }
0x74: {  	_ =	swait.ge [sflag:s8], $0xA000  }
0x75: {  	[sflag:s8] =	ssyncset.done $0x0  }
0x76: {  	[sflag:s8] =	ssyncadd.s32 $0xFFFF6000  }
0x77: {  	_ =	swait.ge [sflag:s22], $0xA00  }
0x78: {  	[sflag:s22] =	ssyncset.done $0x0  }
0x79: {  	s0 =	rddreg [dreg:$0xc];
	[sflag:s22] =	ssyncadd.s32 $0xFFFFF600  }
0x7a: {  	[tilespmem:s12], [sflag:$0x2] =	stream.linear.gather [hbm4b:s0+s4], $0xA00, $0x38;
	[tilespmem:$0x1FE00] =	vst v63  }
0x7b: {  	_ = 	snop  }
0x7c: {  	[tilespmem:s14], [sflag:$0x1] =	stream.indirect.gather [spmem:s2], $0x40, s4, s13, $0xb8;
	[tilespmem:$0x1FE00] =	vst v63  }
0x7d: {  	s0 =	rddreg [dreg:$0xd]  }
0x7e: {  	[tilespmem:s15], [sflag:$0x3] =	stream.linear.gather [hbm4b:s0+s4], $0xA00, $0x38;
	[tilespmem:$0x1FE00] =	vst v63  }
0x7f: {  	_ =	swait.ge [sflag:s7], $0xA000  }
0x80: {  	[sflag:s7] =	ssyncset.done $0x0  }
0x81: {  	[sflag:s7] =	ssyncadd.s32 $0xFFFF6000  }
0x82: {  	_ =	swait.ge [sflag:s16], $0xA00  }
0x83: {  	[sflag:s16] =	ssyncset.done $0x0  }
0x84: {  	[sflag:s16] =	ssyncadd.s32 $0xFFFFF600  }
0x85: {  	[spmem:s3] =	stream.indirect.scatter.add.f32 [tilespmem:s14], [sflag:$0x4], $0x40, s15, s13, $0xb8;
	[tilespmem:$0x1FE00] =	vst v63  }
0x86: {  	_ =	swait.ge [sflag:s8], $0xA000  }
0x87: {  	[sflag:s8] =	ssyncset.done $0x0  }
0x88: {  	[sflag:s8] =	ssyncadd.s32 $0xFFFF6000  }
0x89: {  	[tilespmem:s14], [sflag:$0x1] =	stream.indirect.gather [spmem:s2], $0x40, s13, s13, $0xb8;
	[tilespmem:$0x1FE00] =	vst v63  }
0x8a: {  	_ =	swait.ge [sflag:s7], $0xA000  }
0x8b: {  	[sflag:s7] =	ssyncset.done $0x0  }
0x8c: {  	[sflag:s7] =	ssyncadd.s32 $0xFFFF6000  }
0x8d: {  	[spmem:s3] =	stream.indirect.scatter.add.f32 [tilespmem:s14], [sflag:$0x4], $0x40, s17, s13, $0xb8;
	[tilespmem:$0x1FE00] =	vst v63  }
0x8e: {  	_ =	swait.ge [sflag:s8], $0xA000  }
0x8f: {  	[sflag:s8] =	ssyncset.done $0x0  }
0x90: {  	[sflag:s8] =	ssyncadd.s32 $0xFFFF6000  }
0x91: {  	[tilespmem:s14], [sflag:$0x1] =	stream.indirect.gather [spmem:s2], $0x40, s18, s13, $0xb8;
	[tilespmem:$0x1FE00] =	vst v63  }
0x92: {  	_ =	swait.ge [sflag:s7], $0xA000  }
0x93: {  	[sflag:s7] =	ssyncset.done $0x0  }
0x94: {  	[sflag:s7] =	ssyncadd.s32 $0xFFFF6000  }
0x95: {  	[spmem:s3] =	stream.indirect.scatter.add.f32 [tilespmem:s14], [sflag:$0x4], $0x40, s19, s13, $0xb8;
	[tilespmem:$0x1FE00] =	vst v63  }
0x96: {  	_ =	swait.ge [sflag:s8], $0xA000  }
0x97: {  	[sflag:s8] =	ssyncset.done $0x0  }
0x98: {  	[sflag:s8] =	ssyncadd.s32 $0xFFFF6000  }
0x99: {  	[tilespmem:s14], [sflag:$0x1] =	stream.indirect.gather [spmem:s2], $0x40, s20, s13, $0xb8;
	[tilespmem:$0x1FE00] =	vst v63  }
0x9a: {  	_ =	swait.ge [sflag:s7], $0xA000  }
0x9b: {  	[sflag:s7] =	ssyncset.done $0x0  }
0x9c: {  	[sflag:s7] =	ssyncadd.s32 $0xFFFF6000  }
0x9d: {  	[spmem:s3] =	stream.indirect.scatter.add.f32 [tilespmem:s14], [sflag:$0x4], $0x40, s21, s13, $0xb8;
	[tilespmem:$0x1FE00] =	vst v63  }
0x9e: {  	_ =	swait.ge [sflag:s8], $0xA000  }
0x9f: {  	[sflag:s8] =	ssyncset.done $0x0  }
0xa0: {  	[sflag:s8] =	ssyncadd.s32 $0xFFFF6000  }
0xa1: {  	_ =	swait.ge [sflag:s22], $0xA00  }
0xa2: {  	[sflag:s22] =	ssyncset.done $0x0  }
0xa3: {  	s0 =	rddreg [dreg:$0xe];
	[sflag:s22] =	ssyncadd.s32 $0xFFFFF600  }
0xa4: {  	[tilespmem:s4], [sflag:$0x2] =	stream.linear.gather [hbm4b:s0+s4], $0xA00, $0x38;
	[tilespmem:$0x1FE00] =	vst v63  }
0xa5: {  	_ = 	snop  }
0xa6: {  	[tilespmem:s14], [sflag:$0x1] =	stream.indirect.gather [spmem:s2], $0x40, s12, s13, $0xb8;
	[tilespmem:$0x1FE00] =	vst v63  }
0xa7: {  	s0 =	rddreg [dreg:$0xf]  }
0xa8: {  	[tilespmem:s15], [sflag:$0x3] =	stream.linear.gather [hbm4b:s0+s4], $0xA00, $0x38;
	[tilespmem:$0x1FE00] =	vst v63  }
0xa9: {  	_ =	swait.ge [sflag:s7], $0xA000  }
0xaa: {  	[sflag:s7] =	ssyncset.done $0x0  }
0xab: {  	[sflag:s7] =	ssyncadd.s32 $0xFFFF6000  }
0xac: {  	_ =	swait.ge [sflag:s16], $0xA00  }
0xad: {  	[sflag:s16] =	ssyncset.done $0x0  }
0xae: {  	[sflag:s16] =	ssyncadd.s32 $0xFFFFF600  }
0xaf: {  	[spmem:s3] =	stream.indirect.scatter.add.f32 [tilespmem:s14], [sflag:$0x4], $0x40, s15, s13, $0xb8;
	[tilespmem:$0x1FE00] =	vst v63  }
0xb0: {  	_ =	swait.ge [sflag:s8], $0xA000  }
0xb1: {  	[sflag:s8] =	ssyncset.done $0x0  }
0xb2: {  	[sflag:s8] =	ssyncadd.s32 $0xFFFF6000  }
0xb3: {  	[tilespmem:s14], [sflag:$0x1] =	stream.indirect.gather [spmem:s2], $0x40, s23, s13, $0xb8;
	[tilespmem:$0x1FE00] =	vst v63  }
0xb4: {  	_ =	swait.ge [sflag:s7], $0xA000  }
0xb5: {  	[sflag:s7] =	ssyncset.done $0x0  }
0xb6: {  	[sflag:s7] =	ssyncadd.s32 $0xFFFF6000  }
0xb7: {  	[spmem:s3] =	stream.indirect.scatter.add.f32 [tilespmem:s14], [sflag:$0x4], $0x40, s17, s13, $0xb8;
	[tilespmem:$0x1FE00] =	vst v63  }
0xb8: {  	_ =	swait.ge [sflag:s8], $0xA000  }
0xb9: {  	[sflag:s8] =	ssyncset.done $0x0  }
0xba: {  	[sflag:s8] =	ssyncadd.s32 $0xFFFF6000  }
0xbb: {  	[tilespmem:s14], [sflag:$0x1] =	stream.indirect.gather [spmem:s2], $0x40, s24, s13, $0xb8;
	[tilespmem:$0x1FE00] =	vst v63  }
0xbc: {  	_ =	swait.ge [sflag:s7], $0xA000  }
0xbd: {  	[sflag:s7] =	ssyncset.done $0x0  }
0xbe: {  	[sflag:s7] =	ssyncadd.s32 $0xFFFF6000  }
0xbf: {  	[spmem:s3] =	stream.indirect.scatter.add.f32 [tilespmem:s14], [sflag:$0x4], $0x40, s19, s13, $0xb8;
	[tilespmem:$0x1FE00] =	vst v63  }
0xc0: {  	_ =	swait.ge [sflag:s8], $0xA000  }
0xc1: {  	[sflag:s8] =	ssyncset.done $0x0  }
0xc2: {  	[sflag:s8] =	ssyncadd.s32 $0xFFFF6000  }
0xc3: {  	[tilespmem:s14], [sflag:$0x1] =	stream.indirect.gather [spmem:s2], $0x40, s25, s13, $0xb8;
	[tilespmem:$0x1FE00] =	vst v63  }
0xc4: {  	_ =	swait.ge [sflag:s7], $0xA000  }
0xc5: {  	[sflag:s7] =	ssyncset.done $0x0  }
0xc6: {  	[sflag:s7] =	ssyncadd.s32 $0xFFFF6000  }
0xc7: {  	[spmem:s3] =	stream.indirect.scatter.add.f32 [tilespmem:s14], [sflag:$0x4], $0x40, s21, s13, $0xb8;
	[tilespmem:$0x1FE00] =	vst v63  }
0xc8: {  	_ =	swait.ge [sflag:s8], $0xA000  }
0xc9: {  	[sflag:s8] =	ssyncset.done $0x0  }
0xca: {  	[sflag:s8] =	ssyncadd.s32 $0xFFFF6000  }
0xcb: {  	_ =	swait.ge [sflag:s22], $0xA00  }
0xcc: {  	[sflag:s22] =	ssyncset.done $0x0  }
0xcd: {  	s0 =	rddreg [dreg:$0x10];
	[sflag:s22] =	ssyncadd.s32 $0xFFFFF600  }
0xce: {  	[tilespmem:s12], [sflag:$0x2] =	stream.linear.gather [hbm4b:s0+s4], $0xA00, $0x38;
	[tilespmem:$0x1FE00] =	vst v63  }
0xcf: {  	_ = 	snop  }
0xd0: {  	[tilespmem:s14], [sflag:$0x1] =	stream.indirect.gather [spmem:s2], $0x40, s4, s13, $0xb8;
	[tilespmem:$0x1FE00] =	vst v63  }
0xd1: {  	s0 =	rddreg [dreg:$0x11]  }
0xd2: {  	[tilespmem:s15], [sflag:$0x3] =	stream.linear.gather [hbm4b:s0+s4], $0xA00, $0x38;
	[tilespmem:$0x1FE00] =	vst v63  }
0xd3: {  	_ =	swait.ge [sflag:s7], $0xA000  }
0xd4: {  	[sflag:s7] =	ssyncset.done $0x0  }
0xd5: {  	[sflag:s7] =	ssyncadd.s32 $0xFFFF6000  }
0xd6: {  	_ =	swait.ge [sflag:s16], $0xA00  }
0xd7: {  	[sflag:s16] =	ssyncset.done $0x0  }
0xd8: {  	[sflag:s16] =	ssyncadd.s32 $0xFFFFF600  }
0xd9: {  	[spmem:s3] =	stream.indirect.scatter.add.f32 [tilespmem:s14], [sflag:$0x4], $0x40, s15, s13, $0xb8;
	[tilespmem:$0x1FE00] =	vst v63  }
0xda: {  	_ =	swait.ge [sflag:s8], $0xA000  }
0xdb: {  	[sflag:s8] =	ssyncset.done $0x0  }
0xdc: {  	[sflag:s8] =	ssyncadd.s32 $0xFFFF6000  }
0xdd: {  	[tilespmem:s14], [sflag:$0x1] =	stream.indirect.gather [spmem:s2], $0x40, s13, s13, $0xb8;
	[tilespmem:$0x1FE00] =	vst v63  }
0xde: {  	_ =	swait.ge [sflag:s7], $0xA000  }
0xdf: {  	[sflag:s7] =	ssyncset.done $0x0  }
0xe0: {  	[sflag:s7] =	ssyncadd.s32 $0xFFFF6000  }
0xe1: {  	[spmem:s3] =	stream.indirect.scatter.add.f32 [tilespmem:s14], [sflag:$0x4], $0x40, s17, s13, $0xb8;
	[tilespmem:$0x1FE00] =	vst v63  }
0xe2: {  	_ =	swait.ge [sflag:s8], $0xA000  }
0xe3: {  	[sflag:s8] =	ssyncset.done $0x0  }
0xe4: {  	[sflag:s8] =	ssyncadd.s32 $0xFFFF6000  }
0xe5: {  	[tilespmem:s14], [sflag:$0x1] =	stream.indirect.gather [spmem:s2], $0x40, s18, s13, $0xb8;
	[tilespmem:$0x1FE00] =	vst v63  }
0xe6: {  	_ =	swait.ge [sflag:s7], $0xA000  }
0xe7: {  	[sflag:s7] =	ssyncset.done $0x0  }
0xe8: {  	[sflag:s7] =	ssyncadd.s32 $0xFFFF6000  }
0xe9: {  	[spmem:s3] =	stream.indirect.scatter.add.f32 [tilespmem:s14], [sflag:$0x4], $0x40, s19, s13, $0xb8;
	[tilespmem:$0x1FE00] =	vst v63  }
0xea: {  	_ =	swait.ge [sflag:s8], $0xA000  }
0xeb: {  	[sflag:s8] =	ssyncset.done $0x0  }
0xec: {  	[sflag:s8] =	ssyncadd.s32 $0xFFFF6000  }
0xed: {  	[tilespmem:s14], [sflag:$0x1] =	stream.indirect.gather [spmem:s2], $0x40, s20, s13, $0xb8;
	[tilespmem:$0x1FE00] =	vst v63  }
0xee: {  	_ =	swait.ge [sflag:s7], $0xA000  }
0xef: {  	[sflag:s7] =	ssyncset.done $0x0  }
0xf0: {  	[sflag:s7] =	ssyncadd.s32 $0xFFFF6000  }
0xf1: {  	[spmem:s3] =	stream.indirect.scatter.add.f32 [tilespmem:s14], [sflag:$0x4], $0x40, s21, s13, $0xb8;
	[tilespmem:$0x1FE00] =	vst v63  }
0xf2: {  	_ =	swait.ge [sflag:s8], $0xA000  }
0xf3: {  	[sflag:s8] =	ssyncset.done $0x0  }
0xf4: {  	[sflag:s8] =	ssyncadd.s32 $0xFFFF6000  }
0xf5: {  	_ =	swait.ge [sflag:s22], $0xA00  }
0xf6: {  	[sflag:s22] =	ssyncset.done $0x0  }
0xf7: {  	s0 =	rddreg [dreg:$0x12];
	[sflag:s22] =	ssyncadd.s32 $0xFFFFF600  }
0xf8: {  	[tilespmem:s4], [sflag:$0x2] =	stream.linear.gather [hbm4b:s0+s4], $0xA00, $0x38;
	[tilespmem:$0x1FE00] =	vst v63  }
0xf9: {  	_ = 	snop  }
0xfa: {  	[tilespmem:s14], [sflag:$0x1] =	stream.indirect.gather [spmem:s2], $0x40, s12, s13, $0xb8;
	[tilespmem:$0x1FE00] =	vst v63  }
0xfb: {  	s26 =	sadd.s32 s30, s26  }
0xfc: {  	[tilespmem:s15], [sflag:$0x3] =	stream.linear.gather [hbm4b:s26+s4], $0xA00, $0x38;
	[tilespmem:$0x1FE00] =	vst v63  }
0xfd: {  	_ =	swait.ge [sflag:s7], $0xA000  }
0xfe: {  	[sflag:s7] =	ssyncset.done $0x0  }
0xff: {  	[sflag:s7] =	ssyncadd.s32 $0xFFFF6000  }
0x100: {  	_ =	swait.ge [sflag:s16], $0xA00  }
0x101: {  	[sflag:s16] =	ssyncset.done $0x0  }
0x102: {  	[sflag:s16] =	ssyncadd.s32 $0xFFFFF600  }
0x103: {  	[spmem:s3] =	stream.indirect.scatter.add.f32 [tilespmem:s14], [sflag:$0x4], $0x40, s15, s13, $0xb8;
	[tilespmem:$0x1FE00] =	vst v63  }
0x104: {  	_ =	swait.ge [sflag:s8], $0xA000  }
0x105: {  	[sflag:s8] =	ssyncset.done $0x0  }
0x106: {  	[sflag:s8] =	ssyncadd.s32 $0xFFFF6000  }
0x107: {  	[tilespmem:s14], [sflag:$0x1] =	stream.indirect.gather [spmem:s2], $0x40, s23, s13, $0xb8;
	[tilespmem:$0x1FE00] =	vst v63  }
0x108: {  	_ =	swait.ge [sflag:s7], $0xA000  }
0x109: {  	[sflag:s7] =	ssyncset.done $0x0  }
0x10a: {  	[sflag:s7] =	ssyncadd.s32 $0xFFFF6000  }
0x10b: {  	[spmem:s3] =	stream.indirect.scatter.add.f32 [tilespmem:s14], [sflag:$0x4], $0x40, s17, s13, $0xb8;
	[tilespmem:$0x1FE00] =	vst v63  }
0x10c: {  	_ =	swait.ge [sflag:s8], $0xA000  }
0x10d: {  	[sflag:s8] =	ssyncset.done $0x0  }
0x10e: {  	[sflag:s8] =	ssyncadd.s32 $0xFFFF6000  }
0x10f: {  	[tilespmem:s14], [sflag:$0x1] =	stream.indirect.gather [spmem:s2], $0x40, s24, s13, $0xb8;
	[tilespmem:$0x1FE00] =	vst v63  }
0x110: {  	_ =	swait.ge [sflag:s7], $0xA000  }
0x111: {  	[sflag:s7] =	ssyncset.done $0x0  }
0x112: {  	[sflag:s7] =	ssyncadd.s32 $0xFFFF6000  }
0x113: {  	[spmem:s3] =	stream.indirect.scatter.add.f32 [tilespmem:s14], [sflag:$0x4], $0x40, s19, s13, $0xb8;
	[tilespmem:$0x1FE00] =	vst v63  }
0x114: {  	_ =	swait.ge [sflag:s8], $0xA000  }
0x115: {  	[sflag:s8] =	ssyncset.done $0x0  }
0x116: {  	[sflag:s8] =	ssyncadd.s32 $0xFFFF6000  }
0x117: {  	[tilespmem:s14], [sflag:$0x1] =	stream.indirect.gather [spmem:s2], $0x40, s25, s13, $0xb8;
	[tilespmem:$0x1FE00] =	vst v63  }
0x118: {  	_ =	swait.ge [sflag:s7], $0xA000  }
0x119: {  	[sflag:s7] =	ssyncset.done $0x0  }
0x11a: {  	[sflag:s7] =	ssyncadd.s32 $0xFFFF6000  }
0x11b: {  	[spmem:s3] =	stream.indirect.scatter.add.f32 [tilespmem:s14], [sflag:$0x4], $0x40, s21, s13, $0xb8;
	[tilespmem:$0x1FE00] =	vst v63  }
0x11c: {  	_ =	swait.ge [sflag:s8], $0xA000  }
0x11d: {  	[sflag:s8] =	ssyncset.done $0x0  }
0x11e: {  	[sflag:s8] =	ssyncadd.s32 $0xFFFF6000  }
0x11f: {  	_ =	swait.ge [sflag:s22], $0xA00  }
0x120: {  	s0 =	sadd.s32 $0x8C0, s29;
	[sflag:s22] =	ssyncset.done $0x0  }
0x121: {  	s28 =	sadd.s32 s28, s0;
	[sflag:s22] =	ssyncadd.s32 $0xFFFFF600  }
0x122: {  	[tilespmem:s12], [sflag:$0x2] =	stream.linear.gather [hbm4b:s28+s4], $0xA00, $0x38;
	[tilespmem:$0x1FE00] =	vst v63  }
0x123: {  	_ = 	snop  }
0x124: {  	[tilespmem:s14], [sflag:$0x1] =	stream.indirect.gather [spmem:s2], $0x40, s4, s13, $0xb8;
	[tilespmem:$0x1FE00] =	vst v63  }
0x125: {  	s29 =	sadd.s32 s30, s1  }
0x126: {  	[tilespmem:s15], [sflag:$0x3] =	stream.linear.gather [hbm4b:s29+s4], $0xA00, $0x38;
	[tilespmem:$0x1FE00] =	vst v63  }
0x127: {  	_ =	swait.ge [sflag:s7], $0xA000  }
0x128: {  	[sflag:s7] =	ssyncset.done $0x0  }
0x129: {  	[sflag:s7] =	ssyncadd.s32 $0xFFFF6000  }
0x12a: {  	_ =	swait.ge [sflag:s16], $0xA00  }
0x12b: {  	[sflag:s16] =	ssyncset.done $0x0  }
0x12c: {  	[sflag:s16] =	ssyncadd.s32 $0xFFFFF600  }
0x12d: {  	[spmem:s3] =	stream.indirect.scatter.add.f32 [tilespmem:s14], [sflag:$0x4], $0x40, s15, s13, $0xb8;
	[tilespmem:$0x1FE00] =	vst v63  }
0x12e: {  	_ =	swait.ge [sflag:s8], $0xA000  }
0x12f: {  	[sflag:s8] =	ssyncset.done $0x0  }
0x130: {  	[sflag:s8] =	ssyncadd.s32 $0xFFFF6000  }
0x131: {  	[tilespmem:s14], [sflag:$0x1] =	stream.indirect.gather [spmem:s2], $0x40, s13, s13, $0xb8;
	[tilespmem:$0x1FE00] =	vst v63  }
0x132: {  	_ =	swait.ge [sflag:s7], $0xA000  }
0x133: {  	[sflag:s7] =	ssyncset.done $0x0  }
0x134: {  	[sflag:s7] =	ssyncadd.s32 $0xFFFF6000  }
0x135: {  	[spmem:s3] =	stream.indirect.scatter.add.f32 [tilespmem:s14], [sflag:$0x4], $0x40, s17, s13, $0xb8;
	[tilespmem:$0x1FE00] =	vst v63  }
0x136: {  	_ =	swait.ge [sflag:s8], $0xA000  }
0x137: {  	[sflag:s8] =	ssyncset.done $0x0  }
0x138: {  	[sflag:s8] =	ssyncadd.s32 $0xFFFF6000  }
0x139: {  	[tilespmem:s14], [sflag:$0x1] =	stream.indirect.gather [spmem:s2], $0x40, s18, s13, $0xb8;
	[tilespmem:$0x1FE00] =	vst v63  }
0x13a: {  	_ =	swait.ge [sflag:s7], $0xA000  }
0x13b: {  	[sflag:s7] =	ssyncset.done $0x0  }
0x13c: {  	[sflag:s7] =	ssyncadd.s32 $0xFFFF6000  }
0x13d: {  	[spmem:s3] =	stream.indirect.scatter.add.f32 [tilespmem:s14], [sflag:$0x4], $0x40, s19, s13, $0xb8;
	[tilespmem:$0x1FE00] =	vst v63  }
0x13e: {  	_ =	swait.ge [sflag:s8], $0xA000  }
0x13f: {  	[sflag:s8] =	ssyncset.done $0x0  }
0x140: {  	[sflag:s8] =	ssyncadd.s32 $0xFFFF6000  }
0x141: {  	[tilespmem:s14], [sflag:$0x1] =	stream.indirect.gather [spmem:s2], $0x40, s20, s13, $0xb8;
	[tilespmem:$0x1FE00] =	vst v63  }
0x142: {  	_ =	swait.ge [sflag:s7], $0xA000  }
0x143: {  	[sflag:s7] =	ssyncset.done $0x0  }
0x144: {  	[sflag:s7] =	ssyncadd.s32 $0xFFFF6000  }
0x145: {  	[spmem:s3] =	stream.indirect.scatter.add.f32 [tilespmem:s14], [sflag:$0x4], $0x40, s21, s13, $0xb8;
	[tilespmem:$0x1FE00] =	vst v63  }
0x146: {  	_ =	swait.ge [sflag:s8], $0xA000  }
0x147: {  	[sflag:s8] =	ssyncset.done $0x0  }
0x148: {  	[sflag:s8] =	ssyncadd.s32 $0xFFFF6000  }
0x149: {  	_ =	swait.ge [sflag:s22], $0xA00  }
0x14a: {  	[sflag:s22] =	ssyncset.done $0x0  }
0x14b: {  	[sflag:s22] =	ssyncadd.s32 $0xFFFFF600  }
0x14c: {  	[tilespmem:s14], [sflag:$0x1] =	stream.indirect.gather [spmem:s2], $0x40, s12, s13, $0xb8;
	[tilespmem:$0x1FE00] =	vst v63  }
0x14d: {  	s30 =	sadd.s32 s30, s0  }
0x14e: {  	[tilespmem:s15], [sflag:$0x3] =	stream.linear.gather [hbm4b:s30+s4], $0xA00, $0x38;
	[tilespmem:$0x1FE00] =	vst v63  }
0x14f: {  	_ =	swait.ge [sflag:s7], $0xA000  }
0x150: {  	[sflag:s7] =	ssyncset.done $0x0  }
0x151: {  	[sflag:s7] =	ssyncadd.s32 $0xFFFF6000  }
0x152: {  	_ =	swait.ge [sflag:s16], $0xA00  }
0x153: {  	[sflag:s16] =	ssyncset.done $0x0  }
0x154: {  	[sflag:s16] =	ssyncadd.s32 $0xFFFFF600  }
0x155: {  	[spmem:s3] =	stream.indirect.scatter.add.f32 [tilespmem:s14], [sflag:$0x4], $0x40, s15, s13, $0xb8;
	[tilespmem:$0x1FE00] =	vst v63  }
0x156: {  	_ =	swait.ge [sflag:s8], $0xA000  }
0x157: {  	[sflag:s8] =	ssyncset.done $0x0  }
0x158: {  	[sflag:s8] =	ssyncadd.s32 $0xFFFF6000  }
0x159: {  	[tilespmem:s14], [sflag:$0x1] =	stream.indirect.gather [spmem:s2], $0x40, s23, s13, $0xb8;
	[tilespmem:$0x1FE00] =	vst v63  }
0x15a: {  	_ =	swait.ge [sflag:s7], $0xA000  }
0x15b: {  	[sflag:s7] =	ssyncset.done $0x0  }
0x15c: {  	[sflag:s7] =	ssyncadd.s32 $0xFFFF6000  }
0x15d: {  	[spmem:s3] =	stream.indirect.scatter.add.f32 [tilespmem:s14], [sflag:$0x4], $0x40, s17, s13, $0xb8;
	[tilespmem:$0x1FE00] =	vst v63  }
0x15e: {  	_ =	swait.ge [sflag:s8], $0xA000  }
0x15f: {  	[sflag:s8] =	ssyncset.done $0x0  }
0x160: {  	[sflag:s8] =	ssyncadd.s32 $0xFFFF6000  }
0x161: {  	[tilespmem:s14], [sflag:$0x1] =	stream.indirect.gather [spmem:s2], $0x40, s24, s13, $0xb8;
	[tilespmem:$0x1FE00] =	vst v63  }
0x162: {  	_ =	swait.ge [sflag:s7], $0xA000  }
0x163: {  	[sflag:s7] =	ssyncset.done $0x0  }
0x164: {  	[sflag:s7] =	ssyncadd.s32 $0xFFFF6000  }
0x165: {  	[spmem:s3] =	stream.indirect.scatter.add.f32 [tilespmem:s14], [sflag:$0x4], $0x40, s19, s13, $0xb8;
	[tilespmem:$0x1FE00] =	vst v63  }
0x166: {  	_ =	swait.ge [sflag:s8], $0xA000  }
0x167: {  	[sflag:s8] =	ssyncset.done $0x0  }
0x168: {  	[sflag:s8] =	ssyncadd.s32 $0xFFFF6000  }
0x169: {  	[tilespmem:s14], [sflag:$0x1] =	stream.indirect.gather [spmem:s2], $0x40, s25, s13, $0xb8;
	[tilespmem:$0x1FE00] =	vst v63  }
0x16a: {  	_ =	swait.ge [sflag:s7], $0xA000  }
0x16b: {  	[sflag:s7] =	ssyncset.done $0x0;
	s1 =	rddreg [dreg:$0x13]  }
0x16c: {  	[sflag:s7] =	ssyncadd.s32 $0xFFFF6000;
	s0 =	smul.u32 $0xA0000, s1  }
0x16d: {  	[spmem:s3] =	stream.indirect.scatter.add.f32 [tilespmem:s14], [sflag:$0x4], $0x40, s21, s13, $0xb8;
	[tilespmem:$0x1FE00] =	vst v63  }
0x16e: {  	s0 =	sadd.s32 s31, s0  }
0x16f: {  	s1 =	ssub.s32 $0x2, s1;
	s0 =	sshrl.u32 s0, $0x3  }
0x170: {  	_ =	swait.ge [sflag:s8], $0xA000;
	[dreg:$0x14] =	wrdreg s0;
	s0 =	sshrl.u32 s1, $0x1  }
0x171: {  	[sflag:s8] =	ssyncset.done $0x0;
	[dreg:$0x15] =	wrdreg s0  }
0x172: {  	s0 =	rddreg [dreg:$0x0]  }
0x173: {  	s31 =	rddreg [dreg:$0x14]  }
0x174: {  	s0 =	sadd.s32 s31, s0;
	s31 =	rddreg [dreg:$0x15]  }
0x175: {  	s1 =	ssub.s32 s1, s31  }
0x176: {  	s1 =	smax.u32 s1, $0x1  }
0x177: {  	p0 =	sne.s32 s1, $0x1  }
.Ltmp0:
0x178: {  	_ = 	snop;
	(pc) =	sbr.rel @!p0 .LBB2_2-.Ltmp0, $4  }
0x179: {  	[sflag:s8] =	ssyncadd.s32 $0xFFFF6000  }
0x17a: {  	[bflag:$0x0] =	sbarrier.arrive $0xFFFF;
	s31 =	sadd.s32 $0x35800, s0  }
0x17b: {  	[hbm:s31], [sflag:s5] =	dma.local [spmem:s11], $0x1400  }
0x17c: {  	s1 =	sadd.s32 $0xFFFFFFFF, s1;
	_ =	swait.ge [sflag:s8], $0x1400  }
.LBB2_1:
0x17d: {  	[sflag:s8] =	ssyncset.done $0x0  }
0x17e: {  	s0 =	rddreg [dreg:$0x6];
	[sflag:s8] =	ssyncadd.s32 $0xFFFFEC00  }
0x17f: {  	[spmem:s6@s9], [sflag:s5] =	dma.strided [hbm:s0@s10], $0x1400, s7, $0x8   }
0x180: {  	_ =	swait.ge [sflag:s8], $0x1400  }
0x181: {  	[sflag:s8] =	ssyncset.done $0x0  }
0x182: {  	s0 =	rddreg [dreg:$0x5];
	[sflag:s8] =	ssyncadd.s32 $0xFFFFEC00  }
0x183: {  	[spmem:s11], [sflag:s5] =	dma.local [hbm:s0], $0x1400  }
0x184: {  	_ =	swait.ge [sflag:s8], $0x1400  }
0x185: {  	[sflag:s8] =	ssyncset.done $0x0  }
0x186: {  	[sflag:s8] =	ssyncadd.s32 $0xFFFFEC00  }
0x187: {  	[bflag:$0x0] =	sbarrier.arrive $0xFFFF  }
0x188: {  	s0 =	rddreg [dreg:$0x7]  }
0x189: {  	[tilespmem:s4], [sflag:$0x4] =	stream.linear.gather [hbm4b:s0+s4], $0xA00, $0x38;
	[tilespmem:$0x1FE00] =	vst v63  }
0x18a: {  	_ =	swait.ge [sflag:s8], $0xA00  }
0x18b: {  	[sflag:s8] =	ssyncset.done $0x0  }
0x18c: {  	s0 =	rddreg [dreg:$0x8];
	[sflag:s8] =	ssyncadd.s32 $0xFFFFF600  }
0x18d: {  	[tilespmem:s12], [sflag:$0x2] =	stream.linear.gather [hbm4b:s0+s4], $0xA00, $0x38;
	[tilespmem:$0x1FE00] =	vst v63  }
0x18e: {  	_ = 	snop  }
0x18f: {  	[tilespmem:s14], [sflag:$0x1] =	stream.indirect.gather [spmem:s2], $0x40, s4, s13, $0xb8;
	[tilespmem:$0x1FE00] =	vst v63  }
0x190: {  	s0 =	rddreg [dreg:$0x9]  }
0x191: {  	[tilespmem:s15], [sflag:$0x3] =	stream.linear.gather [hbm4b:s0+s4], $0xA00, $0x38;
	[tilespmem:$0x1FE00] =	vst v63  }
0x192: {  	_ =	swait.ge [sflag:s7], $0xA000  }
0x193: {  	[sflag:s7] =	ssyncset.done $0x0  }
0x194: {  	[sflag:s7] =	ssyncadd.s32 $0xFFFF6000  }
0x195: {  	_ =	swait.ge [sflag:s16], $0xA00  }
0x196: {  	[sflag:s16] =	ssyncset.done $0x0  }
0x197: {  	[sflag:s16] =	ssyncadd.s32 $0xFFFFF600  }
0x198: {  	[spmem:s3] =	stream.indirect.scatter.add.f32 [tilespmem:s14], [sflag:$0x4], $0x40, s15, s13, $0xb8;
	[tilespmem:$0x1FE00] =	vst v63  }
0x199: {  	_ =	swait.ge [sflag:s8], $0xA000  }
0x19a: {  	[sflag:s8] =	ssyncset.done $0x0  }
0x19b: {  	[sflag:s8] =	ssyncadd.s32 $0xFFFF6000  }
0x19c: {  	[tilespmem:s14], [sflag:$0x1] =	stream.indirect.gather [spmem:s2], $0x40, s13, s13, $0xb8;
	[tilespmem:$0x1FE00] =	vst v63  }
0x19d: {  	_ =	swait.ge [sflag:s7], $0xA000  }
0x19e: {  	[sflag:s7] =	ssyncset.done $0x0  }
0x19f: {  	[sflag:s7] =	ssyncadd.s32 $0xFFFF6000  }
0x1a0: {  	[spmem:s3] =	stream.indirect.scatter.add.f32 [tilespmem:s14], [sflag:$0x4], $0x40, s17, s13, $0xb8;
	[tilespmem:$0x1FE00] =	vst v63  }
0x1a1: {  	_ =	swait.ge [sflag:s8], $0xA000  }
0x1a2: {  	[sflag:s8] =	ssyncset.done $0x0  }
0x1a3: {  	[sflag:s8] =	ssyncadd.s32 $0xFFFF6000  }
0x1a4: {  	[tilespmem:s14], [sflag:$0x1] =	stream.indirect.gather [spmem:s2], $0x40, s18, s13, $0xb8;
	[tilespmem:$0x1FE00] =	vst v63  }
0x1a5: {  	_ =	swait.ge [sflag:s7], $0xA000  }
0x1a6: {  	[sflag:s7] =	ssyncset.done $0x0  }
0x1a7: {  	[sflag:s7] =	ssyncadd.s32 $0xFFFF6000  }
0x1a8: {  	[spmem:s3] =	stream.indirect.scatter.add.f32 [tilespmem:s14], [sflag:$0x4], $0x40, s19, s13, $0xb8;
	[tilespmem:$0x1FE00] =	vst v63  }
0x1a9: {  	_ =	swait.ge [sflag:s8], $0xA000  }
0x1aa: {  	[sflag:s8] =	ssyncset.done $0x0  }
0x1ab: {  	[sflag:s8] =	ssyncadd.s32 $0xFFFF6000  }
0x1ac: {  	[tilespmem:s14], [sflag:$0x1] =	stream.indirect.gather [spmem:s2], $0x40, s20, s13, $0xb8;
	[tilespmem:$0x1FE00] =	vst v63  }
0x1ad: {  	_ =	swait.ge [sflag:s7], $0xA000  }
0x1ae: {  	[sflag:s7] =	ssyncset.done $0x0  }
0x1af: {  	[sflag:s7] =	ssyncadd.s32 $0xFFFF6000  }
0x1b0: {  	[spmem:s3] =	stream.indirect.scatter.add.f32 [tilespmem:s14], [sflag:$0x4], $0x40, s21, s13, $0xb8;
	[tilespmem:$0x1FE00] =	vst v63  }
0x1b1: {  	_ =	swait.ge [sflag:s8], $0xA000  }
0x1b2: {  	[sflag:s8] =	ssyncset.done $0x0  }
0x1b3: {  	[sflag:s8] =	ssyncadd.s32 $0xFFFF6000  }
0x1b4: {  	_ =	swait.ge [sflag:s22], $0xA00  }
0x1b5: {  	[sflag:s22] =	ssyncset.done $0x0  }
0x1b6: {  	s0 =	rddreg [dreg:$0xa];
	[sflag:s22] =	ssyncadd.s32 $0xFFFFF600  }
0x1b7: {  	[tilespmem:s4], [sflag:$0x2] =	stream.linear.gather [hbm4b:s0+s4], $0xA00, $0x38;
	[tilespmem:$0x1FE00] =	vst v63  }
0x1b8: {  	_ = 	snop  }
0x1b9: {  	[tilespmem:s14], [sflag:$0x1] =	stream.indirect.gather [spmem:s2], $0x40, s12, s13, $0xb8;
	[tilespmem:$0x1FE00] =	vst v63  }
0x1ba: {  	s0 =	rddreg [dreg:$0xb]  }
0x1bb: {  	[tilespmem:s15], [sflag:$0x3] =	stream.linear.gather [hbm4b:s0+s4], $0xA00, $0x38;
	[tilespmem:$0x1FE00] =	vst v63  }
0x1bc: {  	_ =	swait.ge [sflag:s7], $0xA000  }
0x1bd: {  	[sflag:s7] =	ssyncset.done $0x0  }
0x1be: {  	[sflag:s7] =	ssyncadd.s32 $0xFFFF6000  }
0x1bf: {  	_ =	swait.ge [sflag:s16], $0xA00  }
0x1c0: {  	[sflag:s16] =	ssyncset.done $0x0  }
0x1c1: {  	[sflag:s16] =	ssyncadd.s32 $0xFFFFF600  }
0x1c2: {  	[spmem:s3] =	stream.indirect.scatter.add.f32 [tilespmem:s14], [sflag:$0x4], $0x40, s15, s13, $0xb8;
	[tilespmem:$0x1FE00] =	vst v63  }
0x1c3: {  	_ =	swait.ge [sflag:s8], $0xA000  }
0x1c4: {  	[sflag:s8] =	ssyncset.done $0x0  }
0x1c5: {  	[sflag:s8] =	ssyncadd.s32 $0xFFFF6000  }
0x1c6: {  	[tilespmem:s14], [sflag:$0x1] =	stream.indirect.gather [spmem:s2], $0x40, s23, s13, $0xb8;
	[tilespmem:$0x1FE00] =	vst v63  }
0x1c7: {  	_ =	swait.ge [sflag:s7], $0xA000  }
0x1c8: {  	[sflag:s7] =	ssyncset.done $0x0  }
0x1c9: {  	[sflag:s7] =	ssyncadd.s32 $0xFFFF6000  }
0x1ca: {  	[spmem:s3] =	stream.indirect.scatter.add.f32 [tilespmem:s14], [sflag:$0x4], $0x40, s17, s13, $0xb8;
	[tilespmem:$0x1FE00] =	vst v63  }
0x1cb: {  	_ =	swait.ge [sflag:s8], $0xA000  }
0x1cc: {  	[sflag:s8] =	ssyncset.done $0x0  }
0x1cd: {  	[sflag:s8] =	ssyncadd.s32 $0xFFFF6000  }
0x1ce: {  	[tilespmem:s14], [sflag:$0x1] =	stream.indirect.gather [spmem:s2], $0x40, s24, s13, $0xb8;
	[tilespmem:$0x1FE00] =	vst v63  }
0x1cf: {  	_ =	swait.ge [sflag:s7], $0xA000  }
0x1d0: {  	[sflag:s7] =	ssyncset.done $0x0  }
0x1d1: {  	[sflag:s7] =	ssyncadd.s32 $0xFFFF6000  }
0x1d2: {  	[spmem:s3] =	stream.indirect.scatter.add.f32 [tilespmem:s14], [sflag:$0x4], $0x40, s19, s13, $0xb8;
	[tilespmem:$0x1FE00] =	vst v63  }
0x1d3: {  	_ =	swait.ge [sflag:s8], $0xA000  }
0x1d4: {  	[sflag:s8] =	ssyncset.done $0x0  }
0x1d5: {  	[sflag:s8] =	ssyncadd.s32 $0xFFFF6000  }
0x1d6: {  	[tilespmem:s14], [sflag:$0x1] =	stream.indirect.gather [spmem:s2], $0x40, s25, s13, $0xb8;
	[tilespmem:$0x1FE00] =	vst v63  }
0x1d7: {  	_ =	swait.ge [sflag:s7], $0xA000  }
0x1d8: {  	[sflag:s7] =	ssyncset.done $0x0  }
0x1d9: {  	[sflag:s7] =	ssyncadd.s32 $0xFFFF6000  }
0x1da: {  	[spmem:s3] =	stream.indirect.scatter.add.f32 [tilespmem:s14], [sflag:$0x4], $0x40, s21, s13, $0xb8;
	[tilespmem:$0x1FE00] =	vst v63  }
0x1db: {  	_ =	swait.ge [sflag:s8], $0xA000  }
0x1dc: {  	[sflag:s8] =	ssyncset.done $0x0  }
0x1dd: {  	[sflag:s8] =	ssyncadd.s32 $0xFFFF6000  }
0x1de: {  	_ =	swait.ge [sflag:s22], $0xA00  }
0x1df: {  	[sflag:s22] =	ssyncset.done $0x0  }
0x1e0: {  	s0 =	rddreg [dreg:$0xc];
	[sflag:s22] =	ssyncadd.s32 $0xFFFFF600  }
0x1e1: {  	[tilespmem:s12], [sflag:$0x2] =	stream.linear.gather [hbm4b:s0+s4], $0xA00, $0x38;
	[tilespmem:$0x1FE00] =	vst v63  }
0x1e2: {  	_ = 	snop  }
0x1e3: {  	[tilespmem:s14], [sflag:$0x1] =	stream.indirect.gather [spmem:s2], $0x40, s4, s13, $0xb8;
	[tilespmem:$0x1FE00] =	vst v63  }
0x1e4: {  	s0 =	rddreg [dreg:$0xd]  }
0x1e5: {  	[tilespmem:s15], [sflag:$0x3] =	stream.linear.gather [hbm4b:s0+s4], $0xA00, $0x38;
	[tilespmem:$0x1FE00] =	vst v63  }
0x1e6: {  	_ =	swait.ge [sflag:s7], $0xA000  }
0x1e7: {  	[sflag:s7] =	ssyncset.done $0x0  }
0x1e8: {  	[sflag:s7] =	ssyncadd.s32 $0xFFFF6000  }
0x1e9: {  	_ =	swait.ge [sflag:s16], $0xA00  }
0x1ea: {  	[sflag:s16] =	ssyncset.done $0x0  }
0x1eb: {  	[sflag:s16] =	ssyncadd.s32 $0xFFFFF600  }
0x1ec: {  	[spmem:s3] =	stream.indirect.scatter.add.f32 [tilespmem:s14], [sflag:$0x4], $0x40, s15, s13, $0xb8;
	[tilespmem:$0x1FE00] =	vst v63  }
0x1ed: {  	_ =	swait.ge [sflag:s8], $0xA000  }
0x1ee: {  	[sflag:s8] =	ssyncset.done $0x0  }
0x1ef: {  	[sflag:s8] =	ssyncadd.s32 $0xFFFF6000  }
0x1f0: {  	[tilespmem:s14], [sflag:$0x1] =	stream.indirect.gather [spmem:s2], $0x40, s13, s13, $0xb8;
	[tilespmem:$0x1FE00] =	vst v63  }
0x1f1: {  	_ =	swait.ge [sflag:s7], $0xA000  }
0x1f2: {  	[sflag:s7] =	ssyncset.done $0x0  }
0x1f3: {  	[sflag:s7] =	ssyncadd.s32 $0xFFFF6000  }
0x1f4: {  	[spmem:s3] =	stream.indirect.scatter.add.f32 [tilespmem:s14], [sflag:$0x4], $0x40, s17, s13, $0xb8;
	[tilespmem:$0x1FE00] =	vst v63  }
0x1f5: {  	_ =	swait.ge [sflag:s8], $0xA000  }
0x1f6: {  	[sflag:s8] =	ssyncset.done $0x0  }
0x1f7: {  	[sflag:s8] =	ssyncadd.s32 $0xFFFF6000  }
0x1f8: {  	[tilespmem:s14], [sflag:$0x1] =	stream.indirect.gather [spmem:s2], $0x40, s18, s13, $0xb8;
	[tilespmem:$0x1FE00] =	vst v63  }
0x1f9: {  	_ =	swait.ge [sflag:s7], $0xA000  }
0x1fa: {  	[sflag:s7] =	ssyncset.done $0x0  }
0x1fb: {  	[sflag:s7] =	ssyncadd.s32 $0xFFFF6000  }
0x1fc: {  	[spmem:s3] =	stream.indirect.scatter.add.f32 [tilespmem:s14], [sflag:$0x4], $0x40, s19, s13, $0xb8;
	[tilespmem:$0x1FE00] =	vst v63  }
0x1fd: {  	_ =	swait.ge [sflag:s8], $0xA000  }
0x1fe: {  	[sflag:s8] =	ssyncset.done $0x0  }
0x1ff: {  	[sflag:s8] =	ssyncadd.s32 $0xFFFF6000  }
0x200: {  	[tilespmem:s14], [sflag:$0x1] =	stream.indirect.gather [spmem:s2], $0x40, s20, s13, $0xb8;
	[tilespmem:$0x1FE00] =	vst v63  }
0x201: {  	_ =	swait.ge [sflag:s7], $0xA000  }
0x202: {  	[sflag:s7] =	ssyncset.done $0x0  }
0x203: {  	[sflag:s7] =	ssyncadd.s32 $0xFFFF6000  }
0x204: {  	[spmem:s3] =	stream.indirect.scatter.add.f32 [tilespmem:s14], [sflag:$0x4], $0x40, s21, s13, $0xb8;
	[tilespmem:$0x1FE00] =	vst v63  }
0x205: {  	_ =	swait.ge [sflag:s8], $0xA000  }
0x206: {  	[sflag:s8] =	ssyncset.done $0x0  }
0x207: {  	[sflag:s8] =	ssyncadd.s32 $0xFFFF6000  }
0x208: {  	_ =	swait.ge [sflag:s22], $0xA00  }
0x209: {  	[sflag:s22] =	ssyncset.done $0x0  }
0x20a: {  	s0 =	rddreg [dreg:$0xe];
	[sflag:s22] =	ssyncadd.s32 $0xFFFFF600  }
0x20b: {  	[tilespmem:s4], [sflag:$0x2] =	stream.linear.gather [hbm4b:s0+s4], $0xA00, $0x38;
	[tilespmem:$0x1FE00] =	vst v63  }
0x20c: {  	_ = 	snop  }
0x20d: {  	[tilespmem:s14], [sflag:$0x1] =	stream.indirect.gather [spmem:s2], $0x40, s12, s13, $0xb8;
	[tilespmem:$0x1FE00] =	vst v63  }
0x20e: {  	s0 =	rddreg [dreg:$0xf]  }
0x20f: {  	[tilespmem:s15], [sflag:$0x3] =	stream.linear.gather [hbm4b:s0+s4], $0xA00, $0x38;
	[tilespmem:$0x1FE00] =	vst v63  }
0x210: {  	_ =	swait.ge [sflag:s7], $0xA000  }
0x211: {  	[sflag:s7] =	ssyncset.done $0x0  }
0x212: {  	[sflag:s7] =	ssyncadd.s32 $0xFFFF6000  }
0x213: {  	_ =	swait.ge [sflag:s16], $0xA00  }
0x214: {  	[sflag:s16] =	ssyncset.done $0x0  }
0x215: {  	[sflag:s16] =	ssyncadd.s32 $0xFFFFF600  }
0x216: {  	[spmem:s3] =	stream.indirect.scatter.add.f32 [tilespmem:s14], [sflag:$0x4], $0x40, s15, s13, $0xb8;
	[tilespmem:$0x1FE00] =	vst v63  }
0x217: {  	_ =	swait.ge [sflag:s8], $0xA000  }
0x218: {  	[sflag:s8] =	ssyncset.done $0x0  }
0x219: {  	[sflag:s8] =	ssyncadd.s32 $0xFFFF6000  }
0x21a: {  	[tilespmem:s14], [sflag:$0x1] =	stream.indirect.gather [spmem:s2], $0x40, s23, s13, $0xb8;
	[tilespmem:$0x1FE00] =	vst v63  }
0x21b: {  	_ =	swait.ge [sflag:s7], $0xA000  }
0x21c: {  	[sflag:s7] =	ssyncset.done $0x0  }
0x21d: {  	[sflag:s7] =	ssyncadd.s32 $0xFFFF6000  }
0x21e: {  	[spmem:s3] =	stream.indirect.scatter.add.f32 [tilespmem:s14], [sflag:$0x4], $0x40, s17, s13, $0xb8;
	[tilespmem:$0x1FE00] =	vst v63  }
0x21f: {  	_ =	swait.ge [sflag:s8], $0xA000  }
0x220: {  	[sflag:s8] =	ssyncset.done $0x0  }
0x221: {  	[sflag:s8] =	ssyncadd.s32 $0xFFFF6000  }
0x222: {  	[tilespmem:s14], [sflag:$0x1] =	stream.indirect.gather [spmem:s2], $0x40, s24, s13, $0xb8;
	[tilespmem:$0x1FE00] =	vst v63  }
0x223: {  	_ =	swait.ge [sflag:s7], $0xA000  }
0x224: {  	[sflag:s7] =	ssyncset.done $0x0  }
0x225: {  	[sflag:s7] =	ssyncadd.s32 $0xFFFF6000  }
0x226: {  	[spmem:s3] =	stream.indirect.scatter.add.f32 [tilespmem:s14], [sflag:$0x4], $0x40, s19, s13, $0xb8;
	[tilespmem:$0x1FE00] =	vst v63  }
0x227: {  	_ =	swait.ge [sflag:s8], $0xA000  }
0x228: {  	[sflag:s8] =	ssyncset.done $0x0  }
0x229: {  	[sflag:s8] =	ssyncadd.s32 $0xFFFF6000  }
0x22a: {  	[tilespmem:s14], [sflag:$0x1] =	stream.indirect.gather [spmem:s2], $0x40, s25, s13, $0xb8;
	[tilespmem:$0x1FE00] =	vst v63  }
0x22b: {  	_ =	swait.ge [sflag:s7], $0xA000  }
0x22c: {  	[sflag:s7] =	ssyncset.done $0x0  }
0x22d: {  	[sflag:s7] =	ssyncadd.s32 $0xFFFF6000  }
0x22e: {  	[spmem:s3] =	stream.indirect.scatter.add.f32 [tilespmem:s14], [sflag:$0x4], $0x40, s21, s13, $0xb8;
	[tilespmem:$0x1FE00] =	vst v63  }
0x22f: {  	_ =	swait.ge [sflag:s8], $0xA000  }
0x230: {  	[sflag:s8] =	ssyncset.done $0x0  }
0x231: {  	[sflag:s8] =	ssyncadd.s32 $0xFFFF6000  }
0x232: {  	_ =	swait.ge [sflag:s22], $0xA00  }
0x233: {  	[sflag:s22] =	ssyncset.done $0x0  }
0x234: {  	s0 =	rddreg [dreg:$0x10];
	[sflag:s22] =	ssyncadd.s32 $0xFFFFF600  }
0x235: {  	[tilespmem:s12], [sflag:$0x2] =	stream.linear.gather [hbm4b:s0+s4], $0xA00, $0x38;
	[tilespmem:$0x1FE00] =	vst v63  }
0x236: {  	_ = 	snop  }
0x237: {  	[tilespmem:s14], [sflag:$0x1] =	stream.indirect.gather [spmem:s2], $0x40, s4, s13, $0xb8;
	[tilespmem:$0x1FE00] =	vst v63  }
0x238: {  	s0 =	rddreg [dreg:$0x11]  }
0x239: {  	[tilespmem:s15], [sflag:$0x3] =	stream.linear.gather [hbm4b:s0+s4], $0xA00, $0x38;
	[tilespmem:$0x1FE00] =	vst v63  }
0x23a: {  	_ =	swait.ge [sflag:s7], $0xA000  }
0x23b: {  	[sflag:s7] =	ssyncset.done $0x0  }
0x23c: {  	[sflag:s7] =	ssyncadd.s32 $0xFFFF6000  }
0x23d: {  	_ =	swait.ge [sflag:s16], $0xA00  }
0x23e: {  	[sflag:s16] =	ssyncset.done $0x0  }
0x23f: {  	[sflag:s16] =	ssyncadd.s32 $0xFFFFF600  }
0x240: {  	[spmem:s3] =	stream.indirect.scatter.add.f32 [tilespmem:s14], [sflag:$0x4], $0x40, s15, s13, $0xb8;
	[tilespmem:$0x1FE00] =	vst v63  }
0x241: {  	_ =	swait.ge [sflag:s8], $0xA000  }
0x242: {  	[sflag:s8] =	ssyncset.done $0x0  }
0x243: {  	[sflag:s8] =	ssyncadd.s32 $0xFFFF6000  }
0x244: {  	[tilespmem:s14], [sflag:$0x1] =	stream.indirect.gather [spmem:s2], $0x40, s13, s13, $0xb8;
	[tilespmem:$0x1FE00] =	vst v63  }
0x245: {  	_ =	swait.ge [sflag:s7], $0xA000  }
0x246: {  	[sflag:s7] =	ssyncset.done $0x0  }
0x247: {  	[sflag:s7] =	ssyncadd.s32 $0xFFFF6000  }
0x248: {  	[spmem:s3] =	stream.indirect.scatter.add.f32 [tilespmem:s14], [sflag:$0x4], $0x40, s17, s13, $0xb8;
	[tilespmem:$0x1FE00] =	vst v63  }
0x249: {  	_ =	swait.ge [sflag:s8], $0xA000  }
0x24a: {  	[sflag:s8] =	ssyncset.done $0x0  }
0x24b: {  	[sflag:s8] =	ssyncadd.s32 $0xFFFF6000  }
0x24c: {  	[tilespmem:s14], [sflag:$0x1] =	stream.indirect.gather [spmem:s2], $0x40, s18, s13, $0xb8;
	[tilespmem:$0x1FE00] =	vst v63  }
0x24d: {  	_ =	swait.ge [sflag:s7], $0xA000  }
0x24e: {  	[sflag:s7] =	ssyncset.done $0x0  }
0x24f: {  	[sflag:s7] =	ssyncadd.s32 $0xFFFF6000  }
0x250: {  	[spmem:s3] =	stream.indirect.scatter.add.f32 [tilespmem:s14], [sflag:$0x4], $0x40, s19, s13, $0xb8;
	[tilespmem:$0x1FE00] =	vst v63  }
0x251: {  	_ =	swait.ge [sflag:s8], $0xA000  }
0x252: {  	[sflag:s8] =	ssyncset.done $0x0  }
0x253: {  	[sflag:s8] =	ssyncadd.s32 $0xFFFF6000  }
0x254: {  	[tilespmem:s14], [sflag:$0x1] =	stream.indirect.gather [spmem:s2], $0x40, s20, s13, $0xb8;
	[tilespmem:$0x1FE00] =	vst v63  }
0x255: {  	_ =	swait.ge [sflag:s7], $0xA000  }
0x256: {  	[sflag:s7] =	ssyncset.done $0x0  }
0x257: {  	[sflag:s7] =	ssyncadd.s32 $0xFFFF6000  }
0x258: {  	[spmem:s3] =	stream.indirect.scatter.add.f32 [tilespmem:s14], [sflag:$0x4], $0x40, s21, s13, $0xb8;
	[tilespmem:$0x1FE00] =	vst v63  }
0x259: {  	_ =	swait.ge [sflag:s8], $0xA000  }
0x25a: {  	[sflag:s8] =	ssyncset.done $0x0  }
0x25b: {  	[sflag:s8] =	ssyncadd.s32 $0xFFFF6000  }
0x25c: {  	_ =	swait.ge [sflag:s22], $0xA00  }
0x25d: {  	[sflag:s22] =	ssyncset.done $0x0  }
0x25e: {  	s0 =	rddreg [dreg:$0x12];
	[sflag:s22] =	ssyncadd.s32 $0xFFFFF600  }
0x25f: {  	[tilespmem:s4], [sflag:$0x2] =	stream.linear.gather [hbm4b:s0+s4], $0xA00, $0x38;
	[tilespmem:$0x1FE00] =	vst v63  }
0x260: {  	_ = 	snop  }
0x261: {  	[tilespmem:s14], [sflag:$0x1] =	stream.indirect.gather [spmem:s2], $0x40, s12, s13, $0xb8;
	[tilespmem:$0x1FE00] =	vst v63  }
0x262: {  	_ = 	snop  }
0x263: {  	[tilespmem:s15], [sflag:$0x3] =	stream.linear.gather [hbm4b:s26+s4], $0xA00, $0x38;
	[tilespmem:$0x1FE00] =	vst v63  }
0x264: {  	_ =	swait.ge [sflag:s7], $0xA000  }
0x265: {  	[sflag:s7] =	ssyncset.done $0x0  }
0x266: {  	[sflag:s7] =	ssyncadd.s32 $0xFFFF6000  }
0x267: {  	_ =	swait.ge [sflag:s16], $0xA00  }
0x268: {  	[sflag:s16] =	ssyncset.done $0x0  }
0x269: {  	[sflag:s16] =	ssyncadd.s32 $0xFFFFF600  }
0x26a: {  	[spmem:s3] =	stream.indirect.scatter.add.f32 [tilespmem:s14], [sflag:$0x4], $0x40, s15, s13, $0xb8;
	[tilespmem:$0x1FE00] =	vst v63  }
0x26b: {  	_ =	swait.ge [sflag:s8], $0xA000  }
0x26c: {  	[sflag:s8] =	ssyncset.done $0x0  }
0x26d: {  	[sflag:s8] =	ssyncadd.s32 $0xFFFF6000  }
0x26e: {  	[tilespmem:s14], [sflag:$0x1] =	stream.indirect.gather [spmem:s2], $0x40, s23, s13, $0xb8;
	[tilespmem:$0x1FE00] =	vst v63  }
0x26f: {  	_ =	swait.ge [sflag:s7], $0xA000  }
0x270: {  	[sflag:s7] =	ssyncset.done $0x0  }
0x271: {  	[sflag:s7] =	ssyncadd.s32 $0xFFFF6000  }
0x272: {  	[spmem:s3] =	stream.indirect.scatter.add.f32 [tilespmem:s14], [sflag:$0x4], $0x40, s17, s13, $0xb8;
	[tilespmem:$0x1FE00] =	vst v63  }
0x273: {  	_ =	swait.ge [sflag:s8], $0xA000  }
0x274: {  	[sflag:s8] =	ssyncset.done $0x0  }
0x275: {  	[sflag:s8] =	ssyncadd.s32 $0xFFFF6000  }
0x276: {  	[tilespmem:s14], [sflag:$0x1] =	stream.indirect.gather [spmem:s2], $0x40, s24, s13, $0xb8;
	[tilespmem:$0x1FE00] =	vst v63  }
0x277: {  	_ =	swait.ge [sflag:s7], $0xA000  }
0x278: {  	[sflag:s7] =	ssyncset.done $0x0  }
0x279: {  	[sflag:s7] =	ssyncadd.s32 $0xFFFF6000  }
0x27a: {  	[spmem:s3] =	stream.indirect.scatter.add.f32 [tilespmem:s14], [sflag:$0x4], $0x40, s19, s13, $0xb8;
	[tilespmem:$0x1FE00] =	vst v63  }
0x27b: {  	_ =	swait.ge [sflag:s8], $0xA000  }
0x27c: {  	[sflag:s8] =	ssyncset.done $0x0  }
0x27d: {  	[sflag:s8] =	ssyncadd.s32 $0xFFFF6000  }
0x27e: {  	[tilespmem:s14], [sflag:$0x1] =	stream.indirect.gather [spmem:s2], $0x40, s25, s13, $0xb8;
	[tilespmem:$0x1FE00] =	vst v63  }
0x27f: {  	_ =	swait.ge [sflag:s7], $0xA000  }
0x280: {  	[sflag:s7] =	ssyncset.done $0x0  }
0x281: {  	[sflag:s7] =	ssyncadd.s32 $0xFFFF6000  }
0x282: {  	[spmem:s3] =	stream.indirect.scatter.add.f32 [tilespmem:s14], [sflag:$0x4], $0x40, s21, s13, $0xb8;
	[tilespmem:$0x1FE00] =	vst v63  }
0x283: {  	_ =	swait.ge [sflag:s8], $0xA000  }
0x284: {  	[sflag:s8] =	ssyncset.done $0x0  }
0x285: {  	[sflag:s8] =	ssyncadd.s32 $0xFFFF6000  }
0x286: {  	_ =	swait.ge [sflag:s22], $0xA00  }
0x287: {  	[sflag:s22] =	ssyncset.done $0x0  }
0x288: {  	[sflag:s22] =	ssyncadd.s32 $0xFFFFF600  }
0x289: {  	[tilespmem:s12], [sflag:$0x2] =	stream.linear.gather [hbm4b:s28+s4], $0xA00, $0x38;
	[tilespmem:$0x1FE00] =	vst v63  }
0x28a: {  	_ = 	snop  }
0x28b: {  	[tilespmem:s14], [sflag:$0x1] =	stream.indirect.gather [spmem:s2], $0x40, s4, s13, $0xb8;
	[tilespmem:$0x1FE00] =	vst v63  }
0x28c: {  	_ = 	snop  }
0x28d: {  	[tilespmem:s15], [sflag:$0x3] =	stream.linear.gather [hbm4b:s29+s4], $0xA00, $0x38;
	[tilespmem:$0x1FE00] =	vst v63  }
0x28e: {  	_ =	swait.ge [sflag:s7], $0xA000  }
0x28f: {  	[sflag:s7] =	ssyncset.done $0x0  }
0x290: {  	[sflag:s7] =	ssyncadd.s32 $0xFFFF6000  }
0x291: {  	_ =	swait.ge [sflag:s16], $0xA00  }
0x292: {  	[sflag:s16] =	ssyncset.done $0x0  }
0x293: {  	[sflag:s16] =	ssyncadd.s32 $0xFFFFF600  }
0x294: {  	[spmem:s3] =	stream.indirect.scatter.add.f32 [tilespmem:s14], [sflag:$0x4], $0x40, s15, s13, $0xb8;
	[tilespmem:$0x1FE00] =	vst v63  }
0x295: {  	_ =	swait.ge [sflag:s8], $0xA000  }
0x296: {  	[sflag:s8] =	ssyncset.done $0x0  }
0x297: {  	[sflag:s8] =	ssyncadd.s32 $0xFFFF6000  }
0x298: {  	[tilespmem:s14], [sflag:$0x1] =	stream.indirect.gather [spmem:s2], $0x40, s13, s13, $0xb8;
	[tilespmem:$0x1FE00] =	vst v63  }
0x299: {  	_ =	swait.ge [sflag:s7], $0xA000  }
0x29a: {  	[sflag:s7] =	ssyncset.done $0x0  }
0x29b: {  	[sflag:s7] =	ssyncadd.s32 $0xFFFF6000  }
0x29c: {  	[spmem:s3] =	stream.indirect.scatter.add.f32 [tilespmem:s14], [sflag:$0x4], $0x40, s17, s13, $0xb8;
	[tilespmem:$0x1FE00] =	vst v63  }
0x29d: {  	_ =	swait.ge [sflag:s8], $0xA000  }
0x29e: {  	[sflag:s8] =	ssyncset.done $0x0  }
0x29f: {  	[sflag:s8] =	ssyncadd.s32 $0xFFFF6000  }
0x2a0: {  	[tilespmem:s14], [sflag:$0x1] =	stream.indirect.gather [spmem:s2], $0x40, s18, s13, $0xb8;
	[tilespmem:$0x1FE00] =	vst v63  }
0x2a1: {  	_ =	swait.ge [sflag:s7], $0xA000  }
0x2a2: {  	[sflag:s7] =	ssyncset.done $0x0  }
0x2a3: {  	[sflag:s7] =	ssyncadd.s32 $0xFFFF6000  }
0x2a4: {  	[spmem:s3] =	stream.indirect.scatter.add.f32 [tilespmem:s14], [sflag:$0x4], $0x40, s19, s13, $0xb8;
	[tilespmem:$0x1FE00] =	vst v63  }
0x2a5: {  	_ =	swait.ge [sflag:s8], $0xA000  }
0x2a6: {  	[sflag:s8] =	ssyncset.done $0x0  }
0x2a7: {  	[sflag:s8] =	ssyncadd.s32 $0xFFFF6000  }
0x2a8: {  	[tilespmem:s14], [sflag:$0x1] =	stream.indirect.gather [spmem:s2], $0x40, s20, s13, $0xb8;
	[tilespmem:$0x1FE00] =	vst v63  }
0x2a9: {  	_ =	swait.ge [sflag:s7], $0xA000  }
0x2aa: {  	[sflag:s7] =	ssyncset.done $0x0  }
0x2ab: {  	[sflag:s7] =	ssyncadd.s32 $0xFFFF6000  }
0x2ac: {  	[spmem:s3] =	stream.indirect.scatter.add.f32 [tilespmem:s14], [sflag:$0x4], $0x40, s21, s13, $0xb8;
	[tilespmem:$0x1FE00] =	vst v63  }
0x2ad: {  	_ =	swait.ge [sflag:s8], $0xA000  }
0x2ae: {  	[sflag:s8] =	ssyncset.done $0x0  }
0x2af: {  	[sflag:s8] =	ssyncadd.s32 $0xFFFF6000  }
0x2b0: {  	_ =	swait.ge [sflag:s22], $0xA00  }
0x2b1: {  	[sflag:s22] =	ssyncset.done $0x0  }
0x2b2: {  	[sflag:s22] =	ssyncadd.s32 $0xFFFFF600  }
0x2b3: {  	[tilespmem:s14], [sflag:$0x1] =	stream.indirect.gather [spmem:s2], $0x40, s12, s13, $0xb8;
	[tilespmem:$0x1FE00] =	vst v63  }
0x2b4: {  	_ = 	snop  }
0x2b5: {  	[tilespmem:s15], [sflag:$0x3] =	stream.linear.gather [hbm4b:s30+s4], $0xA00, $0x38;
	[tilespmem:$0x1FE00] =	vst v63  }
0x2b6: {  	_ =	swait.ge [sflag:s7], $0xA000  }
0x2b7: {  	[sflag:s7] =	ssyncset.done $0x0  }
0x2b8: {  	[sflag:s7] =	ssyncadd.s32 $0xFFFF6000  }
0x2b9: {  	_ =	swait.ge [sflag:s16], $0xA00  }
0x2ba: {  	[sflag:s16] =	ssyncset.done $0x0  }
0x2bb: {  	[sflag:s16] =	ssyncadd.s32 $0xFFFFF600  }
0x2bc: {  	[spmem:s3] =	stream.indirect.scatter.add.f32 [tilespmem:s14], [sflag:$0x4], $0x40, s15, s13, $0xb8;
	[tilespmem:$0x1FE00] =	vst v63  }
0x2bd: {  	_ =	swait.ge [sflag:s8], $0xA000  }
0x2be: {  	[sflag:s8] =	ssyncset.done $0x0  }
0x2bf: {  	[sflag:s8] =	ssyncadd.s32 $0xFFFF6000  }
0x2c0: {  	[tilespmem:s14], [sflag:$0x1] =	stream.indirect.gather [spmem:s2], $0x40, s23, s13, $0xb8;
	[tilespmem:$0x1FE00] =	vst v63  }
0x2c1: {  	_ =	swait.ge [sflag:s7], $0xA000  }
0x2c2: {  	[sflag:s7] =	ssyncset.done $0x0  }
0x2c3: {  	[sflag:s7] =	ssyncadd.s32 $0xFFFF6000  }
0x2c4: {  	[spmem:s3] =	stream.indirect.scatter.add.f32 [tilespmem:s14], [sflag:$0x4], $0x40, s17, s13, $0xb8;
	[tilespmem:$0x1FE00] =	vst v63  }
0x2c5: {  	_ =	swait.ge [sflag:s8], $0xA000  }
0x2c6: {  	[sflag:s8] =	ssyncset.done $0x0  }
0x2c7: {  	[sflag:s8] =	ssyncadd.s32 $0xFFFF6000  }
0x2c8: {  	[tilespmem:s14], [sflag:$0x1] =	stream.indirect.gather [spmem:s2], $0x40, s24, s13, $0xb8;
	[tilespmem:$0x1FE00] =	vst v63  }
0x2c9: {  	_ =	swait.ge [sflag:s7], $0xA000  }
0x2ca: {  	[sflag:s7] =	ssyncset.done $0x0  }
0x2cb: {  	[sflag:s7] =	ssyncadd.s32 $0xFFFF6000  }
0x2cc: {  	[spmem:s3] =	stream.indirect.scatter.add.f32 [tilespmem:s14], [sflag:$0x4], $0x40, s19, s13, $0xb8;
	[tilespmem:$0x1FE00] =	vst v63  }
0x2cd: {  	_ =	swait.ge [sflag:s8], $0xA000  }
0x2ce: {  	[sflag:s8] =	ssyncset.done $0x0  }
0x2cf: {  	[sflag:s8] =	ssyncadd.s32 $0xFFFF6000  }
0x2d0: {  	[tilespmem:s14], [sflag:$0x1] =	stream.indirect.gather [spmem:s2], $0x40, s25, s13, $0xb8;
	[tilespmem:$0x1FE00] =	vst v63  }
0x2d1: {  	_ =	swait.ge [sflag:s7], $0xA000  }
0x2d2: {  	[sflag:s7] =	ssyncset.done $0x0  }
0x2d3: {  	[sflag:s7] =	ssyncadd.s32 $0xFFFF6000  }
0x2d4: {  	[spmem:s3] =	stream.indirect.scatter.add.f32 [tilespmem:s14], [sflag:$0x4], $0x40, s21, s13, $0xb8;
	[tilespmem:$0x1FE00] =	vst v63  }
0x2d5: {  	p0 =	sne.s32 s1, $0x1;
	_ =	swait.ge [sflag:s8], $0xA000  }
.Ltmp1:
0x2d6: {  	[sflag:s8] =	ssyncset.done $0x0;
	(pc) =	sbr.rel @p0 .LBB2_1-.Ltmp1, $4  }
0x2d7: {  	[sflag:s8] =	ssyncadd.s32 $0xFFFF6000  }
0x2d8: {  	[bflag:$0x0] =	sbarrier.arrive $0xFFFF  }
0x2d9: {  	[hbm:s31], [sflag:s5] =	dma.local [spmem:s11], $0x1400  }
0x2da: {  	s1 =	sadd.s32 $0xFFFFFFFF, s1;
	_ =	swait.ge [sflag:s8], $0x1400  }
.LBB2_2:
0x2db: {  	[sflag:s8] =	ssyncset.done $0x0  }
0x2dc: {  	[sflag:s8] =	ssyncadd.s32 $0xFFFFEC00  }
0x2dd: {  	_ =	sfence.sel $0x180000  }
0x2de: {  	[bflag:$0x0] =	sbarrier.arrive $0xFFFF  }
0x2df: {  	_ =	strace $0x9000004A  }
0x2e0: {  	s0 =	stileid.u32;
	[bflag:$0x2] =	sbarrier.arrive $0xFFFF  }
0x2e1: {  	p0 =	sne.s32 s0, $0x0;
	s0 =	rddreg [dreg:$0x4]  }
0x2e2: {  	s0 =	sadd.s32 @!p0 $0x100000, s0  }
0x2e3: {  	[sflag:s0] =	ssyncadd.tile.s32 @!p0 $0x1;
	_ =	shalt  }
.Lfunc_end2:
_tile_overlayer_lowered:
.L_overlay_start_2:
0x2e4: {  	(tag) =	ssettag $0x2  }
0x2e5: {  	s0 =	rddreg [dreg:$0x0];
	s2 =	stileid.u32  }
0x2e6: {  	s1 =	rddreg [dreg:$0x1];
	p0 =	sne.s32 s2, $0x0  }
0x2e7: {  	s3 =	rddreg [dreg:$0x2];
	[bflag:$0x3] =	sbarrier.arrive $0xFFFF;
	s2 =	simm.s32 @!p0 $0x1C04  }
0x2e8: {  	[timem:s3], [sflag:s2] =	dma.local @!p0 [hbm:s0], s1  }
0x2e9: {  	s0 =	simm.s32 @!p0 $0x4  }
0x2ea: {  	_ =	swait.ge @!p0 [sflag:s0], s1  }
0x2eb: {  	s1 =	ssub.s32 @!p0 $0x0, s1;
	[sflag:s0] =	ssyncset.done @!p0 $0x0  }
0x2ec: {  	[sflag:s0] =	ssyncadd.s32 @!p0 s1  }
0x2ed: {  	[bflag:$0x3] =	sbarrier.arrive $0xFFFF  }
0x2ee: {  	_ =	shalt  }

</sc_bundles>
